<compile_context>
chip_gen: v7x
topology: tpu7x:2x2x1
jax: 0.10.2.dev20260603
libtpu: 0.0.44.dev20260713+nightly
codegen_flags: <defaults>
</compile_context>

<pallas_src>
import jax
import jax.numpy as jnp
from jax import lax
from jax.experimental import pallas as pl
from jax.experimental.pallas import tpu as pltpu
from jax.experimental.pallas import tpu_sc as plsc

B = 1024
D = 64
_NC = 2
_NS = 16
_NW = _NC * _NS
_BPW = B // _NW


_RPR = 4
_NBUF = 3
_NROUND = 2 * _BPW // _RPR


def _gather_body(u_idx, i_idx, u_tabT, i_tabT, u_out, i_out,
                 uidx_v, iidx_v, rows_v, slabs, sems, wbsem):
    wid = lax.axis_index("s") * _NC + lax.axis_index("c")
    base = wid * _BPW
    pltpu.sync_copy(u_idx.at[pl.ds(base, _BPW)], uidx_v)
    pltpu.sync_copy(i_idx.at[pl.ds(base, _BPW)], iidx_v)

    lanes = lax.iota(jnp.int32, 16)

    def u_row_scalar(jj):
        return plsc.load_gather(uidx_v, [jnp.broadcast_to(jj, (16,))])[0]

    def i_row_scalar(jj):
        return plsc.load_gather(iidx_v, [jnp.broadcast_to(jj, (16,))])[0]

    def fire(rnd, buf):
        def issue(tab, row_scalar, jb):
            for s in range(_RPR):
                r = row_scalar(jb + s)
                col0 = pl.multiple_of((r >> 7) << 7, 128)
                pltpu.async_copy(tab.at[:, pl.ds(col0, 128)],
                                 slabs.at[buf * _RPR + s], sems.at[buf])

        @pl.when(rnd < _NROUND // 2)
        def _():
            issue(u_tabT, u_row_scalar, rnd * _RPR)

        @pl.when(rnd >= _NROUND // 2)
        def _():
            issue(i_tabT, i_row_scalar, (rnd - _NROUND // 2) * _RPR)

    def drain(buf):
        for s in range(_RPR):
            pltpu.make_async_copy(u_tabT.at[:, pl.ds(0, 128)],
                                  slabs.at[buf * _RPR + s],
                                  sems.at[buf]).wait()

    def extract(rnd, buf, row_scalar, half):
        for s in range(_RPR):
            j = rnd * _RPR + s
            r = row_scalar(j - half * _BPW)
            loc = jnp.broadcast_to(r & 127, (16,))
            jv = jnp.broadcast_to(j, (16,))
            for a in range(D // 16):
                vals = plsc.load_gather(
                    slabs.at[buf * _RPR + s], [lanes + 16 * a, loc])
                plsc.store_scatter(rows_v, [jv, lanes + 16 * a], vals)

    def extract_any(rnd, buf):
        @pl.when(rnd < _NROUND // 2)
        def _():
            extract(rnd, buf, u_row_scalar, 0)

        @pl.when(rnd >= _NROUND // 2)
        def _():
            extract(rnd, buf, i_row_scalar, 1)

    fire(0, 0)
    fire(1, 1)

    def body(g, carry):
        for b in range(_NBUF):
            rnd = _NBUF * g + b

            @pl.when(rnd + 2 < _NROUND)
            def _():
                fire(rnd + 2, (b + 2) % _NBUF)

            drain(b)
            extract_any(rnd, b)

            @pl.when(rnd == _NROUND // 2 - 1)
            def _():
                pltpu.async_copy(rows_v.at[pl.ds(0, _BPW)],
                                 u_out.at[pl.ds(base, _BPW)], wbsem)
        return carry

    lax.fori_loop(0, (_NROUND - 1) // _NBUF, body, jnp.int32(0))
    tail = _NROUND - 1
    drain(tail % _NBUF)
    extract(tail, tail % _NBUF, i_row_scalar, 1)

    pltpu.make_async_copy(rows_v.at[pl.ds(0, _BPW)],
                          u_out.at[pl.ds(base, _BPW)], wbsem).wait()
    pltpu.sync_copy(rows_v.at[pl.ds(_BPW, _BPW)],
                    i_out.at[pl.ds(base, _BPW)])


def _make_gather():
    return pl.kernel(
        _gather_body,
        out_type=(
            jax.ShapeDtypeStruct((B, D), jnp.float32),
            jax.ShapeDtypeStruct((B, D), jnp.float32),
        ),
        mesh=plsc.VectorSubcoreMesh(
            core_axis_name="c", subcore_axis_name="s",
            num_cores=_NC, num_subcores=_NS,
        ),
        scratch_types=[
            pltpu.VMEM((_BPW,), jnp.int32),
            pltpu.VMEM((_BPW,), jnp.int32),
            pltpu.VMEM((2 * _BPW, D), jnp.float32),
            pltpu.VMEM((_NBUF * _RPR, D, 128), jnp.float32),
            pltpu.SemaphoreType.DMA((_NBUF,)),
            pltpu.SemaphoreType.DMA,
        ],
        compiler_params=pltpu.CompilerParams(use_tc_tiling_on_sc=True,
                                             needs_layout_passes=False),
    )


def _mlp_body(b3_ref, u_ref, v_ref, w0_ref, b0_ref, w1_ref, b1_ref,
              w2_ref, b2_ref, w3r_ref, out_ref):
    dn = (((1,), (1,)), ((), ()))
    hp = lax.Precision.DEFAULT
    u = u_ref[...]
    v = v_ref[...]
    p = u * v
    gmf_row = lax.dot_general(jnp.ones((1, D), jnp.float32), p, dn,
                              precision=hp)
    w0 = w0_ref[...]
    h = (lax.dot_general(u, w0[:, :D], dn, precision=hp)
         + lax.dot_general(v, w0[:, D:], dn, precision=hp) + b0_ref[...])
    h = jnp.maximum(h, 0.0)
    h = jnp.maximum(
        lax.dot_general(h, w1_ref[...], dn, precision=hp) + b1_ref[...], 0.0)
    h = jnp.maximum(
        lax.dot_general(h, w2_ref[...], dn, precision=hp) + b2_ref[...], 0.0)
    m_col = lax.dot_general(h, w3r_ref[...], dn, precision=hp)
    out_ref[...] = jax.nn.sigmoid(m_col + gmf_row + b3_ref[0])


def _mlp_call(u_emb, i_emb, W0, b0, W1, b1, W2, b2, W3, b3):
    w3r = W3
    return pl.pallas_call(
        _mlp_body,
        out_shape=jax.ShapeDtypeStruct((B, B), jnp.float32),
        in_specs=[pl.BlockSpec(memory_space=pltpu.SMEM)] + [
            pl.BlockSpec(memory_space=pltpu.VMEM)] * 9,
        out_specs=pl.BlockSpec(memory_space=pltpu.VMEM),
    )(b3, u_emb, i_emb, W0, b0, W1, b1, W2, b2, w3r)


def kernel(user_indices, item_indices, user_table, item_table,
           W0, b0, W1, b1, W2, b2, W3, b3):
    u_emb, i_emb = _make_gather()(user_indices.astype(jnp.int32),
                           item_indices.astype(jnp.int32),
                           user_table.T, item_table.T)
    return _mlp_call(u_emb, i_emb,
                     W0, b0.reshape(1, -1), W1, b1.reshape(1, -1),
                     W2, b2.reshape(1, -1), W3, b3)

# --- scband reference (transcript-rebuilt; emitter-appended) ---
"""Pipeline reference for scband-ncf-60430189854997 (READ-ONLY COPY).

The authoritative reference and input builder live on the scoring server;
editing this copy changes nothing except your own understanding.
"""

import jax, jax.numpy as jnp
import numpy as np

B = 1024
U = 100000
I = 100000
D = 64


def setup_inputs(seed: int = 0) -> dict:
    key = jax.random.key(seed)
    ks = jax.random.split(key, 14)
    user_indices = jax.random.randint(ks[0], (B,), 0, U)
    item_indices = jax.random.randint(ks[1], (B,), 0, I)
    user_table = jax.random.normal(ks[2], (U, D), dtype=jnp.float32) * 0.02
    item_table = jax.random.normal(ks[3], (I, D), dtype=jnp.float32) * 0.02
    # MLP: in = 2*D = 128, layers [256, 128, 64], final -> 1 (torch Linear convention: y = x @ W.T + b)
    W0 = jax.random.normal(ks[4], (256, 2 * D), dtype=jnp.float32) * 0.05
    b0 = jnp.zeros((256,), dtype=jnp.float32)
    W1 = jax.random.normal(ks[5], (128, 256), dtype=jnp.float32) * 0.05
    b1 = jnp.zeros((128,), dtype=jnp.float32)
    W2 = jax.random.normal(ks[6], (64, 128), dtype=jnp.float32) * 0.05
    b2 = jnp.zeros((64,), dtype=jnp.float32)
    W3 = jax.random.normal(ks[7], (1, 64), dtype=jnp.float32) * 0.05
    b3 = jnp.zeros((1,), dtype=jnp.float32)
    return {
        "user_indices": user_indices,
        "item_indices": item_indices,
        "user_table": user_table,
        "item_table": item_table,
        "W0": W0, "b0": b0,
        "W1": W1, "b1": b1,
        "W2": W2, "b2": b2,
        "W3": W3, "b3": b3,
    }


def reference(user_indices, item_indices, user_table, item_table, W0, b0, W1, b1, W2, b2, W3, b3):
    user_embedding = jnp.take(user_table, user_indices, axis=0)  # [B, D]
    item_embedding = jnp.take(item_table, item_indices, axis=0)  # [B, D]
    gmf_vector = user_embedding * item_embedding                 # [B, D]
    mlp_vector = jnp.concatenate([user_embedding, item_embedding], axis=1)  # [B, 2D]
    for W, b in ((W0, b0), (W1, b1), (W2, b2)):
        mlp_vector = jax.nn.relu(mlp_vector @ W.T + b)
    mlp_vector = mlp_vector @ W3.T + b3                          # [B, 1]
    # NOTE: faithful to the torch code: [B] + [B,1] broadcasts to [B,B]
    pred = jax.nn.sigmoid(gmf_vector.sum(axis=1) + mlp_vector)
    return pred

if __name__ == "__main__":
    import jax
    _d = setup_inputs()
    print(jax.jit(kernel)(*tuple(_d.values())))

</pallas_src>

<mosaic_0001>
#map = affine_map<(d0, d1) -> (0)>
#map1 = affine_map<(d0, d1) -> (0, 0)>
module attributes {stable_mosaic.version = 14 : i64} {
  func.func @_gather_body(%arg0: i32, %arg1: i32, %arg2: memref<1024xi32, #tpu.memory_space<hbm>>, %arg3: memref<1024xi32, #tpu.memory_space<hbm>>, %arg4: memref<64x100000xf32, #tpu.memory_space<hbm>>, %arg5: memref<64x100000xf32, #tpu.memory_space<hbm>>, %arg6: memref<1024x64xf32, #tpu.memory_space<hbm>>, %arg7: memref<1024x64xf32, #tpu.memory_space<hbm>>, %arg8: memref<32xi32, #tpu.memory_space<vmem>>, %arg9: memref<32xi32, #tpu.memory_space<vmem>>, %arg10: memref<64x64xf32, #tpu.memory_space<vmem>>, %arg11: memref<12x64x128xf32, #tpu.memory_space<vmem>>, %arg12: memref<3x!tpu.dma_semaphore, #tpu.memory_space<semaphore_mem>>, %arg13: memref<!tpu.dma_semaphore, #tpu.memory_space<semaphore_mem>>) attributes {dimension_semantics = [#tpu.dimension_semantics<core_parallel>, #tpu.dimension_semantics<subcore_parallel>], iteration_bounds = array<i64: 2, 16>, scalar_prefetch = 0 : i64, scratch_operands = 6 : i64, tpu.core_type = #tpu.core_type<sc_vector_subcore>, window_params = [{transform_indices = #map}, {transform_indices = #map}, {transform_indices = #map1}, {transform_indices = #map1}, {transform_indices = #map1}, {transform_indices = #map1}]} {
    %mul3A = arith.constant 2 : i32
    %mul3A_0 = arith.muli %arg1, %mul3A : i32
    %add3A = arith.addi %mul3A_0, %arg0 : i32
    %mul3A_1 = arith.constant 32 : i32
    %mul3A_2 = arith.muli %add3A, %mul3A_1 : i32
    "tpu.region"() ({
      %run_scoped3A = tpu.sem_alloc : memref<!tpu.dma_semaphore, #tpu.memory_space<semaphore_mem>>
      %dma_start3A_520 = tpu.memref_slice %arg2[%mul3A_2] : memref<1024xi32, #tpu.memory_space<hbm>> -> memref<32xi32, #tpu.memory_space<hbm>>
      %dma_start3A_521 = tpu.memref_slice %arg2[%mul3A_2] : memref<1024xi32, #tpu.memory_space<hbm>> -> memref<32xi32, #tpu.memory_space<hbm>>
      tpu.enqueue_dma source(%dma_start3A_521 : memref<32xi32, #tpu.memory_space<hbm>>) target(%arg8 : memref<32xi32, #tpu.memory_space<vmem>>) target_semaphore(%run_scoped3A : memref<!tpu.dma_semaphore, #tpu.memory_space<semaphore_mem>>)
      %dma_wait3A_522 = tpu.memref_slice %arg2[%mul3A_2] : memref<1024xi32, #tpu.memory_space<hbm>> -> memref<32xi32, #tpu.memory_space<hbm>>
      %dma_wait3A_523 = tpu.memref_slice %arg2[%mul3A_2] : memref<1024xi32, #tpu.memory_space<hbm>> -> memref<32xi32, #tpu.memory_space<hbm>>
      tpu.wait_dma2 semaphore(%run_scoped3A : memref<!tpu.dma_semaphore, #tpu.memory_space<semaphore_mem>>) src(%dma_wait3A_523 : memref<32xi32, #tpu.memory_space<hbm>>) dst(%arg8 : memref<32xi32, #tpu.memory_space<vmem>>)
      tpu.yield
    }) : () -> ()
    "tpu.region"() ({
      %run_scoped3A = tpu.sem_alloc : memref<!tpu.dma_semaphore, #tpu.memory_space<semaphore_mem>>
      %dma_start3A_520 = tpu.memref_slice %arg3[%mul3A_2] : memref<1024xi32, #tpu.memory_space<hbm>> -> memref<32xi32, #tpu.memory_space<hbm>>
      %dma_start3A_521 = tpu.memref_slice %arg3[%mul3A_2] : memref<1024xi32, #tpu.memory_space<hbm>> -> memref<32xi32, #tpu.memory_space<hbm>>
      tpu.enqueue_dma source(%dma_start3A_521 : memref<32xi32, #tpu.memory_space<hbm>>) target(%arg9 : memref<32xi32, #tpu.memory_space<vmem>>) target_semaphore(%run_scoped3A : memref<!tpu.dma_semaphore, #tpu.memory_space<semaphore_mem>>)
      %dma_wait3A_522 = tpu.memref_slice %arg3[%mul3A_2] : memref<1024xi32, #tpu.memory_space<hbm>> -> memref<32xi32, #tpu.memory_space<hbm>>
      %dma_wait3A_523 = tpu.memref_slice %arg3[%mul3A_2] : memref<1024xi32, #tpu.memory_space<hbm>> -> memref<32xi32, #tpu.memory_space<hbm>>
      tpu.wait_dma2 semaphore(%run_scoped3A : memref<!tpu.dma_semaphore, #tpu.memory_space<semaphore_mem>>) src(%dma_wait3A_523 : memref<32xi32, #tpu.memory_space<hbm>>) dst(%arg9 : memref<32xi32, #tpu.memory_space<vmem>>)
      tpu.yield
    }) : () -> ()
    %iota3A = tpu.iota {dimensions = array<i32: 0>} : vector<16xi32>
    %broadcast_in_dim3A = arith.constant 0 : i32
    %broadcast_in_dim3A_3 = vector.broadcast %broadcast_in_dim3A : i32 to vector<16xi32>
    %gather3A = tpu.vector_load_idx %arg8[%broadcast_in_dim3A_3] : memref<32xi32, #tpu.memory_space<vmem>>[vector<16xi32>], vector<16xi32>,
    %slice3A = vector.extract_strided_slice %gather3A {offsets = [0], sizes = [1], strides = [1]} : vector<16xi32> to vector<1xi32>
    %squeeze3A = vector.extract %slice3A[0] : i32 from vector<1xi32>
    %shift_right_arithmetic3A = arith.constant 7 : i32
    %shift_right_arithmetic3A_4 = arith.shrsi %squeeze3A, %shift_right_arithmetic3A : i32
    %shift_left3A = arith.constant 7 : i32
    %shift_left3A_5 = arith.shli %shift_right_arithmetic3A_4, %shift_left3A : i32
    %multiple_of3A = tpu.assume_multiple %shift_left3A_5, 128 : i32
    %dma_start3A = arith.constant 0 : i32
    %dma_start3A_6 = arith.constant 0 : i32
    %dma_start3A_7 = arith.constant 0 : i32
    %dma_start3A_8 = arith.constant 0 : i32
    %dma_start3A_9 = tpu.memref_slice %arg11[%dma_start3A, %dma_start3A_7, %dma_start3A_8] : memref<12x64x128xf32, #tpu.memory_space<vmem>> -> memref<1x64x128xf32, #tpu.memory_space<vmem>>
    %dma_start3A_10 = tpu.memref_squeeze %dma_start3A_9 : memref<1x64x128xf32, #tpu.memory_space<vmem>> -> memref<64x128xf32, #tpu.memory_space<vmem>>
    %dma_start3A_11 = arith.constant 0 : i32
    %dma_start3A_12 = tpu.memref_slice %arg4[%dma_start3A_11, %multiple_of3A] : memref<64x100000xf32, #tpu.memory_space<hbm>> -> memref<64x128xf32, #tpu.memory_space<hbm>>
    %dma_start3A_13 = tpu.memref_slice %arg12[%dma_start3A_6] : memref<3x!tpu.dma_semaphore, #tpu.memory_space<semaphore_mem>> -> memref<1x!tpu.dma_semaphore, #tpu.memory_space<semaphore_mem>>
    %dma_start3A_14 = tpu.memref_squeeze %dma_start3A_13 : memref<1x!tpu.dma_semaphore, #tpu.memory_space<semaphore_mem>> -> memref<!tpu.dma_semaphore, #tpu.memory_space<semaphore_mem>>
    %dma_start3A_15 = arith.constant 0 : i32
    %dma_start3A_16 = arith.constant 0 : i32
    %dma_start3A_17 = tpu.memref_slice %arg11[%dma_start3A, %dma_start3A_15, %dma_start3A_16] : memref<12x64x128xf32, #tpu.memory_space<vmem>> -> memref<1x64x128xf32, #tpu.memory_space<vmem>>
    %dma_start3A_18 = tpu.memref_squeeze %dma_start3A_17 : memref<1x64x128xf32, #tpu.memory_space<vmem>> -> memref<64x128xf32, #tpu.memory_space<vmem>>
    %dma_start3A_19 = arith.constant 0 : i32
    %dma_start3A_20 = tpu.memref_slice %arg4[%dma_start3A_19, %multiple_of3A] : memref<64x100000xf32, #tpu.memory_space<hbm>> -> memref<64x128xf32, #tpu.memory_space<hbm>>
    tpu.enqueue_dma source(%dma_start3A_20 : memref<64x128xf32, #tpu.memory_space<hbm>>) target(%dma_start3A_18 : memref<64x128xf32, #tpu.memory_space<vmem>>) target_semaphore(%dma_start3A_14 : memref<!tpu.dma_semaphore, #tpu.memory_space<semaphore_mem>>)
    %broadcast_in_dim3A_21 = arith.constant 1 : i32
    %broadcast_in_dim3A_22 = vector.broadcast %broadcast_in_dim3A_21 : i32 to vector<16xi32>
    %gather3A_23 = tpu.vector_load_idx %arg8[%broadcast_in_dim3A_22] : memref<32xi32, #tpu.memory_space<vmem>>[vector<16xi32>], vector<16xi32>,
    %slice3A_24 = vector.extract_strided_slice %gather3A_23 {offsets = [0], sizes = [1], strides = [1]} : vector<16xi32> to vector<1xi32>
    %squeeze3A_25 = vector.extract %slice3A_24[0] : i32 from vector<1xi32>
    %shift_right_arithmetic3A_26 = arith.constant 7 : i32
    %shift_right_arithmetic3A_27 = arith.shrsi %squeeze3A_25, %shift_right_arithmetic3A_26 : i32
    %shift_left3A_28 = arith.constant 7 : i32
    %shift_left3A_29 = arith.shli %shift_right_arithmetic3A_27, %shift_left3A_28 : i32
    %multiple_of3A_30 = tpu.assume_multiple %shift_left3A_29, 128 : i32
    %dma_start3A_31 = arith.constant 1 : i32
    %dma_start3A_32 = arith.constant 0 : i32
    %dma_start3A_33 = arith.constant 0 : i32
    %dma_start3A_34 = arith.constant 0 : i32
    %dma_start3A_35 = tpu.memref_slice %arg11[%dma_start3A_31, %dma_start3A_33, %dma_start3A_34] : memref<12x64x128xf32, #tpu.memory_space<vmem>> -> memref<1x64x128xf32, #tpu.memory_space<vmem>>
    %dma_start3A_36 = tpu.memref_squeeze %dma_start3A_35 : memref<1x64x128xf32, #tpu.memory_space<vmem>> -> memref<64x128xf32, #tpu.memory_space<vmem>>
    %dma_start3A_37 = arith.constant 0 : i32
    %dma_start3A_38 = tpu.memref_slice %arg4[%dma_start3A_37, %multiple_of3A_30] : memref<64x100000xf32, #tpu.memory_space<hbm>> -> memref<64x128xf32, #tpu.memory_space<hbm>>
    %dma_start3A_39 = tpu.memref_slice %arg12[%dma_start3A_32] : memref<3x!tpu.dma_semaphore, #tpu.memory_space<semaphore_mem>> -> memref<1x!tpu.dma_semaphore, #tpu.memory_space<semaphore_mem>>
    %dma_start3A_40 = tpu.memref_squeeze %dma_start3A_39 : memref<1x!tpu.dma_semaphore, #tpu.memory_space<semaphore_mem>> -> memref<!tpu.dma_semaphore, #tpu.memory_space<semaphore_mem>>
    %dma_start3A_41 = arith.constant 0 : i32
    %dma_start3A_42 = arith.constant 0 : i32
    %dma_start3A_43 = tpu.memref_slice %arg11[%dma_start3A_31, %dma_start3A_41, %dma_start3A_42] : memref<12x64x128xf32, #tpu.memory_space<vmem>> -> memref<1x64x128xf32, #tpu.memory_space<vmem>>
    %dma_start3A_44 = tpu.memref_squeeze %dma_start3A_43 : memref<1x64x128xf32, #tpu.memory_space<vmem>> -> memref<64x128xf32, #tpu.memory_space<vmem>>
    %dma_start3A_45 = arith.constant 0 : i32
    %dma_start3A_46 = tpu.memref_slice %arg4[%dma_start3A_45, %multiple_of3A_30] : memref<64x100000xf32, #tpu.memory_space<hbm>> -> memref<64x128xf32, #tpu.memory_space<hbm>>
    tpu.enqueue_dma source(%dma_start3A_46 : memref<64x128xf32, #tpu.memory_space<hbm>>) target(%dma_start3A_44 : memref<64x128xf32, #tpu.memory_space<vmem>>) target_semaphore(%dma_start3A_40 : memref<!tpu.dma_semaphore, #tpu.memory_space<semaphore_mem>>)
    %broadcast_in_dim3A_47 = arith.constant 2 : i32
    %broadcast_in_dim3A_48 = vector.broadcast %broadcast_in_dim3A_47 : i32 to vector<16xi32>
    %gather3A_49 = tpu.vector_load_idx %arg8[%broadcast_in_dim3A_48] : memref<32xi32, #tpu.memory_space<vmem>>[vector<16xi32>], vector<16xi32>,
    %slice3A_50 = vector.extract_strided_slice %gather3A_49 {offsets = [0], sizes = [1], strides = [1]} : vector<16xi32> to vector<1xi32>
    %squeeze3A_51 = vector.extract %slice3A_50[0] : i32 from vector<1xi32>
    %shift_right_arithmetic3A_52 = arith.constant 7 : i32
    %shift_right_arithmetic3A_53 = arith.shrsi %squeeze3A_51, %shift_right_arithmetic3A_52 : i32
    %shift_left3A_54 = arith.constant 7 : i32
    %shift_left3A_55 = arith.shli %shift_right_arithmetic3A_53, %shift_left3A_54 : i32
    %multiple_of3A_56 = tpu.assume_multiple %shift_left3A_55, 128 : i32
    %dma_start3A_57 = arith.constant 2 : i32
    %dma_start3A_58 = arith.constant 0 : i32
    %dma_start3A_59 = arith.constant 0 : i32
    %dma_start3A_60 = arith.constant 0 : i32
    %dma_start3A_61 = tpu.memref_slice %arg11[%dma_start3A_57, %dma_start3A_59, %dma_start3A_60] : memref<12x64x128xf32, #tpu.memory_space<vmem>> -> memref<1x64x128xf32, #tpu.memory_space<vmem>>
    %dma_start3A_62 = tpu.memref_squeeze %dma_start3A_61 : memref<1x64x128xf32, #tpu.memory_space<vmem>> -> memref<64x128xf32, #tpu.memory_space<vmem>>
    %dma_start3A_63 = arith.constant 0 : i32
    %dma_start3A_64 = tpu.memref_slice %arg4[%dma_start3A_63, %multiple_of3A_56] : memref<64x100000xf32, #tpu.memory_space<hbm>> -> memref<64x128xf32, #tpu.memory_space<hbm>>
    %dma_start3A_65 = tpu.memref_slice %arg12[%dma_start3A_58] : memref<3x!tpu.dma_semaphore, #tpu.memory_space<semaphore_mem>> -> memref<1x!tpu.dma_semaphore, #tpu.memory_space<semaphore_mem>>
    %dma_start3A_66 = tpu.memref_squeeze %dma_start3A_65 : memref<1x!tpu.dma_semaphore, #tpu.memory_space<semaphore_mem>> -> memref<!tpu.dma_semaphore, #tpu.memory_space<semaphore_mem>>
    %dma_start3A_67 = arith.constant 0 : i32
    %dma_start3A_68 = arith.constant 0 : i32
    %dma_start3A_69 = tpu.memref_slice %arg11[%dma_start3A_57, %dma_start3A_67, %dma_start3A_68] : memref<12x64x128xf32, #tpu.memory_space<vmem>> -> memref<1x64x128xf32, #tpu.memory_space<vmem>>
    %dma_start3A_70 = tpu.memref_squeeze %dma_start3A_69 : memref<1x64x128xf32, #tpu.memory_space<vmem>> -> memref<64x128xf32, #tpu.memory_space<vmem>>
    %dma_start3A_71 = arith.constant 0 : i32
    %dma_start3A_72 = tpu.memref_slice %arg4[%dma_start3A_71, %multiple_of3A_56] : memref<64x100000xf32, #tpu.memory_space<hbm>> -> memref<64x128xf32, #tpu.memory_space<hbm>>
    tpu.enqueue_dma source(%dma_start3A_72 : memref<64x128xf32, #tpu.memory_space<hbm>>) target(%dma_start3A_70 : memref<64x128xf32, #tpu.memory_space<vmem>>) target_semaphore(%dma_start3A_66 : memref<!tpu.dma_semaphore, #tpu.memory_space<semaphore_mem>>)
    %broadcast_in_dim3A_73 = arith.constant 3 : i32
    %broadcast_in_dim3A_74 = vector.broadcast %broadcast_in_dim3A_73 : i32 to vector<16xi32>
    %gather3A_75 = tpu.vector_load_idx %arg8[%broadcast_in_dim3A_74] : memref<32xi32, #tpu.memory_space<vmem>>[vector<16xi32>], vector<16xi32>,
    %slice3A_76 = vector.extract_strided_slice %gather3A_75 {offsets = [0], sizes = [1], strides = [1]} : vector<16xi32> to vector<1xi32>
    %squeeze3A_77 = vector.extract %slice3A_76[0] : i32 from vector<1xi32>
    %shift_right_arithmetic3A_78 = arith.constant 7 : i32
    %shift_right_arithmetic3A_79 = arith.shrsi %squeeze3A_77, %shift_right_arithmetic3A_78 : i32
    %shift_left3A_80 = arith.constant 7 : i32
    %shift_left3A_81 = arith.shli %shift_right_arithmetic3A_79, %shift_left3A_80 : i32
    %multiple_of3A_82 = tpu.assume_multiple %shift_left3A_81, 128 : i32
    %dma_start3A_83 = arith.constant 3 : i32
    %dma_start3A_84 = arith.constant 0 : i32
    %dma_start3A_85 = arith.constant 0 : i32
    %dma_start3A_86 = arith.constant 0 : i32
    %dma_start3A_87 = tpu.memref_slice %arg11[%dma_start3A_83, %dma_start3A_85, %dma_start3A_86] : memref<12x64x128xf32, #tpu.memory_space<vmem>> -> memref<1x64x128xf32, #tpu.memory_space<vmem>>
    %dma_start3A_88 = tpu.memref_squeeze %dma_start3A_87 : memref<1x64x128xf32, #tpu.memory_space<vmem>> -> memref<64x128xf32, #tpu.memory_space<vmem>>
    %dma_start3A_89 = arith.constant 0 : i32
    %dma_start3A_90 = tpu.memref_slice %arg4[%dma_start3A_89, %multiple_of3A_82] : memref<64x100000xf32, #tpu.memory_space<hbm>> -> memref<64x128xf32, #tpu.memory_space<hbm>>
    %dma_start3A_91 = tpu.memref_slice %arg12[%dma_start3A_84] : memref<3x!tpu.dma_semaphore, #tpu.memory_space<semaphore_mem>> -> memref<1x!tpu.dma_semaphore, #tpu.memory_space<semaphore_mem>>
    %dma_start3A_92 = tpu.memref_squeeze %dma_start3A_91 : memref<1x!tpu.dma_semaphore, #tpu.memory_space<semaphore_mem>> -> memref<!tpu.dma_semaphore, #tpu.memory_space<semaphore_mem>>
    %dma_start3A_93 = arith.constant 0 : i32
    %dma_start3A_94 = arith.constant 0 : i32
    %dma_start3A_95 = tpu.memref_slice %arg11[%dma_start3A_83, %dma_start3A_93, %dma_start3A_94] : memref<12x64x128xf32, #tpu.memory_space<vmem>> -> memref<1x64x128xf32, #tpu.memory_space<vmem>>
    %dma_start3A_96 = tpu.memref_squeeze %dma_start3A_95 : memref<1x64x128xf32, #tpu.memory_space<vmem>> -> memref<64x128xf32, #tpu.memory_space<vmem>>
    %dma_start3A_97 = arith.constant 0 : i32
    %dma_start3A_98 = tpu.memref_slice %arg4[%dma_start3A_97, %multiple_of3A_82] : memref<64x100000xf32, #tpu.memory_space<hbm>> -> memref<64x128xf32, #tpu.memory_space<hbm>>
    tpu.enqueue_dma source(%dma_start3A_98 : memref<64x128xf32, #tpu.memory_space<hbm>>) target(%dma_start3A_96 : memref<64x128xf32, #tpu.memory_space<vmem>>) target_semaphore(%dma_start3A_92 : memref<!tpu.dma_semaphore, #tpu.memory_space<semaphore_mem>>)
    %broadcast_in_dim3A_99 = arith.constant 4 : i32
    %broadcast_in_dim3A_100 = vector.broadcast %broadcast_in_dim3A_99 : i32 to vector<16xi32>
    %gather3A_101 = tpu.vector_load_idx %arg8[%broadcast_in_dim3A_100] : memref<32xi32, #tpu.memory_space<vmem>>[vector<16xi32>], vector<16xi32>,
    %slice3A_102 = vector.extract_strided_slice %gather3A_101 {offsets = [0], sizes = [1], strides = [1]} : vector<16xi32> to vector<1xi32>
    %squeeze3A_103 = vector.extract %slice3A_102[0] : i32 from vector<1xi32>
    %shift_right_arithmetic3A_104 = arith.constant 7 : i32
    %shift_right_arithmetic3A_105 = arith.shrsi %squeeze3A_103, %shift_right_arithmetic3A_104 : i32
    %shift_left3A_106 = arith.constant 7 : i32
    %shift_left3A_107 = arith.shli %shift_right_arithmetic3A_105, %shift_left3A_106 : i32
    %multiple_of3A_108 = tpu.assume_multiple %shift_left3A_107, 128 : i32
    %dma_start3A_109 = arith.constant 4 : i32
    %dma_start3A_110 = arith.constant 1 : i32
    %dma_start3A_111 = arith.constant 0 : i32
    %dma_start3A_112 = arith.constant 0 : i32
    %dma_start3A_113 = tpu.memref_slice %arg11[%dma_start3A_109, %dma_start3A_111, %dma_start3A_112] : memref<12x64x128xf32, #tpu.memory_space<vmem>> -> memref<1x64x128xf32, #tpu.memory_space<vmem>>
    %dma_start3A_114 = tpu.memref_squeeze %dma_start3A_113 : memref<1x64x128xf32, #tpu.memory_space<vmem>> -> memref<64x128xf32, #tpu.memory_space<vmem>>
    %dma_start3A_115 = arith.constant 0 : i32
    %dma_start3A_116 = tpu.memref_slice %arg4[%dma_start3A_115, %multiple_of3A_108] : memref<64x100000xf32, #tpu.memory_space<hbm>> -> memref<64x128xf32, #tpu.memory_space<hbm>>
    %dma_start3A_117 = tpu.memref_slice %arg12[%dma_start3A_110] : memref<3x!tpu.dma_semaphore, #tpu.memory_space<semaphore_mem>> -> memref<1x!tpu.dma_semaphore, #tpu.memory_space<semaphore_mem>>
    %dma_start3A_118 = tpu.memref_squeeze %dma_start3A_117 : memref<1x!tpu.dma_semaphore, #tpu.memory_space<semaphore_mem>> -> memref<!tpu.dma_semaphore, #tpu.memory_space<semaphore_mem>>
    %dma_start3A_119 = arith.constant 0 : i32
    %dma_start3A_120 = arith.constant 0 : i32
    %dma_start3A_121 = tpu.memref_slice %arg11[%dma_start3A_109, %dma_start3A_119, %dma_start3A_120] : memref<12x64x128xf32, #tpu.memory_space<vmem>> -> memref<1x64x128xf32, #tpu.memory_space<vmem>>
    %dma_start3A_122 = tpu.memref_squeeze %dma_start3A_121 : memref<1x64x128xf32, #tpu.memory_space<vmem>> -> memref<64x128xf32, #tpu.memory_space<vmem>>
    %dma_start3A_123 = arith.constant 0 : i32
    %dma_start3A_124 = tpu.memref_slice %arg4[%dma_start3A_123, %multiple_of3A_108] : memref<64x100000xf32, #tpu.memory_space<hbm>> -> memref<64x128xf32, #tpu.memory_space<hbm>>
    tpu.enqueue_dma source(%dma_start3A_124 : memref<64x128xf32, #tpu.memory_space<hbm>>) target(%dma_start3A_122 : memref<64x128xf32, #tpu.memory_space<vmem>>) target_semaphore(%dma_start3A_118 : memref<!tpu.dma_semaphore, #tpu.memory_space<semaphore_mem>>)
    %broadcast_in_dim3A_125 = arith.constant 5 : i32
    %broadcast_in_dim3A_126 = vector.broadcast %broadcast_in_dim3A_125 : i32 to vector<16xi32>
    %gather3A_127 = tpu.vector_load_idx %arg8[%broadcast_in_dim3A_126] : memref<32xi32, #tpu.memory_space<vmem>>[vector<16xi32>], vector<16xi32>,
    %slice3A_128 = vector.extract_strided_slice %gather3A_127 {offsets = [0], sizes = [1], strides = [1]} : vector<16xi32> to vector<1xi32>
    %squeeze3A_129 = vector.extract %slice3A_128[0] : i32 from vector<1xi32>
    %shift_right_arithmetic3A_130 = arith.constant 7 : i32
    %shift_right_arithmetic3A_131 = arith.shrsi %squeeze3A_129, %shift_right_arithmetic3A_130 : i32
    %shift_left3A_132 = arith.constant 7 : i32
    %shift_left3A_133 = arith.shli %shift_right_arithmetic3A_131, %shift_left3A_132 : i32
    %multiple_of3A_134 = tpu.assume_multiple %shift_left3A_133, 128 : i32
    %dma_start3A_135 = arith.constant 5 : i32
    %dma_start3A_136 = arith.constant 1 : i32
    %dma_start3A_137 = arith.constant 0 : i32
    %dma_start3A_138 = arith.constant 0 : i32
    %dma_start3A_139 = tpu.memref_slice %arg11[%dma_start3A_135, %dma_start3A_137, %dma_start3A_138] : memref<12x64x128xf32, #tpu.memory_space<vmem>> -> memref<1x64x128xf32, #tpu.memory_space<vmem>>
    %dma_start3A_140 = tpu.memref_squeeze %dma_start3A_139 : memref<1x64x128xf32, #tpu.memory_space<vmem>> -> memref<64x128xf32, #tpu.memory_space<vmem>>
    %dma_start3A_141 = arith.constant 0 : i32
    %dma_start3A_142 = tpu.memref_slice %arg4[%dma_start3A_141, %multiple_of3A_134] : memref<64x100000xf32, #tpu.memory_space<hbm>> -> memref<64x128xf32, #tpu.memory_space<hbm>>
    %dma_start3A_143 = tpu.memref_slice %arg12[%dma_start3A_136] : memref<3x!tpu.dma_semaphore, #tpu.memory_space<semaphore_mem>> -> memref<1x!tpu.dma_semaphore, #tpu.memory_space<semaphore_mem>>
    %dma_start3A_144 = tpu.memref_squeeze %dma_start3A_143 : memref<1x!tpu.dma_semaphore, #tpu.memory_space<semaphore_mem>> -> memref<!tpu.dma_semaphore, #tpu.memory_space<semaphore_mem>>
    %dma_start3A_145 = arith.constant 0 : i32
    %dma_start3A_146 = arith.constant 0 : i32
    %dma_start3A_147 = tpu.memref_slice %arg11[%dma_start3A_135, %dma_start3A_145, %dma_start3A_146] : memref<12x64x128xf32, #tpu.memory_space<vmem>> -> memref<1x64x128xf32, #tpu.memory_space<vmem>>
    %dma_start3A_148 = tpu.memref_squeeze %dma_start3A_147 : memref<1x64x128xf32, #tpu.memory_space<vmem>> -> memref<64x128xf32, #tpu.memory_space<vmem>>
    %dma_start3A_149 = arith.constant 0 : i32
    %dma_start3A_150 = tpu.memref_slice %arg4[%dma_start3A_149, %multiple_of3A_134] : memref<64x100000xf32, #tpu.memory_space<hbm>> -> memref<64x128xf32, #tpu.memory_space<hbm>>
    tpu.enqueue_dma source(%dma_start3A_150 : memref<64x128xf32, #tpu.memory_space<hbm>>) target(%dma_start3A_148 : memref<64x128xf32, #tpu.memory_space<vmem>>) target_semaphore(%dma_start3A_144 : memref<!tpu.dma_semaphore, #tpu.memory_space<semaphore_mem>>)
    %broadcast_in_dim3A_151 = arith.constant 6 : i32
    %broadcast_in_dim3A_152 = vector.broadcast %broadcast_in_dim3A_151 : i32 to vector<16xi32>
    %gather3A_153 = tpu.vector_load_idx %arg8[%broadcast_in_dim3A_152] : memref<32xi32, #tpu.memory_space<vmem>>[vector<16xi32>], vector<16xi32>,
    %slice3A_154 = vector.extract_strided_slice %gather3A_153 {offsets = [0], sizes = [1], strides = [1]} : vector<16xi32> to vector<1xi32>
    %squeeze3A_155 = vector.extract %slice3A_154[0] : i32 from vector<1xi32>
    %shift_right_arithmetic3A_156 = arith.constant 7 : i32
    %shift_right_arithmetic3A_157 = arith.shrsi %squeeze3A_155, %shift_right_arithmetic3A_156 : i32
    %shift_left3A_158 = arith.constant 7 : i32
    %shift_left3A_159 = arith.shli %shift_right_arithmetic3A_157, %shift_left3A_158 : i32
    %multiple_of3A_160 = tpu.assume_multiple %shift_left3A_159, 128 : i32
    %dma_start3A_161 = arith.constant 6 : i32
    %dma_start3A_162 = arith.constant 1 : i32
    %dma_start3A_163 = arith.constant 0 : i32
    %dma_start3A_164 = arith.constant 0 : i32
    %dma_start3A_165 = tpu.memref_slice %arg11[%dma_start3A_161, %dma_start3A_163, %dma_start3A_164] : memref<12x64x128xf32, #tpu.memory_space<vmem>> -> memref<1x64x128xf32, #tpu.memory_space<vmem>>
    %dma_start3A_166 = tpu.memref_squeeze %dma_start3A_165 : memref<1x64x128xf32, #tpu.memory_space<vmem>> -> memref<64x128xf32, #tpu.memory_space<vmem>>
    %dma_start3A_167 = arith.constant 0 : i32
    %dma_start3A_168 = tpu.memref_slice %arg4[%dma_start3A_167, %multiple_of3A_160] : memref<64x100000xf32, #tpu.memory_space<hbm>> -> memref<64x128xf32, #tpu.memory_space<hbm>>
    %dma_start3A_169 = tpu.memref_slice %arg12[%dma_start3A_162] : memref<3x!tpu.dma_semaphore, #tpu.memory_space<semaphore_mem>> -> memref<1x!tpu.dma_semaphore, #tpu.memory_space<semaphore_mem>>
    %dma_start3A_170 = tpu.memref_squeeze %dma_start3A_169 : memref<1x!tpu.dma_semaphore, #tpu.memory_space<semaphore_mem>> -> memref<!tpu.dma_semaphore, #tpu.memory_space<semaphore_mem>>
    %dma_start3A_171 = arith.constant 0 : i32
    %dma_start3A_172 = arith.constant 0 : i32
    %dma_start3A_173 = tpu.memref_slice %arg11[%dma_start3A_161, %dma_start3A_171, %dma_start3A_172] : memref<12x64x128xf32, #tpu.memory_space<vmem>> -> memref<1x64x128xf32, #tpu.memory_space<vmem>>
    %dma_start3A_174 = tpu.memref_squeeze %dma_start3A_173 : memref<1x64x128xf32, #tpu.memory_space<vmem>> -> memref<64x128xf32, #tpu.memory_space<vmem>>
    %dma_start3A_175 = arith.constant 0 : i32
    %dma_start3A_176 = tpu.memref_slice %arg4[%dma_start3A_175, %multiple_of3A_160] : memref<64x100000xf32, #tpu.memory_space<hbm>> -> memref<64x128xf32, #tpu.memory_space<hbm>>
    tpu.enqueue_dma source(%dma_start3A_176 : memref<64x128xf32, #tpu.memory_space<hbm>>) target(%dma_start3A_174 : memref<64x128xf32, #tpu.memory_space<vmem>>) target_semaphore(%dma_start3A_170 : memref<!tpu.dma_semaphore, #tpu.memory_space<semaphore_mem>>)
    %broadcast_in_dim3A_177 = arith.constant 7 : i32
    %broadcast_in_dim3A_178 = vector.broadcast %broadcast_in_dim3A_177 : i32 to vector<16xi32>
    %gather3A_179 = tpu.vector_load_idx %arg8[%broadcast_in_dim3A_178] : memref<32xi32, #tpu.memory_space<vmem>>[vector<16xi32>], vector<16xi32>,
    %slice3A_180 = vector.extract_strided_slice %gather3A_179 {offsets = [0], sizes = [1], strides = [1]} : vector<16xi32> to vector<1xi32>
    %squeeze3A_181 = vector.extract %slice3A_180[0] : i32 from vector<1xi32>
    %shift_right_arithmetic3A_182 = arith.constant 7 : i32
    %shift_right_arithmetic3A_183 = arith.shrsi %squeeze3A_181, %shift_right_arithmetic3A_182 : i32
    %shift_left3A_184 = arith.constant 7 : i32
    %shift_left3A_185 = arith.shli %shift_right_arithmetic3A_183, %shift_left3A_184 : i32
    %multiple_of3A_186 = tpu.assume_multiple %shift_left3A_185, 128 : i32
    %dma_start3A_187 = arith.constant 7 : i32
    %dma_start3A_188 = arith.constant 1 : i32
    %dma_start3A_189 = arith.constant 0 : i32
    %dma_start3A_190 = arith.constant 0 : i32
    %dma_start3A_191 = tpu.memref_slice %arg11[%dma_start3A_187, %dma_start3A_189, %dma_start3A_190] : memref<12x64x128xf32, #tpu.memory_space<vmem>> -> memref<1x64x128xf32, #tpu.memory_space<vmem>>
    %dma_start3A_192 = tpu.memref_squeeze %dma_start3A_191 : memref<1x64x128xf32, #tpu.memory_space<vmem>> -> memref<64x128xf32, #tpu.memory_space<vmem>>
    %dma_start3A_193 = arith.constant 0 : i32
    %dma_start3A_194 = tpu.memref_slice %arg4[%dma_start3A_193, %multiple_of3A_186] : memref<64x100000xf32, #tpu.memory_space<hbm>> -> memref<64x128xf32, #tpu.memory_space<hbm>>
    %dma_start3A_195 = tpu.memref_slice %arg12[%dma_start3A_188] : memref<3x!tpu.dma_semaphore, #tpu.memory_space<semaphore_mem>> -> memref<1x!tpu.dma_semaphore, #tpu.memory_space<semaphore_mem>>
    %dma_start3A_196 = tpu.memref_squeeze %dma_start3A_195 : memref<1x!tpu.dma_semaphore, #tpu.memory_space<semaphore_mem>> -> memref<!tpu.dma_semaphore, #tpu.memory_space<semaphore_mem>>
    %dma_start3A_197 = arith.constant 0 : i32
    %dma_start3A_198 = arith.constant 0 : i32
    %dma_start3A_199 = tpu.memref_slice %arg11[%dma_start3A_187, %dma_start3A_197, %dma_start3A_198] : memref<12x64x128xf32, #tpu.memory_space<vmem>> -> memref<1x64x128xf32, #tpu.memory_space<vmem>>
    %dma_start3A_200 = tpu.memref_squeeze %dma_start3A_199 : memref<1x64x128xf32, #tpu.memory_space<vmem>> -> memref<64x128xf32, #tpu.memory_space<vmem>>
    %dma_start3A_201 = arith.constant 0 : i32
    %dma_start3A_202 = tpu.memref_slice %arg4[%dma_start3A_201, %multiple_of3A_186] : memref<64x100000xf32, #tpu.memory_space<hbm>> -> memref<64x128xf32, #tpu.memory_space<hbm>>
    tpu.enqueue_dma source(%dma_start3A_202 : memref<64x128xf32, #tpu.memory_space<hbm>>) target(%dma_start3A_200 : memref<64x128xf32, #tpu.memory_space<vmem>>) target_semaphore(%dma_start3A_196 : memref<!tpu.dma_semaphore, #tpu.memory_space<semaphore_mem>>)
    %scan3A = arith.constant 0 : i32
    %scan3A_203 = arith.constant 0 : i32
    %scan3A_204 = arith.constant 5 : i32
    %scan3A_205 = arith.addi %scan3A_203, %scan3A_204 : i32
    %scan3A_206 = arith.constant 1 : i32
    scf.for %scan3A_520 = %scan3A_203 to %scan3A_205 step %scan3A_206  : i32 {
      %mul3A_521 = arith.constant 3 : i32
      %mul3A_522 = arith.muli %mul3A_521, %scan3A_520 : i32
      %add3A_523 = arith.constant 0 : i32
      %add3A_524 = arith.addi %mul3A_522, %add3A_523 : i32
      %add3A_525 = arith.constant 2 : i32
      %add3A_526 = arith.addi %add3A_524, %add3A_525 : i32
      %lt3A = arith.constant 16 : i32
      %lt3A_527 = arith.cmpi slt, %add3A_526, %lt3A : i32
      %convert_element_type3A = arith.extui %lt3A_527 : i1 to i32
      %cond3A = arith.constant 0 : i32
      %cond3A_528 = arith.cmpi ne, %convert_element_type3A, %cond3A : i32
      scf.if %cond3A_528 {
        %add3A_810 = arith.constant 2 : i32
        %add3A_811 = arith.addi %add3A_524, %add3A_810 : i32
        %lt3A_812 = arith.constant 8 : i32
        %lt3A_813 = arith.cmpi slt, %add3A_811, %lt3A_812 : i32
        %convert_element_type3A_814 = arith.extui %lt3A_813 : i1 to i32
        %cond3A_815 = arith.constant 0 : i32
        %cond3A_816 = arith.cmpi ne, %convert_element_type3A_814, %cond3A_815 : i32
        scf.if %cond3A_816 {
          %mul3A_822 = arith.constant 4 : i32
          %mul3A_823 = arith.muli %add3A_811, %mul3A_822 : i32
          %add3A_824 = arith.constant 0 : i32
          %add3A_825 = arith.addi %mul3A_823, %add3A_824 : i32
          %broadcast_in_dim3A_826 = vector.broadcast %add3A_825 : i32 to vector<16xi32>
          %gather3A_827 = tpu.vector_load_idx %arg8[%broadcast_in_dim3A_826] : memref<32xi32, #tpu.memory_space<vmem>>[vector<16xi32>], vector<16xi32>,
          %slice3A_828 = vector.extract_strided_slice %gather3A_827 {offsets = [0], sizes = [1], strides = [1]} : vector<16xi32> to vector<1xi32>
          %squeeze3A_829 = vector.extract %slice3A_828[0] : i32 from vector<1xi32>
          %shift_right_arithmetic3A_830 = arith.constant 7 : i32
          %shift_right_arithmetic3A_831 = arith.shrsi %squeeze3A_829, %shift_right_arithmetic3A_830 : i32
          %shift_left3A_832 = arith.constant 7 : i32
          %shift_left3A_833 = arith.shli %shift_right_arithmetic3A_831, %shift_left3A_832 : i32
          %multiple_of3A_834 = tpu.assume_multiple %shift_left3A_833, 128 : i32
          %dma_start3A_835 = arith.constant 8 : i32
          %dma_start3A_836 = arith.constant 2 : i32
          %dma_start3A_837 = arith.constant 0 : i32
          %dma_start3A_838 = arith.constant 0 : i32
          %dma_start3A_839 = tpu.memref_slice %arg11[%dma_start3A_835, %dma_start3A_837, %dma_start3A_838] : memref<12x64x128xf32, #tpu.memory_space<vmem>> -> memref<1x64x128xf32, #tpu.memory_space<vmem>>
          %dma_start3A_840 = tpu.memref_squeeze %dma_start3A_839 : memref<1x64x128xf32, #tpu.memory_space<vmem>> -> memref<64x128xf32, #tpu.memory_space<vmem>>
          %dma_start3A_841 = arith.constant 0 : i32
          %dma_start3A_842 = tpu.memref_slice %arg4[%dma_start3A_841, %multiple_of3A_834] : memref<64x100000xf32, #tpu.memory_space<hbm>> -> memref<64x128xf32, #tpu.memory_space<hbm>>
          %dma_start3A_843 = tpu.memref_slice %arg12[%dma_start3A_836] : memref<3x!tpu.dma_semaphore, #tpu.memory_space<semaphore_mem>> -> memref<1x!tpu.dma_semaphore, #tpu.memory_space<semaphore_mem>>
          %dma_start3A_844 = tpu.memref_squeeze %dma_start3A_843 : memref<1x!tpu.dma_semaphore, #tpu.memory_space<semaphore_mem>> -> memref<!tpu.dma_semaphore, #tpu.memory_space<semaphore_mem>>
          %dma_start3A_845 = arith.constant 0 : i32
          %dma_start3A_846 = arith.constant 0 : i32
          %dma_start3A_847 = tpu.memref_slice %arg11[%dma_start3A_835, %dma_start3A_845, %dma_start3A_846] : memref<12x64x128xf32, #tpu.memory_space<vmem>> -> memref<1x64x128xf32, #tpu.memory_space<vmem>>
          %dma_start3A_848 = tpu.memref_squeeze %dma_start3A_847 : memref<1x64x128xf32, #tpu.memory_space<vmem>> -> memref<64x128xf32, #tpu.memory_space<vmem>>
          %dma_start3A_849 = arith.constant 0 : i32
          %dma_start3A_850 = tpu.memref_slice %arg4[%dma_start3A_849, %multiple_of3A_834] : memref<64x100000xf32, #tpu.memory_space<hbm>> -> memref<64x128xf32, #tpu.memory_space<hbm>>
          tpu.enqueue_dma source(%dma_start3A_850 : memref<64x128xf32, #tpu.memory_space<hbm>>) target(%dma_start3A_848 : memref<64x128xf32, #tpu.memory_space<vmem>>) target_semaphore(%dma_start3A_844 : memref<!tpu.dma_semaphore, #tpu.memory_space<semaphore_mem>>)
          %add3A_851 = arith.constant 1 : i32
          %add3A_852 = arith.addi %mul3A_823, %add3A_851 : i32
          %broadcast_in_dim3A_853 = vector.broadcast %add3A_852 : i32 to vector<16xi32>
          %gather3A_854 = tpu.vector_load_idx %arg8[%broadcast_in_dim3A_853] : memref<32xi32, #tpu.memory_space<vmem>>[vector<16xi32>], vector<16xi32>,
          %slice3A_855 = vector.extract_strided_slice %gather3A_854 {offsets = [0], sizes = [1], strides = [1]} : vector<16xi32> to vector<1xi32>
          %squeeze3A_856 = vector.extract %slice3A_855[0] : i32 from vector<1xi32>
          %shift_right_arithmetic3A_857 = arith.constant 7 : i32
          %shift_right_arithmetic3A_858 = arith.shrsi %squeeze3A_856, %shift_right_arithmetic3A_857 : i32
          %shift_left3A_859 = arith.constant 7 : i32
          %shift_left3A_860 = arith.shli %shift_right_arithmetic3A_858, %shift_left3A_859 : i32
          %multiple_of3A_861 = tpu.assume_multiple %shift_left3A_860, 128 : i32
          %dma_start3A_862 = arith.constant 9 : i32
          %dma_start3A_863 = arith.constant 2 : i32
          %dma_start3A_864 = arith.constant 0 : i32
          %dma_start3A_865 = arith.constant 0 : i32
          %dma_start3A_866 = tpu.memref_slice %arg11[%dma_start3A_862, %dma_start3A_864, %dma_start3A_865] : memref<12x64x128xf32, #tpu.memory_space<vmem>> -> memref<1x64x128xf32, #tpu.memory_space<vmem>>
          %dma_start3A_867 = tpu.memref_squeeze %dma_start3A_866 : memref<1x64x128xf32, #tpu.memory_space<vmem>> -> memref<64x128xf32, #tpu.memory_space<vmem>>
          %dma_start3A_868 = arith.constant 0 : i32
          %dma_start3A_869 = tpu.memref_slice %arg4[%dma_start3A_868, %multiple_of3A_861] : memref<64x100000xf32, #tpu.memory_space<hbm>> -> memref<64x128xf32, #tpu.memory_space<hbm>>
          %dma_start3A_870 = tpu.memref_slice %arg12[%dma_start3A_863] : memref<3x!tpu.dma_semaphore, #tpu.memory_space<semaphore_mem>> -> memref<1x!tpu.dma_semaphore, #tpu.memory_space<semaphore_mem>>
          %dma_start3A_871 = tpu.memref_squeeze %dma_start3A_870 : memref<1x!tpu.dma_semaphore, #tpu.memory_space<semaphore_mem>> -> memref<!tpu.dma_semaphore, #tpu.memory_space<semaphore_mem>>
          %dma_start3A_872 = arith.constant 0 : i32
          %dma_start3A_873 = arith.constant 0 : i32
          %dma_start3A_874 = tpu.memref_slice %arg11[%dma_start3A_862, %dma_start3A_872, %dma_start3A_873] : memref<12x64x128xf32, #tpu.memory_space<vmem>> -> memref<1x64x128xf32, #tpu.memory_space<vmem>>
          %dma_start3A_875 = tpu.memref_squeeze %dma_start3A_874 : memref<1x64x128xf32, #tpu.memory_space<vmem>> -> memref<64x128xf32, #tpu.memory_space<vmem>>
          %dma_start3A_876 = arith.constant 0 : i32
          %dma_start3A_877 = tpu.memref_slice %arg4[%dma_start3A_876, %multiple_of3A_861] : memref<64x100000xf32, #tpu.memory_space<hbm>> -> memref<64x128xf32, #tpu.memory_space<hbm>>
          tpu.enqueue_dma source(%dma_start3A_877 : memref<64x128xf32, #tpu.memory_space<hbm>>) target(%dma_start3A_875 : memref<64x128xf32, #tpu.memory_space<vmem>>) target_semaphore(%dma_start3A_871 : memref<!tpu.dma_semaphore, #tpu.memory_space<semaphore_mem>>)
          %add3A_878 = arith.constant 2 : i32
          %add3A_879 = arith.addi %mul3A_823, %add3A_878 : i32
          %broadcast_in_dim3A_880 = vector.broadcast %add3A_879 : i32 to vector<16xi32>
          %gather3A_881 = tpu.vector_load_idx %arg8[%broadcast_in_dim3A_880] : memref<32xi32, #tpu.memory_space<vmem>>[vector<16xi32>], vector<16xi32>,
          %slice3A_882 = vector.extract_strided_slice %gather3A_881 {offsets = [0], sizes = [1], strides = [1]} : vector<16xi32> to vector<1xi32>
          %squeeze3A_883 = vector.extract %slice3A_882[0] : i32 from vector<1xi32>
          %shift_right_arithmetic3A_884 = arith.constant 7 : i32
          %shift_right_arithmetic3A_885 = arith.shrsi %squeeze3A_883, %shift_right_arithmetic3A_884 : i32
          %shift_left3A_886 = arith.constant 7 : i32
          %shift_left3A_887 = arith.shli %shift_right_arithmetic3A_885, %shift_left3A_886 : i32
          %multiple_of3A_888 = tpu.assume_multiple %shift_left3A_887, 128 : i32
          %dma_start3A_889 = arith.constant 10 : i32
          %dma_start3A_890 = arith.constant 2 : i32
          %dma_start3A_891 = arith.constant 0 : i32
          %dma_start3A_892 = arith.constant 0 : i32
          %dma_start3A_893 = tpu.memref_slice %arg11[%dma_start3A_889, %dma_start3A_891, %dma_start3A_892] : memref<12x64x128xf32, #tpu.memory_space<vmem>> -> memref<1x64x128xf32, #tpu.memory_space<vmem>>
          %dma_start3A_894 = tpu.memref_squeeze %dma_start3A_893 : memref<1x64x128xf32, #tpu.memory_space<vmem>> -> memref<64x128xf32, #tpu.memory_space<vmem>>
          %dma_start3A_895 = arith.constant 0 : i32
          %dma_start3A_896 = tpu.memref_slice %arg4[%dma_start3A_895, %multiple_of3A_888] : memref<64x100000xf32, #tpu.memory_space<hbm>> -> memref<64x128xf32, #tpu.memory_space<hbm>>
          %dma_start3A_897 = tpu.memref_slice %arg12[%dma_start3A_890] : memref<3x!tpu.dma_semaphore, #tpu.memory_space<semaphore_mem>> -> memref<1x!tpu.dma_semaphore, #tpu.memory_space<semaphore_mem>>
          %dma_start3A_898 = tpu.memref_squeeze %dma_start3A_897 : memref<1x!tpu.dma_semaphore, #tpu.memory_space<semaphore_mem>> -> memref<!tpu.dma_semaphore, #tpu.memory_space<semaphore_mem>>
          %dma_start3A_899 = arith.constant 0 : i32
          %dma_start3A_900 = arith.constant 0 : i32
          %dma_start3A_901 = tpu.memref_slice %arg11[%dma_start3A_889, %dma_start3A_899, %dma_start3A_900] : memref<12x64x128xf32, #tpu.memory_space<vmem>> -> memref<1x64x128xf32, #tpu.memory_space<vmem>>
          %dma_start3A_902 = tpu.memref_squeeze %dma_start3A_901 : memref<1x64x128xf32, #tpu.memory_space<vmem>> -> memref<64x128xf32, #tpu.memory_space<vmem>>
          %dma_start3A_903 = arith.constant 0 : i32
          %dma_start3A_904 = tpu.memref_slice %arg4[%dma_start3A_903, %multiple_of3A_888] : memref<64x100000xf32, #tpu.memory_space<hbm>> -> memref<64x128xf32, #tpu.memory_space<hbm>>
          tpu.enqueue_dma source(%dma_start3A_904 : memref<64x128xf32, #tpu.memory_space<hbm>>) target(%dma_start3A_902 : memref<64x128xf32, #tpu.memory_space<vmem>>) target_semaphore(%dma_start3A_898 : memref<!tpu.dma_semaphore, #tpu.memory_space<semaphore_mem>>)
          %add3A_905 = arith.constant 3 : i32
          %add3A_906 = arith.addi %mul3A_823, %add3A_905 : i32
          %broadcast_in_dim3A_907 = vector.broadcast %add3A_906 : i32 to vector<16xi32>
          %gather3A_908 = tpu.vector_load_idx %arg8[%broadcast_in_dim3A_907] : memref<32xi32, #tpu.memory_space<vmem>>[vector<16xi32>], vector<16xi32>,
          %slice3A_909 = vector.extract_strided_slice %gather3A_908 {offsets = [0], sizes = [1], strides = [1]} : vector<16xi32> to vector<1xi32>
          %squeeze3A_910 = vector.extract %slice3A_909[0] : i32 from vector<1xi32>
          %shift_right_arithmetic3A_911 = arith.constant 7 : i32
          %shift_right_arithmetic3A_912 = arith.shrsi %squeeze3A_910, %shift_right_arithmetic3A_911 : i32
          %shift_left3A_913 = arith.constant 7 : i32
          %shift_left3A_914 = arith.shli %shift_right_arithmetic3A_912, %shift_left3A_913 : i32
          %multiple_of3A_915 = tpu.assume_multiple %shift_left3A_914, 128 : i32
          %dma_start3A_916 = arith.constant 11 : i32
          %dma_start3A_917 = arith.constant 2 : i32
          %dma_start3A_918 = arith.constant 0 : i32
          %dma_start3A_919 = arith.constant 0 : i32
          %dma_start3A_920 = tpu.memref_slice %arg11[%dma_start3A_916, %dma_start3A_918, %dma_start3A_919] : memref<12x64x128xf32, #tpu.memory_space<vmem>> -> memref<1x64x128xf32, #tpu.memory_space<vmem>>
          %dma_start3A_921 = tpu.memref_squeeze %dma_start3A_920 : memref<1x64x128xf32, #tpu.memory_space<vmem>> -> memref<64x128xf32, #tpu.memory_space<vmem>>
          %dma_start3A_922 = arith.constant 0 : i32
          %dma_start3A_923 = tpu.memref_slice %arg4[%dma_start3A_922, %multiple_of3A_915] : memref<64x100000xf32, #tpu.memory_space<hbm>> -> memref<64x128xf32, #tpu.memory_space<hbm>>
          %dma_start3A_924 = tpu.memref_slice %arg12[%dma_start3A_917] : memref<3x!tpu.dma_semaphore, #tpu.memory_space<semaphore_mem>> -> memref<1x!tpu.dma_semaphore, #tpu.memory_space<semaphore_mem>>
          %dma_start3A_925 = tpu.memref_squeeze %dma_start3A_924 : memref<1x!tpu.dma_semaphore, #tpu.memory_space<semaphore_mem>> -> memref<!tpu.dma_semaphore, #tpu.memory_space<semaphore_mem>>
          %dma_start3A_926 = arith.constant 0 : i32
          %dma_start3A_927 = arith.constant 0 : i32
          %dma_start3A_928 = tpu.memref_slice %arg11[%dma_start3A_916, %dma_start3A_926, %dma_start3A_927] : memref<12x64x128xf32, #tpu.memory_space<vmem>> -> memref<1x64x128xf32, #tpu.memory_space<vmem>>
          %dma_start3A_929 = tpu.memref_squeeze %dma_start3A_928 : memref<1x64x128xf32, #tpu.memory_space<vmem>> -> memref<64x128xf32, #tpu.memory_space<vmem>>
          %dma_start3A_930 = arith.constant 0 : i32
          %dma_start3A_931 = tpu.memref_slice %arg4[%dma_start3A_930, %multiple_of3A_915] : memref<64x100000xf32, #tpu.memory_space<hbm>> -> memref<64x128xf32, #tpu.memory_space<hbm>>
          tpu.enqueue_dma source(%dma_start3A_931 : memref<64x128xf32, #tpu.memory_space<hbm>>) target(%dma_start3A_929 : memref<64x128xf32, #tpu.memory_space<vmem>>) target_semaphore(%dma_start3A_925 : memref<!tpu.dma_semaphore, #tpu.memory_space<semaphore_mem>>)
        } else {
        }
        %ge3A_817 = arith.constant 8 : i32
        %ge3A_818 = arith.cmpi sge, %add3A_811, %ge3A_817 : i32
        %convert_element_type3A_819 = arith.extui %ge3A_818 : i1 to i32
        %cond3A_820 = arith.constant 0 : i32
        %cond3A_821 = arith.cmpi ne, %convert_element_type3A_819, %cond3A_820 : i32
        scf.if %cond3A_821 {
          %sub3A = arith.constant 8 : i32
          %sub3A_822 = arith.subi %add3A_811, %sub3A : i32
          %mul3A_823 = arith.constant 4 : i32
          %mul3A_824 = arith.muli %sub3A_822, %mul3A_823 : i32
          %add3A_825 = arith.constant 0 : i32
          %add3A_826 = arith.addi %mul3A_824, %add3A_825 : i32
          %broadcast_in_dim3A_827 = vector.broadcast %add3A_826 : i32 to vector<16xi32>
          %gather3A_828 = tpu.vector_load_idx %arg9[%broadcast_in_dim3A_827] : memref<32xi32, #tpu.memory_space<vmem>>[vector<16xi32>], vector<16xi32>,
          %slice3A_829 = vector.extract_strided_slice %gather3A_828 {offsets = [0], sizes = [1], strides = [1]} : vector<16xi32> to vector<1xi32>
          %squeeze3A_830 = vector.extract %slice3A_829[0] : i32 from vector<1xi32>
          %shift_right_arithmetic3A_831 = arith.constant 7 : i32
          %shift_right_arithmetic3A_832 = arith.shrsi %squeeze3A_830, %shift_right_arithmetic3A_831 : i32
          %shift_left3A_833 = arith.constant 7 : i32
          %shift_left3A_834 = arith.shli %shift_right_arithmetic3A_832, %shift_left3A_833 : i32
          %multiple_of3A_835 = tpu.assume_multiple %shift_left3A_834, 128 : i32
          %dma_start3A_836 = arith.constant 8 : i32
          %dma_start3A_837 = arith.constant 2 : i32
          %dma_start3A_838 = arith.constant 0 : i32
          %dma_start3A_839 = arith.constant 0 : i32
          %dma_start3A_840 = tpu.memref_slice %arg11[%dma_start3A_836, %dma_start3A_838, %dma_start3A_839] : memref<12x64x128xf32, #tpu.memory_space<vmem>> -> memref<1x64x128xf32, #tpu.memory_space<vmem>>
          %dma_start3A_841 = tpu.memref_squeeze %dma_start3A_840 : memref<1x64x128xf32, #tpu.memory_space<vmem>> -> memref<64x128xf32, #tpu.memory_space<vmem>>
          %dma_start3A_842 = arith.constant 0 : i32
          %dma_start3A_843 = tpu.memref_slice %arg5[%dma_start3A_842, %multiple_of3A_835] : memref<64x100000xf32, #tpu.memory_space<hbm>> -> memref<64x128xf32, #tpu.memory_space<hbm>>
          %dma_start3A_844 = tpu.memref_slice %arg12[%dma_start3A_837] : memref<3x!tpu.dma_semaphore, #tpu.memory_space<semaphore_mem>> -> memref<1x!tpu.dma_semaphore, #tpu.memory_space<semaphore_mem>>
          %dma_start3A_845 = tpu.memref_squeeze %dma_start3A_844 : memref<1x!tpu.dma_semaphore, #tpu.memory_space<semaphore_mem>> -> memref<!tpu.dma_semaphore, #tpu.memory_space<semaphore_mem>>
          %dma_start3A_846 = arith.constant 0 : i32
          %dma_start3A_847 = arith.constant 0 : i32
          %dma_start3A_848 = tpu.memref_slice %arg11[%dma_start3A_836, %dma_start3A_846, %dma_start3A_847] : memref<12x64x128xf32, #tpu.memory_space<vmem>> -> memref<1x64x128xf32, #tpu.memory_space<vmem>>
          %dma_start3A_849 = tpu.memref_squeeze %dma_start3A_848 : memref<1x64x128xf32, #tpu.memory_space<vmem>> -> memref<64x128xf32, #tpu.memory_space<vmem>>
          %dma_start3A_850 = arith.constant 0 : i32
          %dma_start3A_851 = tpu.memref_slice %arg5[%dma_start3A_850, %multiple_of3A_835] : memref<64x100000xf32, #tpu.memory_space<hbm>> -> memref<64x128xf32, #tpu.memory_space<hbm>>
          tpu.enqueue_dma source(%dma_start3A_851 : memref<64x128xf32, #tpu.memory_space<hbm>>) target(%dma_start3A_849 : memref<64x128xf32, #tpu.memory_space<vmem>>) target_semaphore(%dma_start3A_845 : memref<!tpu.dma_semaphore, #tpu.memory_space<semaphore_mem>>)
          %add3A_852 = arith.constant 1 : i32
          %add3A_853 = arith.addi %mul3A_824, %add3A_852 : i32
          %broadcast_in_dim3A_854 = vector.broadcast %add3A_853 : i32 to vector<16xi32>
          %gather3A_855 = tpu.vector_load_idx %arg9[%broadcast_in_dim3A_854] : memref<32xi32, #tpu.memory_space<vmem>>[vector<16xi32>], vector<16xi32>,
          %slice3A_856 = vector.extract_strided_slice %gather3A_855 {offsets = [0], sizes = [1], strides = [1]} : vector<16xi32> to vector<1xi32>
          %squeeze3A_857 = vector.extract %slice3A_856[0] : i32 from vector<1xi32>
          %shift_right_arithmetic3A_858 = arith.constant 7 : i32
          %shift_right_arithmetic3A_859 = arith.shrsi %squeeze3A_857, %shift_right_arithmetic3A_858 : i32
          %shift_left3A_860 = arith.constant 7 : i32
          %shift_left3A_861 = arith.shli %shift_right_arithmetic3A_859, %shift_left3A_860 : i32
          %multiple_of3A_862 = tpu.assume_multiple %shift_left3A_861, 128 : i32
          %dma_start3A_863 = arith.constant 9 : i32
          %dma_start3A_864 = arith.constant 2 : i32
          %dma_start3A_865 = arith.constant 0 : i32
          %dma_start3A_866 = arith.constant 0 : i32
          %dma_start3A_867 = tpu.memref_slice %arg11[%dma_start3A_863, %dma_start3A_865, %dma_start3A_866] : memref<12x64x128xf32, #tpu.memory_space<vmem>> -> memref<1x64x128xf32, #tpu.memory_space<vmem>>
          %dma_start3A_868 = tpu.memref_squeeze %dma_start3A_867 : memref<1x64x128xf32, #tpu.memory_space<vmem>> -> memref<64x128xf32, #tpu.memory_space<vmem>>
          %dma_start3A_869 = arith.constant 0 : i32
          %dma_start3A_870 = tpu.memref_slice %arg5[%dma_start3A_869, %multiple_of3A_862] : memref<64x100000xf32, #tpu.memory_space<hbm>> -> memref<64x128xf32, #tpu.memory_space<hbm>>
          %dma_start3A_871 = tpu.memref_slice %arg12[%dma_start3A_864] : memref<3x!tpu.dma_semaphore, #tpu.memory_space<semaphore_mem>> -> memref<1x!tpu.dma_semaphore, #tpu.memory_space<semaphore_mem>>
          %dma_start3A_872 = tpu.memref_squeeze %dma_start3A_871 : memref<1x!tpu.dma_semaphore, #tpu.memory_space<semaphore_mem>> -> memref<!tpu.dma_semaphore, #tpu.memory_space<semaphore_mem>>
          %dma_start3A_873 = arith.constant 0 : i32
          %dma_start3A_874 = arith.constant 0 : i32
          %dma_start3A_875 = tpu.memref_slice %arg11[%dma_start3A_863, %dma_start3A_873, %dma_start3A_874] : memref<12x64x128xf32, #tpu.memory_space<vmem>> -> memref<1x64x128xf32, #tpu.memory_space<vmem>>
          %dma_start3A_876 = tpu.memref_squeeze %dma_start3A_875 : memref<1x64x128xf32, #tpu.memory_space<vmem>> -> memref<64x128xf32, #tpu.memory_space<vmem>>
          %dma_start3A_877 = arith.constant 0 : i32
          %dma_start3A_878 = tpu.memref_slice %arg5[%dma_start3A_877, %multiple_of3A_862] : memref<64x100000xf32, #tpu.memory_space<hbm>> -> memref<64x128xf32, #tpu.memory_space<hbm>>
          tpu.enqueue_dma source(%dma_start3A_878 : memref<64x128xf32, #tpu.memory_space<hbm>>) target(%dma_start3A_876 : memref<64x128xf32, #tpu.memory_space<vmem>>) target_semaphore(%dma_start3A_872 : memref<!tpu.dma_semaphore, #tpu.memory_space<semaphore_mem>>)
          %add3A_879 = arith.constant 2 : i32
          %add3A_880 = arith.addi %mul3A_824, %add3A_879 : i32
          %broadcast_in_dim3A_881 = vector.broadcast %add3A_880 : i32 to vector<16xi32>
          %gather3A_882 = tpu.vector_load_idx %arg9[%broadcast_in_dim3A_881] : memref<32xi32, #tpu.memory_space<vmem>>[vector<16xi32>], vector<16xi32>,
          %slice3A_883 = vector.extract_strided_slice %gather3A_882 {offsets = [0], sizes = [1], strides = [1]} : vector<16xi32> to vector<1xi32>
          %squeeze3A_884 = vector.extract %slice3A_883[0] : i32 from vector<1xi32>
          %shift_right_arithmetic3A_885 = arith.constant 7 : i32
          %shift_right_arithmetic3A_886 = arith.shrsi %squeeze3A_884, %shift_right_arithmetic3A_885 : i32
          %shift_left3A_887 = arith.constant 7 : i32
          %shift_left3A_888 = arith.shli %shift_right_arithmetic3A_886, %shift_left3A_887 : i32
          %multiple_of3A_889 = tpu.assume_multiple %shift_left3A_888, 128 : i32
          %dma_start3A_890 = arith.constant 10 : i32
          %dma_start3A_891 = arith.constant 2 : i32
          %dma_start3A_892 = arith.constant 0 : i32
          %dma_start3A_893 = arith.constant 0 : i32
          %dma_start3A_894 = tpu.memref_slice %arg11[%dma_start3A_890, %dma_start3A_892, %dma_start3A_893] : memref<12x64x128xf32, #tpu.memory_space<vmem>> -> memref<1x64x128xf32, #tpu.memory_space<vmem>>
          %dma_start3A_895 = tpu.memref_squeeze %dma_start3A_894 : memref<1x64x128xf32, #tpu.memory_space<vmem>> -> memref<64x128xf32, #tpu.memory_space<vmem>>
          %dma_start3A_896 = arith.constant 0 : i32
          %dma_start3A_897 = tpu.memref_slice %arg5[%dma_start3A_896, %multiple_of3A_889] : memref<64x100000xf32, #tpu.memory_space<hbm>> -> memref<64x128xf32, #tpu.memory_space<hbm>>
          %dma_start3A_898 = tpu.memref_slice %arg12[%dma_start3A_891] : memref<3x!tpu.dma_semaphore, #tpu.memory_space<semaphore_mem>> -> memref<1x!tpu.dma_semaphore, #tpu.memory_space<semaphore_mem>>
          %dma_start3A_899 = tpu.memref_squeeze %dma_start3A_898 : memref<1x!tpu.dma_semaphore, #tpu.memory_space<semaphore_mem>> -> memref<!tpu.dma_semaphore, #tpu.memory_space<semaphore_mem>>
          %dma_start3A_900 = arith.constant 0 : i32
          %dma_start3A_901 = arith.constant 0 : i32
          %dma_start3A_902 = tpu.memref_slice %arg11[%dma_start3A_890, %dma_start3A_900, %dma_start3A_901] : memref<12x64x128xf32, #tpu.memory_space<vmem>> -> memref<1x64x128xf32, #tpu.memory_space<vmem>>
          %dma_start3A_903 = tpu.memref_squeeze %dma_start3A_902 : memref<1x64x128xf32, #tpu.memory_space<vmem>> -> memref<64x128xf32, #tpu.memory_space<vmem>>
          %dma_start3A_904 = arith.constant 0 : i32
          %dma_start3A_905 = tpu.memref_slice %arg5[%dma_start3A_904, %multiple_of3A_889] : memref<64x100000xf32, #tpu.memory_space<hbm>> -> memref<64x128xf32, #tpu.memory_space<hbm>>
          tpu.enqueue_dma source(%dma_start3A_905 : memref<64x128xf32, #tpu.memory_space<hbm>>) target(%dma_start3A_903 : memref<64x128xf32, #tpu.memory_space<vmem>>) target_semaphore(%dma_start3A_899 : memref<!tpu.dma_semaphore, #tpu.memory_space<semaphore_mem>>)
          %add3A_906 = arith.constant 3 : i32
          %add3A_907 = arith.addi %mul3A_824, %add3A_906 : i32
          %broadcast_in_dim3A_908 = vector.broadcast %add3A_907 : i32 to vector<16xi32>
          %gather3A_909 = tpu.vector_load_idx %arg9[%broadcast_in_dim3A_908] : memref<32xi32, #tpu.memory_space<vmem>>[vector<16xi32>], vector<16xi32>,
          %slice3A_910 = vector.extract_strided_slice %gather3A_909 {offsets = [0], sizes = [1], strides = [1]} : vector<16xi32> to vector<1xi32>
          %squeeze3A_911 = vector.extract %slice3A_910[0] : i32 from vector<1xi32>
          %shift_right_arithmetic3A_912 = arith.constant 7 : i32
          %shift_right_arithmetic3A_913 = arith.shrsi %squeeze3A_911, %shift_right_arithmetic3A_912 : i32
          %shift_left3A_914 = arith.constant 7 : i32
          %shift_left3A_915 = arith.shli %shift_right_arithmetic3A_913, %shift_left3A_914 : i32
          %multiple_of3A_916 = tpu.assume_multiple %shift_left3A_915, 128 : i32
          %dma_start3A_917 = arith.constant 11 : i32
          %dma_start3A_918 = arith.constant 2 : i32
          %dma_start3A_919 = arith.constant 0 : i32
          %dma_start3A_920 = arith.constant 0 : i32
          %dma_start3A_921 = tpu.memref_slice %arg11[%dma_start3A_917, %dma_start3A_919, %dma_start3A_920] : memref<12x64x128xf32, #tpu.memory_space<vmem>> -> memref<1x64x128xf32, #tpu.memory_space<vmem>>
          %dma_start3A_922 = tpu.memref_squeeze %dma_start3A_921 : memref<1x64x128xf32, #tpu.memory_space<vmem>> -> memref<64x128xf32, #tpu.memory_space<vmem>>
          %dma_start3A_923 = arith.constant 0 : i32
          %dma_start3A_924 = tpu.memref_slice %arg5[%dma_start3A_923, %multiple_of3A_916] : memref<64x100000xf32, #tpu.memory_space<hbm>> -> memref<64x128xf32, #tpu.memory_space<hbm>>
          %dma_start3A_925 = tpu.memref_slice %arg12[%dma_start3A_918] : memref<3x!tpu.dma_semaphore, #tpu.memory_space<semaphore_mem>> -> memref<1x!tpu.dma_semaphore, #tpu.memory_space<semaphore_mem>>
          %dma_start3A_926 = tpu.memref_squeeze %dma_start3A_925 : memref<1x!tpu.dma_semaphore, #tpu.memory_space<semaphore_mem>> -> memref<!tpu.dma_semaphore, #tpu.memory_space<semaphore_mem>>
          %dma_start3A_927 = arith.constant 0 : i32
          %dma_start3A_928 = arith.constant 0 : i32
          %dma_start3A_929 = tpu.memref_slice %arg11[%dma_start3A_917, %dma_start3A_927, %dma_start3A_928] : memref<12x64x128xf32, #tpu.memory_space<vmem>> -> memref<1x64x128xf32, #tpu.memory_space<vmem>>
          %dma_start3A_930 = tpu.memref_squeeze %dma_start3A_929 : memref<1x64x128xf32, #tpu.memory_space<vmem>> -> memref<64x128xf32, #tpu.memory_space<vmem>>
          %dma_start3A_931 = arith.constant 0 : i32
          %dma_start3A_932 = tpu.memref_slice %arg5[%dma_start3A_931, %multiple_of3A_916] : memref<64x100000xf32, #tpu.memory_space<hbm>> -> memref<64x128xf32, #tpu.memory_space<hbm>>
          tpu.enqueue_dma source(%dma_start3A_932 : memref<64x128xf32, #tpu.memory_space<hbm>>) target(%dma_start3A_930 : memref<64x128xf32, #tpu.memory_space<vmem>>) target_semaphore(%dma_start3A_926 : memref<!tpu.dma_semaphore, #tpu.memory_space<semaphore_mem>>)
        } else {
        }
      } else {
      }
      %dma_wait3A_529 = arith.constant 0 : i32
      %dma_wait3A_530 = arith.constant 0 : i32
      %dma_wait3A_531 = arith.constant 0 : i32
      %dma_wait3A_532 = arith.constant 0 : i32
      %dma_wait3A_533 = tpu.memref_slice %arg11[%dma_wait3A_529, %dma_wait3A_531, %dma_wait3A_532] : memref<12x64x128xf32, #tpu.memory_space<vmem>> -> memref<1x64x128xf32, #tpu.memory_space<vmem>>
      %dma_wait3A_534 = tpu.memref_squeeze %dma_wait3A_533 : memref<1x64x128xf32, #tpu.memory_space<vmem>> -> memref<64x128xf32, #tpu.memory_space<vmem>>
      %dma_wait3A_535 = arith.constant 0 : i32
      %dma_wait3A_536 = arith.constant 0 : i32
      %dma_wait3A_537 = tpu.memref_slice %arg4[%dma_wait3A_535, %dma_wait3A_536] : memref<64x100000xf32, #tpu.memory_space<hbm>> -> memref<64x128xf32, #tpu.memory_space<hbm>>
      %dma_wait3A_538 = tpu.memref_slice %arg12[%dma_wait3A_530] : memref<3x!tpu.dma_semaphore, #tpu.memory_space<semaphore_mem>> -> memref<1x!tpu.dma_semaphore, #tpu.memory_space<semaphore_mem>>
      %dma_wait3A_539 = tpu.memref_squeeze %dma_wait3A_538 : memref<1x!tpu.dma_semaphore, #tpu.memory_space<semaphore_mem>> -> memref<!tpu.dma_semaphore, #tpu.memory_space<semaphore_mem>>
      %dma_wait3A_540 = arith.constant 0 : i32
      %dma_wait3A_541 = arith.constant 0 : i32
      %dma_wait3A_542 = tpu.memref_slice %arg11[%dma_wait3A_529, %dma_wait3A_540, %dma_wait3A_541] : memref<12x64x128xf32, #tpu.memory_space<vmem>> -> memref<1x64x128xf32, #tpu.memory_space<vmem>>
      %dma_wait3A_543 = tpu.memref_squeeze %dma_wait3A_542 : memref<1x64x128xf32, #tpu.memory_space<vmem>> -> memref<64x128xf32, #tpu.memory_space<vmem>>
      %dma_wait3A_544 = arith.constant 0 : i32
      %dma_wait3A_545 = arith.constant 0 : i32
      %dma_wait3A_546 = tpu.memref_slice %arg4[%dma_wait3A_544, %dma_wait3A_545] : memref<64x100000xf32, #tpu.memory_space<hbm>> -> memref<64x128xf32, #tpu.memory_space<hbm>>
      tpu.wait_dma2 semaphore(%dma_wait3A_539 : memref<!tpu.dma_semaphore, #tpu.memory_space<semaphore_mem>>) src(%dma_wait3A_546 : memref<64x128xf32, #tpu.memory_space<hbm>>) dst(%dma_wait3A_543 : memref<64x128xf32, #tpu.memory_space<vmem>>)
      %dma_wait3A_547 = arith.constant 1 : i32
      %dma_wait3A_548 = arith.constant 0 : i32
      %dma_wait3A_549 = arith.constant 0 : i32
      %dma_wait3A_550 = arith.constant 0 : i32
      %dma_wait3A_551 = tpu.memref_slice %arg11[%dma_wait3A_547, %dma_wait3A_549, %dma_wait3A_550] : memref<12x64x128xf32, #tpu.memory_space<vmem>> -> memref<1x64x128xf32, #tpu.memory_space<vmem>>
      %dma_wait3A_552 = tpu.memref_squeeze %dma_wait3A_551 : memref<1x64x128xf32, #tpu.memory_space<vmem>> -> memref<64x128xf32, #tpu.memory_space<vmem>>
      %dma_wait3A_553 = arith.constant 0 : i32
      %dma_wait3A_554 = arith.constant 0 : i32
      %dma_wait3A_555 = tpu.memref_slice %arg4[%dma_wait3A_553, %dma_wait3A_554] : memref<64x100000xf32, #tpu.memory_space<hbm>> -> memref<64x128xf32, #tpu.memory_space<hbm>>
      %dma_wait3A_556 = tpu.memref_slice %arg12[%dma_wait3A_548] : memref<3x!tpu.dma_semaphore, #tpu.memory_space<semaphore_mem>> -> memref<1x!tpu.dma_semaphore, #tpu.memory_space<semaphore_mem>>
      %dma_wait3A_557 = tpu.memref_squeeze %dma_wait3A_556 : memref<1x!tpu.dma_semaphore, #tpu.memory_space<semaphore_mem>> -> memref<!tpu.dma_semaphore, #tpu.memory_space<semaphore_mem>>
      %dma_wait3A_558 = arith.constant 0 : i32
      %dma_wait3A_559 = arith.constant 0 : i32
      %dma_wait3A_560 = tpu.memref_slice %arg11[%dma_wait3A_547, %dma_wait3A_558, %dma_wait3A_559] : memref<12x64x128xf32, #tpu.memory_space<vmem>> -> memref<1x64x128xf32, #tpu.memory_space<vmem>>
      %dma_wait3A_561 = tpu.memref_squeeze %dma_wait3A_560 : memref<1x64x128xf32, #tpu.memory_space<vmem>> -> memref<64x128xf32, #tpu.memory_space<vmem>>
      %dma_wait3A_562 = arith.constant 0 : i32
      %dma_wait3A_563 = arith.constant 0 : i32
      %dma_wait3A_564 = tpu.memref_slice %arg4[%dma_wait3A_562, %dma_wait3A_563] : memref<64x100000xf32, #tpu.memory_space<hbm>> -> memref<64x128xf32, #tpu.memory_space<hbm>>
      tpu.wait_dma2 semaphore(%dma_wait3A_557 : memref<!tpu.dma_semaphore, #tpu.memory_space<semaphore_mem>>) src(%dma_wait3A_564 : memref<64x128xf32, #tpu.memory_space<hbm>>) dst(%dma_wait3A_561 : memref<64x128xf32, #tpu.memory_space<vmem>>)
      %dma_wait3A_565 = arith.constant 2 : i32
      %dma_wait3A_566 = arith.constant 0 : i32
      %dma_wait3A_567 = arith.constant 0 : i32
      %dma_wait3A_568 = arith.constant 0 : i32
      %dma_wait3A_569 = tpu.memref_slice %arg11[%dma_wait3A_565, %dma_wait3A_567, %dma_wait3A_568] : memref<12x64x128xf32, #tpu.memory_space<vmem>> -> memref<1x64x128xf32, #tpu.memory_space<vmem>>
      %dma_wait3A_570 = tpu.memref_squeeze %dma_wait3A_569 : memref<1x64x128xf32, #tpu.memory_space<vmem>> -> memref<64x128xf32, #tpu.memory_space<vmem>>
      %dma_wait3A_571 = arith.constant 0 : i32
      %dma_wait3A_572 = arith.constant 0 : i32
      %dma_wait3A_573 = tpu.memref_slice %arg4[%dma_wait3A_571, %dma_wait3A_572] : memref<64x100000xf32, #tpu.memory_space<hbm>> -> memref<64x128xf32, #tpu.memory_space<hbm>>
      %dma_wait3A_574 = tpu.memref_slice %arg12[%dma_wait3A_566] : memref<3x!tpu.dma_semaphore, #tpu.memory_space<semaphore_mem>> -> memref<1x!tpu.dma_semaphore, #tpu.memory_space<semaphore_mem>>
      %dma_wait3A_575 = tpu.memref_squeeze %dma_wait3A_574 : memref<1x!tpu.dma_semaphore, #tpu.memory_space<semaphore_mem>> -> memref<!tpu.dma_semaphore, #tpu.memory_space<semaphore_mem>>
      %dma_wait3A_576 = arith.constant 0 : i32
      %dma_wait3A_577 = arith.constant 0 : i32
      %dma_wait3A_578 = tpu.memref_slice %arg11[%dma_wait3A_565, %dma_wait3A_576, %dma_wait3A_577] : memref<12x64x128xf32, #tpu.memory_space<vmem>> -> memref<1x64x128xf32, #tpu.memory_space<vmem>>
      %dma_wait3A_579 = tpu.memref_squeeze %dma_wait3A_578 : memref<1x64x128xf32, #tpu.memory_space<vmem>> -> memref<64x128xf32, #tpu.memory_space<vmem>>
      %dma_wait3A_580 = arith.constant 0 : i32
      %dma_wait3A_581 = arith.constant 0 : i32
      %dma_wait3A_582 = tpu.memref_slice %arg4[%dma_wait3A_580, %dma_wait3A_581] : memref<64x100000xf32, #tpu.memory_space<hbm>> -> memref<64x128xf32, #tpu.memory_space<hbm>>
      tpu.wait_dma2 semaphore(%dma_wait3A_575 : memref<!tpu.dma_semaphore, #tpu.memory_space<semaphore_mem>>) src(%dma_wait3A_582 : memref<64x128xf32, #tpu.memory_space<hbm>>) dst(%dma_wait3A_579 : memref<64x128xf32, #tpu.memory_space<vmem>>)
      %dma_wait3A_583 = arith.constant 3 : i32
      %dma_wait3A_584 = arith.constant 0 : i32
      %dma_wait3A_585 = arith.constant 0 : i32
      %dma_wait3A_586 = arith.constant 0 : i32
      %dma_wait3A_587 = tpu.memref_slice %arg11[%dma_wait3A_583, %dma_wait3A_585, %dma_wait3A_586] : memref<12x64x128xf32, #tpu.memory_space<vmem>> -> memref<1x64x128xf32, #tpu.memory_space<vmem>>
      %dma_wait3A_588 = tpu.memref_squeeze %dma_wait3A_587 : memref<1x64x128xf32, #tpu.memory_space<vmem>> -> memref<64x128xf32, #tpu.memory_space<vmem>>
      %dma_wait3A_589 = arith.constant 0 : i32
      %dma_wait3A_590 = arith.constant 0 : i32
      %dma_wait3A_591 = tpu.memref_slice %arg4[%dma_wait3A_589, %dma_wait3A_590] : memref<64x100000xf32, #tpu.memory_space<hbm>> -> memref<64x128xf32, #tpu.memory_space<hbm>>
      %dma_wait3A_592 = tpu.memref_slice %arg12[%dma_wait3A_584] : memref<3x!tpu.dma_semaphore, #tpu.memory_space<semaphore_mem>> -> memref<1x!tpu.dma_semaphore, #tpu.memory_space<semaphore_mem>>
      %dma_wait3A_593 = tpu.memref_squeeze %dma_wait3A_592 : memref<1x!tpu.dma_semaphore, #tpu.memory_space<semaphore_mem>> -> memref<!tpu.dma_semaphore, #tpu.memory_space<semaphore_mem>>
      %dma_wait3A_594 = arith.constant 0 : i32
      %dma_wait3A_595 = arith.constant 0 : i32
      %dma_wait3A_596 = tpu.memref_slice %arg11[%dma_wait3A_583, %dma_wait3A_594, %dma_wait3A_595] : memref<12x64x128xf32, #tpu.memory_space<vmem>> -> memref<1x64x128xf32, #tpu.memory_space<vmem>>
      %dma_wait3A_597 = tpu.memref_squeeze %dma_wait3A_596 : memref<1x64x128xf32, #tpu.memory_space<vmem>> -> memref<64x128xf32, #tpu.memory_space<vmem>>
      %dma_wait3A_598 = arith.constant 0 : i32
      %dma_wait3A_599 = arith.constant 0 : i32
      %dma_wait3A_600 = tpu.memref_slice %arg4[%dma_wait3A_598, %dma_wait3A_599] : memref<64x100000xf32, #tpu.memory_space<hbm>> -> memref<64x128xf32, #tpu.memory_space<hbm>>
      tpu.wait_dma2 semaphore(%dma_wait3A_593 : memref<!tpu.dma_semaphore, #tpu.memory_space<semaphore_mem>>) src(%dma_wait3A_600 : memref<64x128xf32, #tpu.memory_space<hbm>>) dst(%dma_wait3A_597 : memref<64x128xf32, #tpu.memory_space<vmem>>)
      %lt3A_601 = arith.constant 8 : i32
      %lt3A_602 = arith.cmpi slt, %add3A_524, %lt3A_601 : i32
      %convert_element_type3A_603 = arith.extui %lt3A_602 : i1 to i32
      %cond3A_604 = arith.constant 0 : i32
      %cond3A_605 = arith.cmpi ne, %convert_element_type3A_603, %cond3A_604 : i32
      scf.if %cond3A_605 {
        %mul3A_810 = arith.constant 4 : i32
        %mul3A_811 = arith.muli %add3A_524, %mul3A_810 : i32
        %add3A_812 = arith.constant 0 : i32
        %add3A_813 = arith.addi %mul3A_811, %add3A_812 : i32
        %sub3A = arith.constant 0 : i32
        %sub3A_814 = arith.subi %add3A_813, %sub3A : i32
        %broadcast_in_dim3A_815 = vector.broadcast %sub3A_814 : i32 to vector<16xi32>
        %gather3A_816 = tpu.vector_load_idx %arg8[%broadcast_in_dim3A_815] : memref<32xi32, #tpu.memory_space<vmem>>[vector<16xi32>], vector<16xi32>,
        %slice3A_817 = vector.extract_strided_slice %gather3A_816 {offsets = [0], sizes = [1], strides = [1]} : vector<16xi32> to vector<1xi32>
        %squeeze3A_818 = vector.extract %slice3A_817[0] : i32 from vector<1xi32>
        %and3A_819 = arith.constant 127 : i32
        %and3A_820 = arith.andi %squeeze3A_818, %and3A_819 : i32
        %broadcast_in_dim3A_821 = vector.broadcast %and3A_820 : i32 to vector<16xi32>
        %broadcast_in_dim3A_822 = vector.broadcast %add3A_813 : i32 to vector<16xi32>
        %add3A_823 = arith.constant 0 : i32
        %add3A_824 = vector.broadcast %add3A_823 : i32 to vector<16xi32>
        %add3A_825 = arith.addi %iota3A, %add3A_824 : vector<16xi32>
        %gather3A_826 = arith.constant 0 : i32
        %gather3A_827 = arith.constant 0 : i32
        %gather3A_828 = arith.constant 0 : i32
        %gather3A_829 = tpu.memref_slice %arg11[%gather3A_826, %gather3A_827, %gather3A_828] : memref<12x64x128xf32, #tpu.memory_space<vmem>> -> memref<1x64x128xf32, #tpu.memory_space<vmem>>
        %gather3A_830 = tpu.memref_squeeze %gather3A_829 : memref<1x64x128xf32, #tpu.memory_space<vmem>> -> memref<64x128xf32, #tpu.memory_space<vmem>>
        %gather3A_831 = tpu.vector_load_idx %gather3A_830[%add3A_825, %broadcast_in_dim3A_821] : memref<64x128xf32, #tpu.memory_space<vmem>>[vector<16xi32>, vector<16xi32>], vector<16xf32>,
        %add3A_832 = arith.constant 0 : i32
        %add3A_833 = vector.broadcast %add3A_832 : i32 to vector<16xi32>
        %add3A_834 = arith.addi %iota3A, %add3A_833 : vector<16xi32>
        tpu.vector_store_idx %arg10[%broadcast_in_dim3A_822, %add3A_834], %gather3A_831 : memref<64x64xf32, #tpu.memory_space<vmem>>[vector<16xi32>, vector<16xi32>], vector<16xf32>,
        %add3A_835 = arith.constant 16 : i32
        %add3A_836 = vector.broadcast %add3A_835 : i32 to vector<16xi32>
        %add3A_837 = arith.addi %iota3A, %add3A_836 : vector<16xi32>
        %gather3A_838 = arith.constant 0 : i32
        %gather3A_839 = arith.constant 0 : i32
        %gather3A_840 = arith.constant 0 : i32
        %gather3A_841 = tpu.memref_slice %arg11[%gather3A_838, %gather3A_839, %gather3A_840] : memref<12x64x128xf32, #tpu.memory_space<vmem>> -> memref<1x64x128xf32, #tpu.memory_space<vmem>>
        %gather3A_842 = tpu.memref_squeeze %gather3A_841 : memref<1x64x128xf32, #tpu.memory_space<vmem>> -> memref<64x128xf32, #tpu.memory_space<vmem>>
        %gather3A_843 = tpu.vector_load_idx %gather3A_842[%add3A_837, %broadcast_in_dim3A_821] : memref<64x128xf32, #tpu.memory_space<vmem>>[vector<16xi32>, vector<16xi32>], vector<16xf32>,
        %add3A_844 = arith.constant 16 : i32
        %add3A_845 = vector.broadcast %add3A_844 : i32 to vector<16xi32>
        %add3A_846 = arith.addi %iota3A, %add3A_845 : vector<16xi32>
        tpu.vector_store_idx %arg10[%broadcast_in_dim3A_822, %add3A_846], %gather3A_843 : memref<64x64xf32, #tpu.memory_space<vmem>>[vector<16xi32>, vector<16xi32>], vector<16xf32>,
        %add3A_847 = arith.constant 32 : i32
        %add3A_848 = vector.broadcast %add3A_847 : i32 to vector<16xi32>
        %add3A_849 = arith.addi %iota3A, %add3A_848 : vector<16xi32>
        %gather3A_850 = arith.constant 0 : i32
        %gather3A_851 = arith.constant 0 : i32
        %gather3A_852 = arith.constant 0 : i32
        %gather3A_853 = tpu.memref_slice %arg11[%gather3A_850, %gather3A_851, %gather3A_852] : memref<12x64x128xf32, #tpu.memory_space<vmem>> -> memref<1x64x128xf32, #tpu.memory_space<vmem>>
        %gather3A_854 = tpu.memref_squeeze %gather3A_853 : memref<1x64x128xf32, #tpu.memory_space<vmem>> -> memref<64x128xf32, #tpu.memory_space<vmem>>
        %gather3A_855 = tpu.vector_load_idx %gather3A_854[%add3A_849, %broadcast_in_dim3A_821] : memref<64x128xf32, #tpu.memory_space<vmem>>[vector<16xi32>, vector<16xi32>], vector<16xf32>,
        %add3A_856 = arith.constant 32 : i32
        %add3A_857 = vector.broadcast %add3A_856 : i32 to vector<16xi32>
        %add3A_858 = arith.addi %iota3A, %add3A_857 : vector<16xi32>
        tpu.vector_store_idx %arg10[%broadcast_in_dim3A_822, %add3A_858], %gather3A_855 : memref<64x64xf32, #tpu.memory_space<vmem>>[vector<16xi32>, vector<16xi32>], vector<16xf32>,
        %add3A_859 = arith.constant 48 : i32
        %add3A_860 = vector.broadcast %add3A_859 : i32 to vector<16xi32>
        %add3A_861 = arith.addi %iota3A, %add3A_860 : vector<16xi32>
        %gather3A_862 = arith.constant 0 : i32
        %gather3A_863 = arith.constant 0 : i32
        %gather3A_864 = arith.constant 0 : i32
        %gather3A_865 = tpu.memref_slice %arg11[%gather3A_862, %gather3A_863, %gather3A_864] : memref<12x64x128xf32, #tpu.memory_space<vmem>> -> memref<1x64x128xf32, #tpu.memory_space<vmem>>
        %gather3A_866 = tpu.memref_squeeze %gather3A_865 : memref<1x64x128xf32, #tpu.memory_space<vmem>> -> memref<64x128xf32, #tpu.memory_space<vmem>>
        %gather3A_867 = tpu.vector_load_idx %gather3A_866[%add3A_861, %broadcast_in_dim3A_821] : memref<64x128xf32, #tpu.memory_space<vmem>>[vector<16xi32>, vector<16xi32>], vector<16xf32>,
        %add3A_868 = arith.constant 48 : i32
        %add3A_869 = vector.broadcast %add3A_868 : i32 to vector<16xi32>
        %add3A_870 = arith.addi %iota3A, %add3A_869 : vector<16xi32>
        tpu.vector_store_idx %arg10[%broadcast_in_dim3A_822, %add3A_870], %gather3A_867 : memref<64x64xf32, #tpu.memory_space<vmem>>[vector<16xi32>, vector<16xi32>], vector<16xf32>,
        %mul3A_871 = arith.constant 4 : i32
        %mul3A_872 = arith.muli %add3A_524, %mul3A_871 : i32
        %add3A_873 = arith.constant 1 : i32
        %add3A_874 = arith.addi %mul3A_872, %add3A_873 : i32
        %sub3A_875 = arith.constant 0 : i32
        %sub3A_876 = arith.subi %add3A_874, %sub3A_875 : i32
        %broadcast_in_dim3A_877 = vector.broadcast %sub3A_876 : i32 to vector<16xi32>
        %gather3A_878 = tpu.vector_load_idx %arg8[%broadcast_in_dim3A_877] : memref<32xi32, #tpu.memory_space<vmem>>[vector<16xi32>], vector<16xi32>,
        %slice3A_879 = vector.extract_strided_slice %gather3A_878 {offsets = [0], sizes = [1], strides = [1]} : vector<16xi32> to vector<1xi32>
        %squeeze3A_880 = vector.extract %slice3A_879[0] : i32 from vector<1xi32>
        %and3A_881 = arith.constant 127 : i32
        %and3A_882 = arith.andi %squeeze3A_880, %and3A_881 : i32
        %broadcast_in_dim3A_883 = vector.broadcast %and3A_882 : i32 to vector<16xi32>
        %broadcast_in_dim3A_884 = vector.broadcast %add3A_874 : i32 to vector<16xi32>
        %add3A_885 = arith.constant 0 : i32
        %add3A_886 = vector.broadcast %add3A_885 : i32 to vector<16xi32>
        %add3A_887 = arith.addi %iota3A, %add3A_886 : vector<16xi32>
        %gather3A_888 = arith.constant 1 : i32
        %gather3A_889 = arith.constant 0 : i32
        %gather3A_890 = arith.constant 0 : i32
        %gather3A_891 = tpu.memref_slice %arg11[%gather3A_888, %gather3A_889, %gather3A_890] : memref<12x64x128xf32, #tpu.memory_space<vmem>> -> memref<1x64x128xf32, #tpu.memory_space<vmem>>
        %gather3A_892 = tpu.memref_squeeze %gather3A_891 : memref<1x64x128xf32, #tpu.memory_space<vmem>> -> memref<64x128xf32, #tpu.memory_space<vmem>>
        %gather3A_893 = tpu.vector_load_idx %gather3A_892[%add3A_887, %broadcast_in_dim3A_883] : memref<64x128xf32, #tpu.memory_space<vmem>>[vector<16xi32>, vector<16xi32>], vector<16xf32>,
        %add3A_894 = arith.constant 0 : i32
        %add3A_895 = vector.broadcast %add3A_894 : i32 to vector<16xi32>
        %add3A_896 = arith.addi %iota3A, %add3A_895 : vector<16xi32>
        tpu.vector_store_idx %arg10[%broadcast_in_dim3A_884, %add3A_896], %gather3A_893 : memref<64x64xf32, #tpu.memory_space<vmem>>[vector<16xi32>, vector<16xi32>], vector<16xf32>,
        %add3A_897 = arith.constant 16 : i32
        %add3A_898 = vector.broadcast %add3A_897 : i32 to vector<16xi32>
        %add3A_899 = arith.addi %iota3A, %add3A_898 : vector<16xi32>
        %gather3A_900 = arith.constant 1 : i32
        %gather3A_901 = arith.constant 0 : i32
        %gather3A_902 = arith.constant 0 : i32
        %gather3A_903 = tpu.memref_slice %arg11[%gather3A_900, %gather3A_901, %gather3A_902] : memref<12x64x128xf32, #tpu.memory_space<vmem>> -> memref<1x64x128xf32, #tpu.memory_space<vmem>>
        %gather3A_904 = tpu.memref_squeeze %gather3A_903 : memref<1x64x128xf32, #tpu.memory_space<vmem>> -> memref<64x128xf32, #tpu.memory_space<vmem>>
        %gather3A_905 = tpu.vector_load_idx %gather3A_904[%add3A_899, %broadcast_in_dim3A_883] : memref<64x128xf32, #tpu.memory_space<vmem>>[vector<16xi32>, vector<16xi32>], vector<16xf32>,
        %add3A_906 = arith.constant 16 : i32
        %add3A_907 = vector.broadcast %add3A_906 : i32 to vector<16xi32>
        %add3A_908 = arith.addi %iota3A, %add3A_907 : vector<16xi32>
        tpu.vector_store_idx %arg10[%broadcast_in_dim3A_884, %add3A_908], %gather3A_905 : memref<64x64xf32, #tpu.memory_space<vmem>>[vector<16xi32>, vector<16xi32>], vector<16xf32>,
        %add3A_909 = arith.constant 32 : i32
        %add3A_910 = vector.broadcast %add3A_909 : i32 to vector<16xi32>
        %add3A_911 = arith.addi %iota3A, %add3A_910 : vector<16xi32>
        %gather3A_912 = arith.constant 1 : i32
        %gather3A_913 = arith.constant 0 : i32
        %gather3A_914 = arith.constant 0 : i32
        %gather3A_915 = tpu.memref_slice %arg11[%gather3A_912, %gather3A_913, %gather3A_914] : memref<12x64x128xf32, #tpu.memory_space<vmem>> -> memref<1x64x128xf32, #tpu.memory_space<vmem>>
        %gather3A_916 = tpu.memref_squeeze %gather3A_915 : memref<1x64x128xf32, #tpu.memory_space<vmem>> -> memref<64x128xf32, #tpu.memory_space<vmem>>
        %gather3A_917 = tpu.vector_load_idx %gather3A_916[%add3A_911, %broadcast_in_dim3A_883] : memref<64x128xf32, #tpu.memory_space<vmem>>[vector<16xi32>, vector<16xi32>], vector<16xf32>,
        %add3A_918 = arith.constant 32 : i32
        %add3A_919 = vector.broadcast %add3A_918 : i32 to vector<16xi32>
        %add3A_920 = arith.addi %iota3A, %add3A_919 : vector<16xi32>
        tpu.vector_store_idx %arg10[%broadcast_in_dim3A_884, %add3A_920], %gather3A_917 : memref<64x64xf32, #tpu.memory_space<vmem>>[vector<16xi32>, vector<16xi32>], vector<16xf32>,
        %add3A_921 = arith.constant 48 : i32
        %add3A_922 = vector.broadcast %add3A_921 : i32 to vector<16xi32>
        %add3A_923 = arith.addi %iota3A, %add3A_922 : vector<16xi32>
        %gather3A_924 = arith.constant 1 : i32
        %gather3A_925 = arith.constant 0 : i32
        %gather3A_926 = arith.constant 0 : i32
        %gather3A_927 = tpu.memref_slice %arg11[%gather3A_924, %gather3A_925, %gather3A_926] : memref<12x64x128xf32, #tpu.memory_space<vmem>> -> memref<1x64x128xf32, #tpu.memory_space<vmem>>
        %gather3A_928 = tpu.memref_squeeze %gather3A_927 : memref<1x64x128xf32, #tpu.memory_space<vmem>> -> memref<64x128xf32, #tpu.memory_space<vmem>>
        %gather3A_929 = tpu.vector_load_idx %gather3A_928[%add3A_923, %broadcast_in_dim3A_883] : memref<64x128xf32, #tpu.memory_space<vmem>>[vector<16xi32>, vector<16xi32>], vector<16xf32>,
        %add3A_930 = arith.constant 48 : i32
        %add3A_931 = vector.broadcast %add3A_930 : i32 to vector<16xi32>
        %add3A_932 = arith.addi %iota3A, %add3A_931 : vector<16xi32>
        tpu.vector_store_idx %arg10[%broadcast_in_dim3A_884, %add3A_932], %gather3A_929 : memref<64x64xf32, #tpu.memory_space<vmem>>[vector<16xi32>, vector<16xi32>], vector<16xf32>,
        %mul3A_933 = arith.constant 4 : i32
        %mul3A_934 = arith.muli %add3A_524, %mul3A_933 : i32
        %add3A_935 = arith.constant 2 : i32
        %add3A_936 = arith.addi %mul3A_934, %add3A_935 : i32
        %sub3A_937 = arith.constant 0 : i32
        %sub3A_938 = arith.subi %add3A_936, %sub3A_937 : i32
        %broadcast_in_dim3A_939 = vector.broadcast %sub3A_938 : i32 to vector<16xi32>
        %gather3A_940 = tpu.vector_load_idx %arg8[%broadcast_in_dim3A_939] : memref<32xi32, #tpu.memory_space<vmem>>[vector<16xi32>], vector<16xi32>,
        %slice3A_941 = vector.extract_strided_slice %gather3A_940 {offsets = [0], sizes = [1], strides = [1]} : vector<16xi32> to vector<1xi32>
        %squeeze3A_942 = vector.extract %slice3A_941[0] : i32 from vector<1xi32>
        %and3A_943 = arith.constant 127 : i32
        %and3A_944 = arith.andi %squeeze3A_942, %and3A_943 : i32
        %broadcast_in_dim3A_945 = vector.broadcast %and3A_944 : i32 to vector<16xi32>
        %broadcast_in_dim3A_946 = vector.broadcast %add3A_936 : i32 to vector<16xi32>
        %add3A_947 = arith.constant 0 : i32
        %add3A_948 = vector.broadcast %add3A_947 : i32 to vector<16xi32>
        %add3A_949 = arith.addi %iota3A, %add3A_948 : vector<16xi32>
        %gather3A_950 = arith.constant 2 : i32
        %gather3A_951 = arith.constant 0 : i32
        %gather3A_952 = arith.constant 0 : i32
        %gather3A_953 = tpu.memref_slice %arg11[%gather3A_950, %gather3A_951, %gather3A_952] : memref<12x64x128xf32, #tpu.memory_space<vmem>> -> memref<1x64x128xf32, #tpu.memory_space<vmem>>
        %gather3A_954 = tpu.memref_squeeze %gather3A_953 : memref<1x64x128xf32, #tpu.memory_space<vmem>> -> memref<64x128xf32, #tpu.memory_space<vmem>>
        %gather3A_955 = tpu.vector_load_idx %gather3A_954[%add3A_949, %broadcast_in_dim3A_945] : memref<64x128xf32, #tpu.memory_space<vmem>>[vector<16xi32>, vector<16xi32>], vector<16xf32>,
        %add3A_956 = arith.constant 0 : i32
        %add3A_957 = vector.broadcast %add3A_956 : i32 to vector<16xi32>
        %add3A_958 = arith.addi %iota3A, %add3A_957 : vector<16xi32>
        tpu.vector_store_idx %arg10[%broadcast_in_dim3A_946, %add3A_958], %gather3A_955 : memref<64x64xf32, #tpu.memory_space<vmem>>[vector<16xi32>, vector<16xi32>], vector<16xf32>,
        %add3A_959 = arith.constant 16 : i32
        %add3A_960 = vector.broadcast %add3A_959 : i32 to vector<16xi32>
        %add3A_961 = arith.addi %iota3A, %add3A_960 : vector<16xi32>
        %gather3A_962 = arith.constant 2 : i32
        %gather3A_963 = arith.constant 0 : i32
        %gather3A_964 = arith.constant 0 : i32
        %gather3A_965 = tpu.memref_slice %arg11[%gather3A_962, %gather3A_963, %gather3A_964] : memref<12x64x128xf32, #tpu.memory_space<vmem>> -> memref<1x64x128xf32, #tpu.memory_space<vmem>>
        %gather3A_966 = tpu.memref_squeeze %gather3A_965 : memref<1x64x128xf32, #tpu.memory_space<vmem>> -> memref<64x128xf32, #tpu.memory_space<vmem>>
        %gather3A_967 = tpu.vector_load_idx %gather3A_966[%add3A_961, %broadcast_in_dim3A_945] : memref<64x128xf32, #tpu.memory_space<vmem>>[vector<16xi32>, vector<16xi32>], vector<16xf32>,
        %add3A_968 = arith.constant 16 : i32
        %add3A_969 = vector.broadcast %add3A_968 : i32 to vector<16xi32>
        %add3A_970 = arith.addi %iota3A, %add3A_969 : vector<16xi32>
        tpu.vector_store_idx %arg10[%broadcast_in_dim3A_946, %add3A_970], %gather3A_967 : memref<64x64xf32, #tpu.memory_space<vmem>>[vector<16xi32>, vector<16xi32>], vector<16xf32>,
        %add3A_971 = arith.constant 32 : i32
        %add3A_972 = vector.broadcast %add3A_971 : i32 to vector<16xi32>
        %add3A_973 = arith.addi %iota3A, %add3A_972 : vector<16xi32>
        %gather3A_974 = arith.constant 2 : i32
        %gather3A_975 = arith.constant 0 : i32
        %gather3A_976 = arith.constant 0 : i32
        %gather3A_977 = tpu.memref_slice %arg11[%gather3A_974, %gather3A_975, %gather3A_976] : memref<12x64x128xf32, #tpu.memory_space<vmem>> -> memref<1x64x128xf32, #tpu.memory_space<vmem>>
        %gather3A_978 = tpu.memref_squeeze %gather3A_977 : memref<1x64x128xf32, #tpu.memory_space<vmem>> -> memref<64x128xf32, #tpu.memory_space<vmem>>
        %gather3A_979 = tpu.vector_load_idx %gather3A_978[%add3A_973, %broadcast_in_dim3A_945] : memref<64x128xf32, #tpu.memory_space<vmem>>[vector<16xi32>, vector<16xi32>], vector<16xf32>,
        %add3A_980 = arith.constant 32 : i32
        %add3A_981 = vector.broadcast %add3A_980 : i32 to vector<16xi32>
        %add3A_982 = arith.addi %iota3A, %add3A_981 : vector<16xi32>
        tpu.vector_store_idx %arg10[%broadcast_in_dim3A_946, %add3A_982], %gather3A_979 : memref<64x64xf32, #tpu.memory_space<vmem>>[vector<16xi32>, vector<16xi32>], vector<16xf32>,
        %add3A_983 = arith.constant 48 : i32
        %add3A_984 = vector.broadcast %add3A_983 : i32 to vector<16xi32>
        %add3A_985 = arith.addi %iota3A, %add3A_984 : vector<16xi32>
        %gather3A_986 = arith.constant 2 : i32
        %gather3A_987 = arith.constant 0 : i32
        %gather3A_988 = arith.constant 0 : i32
        %gather3A_989 = tpu.memref_slice %arg11[%gather3A_986, %gather3A_987, %gather3A_988] : memref<12x64x128xf32, #tpu.memory_space<vmem>> -> memref<1x64x128xf32, #tpu.memory_space<vmem>>
        %gather3A_990 = tpu.memref_squeeze %gather3A_989 : memref<1x64x128xf32, #tpu.memory_space<vmem>> -> memref<64x128xf32, #tpu.memory_space<vmem>>
        %gather3A_991 = tpu.vector_load_idx %gather3A_990[%add3A_985, %broadcast_in_dim3A_945] : memref<64x128xf32, #tpu.memory_space<vmem>>[vector<16xi32>, vector<16xi32>], vector<16xf32>,
        %add3A_992 = arith.constant 48 : i32
        %add3A_993 = vector.broadcast %add3A_992 : i32 to vector<16xi32>
        %add3A_994 = arith.addi %iota3A, %add3A_993 : vector<16xi32>
        tpu.vector_store_idx %arg10[%broadcast_in_dim3A_946, %add3A_994], %gather3A_991 : memref<64x64xf32, #tpu.memory_space<vmem>>[vector<16xi32>, vector<16xi32>], vector<16xf32>,
        %mul3A_995 = arith.constant 4 : i32
        %mul3A_996 = arith.muli %add3A_524, %mul3A_995 : i32
        %add3A_997 = arith.constant 3 : i32
        %add3A_998 = arith.addi %mul3A_996, %add3A_997 : i32
        %sub3A_999 = arith.constant 0 : i32
        %sub3A_1000 = arith.subi %add3A_998, %sub3A_999 : i32
        %broadcast_in_dim3A_1001 = vector.broadcast %sub3A_1000 : i32 to vector<16xi32>
        %gather3A_1002 = tpu.vector_load_idx %arg8[%broadcast_in_dim3A_1001] : memref<32xi32, #tpu.memory_space<vmem>>[vector<16xi32>], vector<16xi32>,
        %slice3A_1003 = vector.extract_strided_slice %gather3A_1002 {offsets = [0], sizes = [1], strides = [1]} : vector<16xi32> to vector<1xi32>
        %squeeze3A_1004 = vector.extract %slice3A_1003[0] : i32 from vector<1xi32>
        %and3A_1005 = arith.constant 127 : i32
        %and3A_1006 = arith.andi %squeeze3A_1004, %and3A_1005 : i32
        %broadcast_in_dim3A_1007 = vector.broadcast %and3A_1006 : i32 to vector<16xi32>
        %broadcast_in_dim3A_1008 = vector.broadcast %add3A_998 : i32 to vector<16xi32>
        %add3A_1009 = arith.constant 0 : i32
        %add3A_1010 = vector.broadcast %add3A_1009 : i32 to vector<16xi32>
        %add3A_1011 = arith.addi %iota3A, %add3A_1010 : vector<16xi32>
        %gather3A_1012 = arith.constant 3 : i32
        %gather3A_1013 = arith.constant 0 : i32
        %gather3A_1014 = arith.constant 0 : i32
        %gather3A_1015 = tpu.memref_slice %arg11[%gather3A_1012, %gather3A_1013, %gather3A_1014] : memref<12x64x128xf32, #tpu.memory_space<vmem>> -> memref<1x64x128xf32, #tpu.memory_space<vmem>>
        %gather3A_1016 = tpu.memref_squeeze %gather3A_1015 : memref<1x64x128xf32, #tpu.memory_space<vmem>> -> memref<64x128xf32, #tpu.memory_space<vmem>>
        %gather3A_1017 = tpu.vector_load_idx %gather3A_1016[%add3A_1011, %broadcast_in_dim3A_1007] : memref<64x128xf32, #tpu.memory_space<vmem>>[vector<16xi32>, vector<16xi32>], vector<16xf32>,
        %add3A_1018 = arith.constant 0 : i32
        %add3A_1019 = vector.broadcast %add3A_1018 : i32 to vector<16xi32>
        %add3A_1020 = arith.addi %iota3A, %add3A_1019 : vector<16xi32>
        tpu.vector_store_idx %arg10[%broadcast_in_dim3A_1008, %add3A_1020], %gather3A_1017 : memref<64x64xf32, #tpu.memory_space<vmem>>[vector<16xi32>, vector<16xi32>], vector<16xf32>,
        %add3A_1021 = arith.constant 16 : i32
        %add3A_1022 = vector.broadcast %add3A_1021 : i32 to vector<16xi32>
        %add3A_1023 = arith.addi %iota3A, %add3A_1022 : vector<16xi32>
        %gather3A_1024 = arith.constant 3 : i32
        %gather3A_1025 = arith.constant 0 : i32
        %gather3A_1026 = arith.constant 0 : i32
        %gather3A_1027 = tpu.memref_slice %arg11[%gather3A_1024, %gather3A_1025, %gather3A_1026] : memref<12x64x128xf32, #tpu.memory_space<vmem>> -> memref<1x64x128xf32, #tpu.memory_space<vmem>>
        %gather3A_1028 = tpu.memref_squeeze %gather3A_1027 : memref<1x64x128xf32, #tpu.memory_space<vmem>> -> memref<64x128xf32, #tpu.memory_space<vmem>>
        %gather3A_1029 = tpu.vector_load_idx %gather3A_1028[%add3A_1023, %broadcast_in_dim3A_1007] : memref<64x128xf32, #tpu.memory_space<vmem>>[vector<16xi32>, vector<16xi32>], vector<16xf32>,
        %add3A_1030 = arith.constant 16 : i32
        %add3A_1031 = vector.broadcast %add3A_1030 : i32 to vector<16xi32>
        %add3A_1032 = arith.addi %iota3A, %add3A_1031 : vector<16xi32>
        tpu.vector_store_idx %arg10[%broadcast_in_dim3A_1008, %add3A_1032], %gather3A_1029 : memref<64x64xf32, #tpu.memory_space<vmem>>[vector<16xi32>, vector<16xi32>], vector<16xf32>,
        %add3A_1033 = arith.constant 32 : i32
        %add3A_1034 = vector.broadcast %add3A_1033 : i32 to vector<16xi32>
        %add3A_1035 = arith.addi %iota3A, %add3A_1034 : vector<16xi32>
        %gather3A_1036 = arith.constant 3 : i32
        %gather3A_1037 = arith.constant 0 : i32
        %gather3A_1038 = arith.constant 0 : i32
        %gather3A_1039 = tpu.memref_slice %arg11[%gather3A_1036, %gather3A_1037, %gather3A_1038] : memref<12x64x128xf32, #tpu.memory_space<vmem>> -> memref<1x64x128xf32, #tpu.memory_space<vmem>>
        %gather3A_1040 = tpu.memref_squeeze %gather3A_1039 : memref<1x64x128xf32, #tpu.memory_space<vmem>> -> memref<64x128xf32, #tpu.memory_space<vmem>>
        %gather3A_1041 = tpu.vector_load_idx %gather3A_1040[%add3A_1035, %broadcast_in_dim3A_1007] : memref<64x128xf32, #tpu.memory_space<vmem>>[vector<16xi32>, vector<16xi32>], vector<16xf32>,
        %add3A_1042 = arith.constant 32 : i32
        %add3A_1043 = vector.broadcast %add3A_1042 : i32 to vector<16xi32>
        %add3A_1044 = arith.addi %iota3A, %add3A_1043 : vector<16xi32>
        tpu.vector_store_idx %arg10[%broadcast_in_dim3A_1008, %add3A_1044], %gather3A_1041 : memref<64x64xf32, #tpu.memory_space<vmem>>[vector<16xi32>, vector<16xi32>], vector<16xf32>,
        %add3A_1045 = arith.constant 48 : i32
        %add3A_1046 = vector.broadcast %add3A_1045 : i32 to vector<16xi32>
        %add3A_1047 = arith.addi %iota3A, %add3A_1046 : vector<16xi32>
        %gather3A_1048 = arith.constant 3 : i32
        %gather3A_1049 = arith.constant 0 : i32
        %gather3A_1050 = arith.constant 0 : i32
        %gather3A_1051 = tpu.memref_slice %arg11[%gather3A_1048, %gather3A_1049, %gather3A_1050] : memref<12x64x128xf32, #tpu.memory_space<vmem>> -> memref<1x64x128xf32, #tpu.memory_space<vmem>>
        %gather3A_1052 = tpu.memref_squeeze %gather3A_1051 : memref<1x64x128xf32, #tpu.memory_space<vmem>> -> memref<64x128xf32, #tpu.memory_space<vmem>>
        %gather3A_1053 = tpu.vector_load_idx %gather3A_1052[%add3A_1047, %broadcast_in_dim3A_1007] : memref<64x128xf32, #tpu.memory_space<vmem>>[vector<16xi32>, vector<16xi32>], vector<16xf32>,
        %add3A_1054 = arith.constant 48 : i32
        %add3A_1055 = vector.broadcast %add3A_1054 : i32 to vector<16xi32>
        %add3A_1056 = arith.addi %iota3A, %add3A_1055 : vector<16xi32>
        tpu.vector_store_idx %arg10[%broadcast_in_dim3A_1008, %add3A_1056], %gather3A_1053 : memref<64x64xf32, #tpu.memory_space<vmem>>[vector<16xi32>, vector<16xi32>], vector<16xf32>,
      } else {
      }
      %ge3A = arith.constant 8 : i32
      %ge3A_606 = arith.cmpi sge, %add3A_524, %ge3A : i32
      %convert_element_type3A_607 = arith.extui %ge3A_606 : i1 to i32
      %cond3A_608 = arith.constant 0 : i32
      %cond3A_609 = arith.cmpi ne, %convert_element_type3A_607, %cond3A_608 : i32
      scf.if %cond3A_609 {
        %mul3A_810 = arith.constant 4 : i32
        %mul3A_811 = arith.muli %add3A_524, %mul3A_810 : i32
        %add3A_812 = arith.constant 0 : i32
        %add3A_813 = arith.addi %mul3A_811, %add3A_812 : i32
        %sub3A = arith.constant 32 : i32
        %sub3A_814 = arith.subi %add3A_813, %sub3A : i32
        %broadcast_in_dim3A_815 = vector.broadcast %sub3A_814 : i32 to vector<16xi32>
        %gather3A_816 = tpu.vector_load_idx %arg9[%broadcast_in_dim3A_815] : memref<32xi32, #tpu.memory_space<vmem>>[vector<16xi32>], vector<16xi32>,
        %slice3A_817 = vector.extract_strided_slice %gather3A_816 {offsets = [0], sizes = [1], strides = [1]} : vector<16xi32> to vector<1xi32>
        %squeeze3A_818 = vector.extract %slice3A_817[0] : i32 from vector<1xi32>
        %and3A_819 = arith.constant 127 : i32
        %and3A_820 = arith.andi %squeeze3A_818, %and3A_819 : i32
        %broadcast_in_dim3A_821 = vector.broadcast %and3A_820 : i32 to vector<16xi32>
        %broadcast_in_dim3A_822 = vector.broadcast %add3A_813 : i32 to vector<16xi32>
        %add3A_823 = arith.constant 0 : i32
        %add3A_824 = vector.broadcast %add3A_823 : i32 to vector<16xi32>
        %add3A_825 = arith.addi %iota3A, %add3A_824 : vector<16xi32>
        %gather3A_826 = arith.constant 0 : i32
        %gather3A_827 = arith.constant 0 : i32
        %gather3A_828 = arith.constant 0 : i32
        %gather3A_829 = tpu.memref_slice %arg11[%gather3A_826, %gather3A_827, %gather3A_828] : memref<12x64x128xf32, #tpu.memory_space<vmem>> -> memref<1x64x128xf32, #tpu.memory_space<vmem>>
        %gather3A_830 = tpu.memref_squeeze %gather3A_829 : memref<1x64x128xf32, #tpu.memory_space<vmem>> -> memref<64x128xf32, #tpu.memory_space<vmem>>
        %gather3A_831 = tpu.vector_load_idx %gather3A_830[%add3A_825, %broadcast_in_dim3A_821] : memref<64x128xf32, #tpu.memory_space<vmem>>[vector<16xi32>, vector<16xi32>], vector<16xf32>,
        %add3A_832 = arith.constant 0 : i32
        %add3A_833 = vector.broadcast %add3A_832 : i32 to vector<16xi32>
        %add3A_834 = arith.addi %iota3A, %add3A_833 : vector<16xi32>
        tpu.vector_store_idx %arg10[%broadcast_in_dim3A_822, %add3A_834], %gather3A_831 : memref<64x64xf32, #tpu.memory_space<vmem>>[vector<16xi32>, vector<16xi32>], vector<16xf32>,
        %add3A_835 = arith.constant 16 : i32
        %add3A_836 = vector.broadcast %add3A_835 : i32 to vector<16xi32>
        %add3A_837 = arith.addi %iota3A, %add3A_836 : vector<16xi32>
        %gather3A_838 = arith.constant 0 : i32
        %gather3A_839 = arith.constant 0 : i32
        %gather3A_840 = arith.constant 0 : i32
        %gather3A_841 = tpu.memref_slice %arg11[%gather3A_838, %gather3A_839, %gather3A_840] : memref<12x64x128xf32, #tpu.memory_space<vmem>> -> memref<1x64x128xf32, #tpu.memory_space<vmem>>
        %gather3A_842 = tpu.memref_squeeze %gather3A_841 : memref<1x64x128xf32, #tpu.memory_space<vmem>> -> memref<64x128xf32, #tpu.memory_space<vmem>>
        %gather3A_843 = tpu.vector_load_idx %gather3A_842[%add3A_837, %broadcast_in_dim3A_821] : memref<64x128xf32, #tpu.memory_space<vmem>>[vector<16xi32>, vector<16xi32>], vector<16xf32>,
        %add3A_844 = arith.constant 16 : i32
        %add3A_845 = vector.broadcast %add3A_844 : i32 to vector<16xi32>
        %add3A_846 = arith.addi %iota3A, %add3A_845 : vector<16xi32>
        tpu.vector_store_idx %arg10[%broadcast_in_dim3A_822, %add3A_846], %gather3A_843 : memref<64x64xf32, #tpu.memory_space<vmem>>[vector<16xi32>, vector<16xi32>], vector<16xf32>,
        %add3A_847 = arith.constant 32 : i32
        %add3A_848 = vector.broadcast %add3A_847 : i32 to vector<16xi32>
        %add3A_849 = arith.addi %iota3A, %add3A_848 : vector<16xi32>
        %gather3A_850 = arith.constant 0 : i32
        %gather3A_851 = arith.constant 0 : i32
        %gather3A_852 = arith.constant 0 : i32
        %gather3A_853 = tpu.memref_slice %arg11[%gather3A_850, %gather3A_851, %gather3A_852] : memref<12x64x128xf32, #tpu.memory_space<vmem>> -> memref<1x64x128xf32, #tpu.memory_space<vmem>>
        %gather3A_854 = tpu.memref_squeeze %gather3A_853 : memref<1x64x128xf32, #tpu.memory_space<vmem>> -> memref<64x128xf32, #tpu.memory_space<vmem>>
        %gather3A_855 = tpu.vector_load_idx %gather3A_854[%add3A_849, %broadcast_in_dim3A_821] : memref<64x128xf32, #tpu.memory_space<vmem>>[vector<16xi32>, vector<16xi32>], vector<16xf32>,
        %add3A_856 = arith.constant 32 : i32
        %add3A_857 = vector.broadcast %add3A_856 : i32 to vector<16xi32>
        %add3A_858 = arith.addi %iota3A, %add3A_857 : vector<16xi32>
        tpu.vector_store_idx %arg10[%broadcast_in_dim3A_822, %add3A_858], %gather3A_855 : memref<64x64xf32, #tpu.memory_space<vmem>>[vector<16xi32>, vector<16xi32>], vector<16xf32>,
        %add3A_859 = arith.constant 48 : i32
        %add3A_860 = vector.broadcast %add3A_859 : i32 to vector<16xi32>
        %add3A_861 = arith.addi %iota3A, %add3A_860 : vector<16xi32>
        %gather3A_862 = arith.constant 0 : i32
        %gather3A_863 = arith.constant 0 : i32
        %gather3A_864 = arith.constant 0 : i32
        %gather3A_865 = tpu.memref_slice %arg11[%gather3A_862, %gather3A_863, %gather3A_864] : memref<12x64x128xf32, #tpu.memory_space<vmem>> -> memref<1x64x128xf32, #tpu.memory_space<vmem>>
        %gather3A_866 = tpu.memref_squeeze %gather3A_865 : memref<1x64x128xf32, #tpu.memory_space<vmem>> -> memref<64x128xf32, #tpu.memory_space<vmem>>
        %gather3A_867 = tpu.vector_load_idx %gather3A_866[%add3A_861, %broadcast_in_dim3A_821] : memref<64x128xf32, #tpu.memory_space<vmem>>[vector<16xi32>, vector<16xi32>], vector<16xf32>,
        %add3A_868 = arith.constant 48 : i32
        %add3A_869 = vector.broadcast %add3A_868 : i32 to vector<16xi32>
        %add3A_870 = arith.addi %iota3A, %add3A_869 : vector<16xi32>
        tpu.vector_store_idx %arg10[%broadcast_in_dim3A_822, %add3A_870], %gather3A_867 : memref<64x64xf32, #tpu.memory_space<vmem>>[vector<16xi32>, vector<16xi32>], vector<16xf32>,
        %mul3A_871 = arith.constant 4 : i32
        %mul3A_872 = arith.muli %add3A_524, %mul3A_871 : i32
        %add3A_873 = arith.constant 1 : i32
        %add3A_874 = arith.addi %mul3A_872, %add3A_873 : i32
        %sub3A_875 = arith.constant 32 : i32
        %sub3A_876 = arith.subi %add3A_874, %sub3A_875 : i32
        %broadcast_in_dim3A_877 = vector.broadcast %sub3A_876 : i32 to vector<16xi32>
        %gather3A_878 = tpu.vector_load_idx %arg9[%broadcast_in_dim3A_877] : memref<32xi32, #tpu.memory_space<vmem>>[vector<16xi32>], vector<16xi32>,
        %slice3A_879 = vector.extract_strided_slice %gather3A_878 {offsets = [0], sizes = [1], strides = [1]} : vector<16xi32> to vector<1xi32>
        %squeeze3A_880 = vector.extract %slice3A_879[0] : i32 from vector<1xi32>
        %and3A_881 = arith.constant 127 : i32
        %and3A_882 = arith.andi %squeeze3A_880, %and3A_881 : i32
        %broadcast_in_dim3A_883 = vector.broadcast %and3A_882 : i32 to vector<16xi32>
        %broadcast_in_dim3A_884 = vector.broadcast %add3A_874 : i32 to vector<16xi32>
        %add3A_885 = arith.constant 0 : i32
        %add3A_886 = vector.broadcast %add3A_885 : i32 to vector<16xi32>
        %add3A_887 = arith.addi %iota3A, %add3A_886 : vector<16xi32>
        %gather3A_888 = arith.constant 1 : i32
        %gather3A_889 = arith.constant 0 : i32
        %gather3A_890 = arith.constant 0 : i32
        %gather3A_891 = tpu.memref_slice %arg11[%gather3A_888, %gather3A_889, %gather3A_890] : memref<12x64x128xf32, #tpu.memory_space<vmem>> -> memref<1x64x128xf32, #tpu.memory_space<vmem>>
        %gather3A_892 = tpu.memref_squeeze %gather3A_891 : memref<1x64x128xf32, #tpu.memory_space<vmem>> -> memref<64x128xf32, #tpu.memory_space<vmem>>
        %gather3A_893 = tpu.vector_load_idx %gather3A_892[%add3A_887, %broadcast_in_dim3A_883] : memref<64x128xf32, #tpu.memory_space<vmem>>[vector<16xi32>, vector<16xi32>], vector<16xf32>,
        %add3A_894 = arith.constant 0 : i32
        %add3A_895 = vector.broadcast %add3A_894 : i32 to vector<16xi32>
        %add3A_896 = arith.addi %iota3A, %add3A_895 : vector<16xi32>
        tpu.vector_store_idx %arg10[%broadcast_in_dim3A_884, %add3A_896], %gather3A_893 : memref<64x64xf32, #tpu.memory_space<vmem>>[vector<16xi32>, vector<16xi32>], vector<16xf32>,
        %add3A_897 = arith.constant 16 : i32
        %add3A_898 = vector.broadcast %add3A_897 : i32 to vector<16xi32>
        %add3A_899 = arith.addi %iota3A, %add3A_898 : vector<16xi32>
        %gather3A_900 = arith.constant 1 : i32
        %gather3A_901 = arith.constant 0 : i32
        %gather3A_902 = arith.constant 0 : i32
        %gather3A_903 = tpu.memref_slice %arg11[%gather3A_900, %gather3A_901, %gather3A_902] : memref<12x64x128xf32, #tpu.memory_space<vmem>> -> memref<1x64x128xf32, #tpu.memory_space<vmem>>
        %gather3A_904 = tpu.memref_squeeze %gather3A_903 : memref<1x64x128xf32, #tpu.memory_space<vmem>> -> memref<64x128xf32, #tpu.memory_space<vmem>>
        %gather3A_905 = tpu.vector_load_idx %gather3A_904[%add3A_899, %broadcast_in_dim3A_883] : memref<64x128xf32, #tpu.memory_space<vmem>>[vector<16xi32>, vector<16xi32>], vector<16xf32>,
        %add3A_906 = arith.constant 16 : i32
        %add3A_907 = vector.broadcast %add3A_906 : i32 to vector<16xi32>
        %add3A_908 = arith.addi %iota3A, %add3A_907 : vector<16xi32>
        tpu.vector_store_idx %arg10[%broadcast_in_dim3A_884, %add3A_908], %gather3A_905 : memref<64x64xf32, #tpu.memory_space<vmem>>[vector<16xi32>, vector<16xi32>], vector<16xf32>,
        %add3A_909 = arith.constant 32 : i32
        %add3A_910 = vector.broadcast %add3A_909 : i32 to vector<16xi32>
        %add3A_911 = arith.addi %iota3A, %add3A_910 : vector<16xi32>
        %gather3A_912 = arith.constant 1 : i32
        %gather3A_913 = arith.constant 0 : i32
        %gather3A_914 = arith.constant 0 : i32
        %gather3A_915 = tpu.memref_slice %arg11[%gather3A_912, %gather3A_913, %gather3A_914] : memref<12x64x128xf32, #tpu.memory_space<vmem>> -> memref<1x64x128xf32, #tpu.memory_space<vmem>>
        %gather3A_916 = tpu.memref_squeeze %gather3A_915 : memref<1x64x128xf32, #tpu.memory_space<vmem>> -> memref<64x128xf32, #tpu.memory_space<vmem>>
        %gather3A_917 = tpu.vector_load_idx %gather3A_916[%add3A_911, %broadcast_in_dim3A_883] : memref<64x128xf32, #tpu.memory_space<vmem>>[vector<16xi32>, vector<16xi32>], vector<16xf32>,
        %add3A_918 = arith.constant 32 : i32
        %add3A_919 = vector.broadcast %add3A_918 : i32 to vector<16xi32>
        %add3A_920 = arith.addi %iota3A, %add3A_919 : vector<16xi32>
        tpu.vector_store_idx %arg10[%broadcast_in_dim3A_884, %add3A_920], %gather3A_917 : memref<64x64xf32, #tpu.memory_space<vmem>>[vector<16xi32>, vector<16xi32>], vector<16xf32>,
        %add3A_921 = arith.constant 48 : i32
        %add3A_922 = vector.broadcast %add3A_921 : i32 to vector<16xi32>
        %add3A_923 = arith.addi %iota3A, %add3A_922 : vector<16xi32>
        %gather3A_924 = arith.constant 1 : i32
        %gather3A_925 = arith.constant 0 : i32
        %gather3A_926 = arith.constant 0 : i32
        %gather3A_927 = tpu.memref_slice %arg11[%gather3A_924, %gather3A_925, %gather3A_926] : memref<12x64x128xf32, #tpu.memory_space<vmem>> -> memref<1x64x128xf32, #tpu.memory_space<vmem>>
        %gather3A_928 = tpu.memref_squeeze %gather3A_927 : memref<1x64x128xf32, #tpu.memory_space<vmem>> -> memref<64x128xf32, #tpu.memory_space<vmem>>
        %gather3A_929 = tpu.vector_load_idx %gather3A_928[%add3A_923, %broadcast_in_dim3A_883] : memref<64x128xf32, #tpu.memory_space<vmem>>[vector<16xi32>, vector<16xi32>], vector<16xf32>,
        %add3A_930 = arith.constant 48 : i32
        %add3A_931 = vector.broadcast %add3A_930 : i32 to vector<16xi32>
        %add3A_932 = arith.addi %iota3A, %add3A_931 : vector<16xi32>
        tpu.vector_store_idx %arg10[%broadcast_in_dim3A_884, %add3A_932], %gather3A_929 : memref<64x64xf32, #tpu.memory_space<vmem>>[vector<16xi32>, vector<16xi32>], vector<16xf32>,
        %mul3A_933 = arith.constant 4 : i32
        %mul3A_934 = arith.muli %add3A_524, %mul3A_933 : i32
        %add3A_935 = arith.constant 2 : i32
        %add3A_936 = arith.addi %mul3A_934, %add3A_935 : i32
        %sub3A_937 = arith.constant 32 : i32
        %sub3A_938 = arith.subi %add3A_936, %sub3A_937 : i32
        %broadcast_in_dim3A_939 = vector.broadcast %sub3A_938 : i32 to vector<16xi32>
        %gather3A_940 = tpu.vector_load_idx %arg9[%broadcast_in_dim3A_939] : memref<32xi32, #tpu.memory_space<vmem>>[vector<16xi32>], vector<16xi32>,
        %slice3A_941 = vector.extract_strided_slice %gather3A_940 {offsets = [0], sizes = [1], strides = [1]} : vector<16xi32> to vector<1xi32>
        %squeeze3A_942 = vector.extract %slice3A_941[0] : i32 from vector<1xi32>
        %and3A_943 = arith.constant 127 : i32
        %and3A_944 = arith.andi %squeeze3A_942, %and3A_943 : i32
        %broadcast_in_dim3A_945 = vector.broadcast %and3A_944 : i32 to vector<16xi32>
        %broadcast_in_dim3A_946 = vector.broadcast %add3A_936 : i32 to vector<16xi32>
        %add3A_947 = arith.constant 0 : i32
        %add3A_948 = vector.broadcast %add3A_947 : i32 to vector<16xi32>
        %add3A_949 = arith.addi %iota3A, %add3A_948 : vector<16xi32>
        %gather3A_950 = arith.constant 2 : i32
        %gather3A_951 = arith.constant 0 : i32
        %gather3A_952 = arith.constant 0 : i32
        %gather3A_953 = tpu.memref_slice %arg11[%gather3A_950, %gather3A_951, %gather3A_952] : memref<12x64x128xf32, #tpu.memory_space<vmem>> -> memref<1x64x128xf32, #tpu.memory_space<vmem>>
        %gather3A_954 = tpu.memref_squeeze %gather3A_953 : memref<1x64x128xf32, #tpu.memory_space<vmem>> -> memref<64x128xf32, #tpu.memory_space<vmem>>
        %gather3A_955 = tpu.vector_load_idx %gather3A_954[%add3A_949, %broadcast_in_dim3A_945] : memref<64x128xf32, #tpu.memory_space<vmem>>[vector<16xi32>, vector<16xi32>], vector<16xf32>,
        %add3A_956 = arith.constant 0 : i32
        %add3A_957 = vector.broadcast %add3A_956 : i32 to vector<16xi32>
        %add3A_958 = arith.addi %iota3A, %add3A_957 : vector<16xi32>
        tpu.vector_store_idx %arg10[%broadcast_in_dim3A_946, %add3A_958], %gather3A_955 : memref<64x64xf32, #tpu.memory_space<vmem>>[vector<16xi32>, vector<16xi32>], vector<16xf32>,
        %add3A_959 = arith.constant 16 : i32
        %add3A_960 = vector.broadcast %add3A_959 : i32 to vector<16xi32>
        %add3A_961 = arith.addi %iota3A, %add3A_960 : vector<16xi32>
        %gather3A_962 = arith.constant 2 : i32
        %gather3A_963 = arith.constant 0 : i32
        %gather3A_964 = arith.constant 0 : i32
        %gather3A_965 = tpu.memref_slice %arg11[%gather3A_962, %gather3A_963, %gather3A_964] : memref<12x64x128xf32, #tpu.memory_space<vmem>> -> memref<1x64x128xf32, #tpu.memory_space<vmem>>
        %gather3A_966 = tpu.memref_squeeze %gather3A_965 : memref<1x64x128xf32, #tpu.memory_space<vmem>> -> memref<64x128xf32, #tpu.memory_space<vmem>>
        %gather3A_967 = tpu.vector_load_idx %gather3A_966[%add3A_961, %broadcast_in_dim3A_945] : memref<64x128xf32, #tpu.memory_space<vmem>>[vector<16xi32>, vector<16xi32>], vector<16xf32>,
        %add3A_968 = arith.constant 16 : i32
        %add3A_969 = vector.broadcast %add3A_968 : i32 to vector<16xi32>
        %add3A_970 = arith.addi %iota3A, %add3A_969 : vector<16xi32>
        tpu.vector_store_idx %arg10[%broadcast_in_dim3A_946, %add3A_970], %gather3A_967 : memref<64x64xf32, #tpu.memory_space<vmem>>[vector<16xi32>, vector<16xi32>], vector<16xf32>,
        %add3A_971 = arith.constant 32 : i32
        %add3A_972 = vector.broadcast %add3A_971 : i32 to vector<16xi32>
        %add3A_973 = arith.addi %iota3A, %add3A_972 : vector<16xi32>
        %gather3A_974 = arith.constant 2 : i32
        %gather3A_975 = arith.constant 0 : i32
        %gather3A_976 = arith.constant 0 : i32
        %gather3A_977 = tpu.memref_slice %arg11[%gather3A_974, %gather3A_975, %gather3A_976] : memref<12x64x128xf32, #tpu.memory_space<vmem>> -> memref<1x64x128xf32, #tpu.memory_space<vmem>>
        %gather3A_978 = tpu.memref_squeeze %gather3A_977 : memref<1x64x128xf32, #tpu.memory_space<vmem>> -> memref<64x128xf32, #tpu.memory_space<vmem>>
        %gather3A_979 = tpu.vector_load_idx %gather3A_978[%add3A_973, %broadcast_in_dim3A_945] : memref<64x128xf32, #tpu.memory_space<vmem>>[vector<16xi32>, vector<16xi32>], vector<16xf32>,
        %add3A_980 = arith.constant 32 : i32
        %add3A_981 = vector.broadcast %add3A_980 : i32 to vector<16xi32>
        %add3A_982 = arith.addi %iota3A, %add3A_981 : vector<16xi32>
        tpu.vector_store_idx %arg10[%broadcast_in_dim3A_946, %add3A_982], %gather3A_979 : memref<64x64xf32, #tpu.memory_space<vmem>>[vector<16xi32>, vector<16xi32>], vector<16xf32>,
        %add3A_983 = arith.constant 48 : i32
        %add3A_984 = vector.broadcast %add3A_983 : i32 to vector<16xi32>
        %add3A_985 = arith.addi %iota3A, %add3A_984 : vector<16xi32>
        %gather3A_986 = arith.constant 2 : i32
        %gather3A_987 = arith.constant 0 : i32
        %gather3A_988 = arith.constant 0 : i32
        %gather3A_989 = tpu.memref_slice %arg11[%gather3A_986, %gather3A_987, %gather3A_988] : memref<12x64x128xf32, #tpu.memory_space<vmem>> -> memref<1x64x128xf32, #tpu.memory_space<vmem>>
        %gather3A_990 = tpu.memref_squeeze %gather3A_989 : memref<1x64x128xf32, #tpu.memory_space<vmem>> -> memref<64x128xf32, #tpu.memory_space<vmem>>
        %gather3A_991 = tpu.vector_load_idx %gather3A_990[%add3A_985, %broadcast_in_dim3A_945] : memref<64x128xf32, #tpu.memory_space<vmem>>[vector<16xi32>, vector<16xi32>], vector<16xf32>,
        %add3A_992 = arith.constant 48 : i32
        %add3A_993 = vector.broadcast %add3A_992 : i32 to vector<16xi32>
        %add3A_994 = arith.addi %iota3A, %add3A_993 : vector<16xi32>
        tpu.vector_store_idx %arg10[%broadcast_in_dim3A_946, %add3A_994], %gather3A_991 : memref<64x64xf32, #tpu.memory_space<vmem>>[vector<16xi32>, vector<16xi32>], vector<16xf32>,
        %mul3A_995 = arith.constant 4 : i32
        %mul3A_996 = arith.muli %add3A_524, %mul3A_995 : i32
        %add3A_997 = arith.constant 3 : i32
        %add3A_998 = arith.addi %mul3A_996, %add3A_997 : i32
        %sub3A_999 = arith.constant 32 : i32
        %sub3A_1000 = arith.subi %add3A_998, %sub3A_999 : i32
        %broadcast_in_dim3A_1001 = vector.broadcast %sub3A_1000 : i32 to vector<16xi32>
        %gather3A_1002 = tpu.vector_load_idx %arg9[%broadcast_in_dim3A_1001] : memref<32xi32, #tpu.memory_space<vmem>>[vector<16xi32>], vector<16xi32>,
        %slice3A_1003 = vector.extract_strided_slice %gather3A_1002 {offsets = [0], sizes = [1], strides = [1]} : vector<16xi32> to vector<1xi32>
        %squeeze3A_1004 = vector.extract %slice3A_1003[0] : i32 from vector<1xi32>
        %and3A_1005 = arith.constant 127 : i32
        %and3A_1006 = arith.andi %squeeze3A_1004, %and3A_1005 : i32
        %broadcast_in_dim3A_1007 = vector.broadcast %and3A_1006 : i32 to vector<16xi32>
        %broadcast_in_dim3A_1008 = vector.broadcast %add3A_998 : i32 to vector<16xi32>
        %add3A_1009 = arith.constant 0 : i32
        %add3A_1010 = vector.broadcast %add3A_1009 : i32 to vector<16xi32>
        %add3A_1011 = arith.addi %iota3A, %add3A_1010 : vector<16xi32>
        %gather3A_1012 = arith.constant 3 : i32
        %gather3A_1013 = arith.constant 0 : i32
        %gather3A_1014 = arith.constant 0 : i32
        %gather3A_1015 = tpu.memref_slice %arg11[%gather3A_1012, %gather3A_1013, %gather3A_1014] : memref<12x64x128xf32, #tpu.memory_space<vmem>> -> memref<1x64x128xf32, #tpu.memory_space<vmem>>
        %gather3A_1016 = tpu.memref_squeeze %gather3A_1015 : memref<1x64x128xf32, #tpu.memory_space<vmem>> -> memref<64x128xf32, #tpu.memory_space<vmem>>
        %gather3A_1017 = tpu.vector_load_idx %gather3A_1016[%add3A_1011, %broadcast_in_dim3A_1007] : memref<64x128xf32, #tpu.memory_space<vmem>>[vector<16xi32>, vector<16xi32>], vector<16xf32>,
        %add3A_1018 = arith.constant 0 : i32
        %add3A_1019 = vector.broadcast %add3A_1018 : i32 to vector<16xi32>
        %add3A_1020 = arith.addi %iota3A, %add3A_1019 : vector<16xi32>
        tpu.vector_store_idx %arg10[%broadcast_in_dim3A_1008, %add3A_1020], %gather3A_1017 : memref<64x64xf32, #tpu.memory_space<vmem>>[vector<16xi32>, vector<16xi32>], vector<16xf32>,
        %add3A_1021 = arith.constant 16 : i32
        %add3A_1022 = vector.broadcast %add3A_1021 : i32 to vector<16xi32>
        %add3A_1023 = arith.addi %iota3A, %add3A_1022 : vector<16xi32>
        %gather3A_1024 = arith.constant 3 : i32
        %gather3A_1025 = arith.constant 0 : i32
        %gather3A_1026 = arith.constant 0 : i32
        %gather3A_1027 = tpu.memref_slice %arg11[%gather3A_1024, %gather3A_1025, %gather3A_1026] : memref<12x64x128xf32, #tpu.memory_space<vmem>> -> memref<1x64x128xf32, #tpu.memory_space<vmem>>
        %gather3A_1028 = tpu.memref_squeeze %gather3A_1027 : memref<1x64x128xf32, #tpu.memory_space<vmem>> -> memref<64x128xf32, #tpu.memory_space<vmem>>
        %gather3A_1029 = tpu.vector_load_idx %gather3A_1028[%add3A_1023, %broadcast_in_dim3A_1007] : memref<64x128xf32, #tpu.memory_space<vmem>>[vector<16xi32>, vector<16xi32>], vector<16xf32>,
        %add3A_1030 = arith.constant 16 : i32
        %add3A_1031 = vector.broadcast %add3A_1030 : i32 to vector<16xi32>
        %add3A_1032 = arith.addi %iota3A, %add3A_1031 : vector<16xi32>
        tpu.vector_store_idx %arg10[%broadcast_in_dim3A_1008, %add3A_1032], %gather3A_1029 : memref<64x64xf32, #tpu.memory_space<vmem>>[vector<16xi32>, vector<16xi32>], vector<16xf32>,
        %add3A_1033 = arith.constant 32 : i32
        %add3A_1034 = vector.broadcast %add3A_1033 : i32 to vector<16xi32>
        %add3A_1035 = arith.addi %iota3A, %add3A_1034 : vector<16xi32>
        %gather3A_1036 = arith.constant 3 : i32
        %gather3A_1037 = arith.constant 0 : i32
        %gather3A_1038 = arith.constant 0 : i32
        %gather3A_1039 = tpu.memref_slice %arg11[%gather3A_1036, %gather3A_1037, %gather3A_1038] : memref<12x64x128xf32, #tpu.memory_space<vmem>> -> memref<1x64x128xf32, #tpu.memory_space<vmem>>
        %gather3A_1040 = tpu.memref_squeeze %gather3A_1039 : memref<1x64x128xf32, #tpu.memory_space<vmem>> -> memref<64x128xf32, #tpu.memory_space<vmem>>
        %gather3A_1041 = tpu.vector_load_idx %gather3A_1040[%add3A_1035, %broadcast_in_dim3A_1007] : memref<64x128xf32, #tpu.memory_space<vmem>>[vector<16xi32>, vector<16xi32>], vector<16xf32>,
        %add3A_1042 = arith.constant 32 : i32
        %add3A_1043 = vector.broadcast %add3A_1042 : i32 to vector<16xi32>
        %add3A_1044 = arith.addi %iota3A, %add3A_1043 : vector<16xi32>
        tpu.vector_store_idx %arg10[%broadcast_in_dim3A_1008, %add3A_1044], %gather3A_1041 : memref<64x64xf32, #tpu.memory_space<vmem>>[vector<16xi32>, vector<16xi32>], vector<16xf32>,
        %add3A_1045 = arith.constant 48 : i32
        %add3A_1046 = vector.broadcast %add3A_1045 : i32 to vector<16xi32>
        %add3A_1047 = arith.addi %iota3A, %add3A_1046 : vector<16xi32>
        %gather3A_1048 = arith.constant 3 : i32
        %gather3A_1049 = arith.constant 0 : i32
        %gather3A_1050 = arith.constant 0 : i32
        %gather3A_1051 = tpu.memref_slice %arg11[%gather3A_1048, %gather3A_1049, %gather3A_1050] : memref<12x64x128xf32, #tpu.memory_space<vmem>> -> memref<1x64x128xf32, #tpu.memory_space<vmem>>
        %gather3A_1052 = tpu.memref_squeeze %gather3A_1051 : memref<1x64x128xf32, #tpu.memory_space<vmem>> -> memref<64x128xf32, #tpu.memory_space<vmem>>
        %gather3A_1053 = tpu.vector_load_idx %gather3A_1052[%add3A_1047, %broadcast_in_dim3A_1007] : memref<64x128xf32, #tpu.memory_space<vmem>>[vector<16xi32>, vector<16xi32>], vector<16xf32>,
        %add3A_1054 = arith.constant 48 : i32
        %add3A_1055 = vector.broadcast %add3A_1054 : i32 to vector<16xi32>
        %add3A_1056 = arith.addi %iota3A, %add3A_1055 : vector<16xi32>
        tpu.vector_store_idx %arg10[%broadcast_in_dim3A_1008, %add3A_1056], %gather3A_1053 : memref<64x64xf32, #tpu.memory_space<vmem>>[vector<16xi32>, vector<16xi32>], vector<16xf32>,
      } else {
      }
      %eq3A = arith.constant 7 : i32
      %eq3A_610 = arith.cmpi eq, %add3A_524, %eq3A : i32
      %convert_element_type3A_611 = arith.extui %eq3A_610 : i1 to i32
      %cond3A_612 = arith.constant 0 : i32
      %cond3A_613 = arith.cmpi ne, %convert_element_type3A_611, %cond3A_612 : i32
      scf.if %cond3A_613 {
        %dma_start3A_810 = arith.constant 0 : i32
        %dma_start3A_811 = arith.constant 0 : i32
        %dma_start3A_812 = tpu.memref_slice %arg10[%dma_start3A_810, %dma_start3A_811] : memref<64x64xf32, #tpu.memory_space<vmem>> -> memref<32x64xf32, #tpu.memory_space<vmem>>
        %dma_start3A_813 = arith.constant 0 : i32
        %dma_start3A_814 = tpu.memref_slice %arg6[%mul3A_2, %dma_start3A_813] : memref<1024x64xf32, #tpu.memory_space<hbm>> -> memref<32x64xf32, #tpu.memory_space<hbm>>
        %dma_start3A_815 = arith.constant 0 : i32
        %dma_start3A_816 = tpu.memref_slice %arg6[%mul3A_2, %dma_start3A_815] : memref<1024x64xf32, #tpu.memory_space<hbm>> -> memref<32x64xf32, #tpu.memory_space<hbm>>
        %dma_start3A_817 = arith.constant 0 : i32
        %dma_start3A_818 = arith.constant 0 : i32
        %dma_start3A_819 = tpu.memref_slice %arg10[%dma_start3A_817, %dma_start3A_818] : memref<64x64xf32, #tpu.memory_space<vmem>> -> memref<32x64xf32, #tpu.memory_space<vmem>>
        tpu.enqueue_dma source(%dma_start3A_819 : memref<32x64xf32, #tpu.memory_space<vmem>>) target(%dma_start3A_816 : memref<32x64xf32, #tpu.memory_space<hbm>>) target_semaphore(%arg13 : memref<!tpu.dma_semaphore, #tpu.memory_space<semaphore_mem>>)
      } else {
      }
      %mul3A_614 = arith.constant 3 : i32
      %mul3A_615 = arith.muli %mul3A_614, %scan3A_520 : i32
      %add3A_616 = arith.constant 1 : i32
      %add3A_617 = arith.addi %mul3A_615, %add3A_616 : i32
      %add3A_618 = arith.constant 2 : i32
      %add3A_619 = arith.addi %add3A_617, %add3A_618 : i32
      %lt3A_620 = arith.constant 16 : i32
      %lt3A_621 = arith.cmpi slt, %add3A_619, %lt3A_620 : i32
      %convert_element_type3A_622 = arith.extui %lt3A_621 : i1 to i32
      %cond3A_623 = arith.constant 0 : i32
      %cond3A_624 = arith.cmpi ne, %convert_element_type3A_622, %cond3A_623 : i32
      scf.if %cond3A_624 {
        %add3A_810 = arith.constant 2 : i32
        %add3A_811 = arith.addi %add3A_617, %add3A_810 : i32
        %lt3A_812 = arith.constant 8 : i32
        %lt3A_813 = arith.cmpi slt, %add3A_811, %lt3A_812 : i32
        %convert_element_type3A_814 = arith.extui %lt3A_813 : i1 to i32
        %cond3A_815 = arith.constant 0 : i32
        %cond3A_816 = arith.cmpi ne, %convert_element_type3A_814, %cond3A_815 : i32
        scf.if %cond3A_816 {
          %mul3A_822 = arith.constant 4 : i32
          %mul3A_823 = arith.muli %add3A_811, %mul3A_822 : i32
          %add3A_824 = arith.constant 0 : i32
          %add3A_825 = arith.addi %mul3A_823, %add3A_824 : i32
          %broadcast_in_dim3A_826 = vector.broadcast %add3A_825 : i32 to vector<16xi32>
          %gather3A_827 = tpu.vector_load_idx %arg8[%broadcast_in_dim3A_826] : memref<32xi32, #tpu.memory_space<vmem>>[vector<16xi32>], vector<16xi32>,
          %slice3A_828 = vector.extract_strided_slice %gather3A_827 {offsets = [0], sizes = [1], strides = [1]} : vector<16xi32> to vector<1xi32>
          %squeeze3A_829 = vector.extract %slice3A_828[0] : i32 from vector<1xi32>
          %shift_right_arithmetic3A_830 = arith.constant 7 : i32
          %shift_right_arithmetic3A_831 = arith.shrsi %squeeze3A_829, %shift_right_arithmetic3A_830 : i32
          %shift_left3A_832 = arith.constant 7 : i32
          %shift_left3A_833 = arith.shli %shift_right_arithmetic3A_831, %shift_left3A_832 : i32
          %multiple_of3A_834 = tpu.assume_multiple %shift_left3A_833, 128 : i32
          %dma_start3A_835 = arith.constant 0 : i32
          %dma_start3A_836 = arith.constant 0 : i32
          %dma_start3A_837 = arith.constant 0 : i32
          %dma_start3A_838 = arith.constant 0 : i32
          %dma_start3A_839 = tpu.memref_slice %arg11[%dma_start3A_835, %dma_start3A_837, %dma_start3A_838] : memref<12x64x128xf32, #tpu.memory_space<vmem>> -> memref<1x64x128xf32, #tpu.memory_space<vmem>>
          %dma_start3A_840 = tpu.memref_squeeze %dma_start3A_839 : memref<1x64x128xf32, #tpu.memory_space<vmem>> -> memref<64x128xf32, #tpu.memory_space<vmem>>
          %dma_start3A_841 = arith.constant 0 : i32
          %dma_start3A_842 = tpu.memref_slice %arg4[%dma_start3A_841, %multiple_of3A_834] : memref<64x100000xf32, #tpu.memory_space<hbm>> -> memref<64x128xf32, #tpu.memory_space<hbm>>
          %dma_start3A_843 = tpu.memref_slice %arg12[%dma_start3A_836] : memref<3x!tpu.dma_semaphore, #tpu.memory_space<semaphore_mem>> -> memref<1x!tpu.dma_semaphore, #tpu.memory_space<semaphore_mem>>
          %dma_start3A_844 = tpu.memref_squeeze %dma_start3A_843 : memref<1x!tpu.dma_semaphore, #tpu.memory_space<semaphore_mem>> -> memref<!tpu.dma_semaphore, #tpu.memory_space<semaphore_mem>>
          %dma_start3A_845 = arith.constant 0 : i32
          %dma_start3A_846 = arith.constant 0 : i32
          %dma_start3A_847 = tpu.memref_slice %arg11[%dma_start3A_835, %dma_start3A_845, %dma_start3A_846] : memref<12x64x128xf32, #tpu.memory_space<vmem>> -> memref<1x64x128xf32, #tpu.memory_space<vmem>>
          %dma_start3A_848 = tpu.memref_squeeze %dma_start3A_847 : memref<1x64x128xf32, #tpu.memory_space<vmem>> -> memref<64x128xf32, #tpu.memory_space<vmem>>
          %dma_start3A_849 = arith.constant 0 : i32
          %dma_start3A_850 = tpu.memref_slice %arg4[%dma_start3A_849, %multiple_of3A_834] : memref<64x100000xf32, #tpu.memory_space<hbm>> -> memref<64x128xf32, #tpu.memory_space<hbm>>
          tpu.enqueue_dma source(%dma_start3A_850 : memref<64x128xf32, #tpu.memory_space<hbm>>) target(%dma_start3A_848 : memref<64x128xf32, #tpu.memory_space<vmem>>) target_semaphore(%dma_start3A_844 : memref<!tpu.dma_semaphore, #tpu.memory_space<semaphore_mem>>)
          %add3A_851 = arith.constant 1 : i32
          %add3A_852 = arith.addi %mul3A_823, %add3A_851 : i32
          %broadcast_in_dim3A_853 = vector.broadcast %add3A_852 : i32 to vector<16xi32>
          %gather3A_854 = tpu.vector_load_idx %arg8[%broadcast_in_dim3A_853] : memref<32xi32, #tpu.memory_space<vmem>>[vector<16xi32>], vector<16xi32>,
          %slice3A_855 = vector.extract_strided_slice %gather3A_854 {offsets = [0], sizes = [1], strides = [1]} : vector<16xi32> to vector<1xi32>
          %squeeze3A_856 = vector.extract %slice3A_855[0] : i32 from vector<1xi32>
          %shift_right_arithmetic3A_857 = arith.constant 7 : i32
          %shift_right_arithmetic3A_858 = arith.shrsi %squeeze3A_856, %shift_right_arithmetic3A_857 : i32
          %shift_left3A_859 = arith.constant 7 : i32
          %shift_left3A_860 = arith.shli %shift_right_arithmetic3A_858, %shift_left3A_859 : i32
          %multiple_of3A_861 = tpu.assume_multiple %shift_left3A_860, 128 : i32
          %dma_start3A_862 = arith.constant 1 : i32
          %dma_start3A_863 = arith.constant 0 : i32
          %dma_start3A_864 = arith.constant 0 : i32
          %dma_start3A_865 = arith.constant 0 : i32
          %dma_start3A_866 = tpu.memref_slice %arg11[%dma_start3A_862, %dma_start3A_864, %dma_start3A_865] : memref<12x64x128xf32, #tpu.memory_space<vmem>> -> memref<1x64x128xf32, #tpu.memory_space<vmem>>
          %dma_start3A_867 = tpu.memref_squeeze %dma_start3A_866 : memref<1x64x128xf32, #tpu.memory_space<vmem>> -> memref<64x128xf32, #tpu.memory_space<vmem>>
          %dma_start3A_868 = arith.constant 0 : i32
          %dma_start3A_869 = tpu.memref_slice %arg4[%dma_start3A_868, %multiple_of3A_861] : memref<64x100000xf32, #tpu.memory_space<hbm>> -> memref<64x128xf32, #tpu.memory_space<hbm>>
          %dma_start3A_870 = tpu.memref_slice %arg12[%dma_start3A_863] : memref<3x!tpu.dma_semaphore, #tpu.memory_space<semaphore_mem>> -> memref<1x!tpu.dma_semaphore, #tpu.memory_space<semaphore_mem>>
          %dma_start3A_871 = tpu.memref_squeeze %dma_start3A_870 : memref<1x!tpu.dma_semaphore, #tpu.memory_space<semaphore_mem>> -> memref<!tpu.dma_semaphore, #tpu.memory_space<semaphore_mem>>
          %dma_start3A_872 = arith.constant 0 : i32
          %dma_start3A_873 = arith.constant 0 : i32
          %dma_start3A_874 = tpu.memref_slice %arg11[%dma_start3A_862, %dma_start3A_872, %dma_start3A_873] : memref<12x64x128xf32, #tpu.memory_space<vmem>> -> memref<1x64x128xf32, #tpu.memory_space<vmem>>
          %dma_start3A_875 = tpu.memref_squeeze %dma_start3A_874 : memref<1x64x128xf32, #tpu.memory_space<vmem>> -> memref<64x128xf32, #tpu.memory_space<vmem>>
          %dma_start3A_876 = arith.constant 0 : i32
          %dma_start3A_877 = tpu.memref_slice %arg4[%dma_start3A_876, %multiple_of3A_861] : memref<64x100000xf32, #tpu.memory_space<hbm>> -> memref<64x128xf32, #tpu.memory_space<hbm>>
          tpu.enqueue_dma source(%dma_start3A_877 : memref<64x128xf32, #tpu.memory_space<hbm>>) target(%dma_start3A_875 : memref<64x128xf32, #tpu.memory_space<vmem>>) target_semaphore(%dma_start3A_871 : memref<!tpu.dma_semaphore, #tpu.memory_space<semaphore_mem>>)
          %add3A_878 = arith.constant 2 : i32
          %add3A_879 = arith.addi %mul3A_823, %add3A_878 : i32
          %broadcast_in_dim3A_880 = vector.broadcast %add3A_879 : i32 to vector<16xi32>
          %gather3A_881 = tpu.vector_load_idx %arg8[%broadcast_in_dim3A_880] : memref<32xi32, #tpu.memory_space<vmem>>[vector<16xi32>], vector<16xi32>,
          %slice3A_882 = vector.extract_strided_slice %gather3A_881 {offsets = [0], sizes = [1], strides = [1]} : vector<16xi32> to vector<1xi32>
          %squeeze3A_883 = vector.extract %slice3A_882[0] : i32 from vector<1xi32>
          %shift_right_arithmetic3A_884 = arith.constant 7 : i32
          %shift_right_arithmetic3A_885 = arith.shrsi %squeeze3A_883, %shift_right_arithmetic3A_884 : i32
          %shift_left3A_886 = arith.constant 7 : i32
          %shift_left3A_887 = arith.shli %shift_right_arithmetic3A_885, %shift_left3A_886 : i32
          %multiple_of3A_888 = tpu.assume_multiple %shift_left3A_887, 128 : i32
          %dma_start3A_889 = arith.constant 2 : i32
          %dma_start3A_890 = arith.constant 0 : i32
          %dma_start3A_891 = arith.constant 0 : i32
          %dma_start3A_892 = arith.constant 0 : i32
          %dma_start3A_893 = tpu.memref_slice %arg11[%dma_start3A_889, %dma_start3A_891, %dma_start3A_892] : memref<12x64x128xf32, #tpu.memory_space<vmem>> -> memref<1x64x128xf32, #tpu.memory_space<vmem>>
          %dma_start3A_894 = tpu.memref_squeeze %dma_start3A_893 : memref<1x64x128xf32, #tpu.memory_space<vmem>> -> memref<64x128xf32, #tpu.memory_space<vmem>>
          %dma_start3A_895 = arith.constant 0 : i32
          %dma_start3A_896 = tpu.memref_slice %arg4[%dma_start3A_895, %multiple_of3A_888] : memref<64x100000xf32, #tpu.memory_space<hbm>> -> memref<64x128xf32, #tpu.memory_space<hbm>>
          %dma_start3A_897 = tpu.memref_slice %arg12[%dma_start3A_890] : memref<3x!tpu.dma_semaphore, #tpu.memory_space<semaphore_mem>> -> memref<1x!tpu.dma_semaphore, #tpu.memory_space<semaphore_mem>>
          %dma_start3A_898 = tpu.memref_squeeze %dma_start3A_897 : memref<1x!tpu.dma_semaphore, #tpu.memory_space<semaphore_mem>> -> memref<!tpu.dma_semaphore, #tpu.memory_space<semaphore_mem>>
          %dma_start3A_899 = arith.constant 0 : i32
          %dma_start3A_900 = arith.constant 0 : i32
          %dma_start3A_901 = tpu.memref_slice %arg11[%dma_start3A_889, %dma_start3A_899, %dma_start3A_900] : memref<12x64x128xf32, #tpu.memory_space<vmem>> -> memref<1x64x128xf32, #tpu.memory_space<vmem>>
          %dma_start3A_902 = tpu.memref_squeeze %dma_start3A_901 : memref<1x64x128xf32, #tpu.memory_space<vmem>> -> memref<64x128xf32, #tpu.memory_space<vmem>>
          %dma_start3A_903 = arith.constant 0 : i32
          %dma_start3A_904 = tpu.memref_slice %arg4[%dma_start3A_903, %multiple_of3A_888] : memref<64x100000xf32, #tpu.memory_space<hbm>> -> memref<64x128xf32, #tpu.memory_space<hbm>>
          tpu.enqueue_dma source(%dma_start3A_904 : memref<64x128xf32, #tpu.memory_space<hbm>>) target(%dma_start3A_902 : memref<64x128xf32, #tpu.memory_space<vmem>>) target_semaphore(%dma_start3A_898 : memref<!tpu.dma_semaphore, #tpu.memory_space<semaphore_mem>>)
          %add3A_905 = arith.constant 3 : i32
          %add3A_906 = arith.addi %mul3A_823, %add3A_905 : i32
          %broadcast_in_dim3A_907 = vector.broadcast %add3A_906 : i32 to vector<16xi32>
          %gather3A_908 = tpu.vector_load_idx %arg8[%broadcast_in_dim3A_907] : memref<32xi32, #tpu.memory_space<vmem>>[vector<16xi32>], vector<16xi32>,
          %slice3A_909 = vector.extract_strided_slice %gather3A_908 {offsets = [0], sizes = [1], strides = [1]} : vector<16xi32> to vector<1xi32>
          %squeeze3A_910 = vector.extract %slice3A_909[0] : i32 from vector<1xi32>
          %shift_right_arithmetic3A_911 = arith.constant 7 : i32
          %shift_right_arithmetic3A_912 = arith.shrsi %squeeze3A_910, %shift_right_arithmetic3A_911 : i32
          %shift_left3A_913 = arith.constant 7 : i32
          %shift_left3A_914 = arith.shli %shift_right_arithmetic3A_912, %shift_left3A_913 : i32
          %multiple_of3A_915 = tpu.assume_multiple %shift_left3A_914, 128 : i32
          %dma_start3A_916 = arith.constant 3 : i32
          %dma_start3A_917 = arith.constant 0 : i32
          %dma_start3A_918 = arith.constant 0 : i32
          %dma_start3A_919 = arith.constant 0 : i32
          %dma_start3A_920 = tpu.memref_slice %arg11[%dma_start3A_916, %dma_start3A_918, %dma_start3A_919] : memref<12x64x128xf32, #tpu.memory_space<vmem>> -> memref<1x64x128xf32, #tpu.memory_space<vmem>>
          %dma_start3A_921 = tpu.memref_squeeze %dma_start3A_920 : memref<1x64x128xf32, #tpu.memory_space<vmem>> -> memref<64x128xf32, #tpu.memory_space<vmem>>
          %dma_start3A_922 = arith.constant 0 : i32
          %dma_start3A_923 = tpu.memref_slice %arg4[%dma_start3A_922, %multiple_of3A_915] : memref<64x100000xf32, #tpu.memory_space<hbm>> -> memref<64x128xf32, #tpu.memory_space<hbm>>
          %dma_start3A_924 = tpu.memref_slice %arg12[%dma_start3A_917] : memref<3x!tpu.dma_semaphore, #tpu.memory_space<semaphore_mem>> -> memref<1x!tpu.dma_semaphore, #tpu.memory_space<semaphore_mem>>
          %dma_start3A_925 = tpu.memref_squeeze %dma_start3A_924 : memref<1x!tpu.dma_semaphore, #tpu.memory_space<semaphore_mem>> -> memref<!tpu.dma_semaphore, #tpu.memory_space<semaphore_mem>>
          %dma_start3A_926 = arith.constant 0 : i32
          %dma_start3A_927 = arith.constant 0 : i32
          %dma_start3A_928 = tpu.memref_slice %arg11[%dma_start3A_916, %dma_start3A_926, %dma_start3A_927] : memref<12x64x128xf32, #tpu.memory_space<vmem>> -> memref<1x64x128xf32, #tpu.memory_space<vmem>>
          %dma_start3A_929 = tpu.memref_squeeze %dma_start3A_928 : memref<1x64x128xf32, #tpu.memory_space<vmem>> -> memref<64x128xf32, #tpu.memory_space<vmem>>
          %dma_start3A_930 = arith.constant 0 : i32
          %dma_start3A_931 = tpu.memref_slice %arg4[%dma_start3A_930, %multiple_of3A_915] : memref<64x100000xf32, #tpu.memory_space<hbm>> -> memref<64x128xf32, #tpu.memory_space<hbm>>
          tpu.enqueue_dma source(%dma_start3A_931 : memref<64x128xf32, #tpu.memory_space<hbm>>) target(%dma_start3A_929 : memref<64x128xf32, #tpu.memory_space<vmem>>) target_semaphore(%dma_start3A_925 : memref<!tpu.dma_semaphore, #tpu.memory_space<semaphore_mem>>)
        } else {
        }
        %ge3A_817 = arith.constant 8 : i32
        %ge3A_818 = arith.cmpi sge, %add3A_811, %ge3A_817 : i32
        %convert_element_type3A_819 = arith.extui %ge3A_818 : i1 to i32
        %cond3A_820 = arith.constant 0 : i32
        %cond3A_821 = arith.cmpi ne, %convert_element_type3A_819, %cond3A_820 : i32
        scf.if %cond3A_821 {
          %sub3A = arith.constant 8 : i32
          %sub3A_822 = arith.subi %add3A_811, %sub3A : i32
          %mul3A_823 = arith.constant 4 : i32
          %mul3A_824 = arith.muli %sub3A_822, %mul3A_823 : i32
          %add3A_825 = arith.constant 0 : i32
          %add3A_826 = arith.addi %mul3A_824, %add3A_825 : i32
          %broadcast_in_dim3A_827 = vector.broadcast %add3A_826 : i32 to vector<16xi32>
          %gather3A_828 = tpu.vector_load_idx %arg9[%broadcast_in_dim3A_827] : memref<32xi32, #tpu.memory_space<vmem>>[vector<16xi32>], vector<16xi32>,
          %slice3A_829 = vector.extract_strided_slice %gather3A_828 {offsets = [0], sizes = [1], strides = [1]} : vector<16xi32> to vector<1xi32>
          %squeeze3A_830 = vector.extract %slice3A_829[0] : i32 from vector<1xi32>
          %shift_right_arithmetic3A_831 = arith.constant 7 : i32
          %shift_right_arithmetic3A_832 = arith.shrsi %squeeze3A_830, %shift_right_arithmetic3A_831 : i32
          %shift_left3A_833 = arith.constant 7 : i32
          %shift_left3A_834 = arith.shli %shift_right_arithmetic3A_832, %shift_left3A_833 : i32
          %multiple_of3A_835 = tpu.assume_multiple %shift_left3A_834, 128 : i32
          %dma_start3A_836 = arith.constant 0 : i32
          %dma_start3A_837 = arith.constant 0 : i32
          %dma_start3A_838 = arith.constant 0 : i32
          %dma_start3A_839 = arith.constant 0 : i32
          %dma_start3A_840 = tpu.memref_slice %arg11[%dma_start3A_836, %dma_start3A_838, %dma_start3A_839] : memref<12x64x128xf32, #tpu.memory_space<vmem>> -> memref<1x64x128xf32, #tpu.memory_space<vmem>>
          %dma_start3A_841 = tpu.memref_squeeze %dma_start3A_840 : memref<1x64x128xf32, #tpu.memory_space<vmem>> -> memref<64x128xf32, #tpu.memory_space<vmem>>
          %dma_start3A_842 = arith.constant 0 : i32
          %dma_start3A_843 = tpu.memref_slice %arg5[%dma_start3A_842, %multiple_of3A_835] : memref<64x100000xf32, #tpu.memory_space<hbm>> -> memref<64x128xf32, #tpu.memory_space<hbm>>
          %dma_start3A_844 = tpu.memref_slice %arg12[%dma_start3A_837] : memref<3x!tpu.dma_semaphore, #tpu.memory_space<semaphore_mem>> -> memref<1x!tpu.dma_semaphore, #tpu.memory_space<semaphore_mem>>
          %dma_start3A_845 = tpu.memref_squeeze %dma_start3A_844 : memref<1x!tpu.dma_semaphore, #tpu.memory_space<semaphore_mem>> -> memref<!tpu.dma_semaphore, #tpu.memory_space<semaphore_mem>>
          %dma_start3A_846 = arith.constant 0 : i32
          %dma_start3A_847 = arith.constant 0 : i32
          %dma_start3A_848 = tpu.memref_slice %arg11[%dma_start3A_836, %dma_start3A_846, %dma_start3A_847] : memref<12x64x128xf32, #tpu.memory_space<vmem>> -> memref<1x64x128xf32, #tpu.memory_space<vmem>>
          %dma_start3A_849 = tpu.memref_squeeze %dma_start3A_848 : memref<1x64x128xf32, #tpu.memory_space<vmem>> -> memref<64x128xf32, #tpu.memory_space<vmem>>
          %dma_start3A_850 = arith.constant 0 : i32
          %dma_start3A_851 = tpu.memref_slice %arg5[%dma_start3A_850, %multiple_of3A_835] : memref<64x100000xf32, #tpu.memory_space<hbm>> -> memref<64x128xf32, #tpu.memory_space<hbm>>
          tpu.enqueue_dma source(%dma_start3A_851 : memref<64x128xf32, #tpu.memory_space<hbm>>) target(%dma_start3A_849 : memref<64x128xf32, #tpu.memory_space<vmem>>) target_semaphore(%dma_start3A_845 : memref<!tpu.dma_semaphore, #tpu.memory_space<semaphore_mem>>)
          %add3A_852 = arith.constant 1 : i32
          %add3A_853 = arith.addi %mul3A_824, %add3A_852 : i32
          %broadcast_in_dim3A_854 = vector.broadcast %add3A_853 : i32 to vector<16xi32>
          %gather3A_855 = tpu.vector_load_idx %arg9[%broadcast_in_dim3A_854] : memref<32xi32, #tpu.memory_space<vmem>>[vector<16xi32>], vector<16xi32>,
          %slice3A_856 = vector.extract_strided_slice %gather3A_855 {offsets = [0], sizes = [1], strides = [1]} : vector<16xi32> to vector<1xi32>
          %squeeze3A_857 = vector.extract %slice3A_856[0] : i32 from vector<1xi32>
          %shift_right_arithmetic3A_858 = arith.constant 7 : i32
          %shift_right_arithmetic3A_859 = arith.shrsi %squeeze3A_857, %shift_right_arithmetic3A_858 : i32
          %shift_left3A_860 = arith.constant 7 : i32
          %shift_left3A_861 = arith.shli %shift_right_arithmetic3A_859, %shift_left3A_860 : i32
          %multiple_of3A_862 = tpu.assume_multiple %shift_left3A_861, 128 : i32
          %dma_start3A_863 = arith.constant 1 : i32
          %dma_start3A_864 = arith.constant 0 : i32
          %dma_start3A_865 = arith.constant 0 : i32
          %dma_start3A_866 = arith.constant 0 : i32
          %dma_start3A_867 = tpu.memref_slice %arg11[%dma_start3A_863, %dma_start3A_865, %dma_start3A_866] : memref<12x64x128xf32, #tpu.memory_space<vmem>> -> memref<1x64x128xf32, #tpu.memory_space<vmem>>
          %dma_start3A_868 = tpu.memref_squeeze %dma_start3A_867 : memref<1x64x128xf32, #tpu.memory_space<vmem>> -> memref<64x128xf32, #tpu.memory_space<vmem>>
          %dma_start3A_869 = arith.constant 0 : i32
          %dma_start3A_870 = tpu.memref_slice %arg5[%dma_start3A_869, %multiple_of3A_862] : memref<64x100000xf32, #tpu.memory_space<hbm>> -> memref<64x128xf32, #tpu.memory_space<hbm>>
          %dma_start3A_871 = tpu.memref_slice %arg12[%dma_start3A_864] : memref<3x!tpu.dma_semaphore, #tpu.memory_space<semaphore_mem>> -> memref<1x!tpu.dma_semaphore, #tpu.memory_space<semaphore_mem>>
          %dma_start3A_872 = tpu.memref_squeeze %dma_start3A_871 : memref<1x!tpu.dma_semaphore, #tpu.memory_space<semaphore_mem>> -> memref<!tpu.dma_semaphore, #tpu.memory_space<semaphore_mem>>
          %dma_start3A_873 = arith.constant 0 : i32
          %dma_start3A_874 = arith.constant 0 : i32
          %dma_start3A_875 = tpu.memref_slice %arg11[%dma_start3A_863, %dma_start3A_873, %dma_start3A_874] : memref<12x64x128xf32, #tpu.memory_space<vmem>> -> memref<1x64x128xf32, #tpu.memory_space<vmem>>
          %dma_start3A_876 = tpu.memref_squeeze %dma_start3A_875 : memref<1x64x128xf32, #tpu.memory_space<vmem>> -> memref<64x128xf32, #tpu.memory_space<vmem>>
          %dma_start3A_877 = arith.constant 0 : i32
          %dma_start3A_878 = tpu.memref_slice %arg5[%dma_start3A_877, %multiple_of3A_862] : memref<64x100000xf32, #tpu.memory_space<hbm>> -> memref<64x128xf32, #tpu.memory_space<hbm>>
          tpu.enqueue_dma source(%dma_start3A_878 : memref<64x128xf32, #tpu.memory_space<hbm>>) target(%dma_start3A_876 : memref<64x128xf32, #tpu.memory_space<vmem>>) target_semaphore(%dma_start3A_872 : memref<!tpu.dma_semaphore, #tpu.memory_space<semaphore_mem>>)
          %add3A_879 = arith.constant 2 : i32
          %add3A_880 = arith.addi %mul3A_824, %add3A_879 : i32
          %broadcast_in_dim3A_881 = vector.broadcast %add3A_880 : i32 to vector<16xi32>
          %gather3A_882 = tpu.vector_load_idx %arg9[%broadcast_in_dim3A_881] : memref<32xi32, #tpu.memory_space<vmem>>[vector<16xi32>], vector<16xi32>,
          %slice3A_883 = vector.extract_strided_slice %gather3A_882 {offsets = [0], sizes = [1], strides = [1]} : vector<16xi32> to vector<1xi32>
          %squeeze3A_884 = vector.extract %slice3A_883[0] : i32 from vector<1xi32>
          %shift_right_arithmetic3A_885 = arith.constant 7 : i32
          %shift_right_arithmetic3A_886 = arith.shrsi %squeeze3A_884, %shift_right_arithmetic3A_885 : i32
          %shift_left3A_887 = arith.constant 7 : i32
          %shift_left3A_888 = arith.shli %shift_right_arithmetic3A_886, %shift_left3A_887 : i32
          %multiple_of3A_889 = tpu.assume_multiple %shift_left3A_888, 128 : i32
          %dma_start3A_890 = arith.constant 2 : i32
          %dma_start3A_891 = arith.constant 0 : i32
          %dma_start3A_892 = arith.constant 0 : i32
          %dma_start3A_893 = arith.constant 0 : i32
          %dma_start3A_894 = tpu.memref_slice %arg11[%dma_start3A_890, %dma_start3A_892, %dma_start3A_893] : memref<12x64x128xf32, #tpu.memory_space<vmem>> -> memref<1x64x128xf32, #tpu.memory_space<vmem>>
          %dma_start3A_895 = tpu.memref_squeeze %dma_start3A_894 : memref<1x64x128xf32, #tpu.memory_space<vmem>> -> memref<64x128xf32, #tpu.memory_space<vmem>>
          %dma_start3A_896 = arith.constant 0 : i32
          %dma_start3A_897 = tpu.memref_slice %arg5[%dma_start3A_896, %multiple_of3A_889] : memref<64x100000xf32, #tpu.memory_space<hbm>> -> memref<64x128xf32, #tpu.memory_space<hbm>>
          %dma_start3A_898 = tpu.memref_slice %arg12[%dma_start3A_891] : memref<3x!tpu.dma_semaphore, #tpu.memory_space<semaphore_mem>> -> memref<1x!tpu.dma_semaphore, #tpu.memory_space<semaphore_mem>>
          %dma_start3A_899 = tpu.memref_squeeze %dma_start3A_898 : memref<1x!tpu.dma_semaphore, #tpu.memory_space<semaphore_mem>> -> memref<!tpu.dma_semaphore, #tpu.memory_space<semaphore_mem>>
          %dma_start3A_900 = arith.constant 0 : i32
          %dma_start3A_901 = arith.constant 0 : i32
          %dma_start3A_902 = tpu.memref_slice %arg11[%dma_start3A_890, %dma_start3A_900, %dma_start3A_901] : memref<12x64x128xf32, #tpu.memory_space<vmem>> -> memref<1x64x128xf32, #tpu.memory_space<vmem>>
          %dma_start3A_903 = tpu.memref_squeeze %dma_start3A_902 : memref<1x64x128xf32, #tpu.memory_space<vmem>> -> memref<64x128xf32, #tpu.memory_space<vmem>>
          %dma_start3A_904 = arith.constant 0 : i32
          %dma_start3A_905 = tpu.memref_slice %arg5[%dma_start3A_904, %multiple_of3A_889] : memref<64x100000xf32, #tpu.memory_space<hbm>> -> memref<64x128xf32, #tpu.memory_space<hbm>>
          tpu.enqueue_dma source(%dma_start3A_905 : memref<64x128xf32, #tpu.memory_space<hbm>>) target(%dma_start3A_903 : memref<64x128xf32, #tpu.memory_space<vmem>>) target_semaphore(%dma_start3A_899 : memref<!tpu.dma_semaphore, #tpu.memory_space<semaphore_mem>>)
          %add3A_906 = arith.constant 3 : i32
          %add3A_907 = arith.addi %mul3A_824, %add3A_906 : i32
          %broadcast_in_dim3A_908 = vector.broadcast %add3A_907 : i32 to vector<16xi32>
          %gather3A_909 = tpu.vector_load_idx %arg9[%broadcast_in_dim3A_908] : memref<32xi32, #tpu.memory_space<vmem>>[vector<16xi32>], vector<16xi32>,
          %slice3A_910 = vector.extract_strided_slice %gather3A_909 {offsets = [0], sizes = [1], strides = [1]} : vector<16xi32> to vector<1xi32>
          %squeeze3A_911 = vector.extract %slice3A_910[0] : i32 from vector<1xi32>
          %shift_right_arithmetic3A_912 = arith.constant 7 : i32
          %shift_right_arithmetic3A_913 = arith.shrsi %squeeze3A_911, %shift_right_arithmetic3A_912 : i32
          %shift_left3A_914 = arith.constant 7 : i32
          %shift_left3A_915 = arith.shli %shift_right_arithmetic3A_913, %shift_left3A_914 : i32
          %multiple_of3A_916 = tpu.assume_multiple %shift_left3A_915, 128 : i32
          %dma_start3A_917 = arith.constant 3 : i32
          %dma_start3A_918 = arith.constant 0 : i32
          %dma_start3A_919 = arith.constant 0 : i32
          %dma_start3A_920 = arith.constant 0 : i32
          %dma_start3A_921 = tpu.memref_slice %arg11[%dma_start3A_917, %dma_start3A_919, %dma_start3A_920] : memref<12x64x128xf32, #tpu.memory_space<vmem>> -> memref<1x64x128xf32, #tpu.memory_space<vmem>>
          %dma_start3A_922 = tpu.memref_squeeze %dma_start3A_921 : memref<1x64x128xf32, #tpu.memory_space<vmem>> -> memref<64x128xf32, #tpu.memory_space<vmem>>
          %dma_start3A_923 = arith.constant 0 : i32
          %dma_start3A_924 = tpu.memref_slice %arg5[%dma_start3A_923, %multiple_of3A_916] : memref<64x100000xf32, #tpu.memory_space<hbm>> -> memref<64x128xf32, #tpu.memory_space<hbm>>
          %dma_start3A_925 = tpu.memref_slice %arg12[%dma_start3A_918] : memref<3x!tpu.dma_semaphore, #tpu.memory_space<semaphore_mem>> -> memref<1x!tpu.dma_semaphore, #tpu.memory_space<semaphore_mem>>
          %dma_start3A_926 = tpu.memref_squeeze %dma_start3A_925 : memref<1x!tpu.dma_semaphore, #tpu.memory_space<semaphore_mem>> -> memref<!tpu.dma_semaphore, #tpu.memory_space<semaphore_mem>>
          %dma_start3A_927 = arith.constant 0 : i32
          %dma_start3A_928 = arith.constant 0 : i32
          %dma_start3A_929 = tpu.memref_slice %arg11[%dma_start3A_917, %dma_start3A_927, %dma_start3A_928] : memref<12x64x128xf32, #tpu.memory_space<vmem>> -> memref<1x64x128xf32, #tpu.memory_space<vmem>>
          %dma_start3A_930 = tpu.memref_squeeze %dma_start3A_929 : memref<1x64x128xf32, #tpu.memory_space<vmem>> -> memref<64x128xf32, #tpu.memory_space<vmem>>
          %dma_start3A_931 = arith.constant 0 : i32
          %dma_start3A_932 = tpu.memref_slice %arg5[%dma_start3A_931, %multiple_of3A_916] : memref<64x100000xf32, #tpu.memory_space<hbm>> -> memref<64x128xf32, #tpu.memory_space<hbm>>
          tpu.enqueue_dma source(%dma_start3A_932 : memref<64x128xf32, #tpu.memory_space<hbm>>) target(%dma_start3A_930 : memref<64x128xf32, #tpu.memory_space<vmem>>) target_semaphore(%dma_start3A_926 : memref<!tpu.dma_semaphore, #tpu.memory_space<semaphore_mem>>)
        } else {
        }
      } else {
      }
      %dma_wait3A_625 = arith.constant 4 : i32
      %dma_wait3A_626 = arith.constant 1 : i32
      %dma_wait3A_627 = arith.constant 0 : i32
      %dma_wait3A_628 = arith.constant 0 : i32
      %dma_wait3A_629 = tpu.memref_slice %arg11[%dma_wait3A_625, %dma_wait3A_627, %dma_wait3A_628] : memref<12x64x128xf32, #tpu.memory_space<vmem>> -> memref<1x64x128xf32, #tpu.memory_space<vmem>>
      %dma_wait3A_630 = tpu.memref_squeeze %dma_wait3A_629 : memref<1x64x128xf32, #tpu.memory_space<vmem>> -> memref<64x128xf32, #tpu.memory_space<vmem>>
      %dma_wait3A_631 = arith.constant 0 : i32
      %dma_wait3A_632 = arith.constant 0 : i32
      %dma_wait3A_633 = tpu.memref_slice %arg4[%dma_wait3A_631, %dma_wait3A_632] : memref<64x100000xf32, #tpu.memory_space<hbm>> -> memref<64x128xf32, #tpu.memory_space<hbm>>
      %dma_wait3A_634 = tpu.memref_slice %arg12[%dma_wait3A_626] : memref<3x!tpu.dma_semaphore, #tpu.memory_space<semaphore_mem>> -> memref<1x!tpu.dma_semaphore, #tpu.memory_space<semaphore_mem>>
      %dma_wait3A_635 = tpu.memref_squeeze %dma_wait3A_634 : memref<1x!tpu.dma_semaphore, #tpu.memory_space<semaphore_mem>> -> memref<!tpu.dma_semaphore, #tpu.memory_space<semaphore_mem>>
      %dma_wait3A_636 = arith.constant 0 : i32
      %dma_wait3A_637 = arith.constant 0 : i32
      %dma_wait3A_638 = tpu.memref_slice %arg11[%dma_wait3A_625, %dma_wait3A_636, %dma_wait3A_637] : memref<12x64x128xf32, #tpu.memory_space<vmem>> -> memref<1x64x128xf32, #tpu.memory_space<vmem>>
      %dma_wait3A_639 = tpu.memref_squeeze %dma_wait3A_638 : memref<1x64x128xf32, #tpu.memory_space<vmem>> -> memref<64x128xf32, #tpu.memory_space<vmem>>
      %dma_wait3A_640 = arith.constant 0 : i32
      %dma_wait3A_641 = arith.constant 0 : i32
      %dma_wait3A_642 = tpu.memref_slice %arg4[%dma_wait3A_640, %dma_wait3A_641] : memref<64x100000xf32, #tpu.memory_space<hbm>> -> memref<64x128xf32, #tpu.memory_space<hbm>>
      tpu.wait_dma2 semaphore(%dma_wait3A_635 : memref<!tpu.dma_semaphore, #tpu.memory_space<semaphore_mem>>) src(%dma_wait3A_642 : memref<64x128xf32, #tpu.memory_space<hbm>>) dst(%dma_wait3A_639 : memref<64x128xf32, #tpu.memory_space<vmem>>)
      %dma_wait3A_643 = arith.constant 5 : i32
      %dma_wait3A_644 = arith.constant 1 : i32
      %dma_wait3A_645 = arith.constant 0 : i32
      %dma_wait3A_646 = arith.constant 0 : i32
      %dma_wait3A_647 = tpu.memref_slice %arg11[%dma_wait3A_643, %dma_wait3A_645, %dma_wait3A_646] : memref<12x64x128xf32, #tpu.memory_space<vmem>> -> memref<1x64x128xf32, #tpu.memory_space<vmem>>
      %dma_wait3A_648 = tpu.memref_squeeze %dma_wait3A_647 : memref<1x64x128xf32, #tpu.memory_space<vmem>> -> memref<64x128xf32, #tpu.memory_space<vmem>>
      %dma_wait3A_649 = arith.constant 0 : i32
      %dma_wait3A_650 = arith.constant 0 : i32
      %dma_wait3A_651 = tpu.memref_slice %arg4[%dma_wait3A_649, %dma_wait3A_650] : memref<64x100000xf32, #tpu.memory_space<hbm>> -> memref<64x128xf32, #tpu.memory_space<hbm>>
      %dma_wait3A_652 = tpu.memref_slice %arg12[%dma_wait3A_644] : memref<3x!tpu.dma_semaphore, #tpu.memory_space<semaphore_mem>> -> memref<1x!tpu.dma_semaphore, #tpu.memory_space<semaphore_mem>>
      %dma_wait3A_653 = tpu.memref_squeeze %dma_wait3A_652 : memref<1x!tpu.dma_semaphore, #tpu.memory_space<semaphore_mem>> -> memref<!tpu.dma_semaphore, #tpu.memory_space<semaphore_mem>>
      %dma_wait3A_654 = arith.constant 0 : i32
      %dma_wait3A_655 = arith.constant 0 : i32
      %dma_wait3A_656 = tpu.memref_slice %arg11[%dma_wait3A_643, %dma_wait3A_654, %dma_wait3A_655] : memref<12x64x128xf32, #tpu.memory_space<vmem>> -> memref<1x64x128xf32, #tpu.memory_space<vmem>>
      %dma_wait3A_657 = tpu.memref_squeeze %dma_wait3A_656 : memref<1x64x128xf32, #tpu.memory_space<vmem>> -> memref<64x128xf32, #tpu.memory_space<vmem>>
      %dma_wait3A_658 = arith.constant 0 : i32
      %dma_wait3A_659 = arith.constant 0 : i32
      %dma_wait3A_660 = tpu.memref_slice %arg4[%dma_wait3A_658, %dma_wait3A_659] : memref<64x100000xf32, #tpu.memory_space<hbm>> -> memref<64x128xf32, #tpu.memory_space<hbm>>
      tpu.wait_dma2 semaphore(%dma_wait3A_653 : memref<!tpu.dma_semaphore, #tpu.memory_space<semaphore_mem>>) src(%dma_wait3A_660 : memref<64x128xf32, #tpu.memory_space<hbm>>) dst(%dma_wait3A_657 : memref<64x128xf32, #tpu.memory_space<vmem>>)
      %dma_wait3A_661 = arith.constant 6 : i32
      %dma_wait3A_662 = arith.constant 1 : i32
      %dma_wait3A_663 = arith.constant 0 : i32
      %dma_wait3A_664 = arith.constant 0 : i32
      %dma_wait3A_665 = tpu.memref_slice %arg11[%dma_wait3A_661, %dma_wait3A_663, %dma_wait3A_664] : memref<12x64x128xf32, #tpu.memory_space<vmem>> -> memref<1x64x128xf32, #tpu.memory_space<vmem>>
      %dma_wait3A_666 = tpu.memref_squeeze %dma_wait3A_665 : memref<1x64x128xf32, #tpu.memory_space<vmem>> -> memref<64x128xf32, #tpu.memory_space<vmem>>
      %dma_wait3A_667 = arith.constant 0 : i32
      %dma_wait3A_668 = arith.constant 0 : i32
      %dma_wait3A_669 = tpu.memref_slice %arg4[%dma_wait3A_667, %dma_wait3A_668] : memref<64x100000xf32, #tpu.memory_space<hbm>> -> memref<64x128xf32, #tpu.memory_space<hbm>>
      %dma_wait3A_670 = tpu.memref_slice %arg12[%dma_wait3A_662] : memref<3x!tpu.dma_semaphore, #tpu.memory_space<semaphore_mem>> -> memref<1x!tpu.dma_semaphore, #tpu.memory_space<semaphore_mem>>
      %dma_wait3A_671 = tpu.memref_squeeze %dma_wait3A_670 : memref<1x!tpu.dma_semaphore, #tpu.memory_space<semaphore_mem>> -> memref<!tpu.dma_semaphore, #tpu.memory_space<semaphore_mem>>
      %dma_wait3A_672 = arith.constant 0 : i32
      %dma_wait3A_673 = arith.constant 0 : i32
      %dma_wait3A_674 = tpu.memref_slice %arg11[%dma_wait3A_661, %dma_wait3A_672, %dma_wait3A_673] : memref<12x64x128xf32, #tpu.memory_space<vmem>> -> memref<1x64x128xf32, #tpu.memory_space<vmem>>
      %dma_wait3A_675 = tpu.memref_squeeze %dma_wait3A_674 : memref<1x64x128xf32, #tpu.memory_space<vmem>> -> memref<64x128xf32, #tpu.memory_space<vmem>>
      %dma_wait3A_676 = arith.constant 0 : i32
      %dma_wait3A_677 = arith.constant 0 : i32
      %dma_wait3A_678 = tpu.memref_slice %arg4[%dma_wait3A_676, %dma_wait3A_677] : memref<64x100000xf32, #tpu.memory_space<hbm>> -> memref<64x128xf32, #tpu.memory_space<hbm>>
      tpu.wait_dma2 semaphore(%dma_wait3A_671 : memref<!tpu.dma_semaphore, #tpu.memory_space<semaphore_mem>>) src(%dma_wait3A_678 : memref<64x128xf32, #tpu.memory_space<hbm>>) dst(%dma_wait3A_675 : memref<64x128xf32, #tpu.memory_space<vmem>>)
      %dma_wait3A_679 = arith.constant 7 : i32
      %dma_wait3A_680 = arith.constant 1 : i32
      %dma_wait3A_681 = arith.constant 0 : i32
      %dma_wait3A_682 = arith.constant 0 : i32
      %dma_wait3A_683 = tpu.memref_slice %arg11[%dma_wait3A_679, %dma_wait3A_681, %dma_wait3A_682] : memref<12x64x128xf32, #tpu.memory_space<vmem>> -> memref<1x64x128xf32, #tpu.memory_space<vmem>>
      %dma_wait3A_684 = tpu.memref_squeeze %dma_wait3A_683 : memref<1x64x128xf32, #tpu.memory_space<vmem>> -> memref<64x128xf32, #tpu.memory_space<vmem>>
      %dma_wait3A_685 = arith.constant 0 : i32
      %dma_wait3A_686 = arith.constant 0 : i32
      %dma_wait3A_687 = tpu.memref_slice %arg4[%dma_wait3A_685, %dma_wait3A_686] : memref<64x100000xf32, #tpu.memory_space<hbm>> -> memref<64x128xf32, #tpu.memory_space<hbm>>
      %dma_wait3A_688 = tpu.memref_slice %arg12[%dma_wait3A_680] : memref<3x!tpu.dma_semaphore, #tpu.memory_space<semaphore_mem>> -> memref<1x!tpu.dma_semaphore, #tpu.memory_space<semaphore_mem>>
      %dma_wait3A_689 = tpu.memref_squeeze %dma_wait3A_688 : memref<1x!tpu.dma_semaphore, #tpu.memory_space<semaphore_mem>> -> memref<!tpu.dma_semaphore, #tpu.memory_space<semaphore_mem>>
      %dma_wait3A_690 = arith.constant 0 : i32
      %dma_wait3A_691 = arith.constant 0 : i32
      %dma_wait3A_692 = tpu.memref_slice %arg11[%dma_wait3A_679, %dma_wait3A_690, %dma_wait3A_691] : memref<12x64x128xf32, #tpu.memory_space<vmem>> -> memref<1x64x128xf32, #tpu.memory_space<vmem>>
      %dma_wait3A_693 = tpu.memref_squeeze %dma_wait3A_692 : memref<1x64x128xf32, #tpu.memory_space<vmem>> -> memref<64x128xf32, #tpu.memory_space<vmem>>
      %dma_wait3A_694 = arith.constant 0 : i32
      %dma_wait3A_695 = arith.constant 0 : i32
      %dma_wait3A_696 = tpu.memref_slice %arg4[%dma_wait3A_694, %dma_wait3A_695] : memref<64x100000xf32, #tpu.memory_space<hbm>> -> memref<64x128xf32, #tpu.memory_space<hbm>>
      tpu.wait_dma2 semaphore(%dma_wait3A_689 : memref<!tpu.dma_semaphore, #tpu.memory_space<semaphore_mem>>) src(%dma_wait3A_696 : memref<64x128xf32, #tpu.memory_space<hbm>>) dst(%dma_wait3A_693 : memref<64x128xf32, #tpu.memory_space<vmem>>)
      %lt3A_697 = arith.constant 8 : i32
      %lt3A_698 = arith.cmpi slt, %add3A_617, %lt3A_697 : i32
      %convert_element_type3A_699 = arith.extui %lt3A_698 : i1 to i32
      %cond3A_700 = arith.constant 0 : i32
      %cond3A_701 = arith.cmpi ne, %convert_element_type3A_699, %cond3A_700 : i32
      scf.if %cond3A_701 {
        %mul3A_810 = arith.constant 4 : i32
        %mul3A_811 = arith.muli %add3A_617, %mul3A_810 : i32
        %add3A_812 = arith.constant 0 : i32
        %add3A_813 = arith.addi %mul3A_811, %add3A_812 : i32
        %sub3A = arith.constant 0 : i32
        %sub3A_814 = arith.subi %add3A_813, %sub3A : i32
        %broadcast_in_dim3A_815 = vector.broadcast %sub3A_814 : i32 to vector<16xi32>
        %gather3A_816 = tpu.vector_load_idx %arg8[%broadcast_in_dim3A_815] : memref<32xi32, #tpu.memory_space<vmem>>[vector<16xi32>], vector<16xi32>,
        %slice3A_817 = vector.extract_strided_slice %gather3A_816 {offsets = [0], sizes = [1], strides = [1]} : vector<16xi32> to vector<1xi32>
        %squeeze3A_818 = vector.extract %slice3A_817[0] : i32 from vector<1xi32>
        %and3A_819 = arith.constant 127 : i32
        %and3A_820 = arith.andi %squeeze3A_818, %and3A_819 : i32
        %broadcast_in_dim3A_821 = vector.broadcast %and3A_820 : i32 to vector<16xi32>
        %broadcast_in_dim3A_822 = vector.broadcast %add3A_813 : i32 to vector<16xi32>
        %add3A_823 = arith.constant 0 : i32
        %add3A_824 = vector.broadcast %add3A_823 : i32 to vector<16xi32>
        %add3A_825 = arith.addi %iota3A, %add3A_824 : vector<16xi32>
        %gather3A_826 = arith.constant 4 : i32
        %gather3A_827 = arith.constant 0 : i32
        %gather3A_828 = arith.constant 0 : i32
        %gather3A_829 = tpu.memref_slice %arg11[%gather3A_826, %gather3A_827, %gather3A_828] : memref<12x64x128xf32, #tpu.memory_space<vmem>> -> memref<1x64x128xf32, #tpu.memory_space<vmem>>
        %gather3A_830 = tpu.memref_squeeze %gather3A_829 : memref<1x64x128xf32, #tpu.memory_space<vmem>> -> memref<64x128xf32, #tpu.memory_space<vmem>>
        %gather3A_831 = tpu.vector_load_idx %gather3A_830[%add3A_825, %broadcast_in_dim3A_821] : memref<64x128xf32, #tpu.memory_space<vmem>>[vector<16xi32>, vector<16xi32>], vector<16xf32>,
        %add3A_832 = arith.constant 0 : i32
        %add3A_833 = vector.broadcast %add3A_832 : i32 to vector<16xi32>
        %add3A_834 = arith.addi %iota3A, %add3A_833 : vector<16xi32>
        tpu.vector_store_idx %arg10[%broadcast_in_dim3A_822, %add3A_834], %gather3A_831 : memref<64x64xf32, #tpu.memory_space<vmem>>[vector<16xi32>, vector<16xi32>], vector<16xf32>,
        %add3A_835 = arith.constant 16 : i32
        %add3A_836 = vector.broadcast %add3A_835 : i32 to vector<16xi32>
        %add3A_837 = arith.addi %iota3A, %add3A_836 : vector<16xi32>
        %gather3A_838 = arith.constant 4 : i32
        %gather3A_839 = arith.constant 0 : i32
        %gather3A_840 = arith.constant 0 : i32
        %gather3A_841 = tpu.memref_slice %arg11[%gather3A_838, %gather3A_839, %gather3A_840] : memref<12x64x128xf32, #tpu.memory_space<vmem>> -> memref<1x64x128xf32, #tpu.memory_space<vmem>>
        %gather3A_842 = tpu.memref_squeeze %gather3A_841 : memref<1x64x128xf32, #tpu.memory_space<vmem>> -> memref<64x128xf32, #tpu.memory_space<vmem>>
        %gather3A_843 = tpu.vector_load_idx %gather3A_842[%add3A_837, %broadcast_in_dim3A_821] : memref<64x128xf32, #tpu.memory_space<vmem>>[vector<16xi32>, vector<16xi32>], vector<16xf32>,
        %add3A_844 = arith.constant 16 : i32
        %add3A_845 = vector.broadcast %add3A_844 : i32 to vector<16xi32>
        %add3A_846 = arith.addi %iota3A, %add3A_845 : vector<16xi32>
        tpu.vector_store_idx %arg10[%broadcast_in_dim3A_822, %add3A_846], %gather3A_843 : memref<64x64xf32, #tpu.memory_space<vmem>>[vector<16xi32>, vector<16xi32>], vector<16xf32>,
        %add3A_847 = arith.constant 32 : i32
        %add3A_848 = vector.broadcast %add3A_847 : i32 to vector<16xi32>
        %add3A_849 = arith.addi %iota3A, %add3A_848 : vector<16xi32>
        %gather3A_850 = arith.constant 4 : i32
        %gather3A_851 = arith.constant 0 : i32
        %gather3A_852 = arith.constant 0 : i32
        %gather3A_853 = tpu.memref_slice %arg11[%gather3A_850, %gather3A_851, %gather3A_852] : memref<12x64x128xf32, #tpu.memory_space<vmem>> -> memref<1x64x128xf32, #tpu.memory_space<vmem>>
        %gather3A_854 = tpu.memref_squeeze %gather3A_853 : memref<1x64x128xf32, #tpu.memory_space<vmem>> -> memref<64x128xf32, #tpu.memory_space<vmem>>
        %gather3A_855 = tpu.vector_load_idx %gather3A_854[%add3A_849, %broadcast_in_dim3A_821] : memref<64x128xf32, #tpu.memory_space<vmem>>[vector<16xi32>, vector<16xi32>], vector<16xf32>,
        %add3A_856 = arith.constant 32 : i32
        %add3A_857 = vector.broadcast %add3A_856 : i32 to vector<16xi32>
        %add3A_858 = arith.addi %iota3A, %add3A_857 : vector<16xi32>
        tpu.vector_store_idx %arg10[%broadcast_in_dim3A_822, %add3A_858], %gather3A_855 : memref<64x64xf32, #tpu.memory_space<vmem>>[vector<16xi32>, vector<16xi32>], vector<16xf32>,
        %add3A_859 = arith.constant 48 : i32
        %add3A_860 = vector.broadcast %add3A_859 : i32 to vector<16xi32>
        %add3A_861 = arith.addi %iota3A, %add3A_860 : vector<16xi32>
        %gather3A_862 = arith.constant 4 : i32
        %gather3A_863 = arith.constant 0 : i32
        %gather3A_864 = arith.constant 0 : i32
        %gather3A_865 = tpu.memref_slice %arg11[%gather3A_862, %gather3A_863, %gather3A_864] : memref<12x64x128xf32, #tpu.memory_space<vmem>> -> memref<1x64x128xf32, #tpu.memory_space<vmem>>
        %gather3A_866 = tpu.memref_squeeze %gather3A_865 : memref<1x64x128xf32, #tpu.memory_space<vmem>> -> memref<64x128xf32, #tpu.memory_space<vmem>>
        %gather3A_867 = tpu.vector_load_idx %gather3A_866[%add3A_861, %broadcast_in_dim3A_821] : memref<64x128xf32, #tpu.memory_space<vmem>>[vector<16xi32>, vector<16xi32>], vector<16xf32>,
        %add3A_868 = arith.constant 48 : i32
        %add3A_869 = vector.broadcast %add3A_868 : i32 to vector<16xi32>
        %add3A_870 = arith.addi %iota3A, %add3A_869 : vector<16xi32>
        tpu.vector_store_idx %arg10[%broadcast_in_dim3A_822, %add3A_870], %gather3A_867 : memref<64x64xf32, #tpu.memory_space<vmem>>[vector<16xi32>, vector<16xi32>], vector<16xf32>,
        %mul3A_871 = arith.constant 4 : i32
        %mul3A_872 = arith.muli %add3A_617, %mul3A_871 : i32
        %add3A_873 = arith.constant 1 : i32
        %add3A_874 = arith.addi %mul3A_872, %add3A_873 : i32
        %sub3A_875 = arith.constant 0 : i32
        %sub3A_876 = arith.subi %add3A_874, %sub3A_875 : i32
        %broadcast_in_dim3A_877 = vector.broadcast %sub3A_876 : i32 to vector<16xi32>
        %gather3A_878 = tpu.vector_load_idx %arg8[%broadcast_in_dim3A_877] : memref<32xi32, #tpu.memory_space<vmem>>[vector<16xi32>], vector<16xi32>,
        %slice3A_879 = vector.extract_strided_slice %gather3A_878 {offsets = [0], sizes = [1], strides = [1]} : vector<16xi32> to vector<1xi32>
        %squeeze3A_880 = vector.extract %slice3A_879[0] : i32 from vector<1xi32>
        %and3A_881 = arith.constant 127 : i32
        %and3A_882 = arith.andi %squeeze3A_880, %and3A_881 : i32
        %broadcast_in_dim3A_883 = vector.broadcast %and3A_882 : i32 to vector<16xi32>
        %broadcast_in_dim3A_884 = vector.broadcast %add3A_874 : i32 to vector<16xi32>
        %add3A_885 = arith.constant 0 : i32
        %add3A_886 = vector.broadcast %add3A_885 : i32 to vector<16xi32>
        %add3A_887 = arith.addi %iota3A, %add3A_886 : vector<16xi32>
        %gather3A_888 = arith.constant 5 : i32
        %gather3A_889 = arith.constant 0 : i32
        %gather3A_890 = arith.constant 0 : i32
        %gather3A_891 = tpu.memref_slice %arg11[%gather3A_888, %gather3A_889, %gather3A_890] : memref<12x64x128xf32, #tpu.memory_space<vmem>> -> memref<1x64x128xf32, #tpu.memory_space<vmem>>
        %gather3A_892 = tpu.memref_squeeze %gather3A_891 : memref<1x64x128xf32, #tpu.memory_space<vmem>> -> memref<64x128xf32, #tpu.memory_space<vmem>>
        %gather3A_893 = tpu.vector_load_idx %gather3A_892[%add3A_887, %broadcast_in_dim3A_883] : memref<64x128xf32, #tpu.memory_space<vmem>>[vector<16xi32>, vector<16xi32>], vector<16xf32>,
        %add3A_894 = arith.constant 0 : i32
        %add3A_895 = vector.broadcast %add3A_894 : i32 to vector<16xi32>
        %add3A_896 = arith.addi %iota3A, %add3A_895 : vector<16xi32>
        tpu.vector_store_idx %arg10[%broadcast_in_dim3A_884, %add3A_896], %gather3A_893 : memref<64x64xf32, #tpu.memory_space<vmem>>[vector<16xi32>, vector<16xi32>], vector<16xf32>,
        %add3A_897 = arith.constant 16 : i32
        %add3A_898 = vector.broadcast %add3A_897 : i32 to vector<16xi32>
        %add3A_899 = arith.addi %iota3A, %add3A_898 : vector<16xi32>
        %gather3A_900 = arith.constant 5 : i32
        %gather3A_901 = arith.constant 0 : i32
        %gather3A_902 = arith.constant 0 : i32
        %gather3A_903 = tpu.memref_slice %arg11[%gather3A_900, %gather3A_901, %gather3A_902] : memref<12x64x128xf32, #tpu.memory_space<vmem>> -> memref<1x64x128xf32, #tpu.memory_space<vmem>>
        %gather3A_904 = tpu.memref_squeeze %gather3A_903 : memref<1x64x128xf32, #tpu.memory_space<vmem>> -> memref<64x128xf32, #tpu.memory_space<vmem>>
        %gather3A_905 = tpu.vector_load_idx %gather3A_904[%add3A_899, %broadcast_in_dim3A_883] : memref<64x128xf32, #tpu.memory_space<vmem>>[vector<16xi32>, vector<16xi32>], vector<16xf32>,
        %add3A_906 = arith.constant 16 : i32
        %add3A_907 = vector.broadcast %add3A_906 : i32 to vector<16xi32>
        %add3A_908 = arith.addi %iota3A, %add3A_907 : vector<16xi32>
        tpu.vector_store_idx %arg10[%broadcast_in_dim3A_884, %add3A_908], %gather3A_905 : memref<64x64xf32, #tpu.memory_space<vmem>>[vector<16xi32>, vector<16xi32>], vector<16xf32>,
        %add3A_909 = arith.constant 32 : i32
        %add3A_910 = vector.broadcast %add3A_909 : i32 to vector<16xi32>
        %add3A_911 = arith.addi %iota3A, %add3A_910 : vector<16xi32>
        %gather3A_912 = arith.constant 5 : i32
        %gather3A_913 = arith.constant 0 : i32
        %gather3A_914 = arith.constant 0 : i32
        %gather3A_915 = tpu.memref_slice %arg11[%gather3A_912, %gather3A_913, %gather3A_914] : memref<12x64x128xf32, #tpu.memory_space<vmem>> -> memref<1x64x128xf32, #tpu.memory_space<vmem>>
        %gather3A_916 = tpu.memref_squeeze %gather3A_915 : memref<1x64x128xf32, #tpu.memory_space<vmem>> -> memref<64x128xf32, #tpu.memory_space<vmem>>
        %gather3A_917 = tpu.vector_load_idx %gather3A_916[%add3A_911, %broadcast_in_dim3A_883] : memref<64x128xf32, #tpu.memory_space<vmem>>[vector<16xi32>, vector<16xi32>], vector<16xf32>,
        %add3A_918 = arith.constant 32 : i32
        %add3A_919 = vector.broadcast %add3A_918 : i32 to vector<16xi32>
        %add3A_920 = arith.addi %iota3A, %add3A_919 : vector<16xi32>
        tpu.vector_store_idx %arg10[%broadcast_in_dim3A_884, %add3A_920], %gather3A_917 : memref<64x64xf32, #tpu.memory_space<vmem>>[vector<16xi32>, vector<16xi32>], vector<16xf32>,
        %add3A_921 = arith.constant 48 : i32
        %add3A_922 = vector.broadcast %add3A_921 : i32 to vector<16xi32>
        %add3A_923 = arith.addi %iota3A, %add3A_922 : vector<16xi32>
        %gather3A_924 = arith.constant 5 : i32
        %gather3A_925 = arith.constant 0 : i32
        %gather3A_926 = arith.constant 0 : i32
        %gather3A_927 = tpu.memref_slice %arg11[%gather3A_924, %gather3A_925, %gather3A_926] : memref<12x64x128xf32, #tpu.memory_space<vmem>> -> memref<1x64x128xf32, #tpu.memory_space<vmem>>
        %gather3A_928 = tpu.memref_squeeze %gather3A_927 : memref<1x64x128xf32, #tpu.memory_space<vmem>> -> memref<64x128xf32, #tpu.memory_space<vmem>>
        %gather3A_929 = tpu.vector_load_idx %gather3A_928[%add3A_923, %broadcast_in_dim3A_883] : memref<64x128xf32, #tpu.memory_space<vmem>>[vector<16xi32>, vector<16xi32>], vector<16xf32>,
        %add3A_930 = arith.constant 48 : i32
        %add3A_931 = vector.broadcast %add3A_930 : i32 to vector<16xi32>
        %add3A_932 = arith.addi %iota3A, %add3A_931 : vector<16xi32>
        tpu.vector_store_idx %arg10[%broadcast_in_dim3A_884, %add3A_932], %gather3A_929 : memref<64x64xf32, #tpu.memory_space<vmem>>[vector<16xi32>, vector<16xi32>], vector<16xf32>,
        %mul3A_933 = arith.constant 4 : i32
        %mul3A_934 = arith.muli %add3A_617, %mul3A_933 : i32
        %add3A_935 = arith.constant 2 : i32
        %add3A_936 = arith.addi %mul3A_934, %add3A_935 : i32
        %sub3A_937 = arith.constant 0 : i32
        %sub3A_938 = arith.subi %add3A_936, %sub3A_937 : i32
        %broadcast_in_dim3A_939 = vector.broadcast %sub3A_938 : i32 to vector<16xi32>
        %gather3A_940 = tpu.vector_load_idx %arg8[%broadcast_in_dim3A_939] : memref<32xi32, #tpu.memory_space<vmem>>[vector<16xi32>], vector<16xi32>,
        %slice3A_941 = vector.extract_strided_slice %gather3A_940 {offsets = [0], sizes = [1], strides = [1]} : vector<16xi32> to vector<1xi32>
        %squeeze3A_942 = vector.extract %slice3A_941[0] : i32 from vector<1xi32>
        %and3A_943 = arith.constant 127 : i32
        %and3A_944 = arith.andi %squeeze3A_942, %and3A_943 : i32
        %broadcast_in_dim3A_945 = vector.broadcast %and3A_944 : i32 to vector<16xi32>
        %broadcast_in_dim3A_946 = vector.broadcast %add3A_936 : i32 to vector<16xi32>
        %add3A_947 = arith.constant 0 : i32
        %add3A_948 = vector.broadcast %add3A_947 : i32 to vector<16xi32>
        %add3A_949 = arith.addi %iota3A, %add3A_948 : vector<16xi32>
        %gather3A_950 = arith.constant 6 : i32
        %gather3A_951 = arith.constant 0 : i32
        %gather3A_952 = arith.constant 0 : i32
        %gather3A_953 = tpu.memref_slice %arg11[%gather3A_950, %gather3A_951, %gather3A_952] : memref<12x64x128xf32, #tpu.memory_space<vmem>> -> memref<1x64x128xf32, #tpu.memory_space<vmem>>
        %gather3A_954 = tpu.memref_squeeze %gather3A_953 : memref<1x64x128xf32, #tpu.memory_space<vmem>> -> memref<64x128xf32, #tpu.memory_space<vmem>>
        %gather3A_955 = tpu.vector_load_idx %gather3A_954[%add3A_949, %broadcast_in_dim3A_945] : memref<64x128xf32, #tpu.memory_space<vmem>>[vector<16xi32>, vector<16xi32>], vector<16xf32>,
        %add3A_956 = arith.constant 0 : i32
        %add3A_957 = vector.broadcast %add3A_956 : i32 to vector<16xi32>
        %add3A_958 = arith.addi %iota3A, %add3A_957 : vector<16xi32>
        tpu.vector_store_idx %arg10[%broadcast_in_dim3A_946, %add3A_958], %gather3A_955 : memref<64x64xf32, #tpu.memory_space<vmem>>[vector<16xi32>, vector<16xi32>], vector<16xf32>,
        %add3A_959 = arith.constant 16 : i32
        %add3A_960 = vector.broadcast %add3A_959 : i32 to vector<16xi32>
        %add3A_961 = arith.addi %iota3A, %add3A_960 : vector<16xi32>
        %gather3A_962 = arith.constant 6 : i32
        %gather3A_963 = arith.constant 0 : i32
        %gather3A_964 = arith.constant 0 : i32
        %gather3A_965 = tpu.memref_slice %arg11[%gather3A_962, %gather3A_963, %gather3A_964] : memref<12x64x128xf32, #tpu.memory_space<vmem>> -> memref<1x64x128xf32, #tpu.memory_space<vmem>>
        %gather3A_966 = tpu.memref_squeeze %gather3A_965 : memref<1x64x128xf32, #tpu.memory_space<vmem>> -> memref<64x128xf32, #tpu.memory_space<vmem>>
        %gather3A_967 = tpu.vector_load_idx %gather3A_966[%add3A_961, %broadcast_in_dim3A_945] : memref<64x128xf32, #tpu.memory_space<vmem>>[vector<16xi32>, vector<16xi32>], vector<16xf32>,
        %add3A_968 = arith.constant 16 : i32
        %add3A_969 = vector.broadcast %add3A_968 : i32 to vector<16xi32>
        %add3A_970 = arith.addi %iota3A, %add3A_969 : vector<16xi32>
        tpu.vector_store_idx %arg10[%broadcast_in_dim3A_946, %add3A_970], %gather3A_967 : memref<64x64xf32, #tpu.memory_space<vmem>>[vector<16xi32>, vector<16xi32>], vector<16xf32>,
        %add3A_971 = arith.constant 32 : i32
        %add3A_972 = vector.broadcast %add3A_971 : i32 to vector<16xi32>
        %add3A_973 = arith.addi %iota3A, %add3A_972 : vector<16xi32>
        %gather3A_974 = arith.constant 6 : i32
        %gather3A_975 = arith.constant 0 : i32
        %gather3A_976 = arith.constant 0 : i32
        %gather3A_977 = tpu.memref_slice %arg11[%gather3A_974, %gather3A_975, %gather3A_976] : memref<12x64x128xf32, #tpu.memory_space<vmem>> -> memref<1x64x128xf32, #tpu.memory_space<vmem>>
        %gather3A_978 = tpu.memref_squeeze %gather3A_977 : memref<1x64x128xf32, #tpu.memory_space<vmem>> -> memref<64x128xf32, #tpu.memory_space<vmem>>
        %gather3A_979 = tpu.vector_load_idx %gather3A_978[%add3A_973, %broadcast_in_dim3A_945] : memref<64x128xf32, #tpu.memory_space<vmem>>[vector<16xi32>, vector<16xi32>], vector<16xf32>,
        %add3A_980 = arith.constant 32 : i32
        %add3A_981 = vector.broadcast %add3A_980 : i32 to vector<16xi32>
        %add3A_982 = arith.addi %iota3A, %add3A_981 : vector<16xi32>
        tpu.vector_store_idx %arg10[%broadcast_in_dim3A_946, %add3A_982], %gather3A_979 : memref<64x64xf32, #tpu.memory_space<vmem>>[vector<16xi32>, vector<16xi32>], vector<16xf32>,
        %add3A_983 = arith.constant 48 : i32
        %add3A_984 = vector.broadcast %add3A_983 : i32 to vector<16xi32>
        %add3A_985 = arith.addi %iota3A, %add3A_984 : vector<16xi32>
        %gather3A_986 = arith.constant 6 : i32
        %gather3A_987 = arith.constant 0 : i32
        %gather3A_988 = arith.constant 0 : i32
        %gather3A_989 = tpu.memref_slice %arg11[%gather3A_986, %gather3A_987, %gather3A_988] : memref<12x64x128xf32, #tpu.memory_space<vmem>> -> memref<1x64x128xf32, #tpu.memory_space<vmem>>
        %gather3A_990 = tpu.memref_squeeze %gather3A_989 : memref<1x64x128xf32, #tpu.memory_space<vmem>> -> memref<64x128xf32, #tpu.memory_space<vmem>>
        %gather3A_991 = tpu.vector_load_idx %gather3A_990[%add3A_985, %broadcast_in_dim3A_945] : memref<64x128xf32, #tpu.memory_space<vmem>>[vector<16xi32>, vector<16xi32>], vector<16xf32>,
        %add3A_992 = arith.constant 48 : i32
        %add3A_993 = vector.broadcast %add3A_992 : i32 to vector<16xi32>
        %add3A_994 = arith.addi %iota3A, %add3A_993 : vector<16xi32>
        tpu.vector_store_idx %arg10[%broadcast_in_dim3A_946, %add3A_994], %gather3A_991 : memref<64x64xf32, #tpu.memory_space<vmem>>[vector<16xi32>, vector<16xi32>], vector<16xf32>,
        %mul3A_995 = arith.constant 4 : i32
        %mul3A_996 = arith.muli %add3A_617, %mul3A_995 : i32
        %add3A_997 = arith.constant 3 : i32
        %add3A_998 = arith.addi %mul3A_996, %add3A_997 : i32
        %sub3A_999 = arith.constant 0 : i32
        %sub3A_1000 = arith.subi %add3A_998, %sub3A_999 : i32
        %broadcast_in_dim3A_1001 = vector.broadcast %sub3A_1000 : i32 to vector<16xi32>
        %gather3A_1002 = tpu.vector_load_idx %arg8[%broadcast_in_dim3A_1001] : memref<32xi32, #tpu.memory_space<vmem>>[vector<16xi32>], vector<16xi32>,
        %slice3A_1003 = vector.extract_strided_slice %gather3A_1002 {offsets = [0], sizes = [1], strides = [1]} : vector<16xi32> to vector<1xi32>
        %squeeze3A_1004 = vector.extract %slice3A_1003[0] : i32 from vector<1xi32>
        %and3A_1005 = arith.constant 127 : i32
        %and3A_1006 = arith.andi %squeeze3A_1004, %and3A_1005 : i32
        %broadcast_in_dim3A_1007 = vector.broadcast %and3A_1006 : i32 to vector<16xi32>
        %broadcast_in_dim3A_1008 = vector.broadcast %add3A_998 : i32 to vector<16xi32>
        %add3A_1009 = arith.constant 0 : i32
        %add3A_1010 = vector.broadcast %add3A_1009 : i32 to vector<16xi32>
        %add3A_1011 = arith.addi %iota3A, %add3A_1010 : vector<16xi32>
        %gather3A_1012 = arith.constant 7 : i32
        %gather3A_1013 = arith.constant 0 : i32
        %gather3A_1014 = arith.constant 0 : i32
        %gather3A_1015 = tpu.memref_slice %arg11[%gather3A_1012, %gather3A_1013, %gather3A_1014] : memref<12x64x128xf32, #tpu.memory_space<vmem>> -> memref<1x64x128xf32, #tpu.memory_space<vmem>>
        %gather3A_1016 = tpu.memref_squeeze %gather3A_1015 : memref<1x64x128xf32, #tpu.memory_space<vmem>> -> memref<64x128xf32, #tpu.memory_space<vmem>>
        %gather3A_1017 = tpu.vector_load_idx %gather3A_1016[%add3A_1011, %broadcast_in_dim3A_1007] : memref<64x128xf32, #tpu.memory_space<vmem>>[vector<16xi32>, vector<16xi32>], vector<16xf32>,
        %add3A_1018 = arith.constant 0 : i32
        %add3A_1019 = vector.broadcast %add3A_1018 : i32 to vector<16xi32>
        %add3A_1020 = arith.addi %iota3A, %add3A_1019 : vector<16xi32>
        tpu.vector_store_idx %arg10[%broadcast_in_dim3A_1008, %add3A_1020], %gather3A_1017 : memref<64x64xf32, #tpu.memory_space<vmem>>[vector<16xi32>, vector<16xi32>], vector<16xf32>,
        %add3A_1021 = arith.constant 16 : i32
        %add3A_1022 = vector.broadcast %add3A_1021 : i32 to vector<16xi32>
        %add3A_1023 = arith.addi %iota3A, %add3A_1022 : vector<16xi32>
        %gather3A_1024 = arith.constant 7 : i32
        %gather3A_1025 = arith.constant 0 : i32
        %gather3A_1026 = arith.constant 0 : i32
        %gather3A_1027 = tpu.memref_slice %arg11[%gather3A_1024, %gather3A_1025, %gather3A_1026] : memref<12x64x128xf32, #tpu.memory_space<vmem>> -> memref<1x64x128xf32, #tpu.memory_space<vmem>>
        %gather3A_1028 = tpu.memref_squeeze %gather3A_1027 : memref<1x64x128xf32, #tpu.memory_space<vmem>> -> memref<64x128xf32, #tpu.memory_space<vmem>>
        %gather3A_1029 = tpu.vector_load_idx %gather3A_1028[%add3A_1023, %broadcast_in_dim3A_1007] : memref<64x128xf32, #tpu.memory_space<vmem>>[vector<16xi32>, vector<16xi32>], vector<16xf32>,
        %add3A_1030 = arith.constant 16 : i32
        %add3A_1031 = vector.broadcast %add3A_1030 : i32 to vector<16xi32>
        %add3A_1032 = arith.addi %iota3A, %add3A_1031 : vector<16xi32>
        tpu.vector_store_idx %arg10[%broadcast_in_dim3A_1008, %add3A_1032], %gather3A_1029 : memref<64x64xf32, #tpu.memory_space<vmem>>[vector<16xi32>, vector<16xi32>], vector<16xf32>,
        %add3A_1033 = arith.constant 32 : i32
        %add3A_1034 = vector.broadcast %add3A_1033 : i32 to vector<16xi32>
        %add3A_1035 = arith.addi %iota3A, %add3A_1034 : vector<16xi32>
        %gather3A_1036 = arith.constant 7 : i32
        %gather3A_1037 = arith.constant 0 : i32
        %gather3A_1038 = arith.constant 0 : i32
        %gather3A_1039 = tpu.memref_slice %arg11[%gather3A_1036, %gather3A_1037, %gather3A_1038] : memref<12x64x128xf32, #tpu.memory_space<vmem>> -> memref<1x64x128xf32, #tpu.memory_space<vmem>>
        %gather3A_1040 = tpu.memref_squeeze %gather3A_1039 : memref<1x64x128xf32, #tpu.memory_space<vmem>> -> memref<64x128xf32, #tpu.memory_space<vmem>>
        %gather3A_1041 = tpu.vector_load_idx %gather3A_1040[%add3A_1035, %broadcast_in_dim3A_1007] : memref<64x128xf32, #tpu.memory_space<vmem>>[vector<16xi32>, vector<16xi32>], vector<16xf32>,
        %add3A_1042 = arith.constant 32 : i32
        %add3A_1043 = vector.broadcast %add3A_1042 : i32 to vector<16xi32>
        %add3A_1044 = arith.addi %iota3A, %add3A_1043 : vector<16xi32>
        tpu.vector_store_idx %arg10[%broadcast_in_dim3A_1008, %add3A_1044], %gather3A_1041 : memref<64x64xf32, #tpu.memory_space<vmem>>[vector<16xi32>, vector<16xi32>], vector<16xf32>,
        %add3A_1045 = arith.constant 48 : i32
        %add3A_1046 = vector.broadcast %add3A_1045 : i32 to vector<16xi32>
        %add3A_1047 = arith.addi %iota3A, %add3A_1046 : vector<16xi32>
        %gather3A_1048 = arith.constant 7 : i32
        %gather3A_1049 = arith.constant 0 : i32
        %gather3A_1050 = arith.constant 0 : i32
        %gather3A_1051 = tpu.memref_slice %arg11[%gather3A_1048, %gather3A_1049, %gather3A_1050] : memref<12x64x128xf32, #tpu.memory_space<vmem>> -> memref<1x64x128xf32, #tpu.memory_space<vmem>>
        %gather3A_1052 = tpu.memref_squeeze %gather3A_1051 : memref<1x64x128xf32, #tpu.memory_space<vmem>> -> memref<64x128xf32, #tpu.memory_space<vmem>>
        %gather3A_1053 = tpu.vector_load_idx %gather3A_1052[%add3A_1047, %broadcast_in_dim3A_1007] : memref<64x128xf32, #tpu.memory_space<vmem>>[vector<16xi32>, vector<16xi32>], vector<16xf32>,
        %add3A_1054 = arith.constant 48 : i32
        %add3A_1055 = vector.broadcast %add3A_1054 : i32 to vector<16xi32>
        %add3A_1056 = arith.addi %iota3A, %add3A_1055 : vector<16xi32>
        tpu.vector_store_idx %arg10[%broadcast_in_dim3A_1008, %add3A_1056], %gather3A_1053 : memref<64x64xf32, #tpu.memory_space<vmem>>[vector<16xi32>, vector<16xi32>], vector<16xf32>,
      } else {
      }
      %ge3A_702 = arith.constant 8 : i32
      %ge3A_703 = arith.cmpi sge, %add3A_617, %ge3A_702 : i32
      %convert_element_type3A_704 = arith.extui %ge3A_703 : i1 to i32
      %cond3A_705 = arith.constant 0 : i32
      %cond3A_706 = arith.cmpi ne, %convert_element_type3A_704, %cond3A_705 : i32
      scf.if %cond3A_706 {
        %mul3A_810 = arith.constant 4 : i32
        %mul3A_811 = arith.muli %add3A_617, %mul3A_810 : i32
        %add3A_812 = arith.constant 0 : i32
        %add3A_813 = arith.addi %mul3A_811, %add3A_812 : i32
        %sub3A = arith.constant 32 : i32
        %sub3A_814 = arith.subi %add3A_813, %sub3A : i32
        %broadcast_in_dim3A_815 = vector.broadcast %sub3A_814 : i32 to vector<16xi32>
        %gather3A_816 = tpu.vector_load_idx %arg9[%broadcast_in_dim3A_815] : memref<32xi32, #tpu.memory_space<vmem>>[vector<16xi32>], vector<16xi32>,
        %slice3A_817 = vector.extract_strided_slice %gather3A_816 {offsets = [0], sizes = [1], strides = [1]} : vector<16xi32> to vector<1xi32>
        %squeeze3A_818 = vector.extract %slice3A_817[0] : i32 from vector<1xi32>
        %and3A_819 = arith.constant 127 : i32
        %and3A_820 = arith.andi %squeeze3A_818, %and3A_819 : i32
        %broadcast_in_dim3A_821 = vector.broadcast %and3A_820 : i32 to vector<16xi32>
        %broadcast_in_dim3A_822 = vector.broadcast %add3A_813 : i32 to vector<16xi32>
        %add3A_823 = arith.constant 0 : i32
        %add3A_824 = vector.broadcast %add3A_823 : i32 to vector<16xi32>
        %add3A_825 = arith.addi %iota3A, %add3A_824 : vector<16xi32>
        %gather3A_826 = arith.constant 4 : i32
        %gather3A_827 = arith.constant 0 : i32
        %gather3A_828 = arith.constant 0 : i32
        %gather3A_829 = tpu.memref_slice %arg11[%gather3A_826, %gather3A_827, %gather3A_828] : memref<12x64x128xf32, #tpu.memory_space<vmem>> -> memref<1x64x128xf32, #tpu.memory_space<vmem>>
        %gather3A_830 = tpu.memref_squeeze %gather3A_829 : memref<1x64x128xf32, #tpu.memory_space<vmem>> -> memref<64x128xf32, #tpu.memory_space<vmem>>
        %gather3A_831 = tpu.vector_load_idx %gather3A_830[%add3A_825, %broadcast_in_dim3A_821] : memref<64x128xf32, #tpu.memory_space<vmem>>[vector<16xi32>, vector<16xi32>], vector<16xf32>,
        %add3A_832 = arith.constant 0 : i32
        %add3A_833 = vector.broadcast %add3A_832 : i32 to vector<16xi32>
        %add3A_834 = arith.addi %iota3A, %add3A_833 : vector<16xi32>
        tpu.vector_store_idx %arg10[%broadcast_in_dim3A_822, %add3A_834], %gather3A_831 : memref<64x64xf32, #tpu.memory_space<vmem>>[vector<16xi32>, vector<16xi32>], vector<16xf32>,
        %add3A_835 = arith.constant 16 : i32
        %add3A_836 = vector.broadcast %add3A_835 : i32 to vector<16xi32>
        %add3A_837 = arith.addi %iota3A, %add3A_836 : vector<16xi32>
        %gather3A_838 = arith.constant 4 : i32
        %gather3A_839 = arith.constant 0 : i32
        %gather3A_840 = arith.constant 0 : i32
        %gather3A_841 = tpu.memref_slice %arg11[%gather3A_838, %gather3A_839, %gather3A_840] : memref<12x64x128xf32, #tpu.memory_space<vmem>> -> memref<1x64x128xf32, #tpu.memory_space<vmem>>
        %gather3A_842 = tpu.memref_squeeze %gather3A_841 : memref<1x64x128xf32, #tpu.memory_space<vmem>> -> memref<64x128xf32, #tpu.memory_space<vmem>>
        %gather3A_843 = tpu.vector_load_idx %gather3A_842[%add3A_837, %broadcast_in_dim3A_821] : memref<64x128xf32, #tpu.memory_space<vmem>>[vector<16xi32>, vector<16xi32>], vector<16xf32>,
        %add3A_844 = arith.constant 16 : i32
        %add3A_845 = vector.broadcast %add3A_844 : i32 to vector<16xi32>
        %add3A_846 = arith.addi %iota3A, %add3A_845 : vector<16xi32>
        tpu.vector_store_idx %arg10[%broadcast_in_dim3A_822, %add3A_846], %gather3A_843 : memref<64x64xf32, #tpu.memory_space<vmem>>[vector<16xi32>, vector<16xi32>], vector<16xf32>,
        %add3A_847 = arith.constant 32 : i32
        %add3A_848 = vector.broadcast %add3A_847 : i32 to vector<16xi32>
        %add3A_849 = arith.addi %iota3A, %add3A_848 : vector<16xi32>
        %gather3A_850 = arith.constant 4 : i32
        %gather3A_851 = arith.constant 0 : i32
        %gather3A_852 = arith.constant 0 : i32
        %gather3A_853 = tpu.memref_slice %arg11[%gather3A_850, %gather3A_851, %gather3A_852] : memref<12x64x128xf32, #tpu.memory_space<vmem>> -> memref<1x64x128xf32, #tpu.memory_space<vmem>>
        %gather3A_854 = tpu.memref_squeeze %gather3A_853 : memref<1x64x128xf32, #tpu.memory_space<vmem>> -> memref<64x128xf32, #tpu.memory_space<vmem>>
        %gather3A_855 = tpu.vector_load_idx %gather3A_854[%add3A_849, %broadcast_in_dim3A_821] : memref<64x128xf32, #tpu.memory_space<vmem>>[vector<16xi32>, vector<16xi32>], vector<16xf32>,
        %add3A_856 = arith.constant 32 : i32
        %add3A_857 = vector.broadcast %add3A_856 : i32 to vector<16xi32>
        %add3A_858 = arith.addi %iota3A, %add3A_857 : vector<16xi32>
        tpu.vector_store_idx %arg10[%broadcast_in_dim3A_822, %add3A_858], %gather3A_855 : memref<64x64xf32, #tpu.memory_space<vmem>>[vector<16xi32>, vector<16xi32>], vector<16xf32>,
        %add3A_859 = arith.constant 48 : i32
        %add3A_860 = vector.broadcast %add3A_859 : i32 to vector<16xi32>
        %add3A_861 = arith.addi %iota3A, %add3A_860 : vector<16xi32>
        %gather3A_862 = arith.constant 4 : i32
        %gather3A_863 = arith.constant 0 : i32
        %gather3A_864 = arith.constant 0 : i32
        %gather3A_865 = tpu.memref_slice %arg11[%gather3A_862, %gather3A_863, %gather3A_864] : memref<12x64x128xf32, #tpu.memory_space<vmem>> -> memref<1x64x128xf32, #tpu.memory_space<vmem>>
        %gather3A_866 = tpu.memref_squeeze %gather3A_865 : memref<1x64x128xf32, #tpu.memory_space<vmem>> -> memref<64x128xf32, #tpu.memory_space<vmem>>
        %gather3A_867 = tpu.vector_load_idx %gather3A_866[%add3A_861, %broadcast_in_dim3A_821] : memref<64x128xf32, #tpu.memory_space<vmem>>[vector<16xi32>, vector<16xi32>], vector<16xf32>,
        %add3A_868 = arith.constant 48 : i32
        %add3A_869 = vector.broadcast %add3A_868 : i32 to vector<16xi32>
        %add3A_870 = arith.addi %iota3A, %add3A_869 : vector<16xi32>
        tpu.vector_store_idx %arg10[%broadcast_in_dim3A_822, %add3A_870], %gather3A_867 : memref<64x64xf32, #tpu.memory_space<vmem>>[vector<16xi32>, vector<16xi32>], vector<16xf32>,
        %mul3A_871 = arith.constant 4 : i32
        %mul3A_872 = arith.muli %add3A_617, %mul3A_871 : i32
        %add3A_873 = arith.constant 1 : i32
        %add3A_874 = arith.addi %mul3A_872, %add3A_873 : i32
        %sub3A_875 = arith.constant 32 : i32
        %sub3A_876 = arith.subi %add3A_874, %sub3A_875 : i32
        %broadcast_in_dim3A_877 = vector.broadcast %sub3A_876 : i32 to vector<16xi32>
        %gather3A_878 = tpu.vector_load_idx %arg9[%broadcast_in_dim3A_877] : memref<32xi32, #tpu.memory_space<vmem>>[vector<16xi32>], vector<16xi32>,
        %slice3A_879 = vector.extract_strided_slice %gather3A_878 {offsets = [0], sizes = [1], strides = [1]} : vector<16xi32> to vector<1xi32>
        %squeeze3A_880 = vector.extract %slice3A_879[0] : i32 from vector<1xi32>
        %and3A_881 = arith.constant 127 : i32
        %and3A_882 = arith.andi %squeeze3A_880, %and3A_881 : i32
        %broadcast_in_dim3A_883 = vector.broadcast %and3A_882 : i32 to vector<16xi32>
        %broadcast_in_dim3A_884 = vector.broadcast %add3A_874 : i32 to vector<16xi32>
        %add3A_885 = arith.constant 0 : i32
        %add3A_886 = vector.broadcast %add3A_885 : i32 to vector<16xi32>
        %add3A_887 = arith.addi %iota3A, %add3A_886 : vector<16xi32>
        %gather3A_888 = arith.constant 5 : i32
        %gather3A_889 = arith.constant 0 : i32
        %gather3A_890 = arith.constant 0 : i32
        %gather3A_891 = tpu.memref_slice %arg11[%gather3A_888, %gather3A_889, %gather3A_890] : memref<12x64x128xf32, #tpu.memory_space<vmem>> -> memref<1x64x128xf32, #tpu.memory_space<vmem>>
        %gather3A_892 = tpu.memref_squeeze %gather3A_891 : memref<1x64x128xf32, #tpu.memory_space<vmem>> -> memref<64x128xf32, #tpu.memory_space<vmem>>
        %gather3A_893 = tpu.vector_load_idx %gather3A_892[%add3A_887, %broadcast_in_dim3A_883] : memref<64x128xf32, #tpu.memory_space<vmem>>[vector<16xi32>, vector<16xi32>], vector<16xf32>,
        %add3A_894 = arith.constant 0 : i32
        %add3A_895 = vector.broadcast %add3A_894 : i32 to vector<16xi32>
        %add3A_896 = arith.addi %iota3A, %add3A_895 : vector<16xi32>
        tpu.vector_store_idx %arg10[%broadcast_in_dim3A_884, %add3A_896], %gather3A_893 : memref<64x64xf32, #tpu.memory_space<vmem>>[vector<16xi32>, vector<16xi32>], vector<16xf32>,
        %add3A_897 = arith.constant 16 : i32
        %add3A_898 = vector.broadcast %add3A_897 : i32 to vector<16xi32>
        %add3A_899 = arith.addi %iota3A, %add3A_898 : vector<16xi32>
        %gather3A_900 = arith.constant 5 : i32
        %gather3A_901 = arith.constant 0 : i32
        %gather3A_902 = arith.constant 0 : i32
        %gather3A_903 = tpu.memref_slice %arg11[%gather3A_900, %gather3A_901, %gather3A_902] : memref<12x64x128xf32, #tpu.memory_space<vmem>> -> memref<1x64x128xf32, #tpu.memory_space<vmem>>
        %gather3A_904 = tpu.memref_squeeze %gather3A_903 : memref<1x64x128xf32, #tpu.memory_space<vmem>> -> memref<64x128xf32, #tpu.memory_space<vmem>>
        %gather3A_905 = tpu.vector_load_idx %gather3A_904[%add3A_899, %broadcast_in_dim3A_883] : memref<64x128xf32, #tpu.memory_space<vmem>>[vector<16xi32>, vector<16xi32>], vector<16xf32>,
        %add3A_906 = arith.constant 16 : i32
        %add3A_907 = vector.broadcast %add3A_906 : i32 to vector<16xi32>
        %add3A_908 = arith.addi %iota3A, %add3A_907 : vector<16xi32>
        tpu.vector_store_idx %arg10[%broadcast_in_dim3A_884, %add3A_908], %gather3A_905 : memref<64x64xf32, #tpu.memory_space<vmem>>[vector<16xi32>, vector<16xi32>], vector<16xf32>,
        %add3A_909 = arith.constant 32 : i32
        %add3A_910 = vector.broadcast %add3A_909 : i32 to vector<16xi32>
        %add3A_911 = arith.addi %iota3A, %add3A_910 : vector<16xi32>
        %gather3A_912 = arith.constant 5 : i32
        %gather3A_913 = arith.constant 0 : i32
        %gather3A_914 = arith.constant 0 : i32
        %gather3A_915 = tpu.memref_slice %arg11[%gather3A_912, %gather3A_913, %gather3A_914] : memref<12x64x128xf32, #tpu.memory_space<vmem>> -> memref<1x64x128xf32, #tpu.memory_space<vmem>>
        %gather3A_916 = tpu.memref_squeeze %gather3A_915 : memref<1x64x128xf32, #tpu.memory_space<vmem>> -> memref<64x128xf32, #tpu.memory_space<vmem>>
        %gather3A_917 = tpu.vector_load_idx %gather3A_916[%add3A_911, %broadcast_in_dim3A_883] : memref<64x128xf32, #tpu.memory_space<vmem>>[vector<16xi32>, vector<16xi32>], vector<16xf32>,
        %add3A_918 = arith.constant 32 : i32
        %add3A_919 = vector.broadcast %add3A_918 : i32 to vector<16xi32>
        %add3A_920 = arith.addi %iota3A, %add3A_919 : vector<16xi32>
        tpu.vector_store_idx %arg10[%broadcast_in_dim3A_884, %add3A_920], %gather3A_917 : memref<64x64xf32, #tpu.memory_space<vmem>>[vector<16xi32>, vector<16xi32>], vector<16xf32>,
        %add3A_921 = arith.constant 48 : i32
        %add3A_922 = vector.broadcast %add3A_921 : i32 to vector<16xi32>
        %add3A_923 = arith.addi %iota3A, %add3A_922 : vector<16xi32>
        %gather3A_924 = arith.constant 5 : i32
        %gather3A_925 = arith.constant 0 : i32
        %gather3A_926 = arith.constant 0 : i32
        %gather3A_927 = tpu.memref_slice %arg11[%gather3A_924, %gather3A_925, %gather3A_926] : memref<12x64x128xf32, #tpu.memory_space<vmem>> -> memref<1x64x128xf32, #tpu.memory_space<vmem>>
        %gather3A_928 = tpu.memref_squeeze %gather3A_927 : memref<1x64x128xf32, #tpu.memory_space<vmem>> -> memref<64x128xf32, #tpu.memory_space<vmem>>
        %gather3A_929 = tpu.vector_load_idx %gather3A_928[%add3A_923, %broadcast_in_dim3A_883] : memref<64x128xf32, #tpu.memory_space<vmem>>[vector<16xi32>, vector<16xi32>], vector<16xf32>,
        %add3A_930 = arith.constant 48 : i32
        %add3A_931 = vector.broadcast %add3A_930 : i32 to vector<16xi32>
        %add3A_932 = arith.addi %iota3A, %add3A_931 : vector<16xi32>
        tpu.vector_store_idx %arg10[%broadcast_in_dim3A_884, %add3A_932], %gather3A_929 : memref<64x64xf32, #tpu.memory_space<vmem>>[vector<16xi32>, vector<16xi32>], vector<16xf32>,
        %mul3A_933 = arith.constant 4 : i32
        %mul3A_934 = arith.muli %add3A_617, %mul3A_933 : i32
        %add3A_935 = arith.constant 2 : i32
        %add3A_936 = arith.addi %mul3A_934, %add3A_935 : i32
        %sub3A_937 = arith.constant 32 : i32
        %sub3A_938 = arith.subi %add3A_936, %sub3A_937 : i32
        %broadcast_in_dim3A_939 = vector.broadcast %sub3A_938 : i32 to vector<16xi32>
        %gather3A_940 = tpu.vector_load_idx %arg9[%broadcast_in_dim3A_939] : memref<32xi32, #tpu.memory_space<vmem>>[vector<16xi32>], vector<16xi32>,
        %slice3A_941 = vector.extract_strided_slice %gather3A_940 {offsets = [0], sizes = [1], strides = [1]} : vector<16xi32> to vector<1xi32>
        %squeeze3A_942 = vector.extract %slice3A_941[0] : i32 from vector<1xi32>
        %and3A_943 = arith.constant 127 : i32
        %and3A_944 = arith.andi %squeeze3A_942, %and3A_943 : i32
        %broadcast_in_dim3A_945 = vector.broadcast %and3A_944 : i32 to vector<16xi32>
        %broadcast_in_dim3A_946 = vector.broadcast %add3A_936 : i32 to vector<16xi32>
        %add3A_947 = arith.constant 0 : i32
        %add3A_948 = vector.broadcast %add3A_947 : i32 to vector<16xi32>
        %add3A_949 = arith.addi %iota3A, %add3A_948 : vector<16xi32>
        %gather3A_950 = arith.constant 6 : i32
        %gather3A_951 = arith.constant 0 : i32
        %gather3A_952 = arith.constant 0 : i32
        %gather3A_953 = tpu.memref_slice %arg11[%gather3A_950, %gather3A_951, %gather3A_952] : memref<12x64x128xf32, #tpu.memory_space<vmem>> -> memref<1x64x128xf32, #tpu.memory_space<vmem>>
        %gather3A_954 = tpu.memref_squeeze %gather3A_953 : memref<1x64x128xf32, #tpu.memory_space<vmem>> -> memref<64x128xf32, #tpu.memory_space<vmem>>
        %gather3A_955 = tpu.vector_load_idx %gather3A_954[%add3A_949, %broadcast_in_dim3A_945] : memref<64x128xf32, #tpu.memory_space<vmem>>[vector<16xi32>, vector<16xi32>], vector<16xf32>,
        %add3A_956 = arith.constant 0 : i32
        %add3A_957 = vector.broadcast %add3A_956 : i32 to vector<16xi32>
        %add3A_958 = arith.addi %iota3A, %add3A_957 : vector<16xi32>
        tpu.vector_store_idx %arg10[%broadcast_in_dim3A_946, %add3A_958], %gather3A_955 : memref<64x64xf32, #tpu.memory_space<vmem>>[vector<16xi32>, vector<16xi32>], vector<16xf32>,
        %add3A_959 = arith.constant 16 : i32
        %add3A_960 = vector.broadcast %add3A_959 : i32 to vector<16xi32>
        %add3A_961 = arith.addi %iota3A, %add3A_960 : vector<16xi32>
        %gather3A_962 = arith.constant 6 : i32
        %gather3A_963 = arith.constant 0 : i32
        %gather3A_964 = arith.constant 0 : i32
        %gather3A_965 = tpu.memref_slice %arg11[%gather3A_962, %gather3A_963, %gather3A_964] : memref<12x64x128xf32, #tpu.memory_space<vmem>> -> memref<1x64x128xf32, #tpu.memory_space<vmem>>
        %gather3A_966 = tpu.memref_squeeze %gather3A_965 : memref<1x64x128xf32, #tpu.memory_space<vmem>> -> memref<64x128xf32, #tpu.memory_space<vmem>>
        %gather3A_967 = tpu.vector_load_idx %gather3A_966[%add3A_961, %broadcast_in_dim3A_945] : memref<64x128xf32, #tpu.memory_space<vmem>>[vector<16xi32>, vector<16xi32>], vector<16xf32>,
        %add3A_968 = arith.constant 16 : i32
        %add3A_969 = vector.broadcast %add3A_968 : i32 to vector<16xi32>
        %add3A_970 = arith.addi %iota3A, %add3A_969 : vector<16xi32>
        tpu.vector_store_idx %arg10[%broadcast_in_dim3A_946, %add3A_970], %gather3A_967 : memref<64x64xf32, #tpu.memory_space<vmem>>[vector<16xi32>, vector<16xi32>], vector<16xf32>,
        %add3A_971 = arith.constant 32 : i32
        %add3A_972 = vector.broadcast %add3A_971 : i32 to vector<16xi32>
        %add3A_973 = arith.addi %iota3A, %add3A_972 : vector<16xi32>
        %gather3A_974 = arith.constant 6 : i32
        %gather3A_975 = arith.constant 0 : i32
        %gather3A_976 = arith.constant 0 : i32
        %gather3A_977 = tpu.memref_slice %arg11[%gather3A_974, %gather3A_975, %gather3A_976] : memref<12x64x128xf32, #tpu.memory_space<vmem>> -> memref<1x64x128xf32, #tpu.memory_space<vmem>>
        %gather3A_978 = tpu.memref_squeeze %gather3A_977 : memref<1x64x128xf32, #tpu.memory_space<vmem>> -> memref<64x128xf32, #tpu.memory_space<vmem>>
        %gather3A_979 = tpu.vector_load_idx %gather3A_978[%add3A_973, %broadcast_in_dim3A_945] : memref<64x128xf32, #tpu.memory_space<vmem>>[vector<16xi32>, vector<16xi32>], vector<16xf32>,
        %add3A_980 = arith.constant 32 : i32
        %add3A_981 = vector.broadcast %add3A_980 : i32 to vector<16xi32>
        %add3A_982 = arith.addi %iota3A, %add3A_981 : vector<16xi32>
        tpu.vector_store_idx %arg10[%broadcast_in_dim3A_946, %add3A_982], %gather3A_979 : memref<64x64xf32, #tpu.memory_space<vmem>>[vector<16xi32>, vector<16xi32>], vector<16xf32>,
        %add3A_983 = arith.constant 48 : i32
        %add3A_984 = vector.broadcast %add3A_983 : i32 to vector<16xi32>
        %add3A_985 = arith.addi %iota3A, %add3A_984 : vector<16xi32>
        %gather3A_986 = arith.constant 6 : i32
        %gather3A_987 = arith.constant 0 : i32
        %gather3A_988 = arith.constant 0 : i32
        %gather3A_989 = tpu.memref_slice %arg11[%gather3A_986, %gather3A_987, %gather3A_988] : memref<12x64x128xf32, #tpu.memory_space<vmem>> -> memref<1x64x128xf32, #tpu.memory_space<vmem>>
        %gather3A_990 = tpu.memref_squeeze %gather3A_989 : memref<1x64x128xf32, #tpu.memory_space<vmem>> -> memref<64x128xf32, #tpu.memory_space<vmem>>
        %gather3A_991 = tpu.vector_load_idx %gather3A_990[%add3A_985, %broadcast_in_dim3A_945] : memref<64x128xf32, #tpu.memory_space<vmem>>[vector<16xi32>, vector<16xi32>], vector<16xf32>,
        %add3A_992 = arith.constant 48 : i32
        %add3A_993 = vector.broadcast %add3A_992 : i32 to vector<16xi32>
        %add3A_994 = arith.addi %iota3A, %add3A_993 : vector<16xi32>
        tpu.vector_store_idx %arg10[%broadcast_in_dim3A_946, %add3A_994], %gather3A_991 : memref<64x64xf32, #tpu.memory_space<vmem>>[vector<16xi32>, vector<16xi32>], vector<16xf32>,
        %mul3A_995 = arith.constant 4 : i32
        %mul3A_996 = arith.muli %add3A_617, %mul3A_995 : i32
        %add3A_997 = arith.constant 3 : i32
        %add3A_998 = arith.addi %mul3A_996, %add3A_997 : i32
        %sub3A_999 = arith.constant 32 : i32
        %sub3A_1000 = arith.subi %add3A_998, %sub3A_999 : i32
        %broadcast_in_dim3A_1001 = vector.broadcast %sub3A_1000 : i32 to vector<16xi32>
        %gather3A_1002 = tpu.vector_load_idx %arg9[%broadcast_in_dim3A_1001] : memref<32xi32, #tpu.memory_space<vmem>>[vector<16xi32>], vector<16xi32>,
        %slice3A_1003 = vector.extract_strided_slice %gather3A_1002 {offsets = [0], sizes = [1], strides = [1]} : vector<16xi32> to vector<1xi32>
        %squeeze3A_1004 = vector.extract %slice3A_1003[0] : i32 from vector<1xi32>
        %and3A_1005 = arith.constant 127 : i32
        %and3A_1006 = arith.andi %squeeze3A_1004, %and3A_1005 : i32
        %broadcast_in_dim3A_1007 = vector.broadcast %and3A_1006 : i32 to vector<16xi32>
        %broadcast_in_dim3A_1008 = vector.broadcast %add3A_998 : i32 to vector<16xi32>
        %add3A_1009 = arith.constant 0 : i32
        %add3A_1010 = vector.broadcast %add3A_1009 : i32 to vector<16xi32>
        %add3A_1011 = arith.addi %iota3A, %add3A_1010 : vector<16xi32>
        %gather3A_1012 = arith.constant 7 : i32
        %gather3A_1013 = arith.constant 0 : i32
        %gather3A_1014 = arith.constant 0 : i32
        %gather3A_1015 = tpu.memref_slice %arg11[%gather3A_1012, %gather3A_1013, %gather3A_1014] : memref<12x64x128xf32, #tpu.memory_space<vmem>> -> memref<1x64x128xf32, #tpu.memory_space<vmem>>
        %gather3A_1016 = tpu.memref_squeeze %gather3A_1015 : memref<1x64x128xf32, #tpu.memory_space<vmem>> -> memref<64x128xf32, #tpu.memory_space<vmem>>
        %gather3A_1017 = tpu.vector_load_idx %gather3A_1016[%add3A_1011, %broadcast_in_dim3A_1007] : memref<64x128xf32, #tpu.memory_space<vmem>>[vector<16xi32>, vector<16xi32>], vector<16xf32>,
        %add3A_1018 = arith.constant 0 : i32
        %add3A_1019 = vector.broadcast %add3A_1018 : i32 to vector<16xi32>
        %add3A_1020 = arith.addi %iota3A, %add3A_1019 : vector<16xi32>
        tpu.vector_store_idx %arg10[%broadcast_in_dim3A_1008, %add3A_1020], %gather3A_1017 : memref<64x64xf32, #tpu.memory_space<vmem>>[vector<16xi32>, vector<16xi32>], vector<16xf32>,
        %add3A_1021 = arith.constant 16 : i32
        %add3A_1022 = vector.broadcast %add3A_1021 : i32 to vector<16xi32>
        %add3A_1023 = arith.addi %iota3A, %add3A_1022 : vector<16xi32>
        %gather3A_1024 = arith.constant 7 : i32
        %gather3A_1025 = arith.constant 0 : i32
        %gather3A_1026 = arith.constant 0 : i32
        %gather3A_1027 = tpu.memref_slice %arg11[%gather3A_1024, %gather3A_1025, %gather3A_1026] : memref<12x64x128xf32, #tpu.memory_space<vmem>> -> memref<1x64x128xf32, #tpu.memory_space<vmem>>
        %gather3A_1028 = tpu.memref_squeeze %gather3A_1027 : memref<1x64x128xf32, #tpu.memory_space<vmem>> -> memref<64x128xf32, #tpu.memory_space<vmem>>
        %gather3A_1029 = tpu.vector_load_idx %gather3A_1028[%add3A_1023, %broadcast_in_dim3A_1007] : memref<64x128xf32, #tpu.memory_space<vmem>>[vector<16xi32>, vector<16xi32>], vector<16xf32>,
        %add3A_1030 = arith.constant 16 : i32
        %add3A_1031 = vector.broadcast %add3A_1030 : i32 to vector<16xi32>
        %add3A_1032 = arith.addi %iota3A, %add3A_1031 : vector<16xi32>
        tpu.vector_store_idx %arg10[%broadcast_in_dim3A_1008, %add3A_1032], %gather3A_1029 : memref<64x64xf32, #tpu.memory_space<vmem>>[vector<16xi32>, vector<16xi32>], vector<16xf32>,
        %add3A_1033 = arith.constant 32 : i32
        %add3A_1034 = vector.broadcast %add3A_1033 : i32 to vector<16xi32>
        %add3A_1035 = arith.addi %iota3A, %add3A_1034 : vector<16xi32>
        %gather3A_1036 = arith.constant 7 : i32
        %gather3A_1037 = arith.constant 0 : i32
        %gather3A_1038 = arith.constant 0 : i32
        %gather3A_1039 = tpu.memref_slice %arg11[%gather3A_1036, %gather3A_1037, %gather3A_1038] : memref<12x64x128xf32, #tpu.memory_space<vmem>> -> memref<1x64x128xf32, #tpu.memory_space<vmem>>
        %gather3A_1040 = tpu.memref_squeeze %gather3A_1039 : memref<1x64x128xf32, #tpu.memory_space<vmem>> -> memref<64x128xf32, #tpu.memory_space<vmem>>
        %gather3A_1041 = tpu.vector_load_idx %gather3A_1040[%add3A_1035, %broadcast_in_dim3A_1007] : memref<64x128xf32, #tpu.memory_space<vmem>>[vector<16xi32>, vector<16xi32>], vector<16xf32>,
        %add3A_1042 = arith.constant 32 : i32
        %add3A_1043 = vector.broadcast %add3A_1042 : i32 to vector<16xi32>
        %add3A_1044 = arith.addi %iota3A, %add3A_1043 : vector<16xi32>
        tpu.vector_store_idx %arg10[%broadcast_in_dim3A_1008, %add3A_1044], %gather3A_1041 : memref<64x64xf32, #tpu.memory_space<vmem>>[vector<16xi32>, vector<16xi32>], vector<16xf32>,
        %add3A_1045 = arith.constant 48 : i32
        %add3A_1046 = vector.broadcast %add3A_1045 : i32 to vector<16xi32>
        %add3A_1047 = arith.addi %iota3A, %add3A_1046 : vector<16xi32>
        %gather3A_1048 = arith.constant 7 : i32
        %gather3A_1049 = arith.constant 0 : i32
        %gather3A_1050 = arith.constant 0 : i32
        %gather3A_1051 = tpu.memref_slice %arg11[%gather3A_1048, %gather3A_1049, %gather3A_1050] : memref<12x64x128xf32, #tpu.memory_space<vmem>> -> memref<1x64x128xf32, #tpu.memory_space<vmem>>
        %gather3A_1052 = tpu.memref_squeeze %gather3A_1051 : memref<1x64x128xf32, #tpu.memory_space<vmem>> -> memref<64x128xf32, #tpu.memory_space<vmem>>
        %gather3A_1053 = tpu.vector_load_idx %gather3A_1052[%add3A_1047, %broadcast_in_dim3A_1007] : memref<64x128xf32, #tpu.memory_space<vmem>>[vector<16xi32>, vector<16xi32>], vector<16xf32>,
        %add3A_1054 = arith.constant 48 : i32
        %add3A_1055 = vector.broadcast %add3A_1054 : i32 to vector<16xi32>
        %add3A_1056 = arith.addi %iota3A, %add3A_1055 : vector<16xi32>
        tpu.vector_store_idx %arg10[%broadcast_in_dim3A_1008, %add3A_1056], %gather3A_1053 : memref<64x64xf32, #tpu.memory_space<vmem>>[vector<16xi32>, vector<16xi32>], vector<16xf32>,
      } else {
      }
      %eq3A_707 = arith.constant 7 : i32
      %eq3A_708 = arith.cmpi eq, %add3A_617, %eq3A_707 : i32
      %convert_element_type3A_709 = arith.extui %eq3A_708 : i1 to i32
      %cond3A_710 = arith.constant 0 : i32
      %cond3A_711 = arith.cmpi ne, %convert_element_type3A_709, %cond3A_710 : i32
      scf.if %cond3A_711 {
        %dma_start3A_810 = arith.constant 0 : i32
        %dma_start3A_811 = arith.constant 0 : i32
        %dma_start3A_812 = tpu.memref_slice %arg10[%dma_start3A_810, %dma_start3A_811] : memref<64x64xf32, #tpu.memory_space<vmem>> -> memref<32x64xf32, #tpu.memory_space<vmem>>
        %dma_start3A_813 = arith.constant 0 : i32
        %dma_start3A_814 = tpu.memref_slice %arg6[%mul3A_2, %dma_start3A_813] : memref<1024x64xf32, #tpu.memory_space<hbm>> -> memref<32x64xf32, #tpu.memory_space<hbm>>
        %dma_start3A_815 = arith.constant 0 : i32
        %dma_start3A_816 = tpu.memref_slice %arg6[%mul3A_2, %dma_start3A_815] : memref<1024x64xf32, #tpu.memory_space<hbm>> -> memref<32x64xf32, #tpu.memory_space<hbm>>
        %dma_start3A_817 = arith.constant 0 : i32
        %dma_start3A_818 = arith.constant 0 : i32
        %dma_start3A_819 = tpu.memref_slice %arg10[%dma_start3A_817, %dma_start3A_818] : memref<64x64xf32, #tpu.memory_space<vmem>> -> memref<32x64xf32, #tpu.memory_space<vmem>>
        tpu.enqueue_dma source(%dma_start3A_819 : memref<32x64xf32, #tpu.memory_space<vmem>>) target(%dma_start3A_816 : memref<32x64xf32, #tpu.memory_space<hbm>>) target_semaphore(%arg13 : memref<!tpu.dma_semaphore, #tpu.memory_space<semaphore_mem>>)
      } else {
      }
      %mul3A_712 = arith.constant 3 : i32
      %mul3A_713 = arith.muli %mul3A_712, %scan3A_520 : i32
      %add3A_714 = arith.constant 2 : i32
      %add3A_715 = arith.addi %mul3A_713, %add3A_714 : i32
      %add3A_716 = arith.constant 2 : i32
      %add3A_717 = arith.addi %add3A_715, %add3A_716 : i32
      %lt3A_718 = arith.constant 16 : i32
      %lt3A_719 = arith.cmpi slt, %add3A_717, %lt3A_718 : i32
      %convert_element_type3A_720 = arith.extui %lt3A_719 : i1 to i32
      %cond3A_721 = arith.constant 0 : i32
      %cond3A_722 = arith.cmpi ne, %convert_element_type3A_720, %cond3A_721 : i32
      scf.if %cond3A_722 {
        %add3A_810 = arith.constant 2 : i32
        %add3A_811 = arith.addi %add3A_715, %add3A_810 : i32
        %lt3A_812 = arith.constant 8 : i32
        %lt3A_813 = arith.cmpi slt, %add3A_811, %lt3A_812 : i32
        %convert_element_type3A_814 = arith.extui %lt3A_813 : i1 to i32
        %cond3A_815 = arith.constant 0 : i32
        %cond3A_816 = arith.cmpi ne, %convert_element_type3A_814, %cond3A_815 : i32
        scf.if %cond3A_816 {
          %mul3A_822 = arith.constant 4 : i32
          %mul3A_823 = arith.muli %add3A_811, %mul3A_822 : i32
          %add3A_824 = arith.constant 0 : i32
          %add3A_825 = arith.addi %mul3A_823, %add3A_824 : i32
          %broadcast_in_dim3A_826 = vector.broadcast %add3A_825 : i32 to vector<16xi32>
          %gather3A_827 = tpu.vector_load_idx %arg8[%broadcast_in_dim3A_826] : memref<32xi32, #tpu.memory_space<vmem>>[vector<16xi32>], vector<16xi32>,
          %slice3A_828 = vector.extract_strided_slice %gather3A_827 {offsets = [0], sizes = [1], strides = [1]} : vector<16xi32> to vector<1xi32>
          %squeeze3A_829 = vector.extract %slice3A_828[0] : i32 from vector<1xi32>
          %shift_right_arithmetic3A_830 = arith.constant 7 : i32
          %shift_right_arithmetic3A_831 = arith.shrsi %squeeze3A_829, %shift_right_arithmetic3A_830 : i32
          %shift_left3A_832 = arith.constant 7 : i32
          %shift_left3A_833 = arith.shli %shift_right_arithmetic3A_831, %shift_left3A_832 : i32
          %multiple_of3A_834 = tpu.assume_multiple %shift_left3A_833, 128 : i32
          %dma_start3A_835 = arith.constant 4 : i32
          %dma_start3A_836 = arith.constant 1 : i32
          %dma_start3A_837 = arith.constant 0 : i32
          %dma_start3A_838 = arith.constant 0 : i32
          %dma_start3A_839 = tpu.memref_slice %arg11[%dma_start3A_835, %dma_start3A_837, %dma_start3A_838] : memref<12x64x128xf32, #tpu.memory_space<vmem>> -> memref<1x64x128xf32, #tpu.memory_space<vmem>>
          %dma_start3A_840 = tpu.memref_squeeze %dma_start3A_839 : memref<1x64x128xf32, #tpu.memory_space<vmem>> -> memref<64x128xf32, #tpu.memory_space<vmem>>
          %dma_start3A_841 = arith.constant 0 : i32
          %dma_start3A_842 = tpu.memref_slice %arg4[%dma_start3A_841, %multiple_of3A_834] : memref<64x100000xf32, #tpu.memory_space<hbm>> -> memref<64x128xf32, #tpu.memory_space<hbm>>
          %dma_start3A_843 = tpu.memref_slice %arg12[%dma_start3A_836] : memref<3x!tpu.dma_semaphore, #tpu.memory_space<semaphore_mem>> -> memref<1x!tpu.dma_semaphore, #tpu.memory_space<semaphore_mem>>
          %dma_start3A_844 = tpu.memref_squeeze %dma_start3A_843 : memref<1x!tpu.dma_semaphore, #tpu.memory_space<semaphore_mem>> -> memref<!tpu.dma_semaphore, #tpu.memory_space<semaphore_mem>>
          %dma_start3A_845 = arith.constant 0 : i32
          %dma_start3A_846 = arith.constant 0 : i32
          %dma_start3A_847 = tpu.memref_slice %arg11[%dma_start3A_835, %dma_start3A_845, %dma_start3A_846] : memref<12x64x128xf32, #tpu.memory_space<vmem>> -> memref<1x64x128xf32, #tpu.memory_space<vmem>>
          %dma_start3A_848 = tpu.memref_squeeze %dma_start3A_847 : memref<1x64x128xf32, #tpu.memory_space<vmem>> -> memref<64x128xf32, #tpu.memory_space<vmem>>
          %dma_start3A_849 = arith.constant 0 : i32
          %dma_start3A_850 = tpu.memref_slice %arg4[%dma_start3A_849, %multiple_of3A_834] : memref<64x100000xf32, #tpu.memory_space<hbm>> -> memref<64x128xf32, #tpu.memory_space<hbm>>
          tpu.enqueue_dma source(%dma_start3A_850 : memref<64x128xf32, #tpu.memory_space<hbm>>) target(%dma_start3A_848 : memref<64x128xf32, #tpu.memory_space<vmem>>) target_semaphore(%dma_start3A_844 : memref<!tpu.dma_semaphore, #tpu.memory_space<semaphore_mem>>)
          %add3A_851 = arith.constant 1 : i32
          %add3A_852 = arith.addi %mul3A_823, %add3A_851 : i32
          %broadcast_in_dim3A_853 = vector.broadcast %add3A_852 : i32 to vector<16xi32>
          %gather3A_854 = tpu.vector_load_idx %arg8[%broadcast_in_dim3A_853] : memref<32xi32, #tpu.memory_space<vmem>>[vector<16xi32>], vector<16xi32>,
          %slice3A_855 = vector.extract_strided_slice %gather3A_854 {offsets = [0], sizes = [1], strides = [1]} : vector<16xi32> to vector<1xi32>
          %squeeze3A_856 = vector.extract %slice3A_855[0] : i32 from vector<1xi32>
          %shift_right_arithmetic3A_857 = arith.constant 7 : i32
          %shift_right_arithmetic3A_858 = arith.shrsi %squeeze3A_856, %shift_right_arithmetic3A_857 : i32
          %shift_left3A_859 = arith.constant 7 : i32
          %shift_left3A_860 = arith.shli %shift_right_arithmetic3A_858, %shift_left3A_859 : i32
          %multiple_of3A_861 = tpu.assume_multiple %shift_left3A_860, 128 : i32
          %dma_start3A_862 = arith.constant 5 : i32
          %dma_start3A_863 = arith.constant 1 : i32
          %dma_start3A_864 = arith.constant 0 : i32
          %dma_start3A_865 = arith.constant 0 : i32
          %dma_start3A_866 = tpu.memref_slice %arg11[%dma_start3A_862, %dma_start3A_864, %dma_start3A_865] : memref<12x64x128xf32, #tpu.memory_space<vmem>> -> memref<1x64x128xf32, #tpu.memory_space<vmem>>
          %dma_start3A_867 = tpu.memref_squeeze %dma_start3A_866 : memref<1x64x128xf32, #tpu.memory_space<vmem>> -> memref<64x128xf32, #tpu.memory_space<vmem>>
          %dma_start3A_868 = arith.constant 0 : i32
          %dma_start3A_869 = tpu.memref_slice %arg4[%dma_start3A_868, %multiple_of3A_861] : memref<64x100000xf32, #tpu.memory_space<hbm>> -> memref<64x128xf32, #tpu.memory_space<hbm>>
          %dma_start3A_870 = tpu.memref_slice %arg12[%dma_start3A_863] : memref<3x!tpu.dma_semaphore, #tpu.memory_space<semaphore_mem>> -> memref<1x!tpu.dma_semaphore, #tpu.memory_space<semaphore_mem>>
          %dma_start3A_871 = tpu.memref_squeeze %dma_start3A_870 : memref<1x!tpu.dma_semaphore, #tpu.memory_space<semaphore_mem>> -> memref<!tpu.dma_semaphore, #tpu.memory_space<semaphore_mem>>
          %dma_start3A_872 = arith.constant 0 : i32
          %dma_start3A_873 = arith.constant 0 : i32
          %dma_start3A_874 = tpu.memref_slice %arg11[%dma_start3A_862, %dma_start3A_872, %dma_start3A_873] : memref<12x64x128xf32, #tpu.memory_space<vmem>> -> memref<1x64x128xf32, #tpu.memory_space<vmem>>
          %dma_start3A_875 = tpu.memref_squeeze %dma_start3A_874 : memref<1x64x128xf32, #tpu.memory_space<vmem>> -> memref<64x128xf32, #tpu.memory_space<vmem>>
          %dma_start3A_876 = arith.constant 0 : i32
          %dma_start3A_877 = tpu.memref_slice %arg4[%dma_start3A_876, %multiple_of3A_861] : memref<64x100000xf32, #tpu.memory_space<hbm>> -> memref<64x128xf32, #tpu.memory_space<hbm>>
          tpu.enqueue_dma source(%dma_start3A_877 : memref<64x128xf32, #tpu.memory_space<hbm>>) target(%dma_start3A_875 : memref<64x128xf32, #tpu.memory_space<vmem>>) target_semaphore(%dma_start3A_871 : memref<!tpu.dma_semaphore, #tpu.memory_space<semaphore_mem>>)
          %add3A_878 = arith.constant 2 : i32
          %add3A_879 = arith.addi %mul3A_823, %add3A_878 : i32
          %broadcast_in_dim3A_880 = vector.broadcast %add3A_879 : i32 to vector<16xi32>
          %gather3A_881 = tpu.vector_load_idx %arg8[%broadcast_in_dim3A_880] : memref<32xi32, #tpu.memory_space<vmem>>[vector<16xi32>], vector<16xi32>,
          %slice3A_882 = vector.extract_strided_slice %gather3A_881 {offsets = [0], sizes = [1], strides = [1]} : vector<16xi32> to vector<1xi32>
          %squeeze3A_883 = vector.extract %slice3A_882[0] : i32 from vector<1xi32>
          %shift_right_arithmetic3A_884 = arith.constant 7 : i32
          %shift_right_arithmetic3A_885 = arith.shrsi %squeeze3A_883, %shift_right_arithmetic3A_884 : i32
          %shift_left3A_886 = arith.constant 7 : i32
          %shift_left3A_887 = arith.shli %shift_right_arithmetic3A_885, %shift_left3A_886 : i32
          %multiple_of3A_888 = tpu.assume_multiple %shift_left3A_887, 128 : i32
          %dma_start3A_889 = arith.constant 6 : i32
          %dma_start3A_890 = arith.constant 1 : i32
          %dma_start3A_891 = arith.constant 0 : i32
          %dma_start3A_892 = arith.constant 0 : i32
          %dma_start3A_893 = tpu.memref_slice %arg11[%dma_start3A_889, %dma_start3A_891, %dma_start3A_892] : memref<12x64x128xf32, #tpu.memory_space<vmem>> -> memref<1x64x128xf32, #tpu.memory_space<vmem>>
          %dma_start3A_894 = tpu.memref_squeeze %dma_start3A_893 : memref<1x64x128xf32, #tpu.memory_space<vmem>> -> memref<64x128xf32, #tpu.memory_space<vmem>>
          %dma_start3A_895 = arith.constant 0 : i32
          %dma_start3A_896 = tpu.memref_slice %arg4[%dma_start3A_895, %multiple_of3A_888] : memref<64x100000xf32, #tpu.memory_space<hbm>> -> memref<64x128xf32, #tpu.memory_space<hbm>>
          %dma_start3A_897 = tpu.memref_slice %arg12[%dma_start3A_890] : memref<3x!tpu.dma_semaphore, #tpu.memory_space<semaphore_mem>> -> memref<1x!tpu.dma_semaphore, #tpu.memory_space<semaphore_mem>>
          %dma_start3A_898 = tpu.memref_squeeze %dma_start3A_897 : memref<1x!tpu.dma_semaphore, #tpu.memory_space<semaphore_mem>> -> memref<!tpu.dma_semaphore, #tpu.memory_space<semaphore_mem>>
          %dma_start3A_899 = arith.constant 0 : i32
          %dma_start3A_900 = arith.constant 0 : i32
          %dma_start3A_901 = tpu.memref_slice %arg11[%dma_start3A_889, %dma_start3A_899, %dma_start3A_900] : memref<12x64x128xf32, #tpu.memory_space<vmem>> -> memref<1x64x128xf32, #tpu.memory_space<vmem>>
          %dma_start3A_902 = tpu.memref_squeeze %dma_start3A_901 : memref<1x64x128xf32, #tpu.memory_space<vmem>> -> memref<64x128xf32, #tpu.memory_space<vmem>>
          %dma_start3A_903 = arith.constant 0 : i32
          %dma_start3A_904 = tpu.memref_slice %arg4[%dma_start3A_903, %multiple_of3A_888] : memref<64x100000xf32, #tpu.memory_space<hbm>> -> memref<64x128xf32, #tpu.memory_space<hbm>>
          tpu.enqueue_dma source(%dma_start3A_904 : memref<64x128xf32, #tpu.memory_space<hbm>>) target(%dma_start3A_902 : memref<64x128xf32, #tpu.memory_space<vmem>>) target_semaphore(%dma_start3A_898 : memref<!tpu.dma_semaphore, #tpu.memory_space<semaphore_mem>>)
          %add3A_905 = arith.constant 3 : i32
          %add3A_906 = arith.addi %mul3A_823, %add3A_905 : i32
          %broadcast_in_dim3A_907 = vector.broadcast %add3A_906 : i32 to vector<16xi32>
          %gather3A_908 = tpu.vector_load_idx %arg8[%broadcast_in_dim3A_907] : memref<32xi32, #tpu.memory_space<vmem>>[vector<16xi32>], vector<16xi32>,
          %slice3A_909 = vector.extract_strided_slice %gather3A_908 {offsets = [0], sizes = [1], strides = [1]} : vector<16xi32> to vector<1xi32>
          %squeeze3A_910 = vector.extract %slice3A_909[0] : i32 from vector<1xi32>
          %shift_right_arithmetic3A_911 = arith.constant 7 : i32
          %shift_right_arithmetic3A_912 = arith.shrsi %squeeze3A_910, %shift_right_arithmetic3A_911 : i32
          %shift_left3A_913 = arith.constant 7 : i32
          %shift_left3A_914 = arith.shli %shift_right_arithmetic3A_912, %shift_left3A_913 : i32
          %multiple_of3A_915 = tpu.assume_multiple %shift_left3A_914, 128 : i32
          %dma_start3A_916 = arith.constant 7 : i32
          %dma_start3A_917 = arith.constant 1 : i32
          %dma_start3A_918 = arith.constant 0 : i32
          %dma_start3A_919 = arith.constant 0 : i32
          %dma_start3A_920 = tpu.memref_slice %arg11[%dma_start3A_916, %dma_start3A_918, %dma_start3A_919] : memref<12x64x128xf32, #tpu.memory_space<vmem>> -> memref<1x64x128xf32, #tpu.memory_space<vmem>>
          %dma_start3A_921 = tpu.memref_squeeze %dma_start3A_920 : memref<1x64x128xf32, #tpu.memory_space<vmem>> -> memref<64x128xf32, #tpu.memory_space<vmem>>
          %dma_start3A_922 = arith.constant 0 : i32
          %dma_start3A_923 = tpu.memref_slice %arg4[%dma_start3A_922, %multiple_of3A_915] : memref<64x100000xf32, #tpu.memory_space<hbm>> -> memref<64x128xf32, #tpu.memory_space<hbm>>
          %dma_start3A_924 = tpu.memref_slice %arg12[%dma_start3A_917] : memref<3x!tpu.dma_semaphore, #tpu.memory_space<semaphore_mem>> -> memref<1x!tpu.dma_semaphore, #tpu.memory_space<semaphore_mem>>
          %dma_start3A_925 = tpu.memref_squeeze %dma_start3A_924 : memref<1x!tpu.dma_semaphore, #tpu.memory_space<semaphore_mem>> -> memref<!tpu.dma_semaphore, #tpu.memory_space<semaphore_mem>>
          %dma_start3A_926 = arith.constant 0 : i32
          %dma_start3A_927 = arith.constant 0 : i32
          %dma_start3A_928 = tpu.memref_slice %arg11[%dma_start3A_916, %dma_start3A_926, %dma_start3A_927] : memref<12x64x128xf32, #tpu.memory_space<vmem>> -> memref<1x64x128xf32, #tpu.memory_space<vmem>>
          %dma_start3A_929 = tpu.memref_squeeze %dma_start3A_928 : memref<1x64x128xf32, #tpu.memory_space<vmem>> -> memref<64x128xf32, #tpu.memory_space<vmem>>
          %dma_start3A_930 = arith.constant 0 : i32
          %dma_start3A_931 = tpu.memref_slice %arg4[%dma_start3A_930, %multiple_of3A_915] : memref<64x100000xf32, #tpu.memory_space<hbm>> -> memref<64x128xf32, #tpu.memory_space<hbm>>
          tpu.enqueue_dma source(%dma_start3A_931 : memref<64x128xf32, #tpu.memory_space<hbm>>) target(%dma_start3A_929 : memref<64x128xf32, #tpu.memory_space<vmem>>) target_semaphore(%dma_start3A_925 : memref<!tpu.dma_semaphore, #tpu.memory_space<semaphore_mem>>)
        } else {
        }
        %ge3A_817 = arith.constant 8 : i32
        %ge3A_818 = arith.cmpi sge, %add3A_811, %ge3A_817 : i32
        %convert_element_type3A_819 = arith.extui %ge3A_818 : i1 to i32
        %cond3A_820 = arith.constant 0 : i32
        %cond3A_821 = arith.cmpi ne, %convert_element_type3A_819, %cond3A_820 : i32
        scf.if %cond3A_821 {
          %sub3A = arith.constant 8 : i32
          %sub3A_822 = arith.subi %add3A_811, %sub3A : i32
          %mul3A_823 = arith.constant 4 : i32
          %mul3A_824 = arith.muli %sub3A_822, %mul3A_823 : i32
          %add3A_825 = arith.constant 0 : i32
          %add3A_826 = arith.addi %mul3A_824, %add3A_825 : i32
          %broadcast_in_dim3A_827 = vector.broadcast %add3A_826 : i32 to vector<16xi32>
          %gather3A_828 = tpu.vector_load_idx %arg9[%broadcast_in_dim3A_827] : memref<32xi32, #tpu.memory_space<vmem>>[vector<16xi32>], vector<16xi32>,
          %slice3A_829 = vector.extract_strided_slice %gather3A_828 {offsets = [0], sizes = [1], strides = [1]} : vector<16xi32> to vector<1xi32>
          %squeeze3A_830 = vector.extract %slice3A_829[0] : i32 from vector<1xi32>
          %shift_right_arithmetic3A_831 = arith.constant 7 : i32
          %shift_right_arithmetic3A_832 = arith.shrsi %squeeze3A_830, %shift_right_arithmetic3A_831 : i32
          %shift_left3A_833 = arith.constant 7 : i32
          %shift_left3A_834 = arith.shli %shift_right_arithmetic3A_832, %shift_left3A_833 : i32
          %multiple_of3A_835 = tpu.assume_multiple %shift_left3A_834, 128 : i32
          %dma_start3A_836 = arith.constant 4 : i32
          %dma_start3A_837 = arith.constant 1 : i32
          %dma_start3A_838 = arith.constant 0 : i32
          %dma_start3A_839 = arith.constant 0 : i32
          %dma_start3A_840 = tpu.memref_slice %arg11[%dma_start3A_836, %dma_start3A_838, %dma_start3A_839] : memref<12x64x128xf32, #tpu.memory_space<vmem>> -> memref<1x64x128xf32, #tpu.memory_space<vmem>>
          %dma_start3A_841 = tpu.memref_squeeze %dma_start3A_840 : memref<1x64x128xf32, #tpu.memory_space<vmem>> -> memref<64x128xf32, #tpu.memory_space<vmem>>
          %dma_start3A_842 = arith.constant 0 : i32
          %dma_start3A_843 = tpu.memref_slice %arg5[%dma_start3A_842, %multiple_of3A_835] : memref<64x100000xf32, #tpu.memory_space<hbm>> -> memref<64x128xf32, #tpu.memory_space<hbm>>
          %dma_start3A_844 = tpu.memref_slice %arg12[%dma_start3A_837] : memref<3x!tpu.dma_semaphore, #tpu.memory_space<semaphore_mem>> -> memref<1x!tpu.dma_semaphore, #tpu.memory_space<semaphore_mem>>
          %dma_start3A_845 = tpu.memref_squeeze %dma_start3A_844 : memref<1x!tpu.dma_semaphore, #tpu.memory_space<semaphore_mem>> -> memref<!tpu.dma_semaphore, #tpu.memory_space<semaphore_mem>>
          %dma_start3A_846 = arith.constant 0 : i32
          %dma_start3A_847 = arith.constant 0 : i32
          %dma_start3A_848 = tpu.memref_slice %arg11[%dma_start3A_836, %dma_start3A_846, %dma_start3A_847] : memref<12x64x128xf32, #tpu.memory_space<vmem>> -> memref<1x64x128xf32, #tpu.memory_space<vmem>>
          %dma_start3A_849 = tpu.memref_squeeze %dma_start3A_848 : memref<1x64x128xf32, #tpu.memory_space<vmem>> -> memref<64x128xf32, #tpu.memory_space<vmem>>
          %dma_start3A_850 = arith.constant 0 : i32
          %dma_start3A_851 = tpu.memref_slice %arg5[%dma_start3A_850, %multiple_of3A_835] : memref<64x100000xf32, #tpu.memory_space<hbm>> -> memref<64x128xf32, #tpu.memory_space<hbm>>
          tpu.enqueue_dma source(%dma_start3A_851 : memref<64x128xf32, #tpu.memory_space<hbm>>) target(%dma_start3A_849 : memref<64x128xf32, #tpu.memory_space<vmem>>) target_semaphore(%dma_start3A_845 : memref<!tpu.dma_semaphore, #tpu.memory_space<semaphore_mem>>)
          %add3A_852 = arith.constant 1 : i32
          %add3A_853 = arith.addi %mul3A_824, %add3A_852 : i32
          %broadcast_in_dim3A_854 = vector.broadcast %add3A_853 : i32 to vector<16xi32>
          %gather3A_855 = tpu.vector_load_idx %arg9[%broadcast_in_dim3A_854] : memref<32xi32, #tpu.memory_space<vmem>>[vector<16xi32>], vector<16xi32>,
          %slice3A_856 = vector.extract_strided_slice %gather3A_855 {offsets = [0], sizes = [1], strides = [1]} : vector<16xi32> to vector<1xi32>
          %squeeze3A_857 = vector.extract %slice3A_856[0] : i32 from vector<1xi32>
          %shift_right_arithmetic3A_858 = arith.constant 7 : i32
          %shift_right_arithmetic3A_859 = arith.shrsi %squeeze3A_857, %shift_right_arithmetic3A_858 : i32
          %shift_left3A_860 = arith.constant 7 : i32
          %shift_left3A_861 = arith.shli %shift_right_arithmetic3A_859, %shift_left3A_860 : i32
          %multiple_of3A_862 = tpu.assume_multiple %shift_left3A_861, 128 : i32
          %dma_start3A_863 = arith.constant 5 : i32
          %dma_start3A_864 = arith.constant 1 : i32
          %dma_start3A_865 = arith.constant 0 : i32
          %dma_start3A_866 = arith.constant 0 : i32
          %dma_start3A_867 = tpu.memref_slice %arg11[%dma_start3A_863, %dma_start3A_865, %dma_start3A_866] : memref<12x64x128xf32, #tpu.memory_space<vmem>> -> memref<1x64x128xf32, #tpu.memory_space<vmem>>
          %dma_start3A_868 = tpu.memref_squeeze %dma_start3A_867 : memref<1x64x128xf32, #tpu.memory_space<vmem>> -> memref<64x128xf32, #tpu.memory_space<vmem>>
          %dma_start3A_869 = arith.constant 0 : i32
          %dma_start3A_870 = tpu.memref_slice %arg5[%dma_start3A_869, %multiple_of3A_862] : memref<64x100000xf32, #tpu.memory_space<hbm>> -> memref<64x128xf32, #tpu.memory_space<hbm>>
          %dma_start3A_871 = tpu.memref_slice %arg12[%dma_start3A_864] : memref<3x!tpu.dma_semaphore, #tpu.memory_space<semaphore_mem>> -> memref<1x!tpu.dma_semaphore, #tpu.memory_space<semaphore_mem>>
          %dma_start3A_872 = tpu.memref_squeeze %dma_start3A_871 : memref<1x!tpu.dma_semaphore, #tpu.memory_space<semaphore_mem>> -> memref<!tpu.dma_semaphore, #tpu.memory_space<semaphore_mem>>
          %dma_start3A_873 = arith.constant 0 : i32
          %dma_start3A_874 = arith.constant 0 : i32
          %dma_start3A_875 = tpu.memref_slice %arg11[%dma_start3A_863, %dma_start3A_873, %dma_start3A_874] : memref<12x64x128xf32, #tpu.memory_space<vmem>> -> memref<1x64x128xf32, #tpu.memory_space<vmem>>
          %dma_start3A_876 = tpu.memref_squeeze %dma_start3A_875 : memref<1x64x128xf32, #tpu.memory_space<vmem>> -> memref<64x128xf32, #tpu.memory_space<vmem>>
          %dma_start3A_877 = arith.constant 0 : i32
          %dma_start3A_878 = tpu.memref_slice %arg5[%dma_start3A_877, %multiple_of3A_862] : memref<64x100000xf32, #tpu.memory_space<hbm>> -> memref<64x128xf32, #tpu.memory_space<hbm>>
          tpu.enqueue_dma source(%dma_start3A_878 : memref<64x128xf32, #tpu.memory_space<hbm>>) target(%dma_start3A_876 : memref<64x128xf32, #tpu.memory_space<vmem>>) target_semaphore(%dma_start3A_872 : memref<!tpu.dma_semaphore, #tpu.memory_space<semaphore_mem>>)
          %add3A_879 = arith.constant 2 : i32
          %add3A_880 = arith.addi %mul3A_824, %add3A_879 : i32
          %broadcast_in_dim3A_881 = vector.broadcast %add3A_880 : i32 to vector<16xi32>
          %gather3A_882 = tpu.vector_load_idx %arg9[%broadcast_in_dim3A_881] : memref<32xi32, #tpu.memory_space<vmem>>[vector<16xi32>], vector<16xi32>,
          %slice3A_883 = vector.extract_strided_slice %gather3A_882 {offsets = [0], sizes = [1], strides = [1]} : vector<16xi32> to vector<1xi32>
          %squeeze3A_884 = vector.extract %slice3A_883[0] : i32 from vector<1xi32>
          %shift_right_arithmetic3A_885 = arith.constant 7 : i32
          %shift_right_arithmetic3A_886 = arith.shrsi %squeeze3A_884, %shift_right_arithmetic3A_885 : i32
          %shift_left3A_887 = arith.constant 7 : i32
          %shift_left3A_888 = arith.shli %shift_right_arithmetic3A_886, %shift_left3A_887 : i32
          %multiple_of3A_889 = tpu.assume_multiple %shift_left3A_888, 128 : i32
          %dma_start3A_890 = arith.constant 6 : i32
          %dma_start3A_891 = arith.constant 1 : i32
          %dma_start3A_892 = arith.constant 0 : i32
          %dma_start3A_893 = arith.constant 0 : i32
          %dma_start3A_894 = tpu.memref_slice %arg11[%dma_start3A_890, %dma_start3A_892, %dma_start3A_893] : memref<12x64x128xf32, #tpu.memory_space<vmem>> -> memref<1x64x128xf32, #tpu.memory_space<vmem>>
          %dma_start3A_895 = tpu.memref_squeeze %dma_start3A_894 : memref<1x64x128xf32, #tpu.memory_space<vmem>> -> memref<64x128xf32, #tpu.memory_space<vmem>>
          %dma_start3A_896 = arith.constant 0 : i32
          %dma_start3A_897 = tpu.memref_slice %arg5[%dma_start3A_896, %multiple_of3A_889] : memref<64x100000xf32, #tpu.memory_space<hbm>> -> memref<64x128xf32, #tpu.memory_space<hbm>>
          %dma_start3A_898 = tpu.memref_slice %arg12[%dma_start3A_891] : memref<3x!tpu.dma_semaphore, #tpu.memory_space<semaphore_mem>> -> memref<1x!tpu.dma_semaphore, #tpu.memory_space<semaphore_mem>>
          %dma_start3A_899 = tpu.memref_squeeze %dma_start3A_898 : memref<1x!tpu.dma_semaphore, #tpu.memory_space<semaphore_mem>> -> memref<!tpu.dma_semaphore, #tpu.memory_space<semaphore_mem>>
          %dma_start3A_900 = arith.constant 0 : i32
          %dma_start3A_901 = arith.constant 0 : i32
          %dma_start3A_902 = tpu.memref_slice %arg11[%dma_start3A_890, %dma_start3A_900, %dma_start3A_901] : memref<12x64x128xf32, #tpu.memory_space<vmem>> -> memref<1x64x128xf32, #tpu.memory_space<vmem>>
          %dma_start3A_903 = tpu.memref_squeeze %dma_start3A_902 : memref<1x64x128xf32, #tpu.memory_space<vmem>> -> memref<64x128xf32, #tpu.memory_space<vmem>>
          %dma_start3A_904 = arith.constant 0 : i32
          %dma_start3A_905 = tpu.memref_slice %arg5[%dma_start3A_904, %multiple_of3A_889] : memref<64x100000xf32, #tpu.memory_space<hbm>> -> memref<64x128xf32, #tpu.memory_space<hbm>>
          tpu.enqueue_dma source(%dma_start3A_905 : memref<64x128xf32, #tpu.memory_space<hbm>>) target(%dma_start3A_903 : memref<64x128xf32, #tpu.memory_space<vmem>>) target_semaphore(%dma_start3A_899 : memref<!tpu.dma_semaphore, #tpu.memory_space<semaphore_mem>>)
          %add3A_906 = arith.constant 3 : i32
          %add3A_907 = arith.addi %mul3A_824, %add3A_906 : i32
          %broadcast_in_dim3A_908 = vector.broadcast %add3A_907 : i32 to vector<16xi32>
          %gather3A_909 = tpu.vector_load_idx %arg9[%broadcast_in_dim3A_908] : memref<32xi32, #tpu.memory_space<vmem>>[vector<16xi32>], vector<16xi32>,
          %slice3A_910 = vector.extract_strided_slice %gather3A_909 {offsets = [0], sizes = [1], strides = [1]} : vector<16xi32> to vector<1xi32>
          %squeeze3A_911 = vector.extract %slice3A_910[0] : i32 from vector<1xi32>
          %shift_right_arithmetic3A_912 = arith.constant 7 : i32
          %shift_right_arithmetic3A_913 = arith.shrsi %squeeze3A_911, %shift_right_arithmetic3A_912 : i32
          %shift_left3A_914 = arith.constant 7 : i32
          %shift_left3A_915 = arith.shli %shift_right_arithmetic3A_913, %shift_left3A_914 : i32
          %multiple_of3A_916 = tpu.assume_multiple %shift_left3A_915, 128 : i32
          %dma_start3A_917 = arith.constant 7 : i32
          %dma_start3A_918 = arith.constant 1 : i32
          %dma_start3A_919 = arith.constant 0 : i32
          %dma_start3A_920 = arith.constant 0 : i32
          %dma_start3A_921 = tpu.memref_slice %arg11[%dma_start3A_917, %dma_start3A_919, %dma_start3A_920] : memref<12x64x128xf32, #tpu.memory_space<vmem>> -> memref<1x64x128xf32, #tpu.memory_space<vmem>>
          %dma_start3A_922 = tpu.memref_squeeze %dma_start3A_921 : memref<1x64x128xf32, #tpu.memory_space<vmem>> -> memref<64x128xf32, #tpu.memory_space<vmem>>
          %dma_start3A_923 = arith.constant 0 : i32
          %dma_start3A_924 = tpu.memref_slice %arg5[%dma_start3A_923, %multiple_of3A_916] : memref<64x100000xf32, #tpu.memory_space<hbm>> -> memref<64x128xf32, #tpu.memory_space<hbm>>
          %dma_start3A_925 = tpu.memref_slice %arg12[%dma_start3A_918] : memref<3x!tpu.dma_semaphore, #tpu.memory_space<semaphore_mem>> -> memref<1x!tpu.dma_semaphore, #tpu.memory_space<semaphore_mem>>
          %dma_start3A_926 = tpu.memref_squeeze %dma_start3A_925 : memref<1x!tpu.dma_semaphore, #tpu.memory_space<semaphore_mem>> -> memref<!tpu.dma_semaphore, #tpu.memory_space<semaphore_mem>>
          %dma_start3A_927 = arith.constant 0 : i32
          %dma_start3A_928 = arith.constant 0 : i32
          %dma_start3A_929 = tpu.memref_slice %arg11[%dma_start3A_917, %dma_start3A_927, %dma_start3A_928] : memref<12x64x128xf32, #tpu.memory_space<vmem>> -> memref<1x64x128xf32, #tpu.memory_space<vmem>>
          %dma_start3A_930 = tpu.memref_squeeze %dma_start3A_929 : memref<1x64x128xf32, #tpu.memory_space<vmem>> -> memref<64x128xf32, #tpu.memory_space<vmem>>
          %dma_start3A_931 = arith.constant 0 : i32
          %dma_start3A_932 = tpu.memref_slice %arg5[%dma_start3A_931, %multiple_of3A_916] : memref<64x100000xf32, #tpu.memory_space<hbm>> -> memref<64x128xf32, #tpu.memory_space<hbm>>
          tpu.enqueue_dma source(%dma_start3A_932 : memref<64x128xf32, #tpu.memory_space<hbm>>) target(%dma_start3A_930 : memref<64x128xf32, #tpu.memory_space<vmem>>) target_semaphore(%dma_start3A_926 : memref<!tpu.dma_semaphore, #tpu.memory_space<semaphore_mem>>)
        } else {
        }
      } else {
      }
      %dma_wait3A_723 = arith.constant 8 : i32
      %dma_wait3A_724 = arith.constant 2 : i32
      %dma_wait3A_725 = arith.constant 0 : i32
      %dma_wait3A_726 = arith.constant 0 : i32
      %dma_wait3A_727 = tpu.memref_slice %arg11[%dma_wait3A_723, %dma_wait3A_725, %dma_wait3A_726] : memref<12x64x128xf32, #tpu.memory_space<vmem>> -> memref<1x64x128xf32, #tpu.memory_space<vmem>>
      %dma_wait3A_728 = tpu.memref_squeeze %dma_wait3A_727 : memref<1x64x128xf32, #tpu.memory_space<vmem>> -> memref<64x128xf32, #tpu.memory_space<vmem>>
      %dma_wait3A_729 = arith.constant 0 : i32
      %dma_wait3A_730 = arith.constant 0 : i32
      %dma_wait3A_731 = tpu.memref_slice %arg4[%dma_wait3A_729, %dma_wait3A_730] : memref<64x100000xf32, #tpu.memory_space<hbm>> -> memref<64x128xf32, #tpu.memory_space<hbm>>
      %dma_wait3A_732 = tpu.memref_slice %arg12[%dma_wait3A_724] : memref<3x!tpu.dma_semaphore, #tpu.memory_space<semaphore_mem>> -> memref<1x!tpu.dma_semaphore, #tpu.memory_space<semaphore_mem>>
      %dma_wait3A_733 = tpu.memref_squeeze %dma_wait3A_732 : memref<1x!tpu.dma_semaphore, #tpu.memory_space<semaphore_mem>> -> memref<!tpu.dma_semaphore, #tpu.memory_space<semaphore_mem>>
      %dma_wait3A_734 = arith.constant 0 : i32
      %dma_wait3A_735 = arith.constant 0 : i32
      %dma_wait3A_736 = tpu.memref_slice %arg11[%dma_wait3A_723, %dma_wait3A_734, %dma_wait3A_735] : memref<12x64x128xf32, #tpu.memory_space<vmem>> -> memref<1x64x128xf32, #tpu.memory_space<vmem>>
      %dma_wait3A_737 = tpu.memref_squeeze %dma_wait3A_736 : memref<1x64x128xf32, #tpu.memory_space<vmem>> -> memref<64x128xf32, #tpu.memory_space<vmem>>
      %dma_wait3A_738 = arith.constant 0 : i32
      %dma_wait3A_739 = arith.constant 0 : i32
      %dma_wait3A_740 = tpu.memref_slice %arg4[%dma_wait3A_738, %dma_wait3A_739] : memref<64x100000xf32, #tpu.memory_space<hbm>> -> memref<64x128xf32, #tpu.memory_space<hbm>>
      tpu.wait_dma2 semaphore(%dma_wait3A_733 : memref<!tpu.dma_semaphore, #tpu.memory_space<semaphore_mem>>) src(%dma_wait3A_740 : memref<64x128xf32, #tpu.memory_space<hbm>>) dst(%dma_wait3A_737 : memref<64x128xf32, #tpu.memory_space<vmem>>)
      %dma_wait3A_741 = arith.constant 9 : i32
      %dma_wait3A_742 = arith.constant 2 : i32
      %dma_wait3A_743 = arith.constant 0 : i32
      %dma_wait3A_744 = arith.constant 0 : i32
      %dma_wait3A_745 = tpu.memref_slice %arg11[%dma_wait3A_741, %dma_wait3A_743, %dma_wait3A_744] : memref<12x64x128xf32, #tpu.memory_space<vmem>> -> memref<1x64x128xf32, #tpu.memory_space<vmem>>
      %dma_wait3A_746 = tpu.memref_squeeze %dma_wait3A_745 : memref<1x64x128xf32, #tpu.memory_space<vmem>> -> memref<64x128xf32, #tpu.memory_space<vmem>>
      %dma_wait3A_747 = arith.constant 0 : i32
      %dma_wait3A_748 = arith.constant 0 : i32
      %dma_wait3A_749 = tpu.memref_slice %arg4[%dma_wait3A_747, %dma_wait3A_748] : memref<64x100000xf32, #tpu.memory_space<hbm>> -> memref<64x128xf32, #tpu.memory_space<hbm>>
      %dma_wait3A_750 = tpu.memref_slice %arg12[%dma_wait3A_742] : memref<3x!tpu.dma_semaphore, #tpu.memory_space<semaphore_mem>> -> memref<1x!tpu.dma_semaphore, #tpu.memory_space<semaphore_mem>>
      %dma_wait3A_751 = tpu.memref_squeeze %dma_wait3A_750 : memref<1x!tpu.dma_semaphore, #tpu.memory_space<semaphore_mem>> -> memref<!tpu.dma_semaphore, #tpu.memory_space<semaphore_mem>>
      %dma_wait3A_752 = arith.constant 0 : i32
      %dma_wait3A_753 = arith.constant 0 : i32
      %dma_wait3A_754 = tpu.memref_slice %arg11[%dma_wait3A_741, %dma_wait3A_752, %dma_wait3A_753] : memref<12x64x128xf32, #tpu.memory_space<vmem>> -> memref<1x64x128xf32, #tpu.memory_space<vmem>>
      %dma_wait3A_755 = tpu.memref_squeeze %dma_wait3A_754 : memref<1x64x128xf32, #tpu.memory_space<vmem>> -> memref<64x128xf32, #tpu.memory_space<vmem>>
      %dma_wait3A_756 = arith.constant 0 : i32
      %dma_wait3A_757 = arith.constant 0 : i32
      %dma_wait3A_758 = tpu.memref_slice %arg4[%dma_wait3A_756, %dma_wait3A_757] : memref<64x100000xf32, #tpu.memory_space<hbm>> -> memref<64x128xf32, #tpu.memory_space<hbm>>
      tpu.wait_dma2 semaphore(%dma_wait3A_751 : memref<!tpu.dma_semaphore, #tpu.memory_space<semaphore_mem>>) src(%dma_wait3A_758 : memref<64x128xf32, #tpu.memory_space<hbm>>) dst(%dma_wait3A_755 : memref<64x128xf32, #tpu.memory_space<vmem>>)
      %dma_wait3A_759 = arith.constant 10 : i32
      %dma_wait3A_760 = arith.constant 2 : i32
      %dma_wait3A_761 = arith.constant 0 : i32
      %dma_wait3A_762 = arith.constant 0 : i32
      %dma_wait3A_763 = tpu.memref_slice %arg11[%dma_wait3A_759, %dma_wait3A_761, %dma_wait3A_762] : memref<12x64x128xf32, #tpu.memory_space<vmem>> -> memref<1x64x128xf32, #tpu.memory_space<vmem>>
      %dma_wait3A_764 = tpu.memref_squeeze %dma_wait3A_763 : memref<1x64x128xf32, #tpu.memory_space<vmem>> -> memref<64x128xf32, #tpu.memory_space<vmem>>
      %dma_wait3A_765 = arith.constant 0 : i32
      %dma_wait3A_766 = arith.constant 0 : i32
      %dma_wait3A_767 = tpu.memref_slice %arg4[%dma_wait3A_765, %dma_wait3A_766] : memref<64x100000xf32, #tpu.memory_space<hbm>> -> memref<64x128xf32, #tpu.memory_space<hbm>>
      %dma_wait3A_768 = tpu.memref_slice %arg12[%dma_wait3A_760] : memref<3x!tpu.dma_semaphore, #tpu.memory_space<semaphore_mem>> -> memref<1x!tpu.dma_semaphore, #tpu.memory_space<semaphore_mem>>
      %dma_wait3A_769 = tpu.memref_squeeze %dma_wait3A_768 : memref<1x!tpu.dma_semaphore, #tpu.memory_space<semaphore_mem>> -> memref<!tpu.dma_semaphore, #tpu.memory_space<semaphore_mem>>
      %dma_wait3A_770 = arith.constant 0 : i32
      %dma_wait3A_771 = arith.constant 0 : i32
      %dma_wait3A_772 = tpu.memref_slice %arg11[%dma_wait3A_759, %dma_wait3A_770, %dma_wait3A_771] : memref<12x64x128xf32, #tpu.memory_space<vmem>> -> memref<1x64x128xf32, #tpu.memory_space<vmem>>
      %dma_wait3A_773 = tpu.memref_squeeze %dma_wait3A_772 : memref<1x64x128xf32, #tpu.memory_space<vmem>> -> memref<64x128xf32, #tpu.memory_space<vmem>>
      %dma_wait3A_774 = arith.constant 0 : i32
      %dma_wait3A_775 = arith.constant 0 : i32
      %dma_wait3A_776 = tpu.memref_slice %arg4[%dma_wait3A_774, %dma_wait3A_775] : memref<64x100000xf32, #tpu.memory_space<hbm>> -> memref<64x128xf32, #tpu.memory_space<hbm>>
      tpu.wait_dma2 semaphore(%dma_wait3A_769 : memref<!tpu.dma_semaphore, #tpu.memory_space<semaphore_mem>>) src(%dma_wait3A_776 : memref<64x128xf32, #tpu.memory_space<hbm>>) dst(%dma_wait3A_773 : memref<64x128xf32, #tpu.memory_space<vmem>>)
      %dma_wait3A_777 = arith.constant 11 : i32
      %dma_wait3A_778 = arith.constant 2 : i32
      %dma_wait3A_779 = arith.constant 0 : i32
      %dma_wait3A_780 = arith.constant 0 : i32
      %dma_wait3A_781 = tpu.memref_slice %arg11[%dma_wait3A_777, %dma_wait3A_779, %dma_wait3A_780] : memref<12x64x128xf32, #tpu.memory_space<vmem>> -> memref<1x64x128xf32, #tpu.memory_space<vmem>>
      %dma_wait3A_782 = tpu.memref_squeeze %dma_wait3A_781 : memref<1x64x128xf32, #tpu.memory_space<vmem>> -> memref<64x128xf32, #tpu.memory_space<vmem>>
      %dma_wait3A_783 = arith.constant 0 : i32
      %dma_wait3A_784 = arith.constant 0 : i32
      %dma_wait3A_785 = tpu.memref_slice %arg4[%dma_wait3A_783, %dma_wait3A_784] : memref<64x100000xf32, #tpu.memory_space<hbm>> -> memref<64x128xf32, #tpu.memory_space<hbm>>
      %dma_wait3A_786 = tpu.memref_slice %arg12[%dma_wait3A_778] : memref<3x!tpu.dma_semaphore, #tpu.memory_space<semaphore_mem>> -> memref<1x!tpu.dma_semaphore, #tpu.memory_space<semaphore_mem>>
      %dma_wait3A_787 = tpu.memref_squeeze %dma_wait3A_786 : memref<1x!tpu.dma_semaphore, #tpu.memory_space<semaphore_mem>> -> memref<!tpu.dma_semaphore, #tpu.memory_space<semaphore_mem>>
      %dma_wait3A_788 = arith.constant 0 : i32
      %dma_wait3A_789 = arith.constant 0 : i32
      %dma_wait3A_790 = tpu.memref_slice %arg11[%dma_wait3A_777, %dma_wait3A_788, %dma_wait3A_789] : memref<12x64x128xf32, #tpu.memory_space<vmem>> -> memref<1x64x128xf32, #tpu.memory_space<vmem>>
      %dma_wait3A_791 = tpu.memref_squeeze %dma_wait3A_790 : memref<1x64x128xf32, #tpu.memory_space<vmem>> -> memref<64x128xf32, #tpu.memory_space<vmem>>
      %dma_wait3A_792 = arith.constant 0 : i32
      %dma_wait3A_793 = arith.constant 0 : i32
      %dma_wait3A_794 = tpu.memref_slice %arg4[%dma_wait3A_792, %dma_wait3A_793] : memref<64x100000xf32, #tpu.memory_space<hbm>> -> memref<64x128xf32, #tpu.memory_space<hbm>>
      tpu.wait_dma2 semaphore(%dma_wait3A_787 : memref<!tpu.dma_semaphore, #tpu.memory_space<semaphore_mem>>) src(%dma_wait3A_794 : memref<64x128xf32, #tpu.memory_space<hbm>>) dst(%dma_wait3A_791 : memref<64x128xf32, #tpu.memory_space<vmem>>)
      %lt3A_795 = arith.constant 8 : i32
      %lt3A_796 = arith.cmpi slt, %add3A_715, %lt3A_795 : i32
      %convert_element_type3A_797 = arith.extui %lt3A_796 : i1 to i32
      %cond3A_798 = arith.constant 0 : i32
      %cond3A_799 = arith.cmpi ne, %convert_element_type3A_797, %cond3A_798 : i32
      scf.if %cond3A_799 {
        %mul3A_810 = arith.constant 4 : i32
        %mul3A_811 = arith.muli %add3A_715, %mul3A_810 : i32
        %add3A_812 = arith.constant 0 : i32
        %add3A_813 = arith.addi %mul3A_811, %add3A_812 : i32
        %sub3A = arith.constant 0 : i32
        %sub3A_814 = arith.subi %add3A_813, %sub3A : i32
        %broadcast_in_dim3A_815 = vector.broadcast %sub3A_814 : i32 to vector<16xi32>
        %gather3A_816 = tpu.vector_load_idx %arg8[%broadcast_in_dim3A_815] : memref<32xi32, #tpu.memory_space<vmem>>[vector<16xi32>], vector<16xi32>,
        %slice3A_817 = vector.extract_strided_slice %gather3A_816 {offsets = [0], sizes = [1], strides = [1]} : vector<16xi32> to vector<1xi32>
        %squeeze3A_818 = vector.extract %slice3A_817[0] : i32 from vector<1xi32>
        %and3A_819 = arith.constant 127 : i32
        %and3A_820 = arith.andi %squeeze3A_818, %and3A_819 : i32
        %broadcast_in_dim3A_821 = vector.broadcast %and3A_820 : i32 to vector<16xi32>
        %broadcast_in_dim3A_822 = vector.broadcast %add3A_813 : i32 to vector<16xi32>
        %add3A_823 = arith.constant 0 : i32
        %add3A_824 = vector.broadcast %add3A_823 : i32 to vector<16xi32>
        %add3A_825 = arith.addi %iota3A, %add3A_824 : vector<16xi32>
        %gather3A_826 = arith.constant 8 : i32
        %gather3A_827 = arith.constant 0 : i32
        %gather3A_828 = arith.constant 0 : i32
        %gather3A_829 = tpu.memref_slice %arg11[%gather3A_826, %gather3A_827, %gather3A_828] : memref<12x64x128xf32, #tpu.memory_space<vmem>> -> memref<1x64x128xf32, #tpu.memory_space<vmem>>
        %gather3A_830 = tpu.memref_squeeze %gather3A_829 : memref<1x64x128xf32, #tpu.memory_space<vmem>> -> memref<64x128xf32, #tpu.memory_space<vmem>>
        %gather3A_831 = tpu.vector_load_idx %gather3A_830[%add3A_825, %broadcast_in_dim3A_821] : memref<64x128xf32, #tpu.memory_space<vmem>>[vector<16xi32>, vector<16xi32>], vector<16xf32>,
        %add3A_832 = arith.constant 0 : i32
        %add3A_833 = vector.broadcast %add3A_832 : i32 to vector<16xi32>
        %add3A_834 = arith.addi %iota3A, %add3A_833 : vector<16xi32>
        tpu.vector_store_idx %arg10[%broadcast_in_dim3A_822, %add3A_834], %gather3A_831 : memref<64x64xf32, #tpu.memory_space<vmem>>[vector<16xi32>, vector<16xi32>], vector<16xf32>,
        %add3A_835 = arith.constant 16 : i32
        %add3A_836 = vector.broadcast %add3A_835 : i32 to vector<16xi32>
        %add3A_837 = arith.addi %iota3A, %add3A_836 : vector<16xi32>
        %gather3A_838 = arith.constant 8 : i32
        %gather3A_839 = arith.constant 0 : i32
        %gather3A_840 = arith.constant 0 : i32
        %gather3A_841 = tpu.memref_slice %arg11[%gather3A_838, %gather3A_839, %gather3A_840] : memref<12x64x128xf32, #tpu.memory_space<vmem>> -> memref<1x64x128xf32, #tpu.memory_space<vmem>>
        %gather3A_842 = tpu.memref_squeeze %gather3A_841 : memref<1x64x128xf32, #tpu.memory_space<vmem>> -> memref<64x128xf32, #tpu.memory_space<vmem>>
        %gather3A_843 = tpu.vector_load_idx %gather3A_842[%add3A_837, %broadcast_in_dim3A_821] : memref<64x128xf32, #tpu.memory_space<vmem>>[vector<16xi32>, vector<16xi32>], vector<16xf32>,
        %add3A_844 = arith.constant 16 : i32
        %add3A_845 = vector.broadcast %add3A_844 : i32 to vector<16xi32>
        %add3A_846 = arith.addi %iota3A, %add3A_845 : vector<16xi32>
        tpu.vector_store_idx %arg10[%broadcast_in_dim3A_822, %add3A_846], %gather3A_843 : memref<64x64xf32, #tpu.memory_space<vmem>>[vector<16xi32>, vector<16xi32>], vector<16xf32>,
        %add3A_847 = arith.constant 32 : i32
        %add3A_848 = vector.broadcast %add3A_847 : i32 to vector<16xi32>
        %add3A_849 = arith.addi %iota3A, %add3A_848 : vector<16xi32>
        %gather3A_850 = arith.constant 8 : i32
        %gather3A_851 = arith.constant 0 : i32
        %gather3A_852 = arith.constant 0 : i32
        %gather3A_853 = tpu.memref_slice %arg11[%gather3A_850, %gather3A_851, %gather3A_852] : memref<12x64x128xf32, #tpu.memory_space<vmem>> -> memref<1x64x128xf32, #tpu.memory_space<vmem>>
        %gather3A_854 = tpu.memref_squeeze %gather3A_853 : memref<1x64x128xf32, #tpu.memory_space<vmem>> -> memref<64x128xf32, #tpu.memory_space<vmem>>
        %gather3A_855 = tpu.vector_load_idx %gather3A_854[%add3A_849, %broadcast_in_dim3A_821] : memref<64x128xf32, #tpu.memory_space<vmem>>[vector<16xi32>, vector<16xi32>], vector<16xf32>,
        %add3A_856 = arith.constant 32 : i32
        %add3A_857 = vector.broadcast %add3A_856 : i32 to vector<16xi32>
        %add3A_858 = arith.addi %iota3A, %add3A_857 : vector<16xi32>
        tpu.vector_store_idx %arg10[%broadcast_in_dim3A_822, %add3A_858], %gather3A_855 : memref<64x64xf32, #tpu.memory_space<vmem>>[vector<16xi32>, vector<16xi32>], vector<16xf32>,
        %add3A_859 = arith.constant 48 : i32
        %add3A_860 = vector.broadcast %add3A_859 : i32 to vector<16xi32>
        %add3A_861 = arith.addi %iota3A, %add3A_860 : vector<16xi32>
        %gather3A_862 = arith.constant 8 : i32
        %gather3A_863 = arith.constant 0 : i32
        %gather3A_864 = arith.constant 0 : i32
        %gather3A_865 = tpu.memref_slice %arg11[%gather3A_862, %gather3A_863, %gather3A_864] : memref<12x64x128xf32, #tpu.memory_space<vmem>> -> memref<1x64x128xf32, #tpu.memory_space<vmem>>
        %gather3A_866 = tpu.memref_squeeze %gather3A_865 : memref<1x64x128xf32, #tpu.memory_space<vmem>> -> memref<64x128xf32, #tpu.memory_space<vmem>>
        %gather3A_867 = tpu.vector_load_idx %gather3A_866[%add3A_861, %broadcast_in_dim3A_821] : memref<64x128xf32, #tpu.memory_space<vmem>>[vector<16xi32>, vector<16xi32>], vector<16xf32>,
        %add3A_868 = arith.constant 48 : i32
        %add3A_869 = vector.broadcast %add3A_868 : i32 to vector<16xi32>
        %add3A_870 = arith.addi %iota3A, %add3A_869 : vector<16xi32>
        tpu.vector_store_idx %arg10[%broadcast_in_dim3A_822, %add3A_870], %gather3A_867 : memref<64x64xf32, #tpu.memory_space<vmem>>[vector<16xi32>, vector<16xi32>], vector<16xf32>,
        %mul3A_871 = arith.constant 4 : i32
        %mul3A_872 = arith.muli %add3A_715, %mul3A_871 : i32
        %add3A_873 = arith.constant 1 : i32
        %add3A_874 = arith.addi %mul3A_872, %add3A_873 : i32
        %sub3A_875 = arith.constant 0 : i32
        %sub3A_876 = arith.subi %add3A_874, %sub3A_875 : i32
        %broadcast_in_dim3A_877 = vector.broadcast %sub3A_876 : i32 to vector<16xi32>
        %gather3A_878 = tpu.vector_load_idx %arg8[%broadcast_in_dim3A_877] : memref<32xi32, #tpu.memory_space<vmem>>[vector<16xi32>], vector<16xi32>,
        %slice3A_879 = vector.extract_strided_slice %gather3A_878 {offsets = [0], sizes = [1], strides = [1]} : vector<16xi32> to vector<1xi32>
        %squeeze3A_880 = vector.extract %slice3A_879[0] : i32 from vector<1xi32>
        %and3A_881 = arith.constant 127 : i32
        %and3A_882 = arith.andi %squeeze3A_880, %and3A_881 : i32
        %broadcast_in_dim3A_883 = vector.broadcast %and3A_882 : i32 to vector<16xi32>
        %broadcast_in_dim3A_884 = vector.broadcast %add3A_874 : i32 to vector<16xi32>
        %add3A_885 = arith.constant 0 : i32
        %add3A_886 = vector.broadcast %add3A_885 : i32 to vector<16xi32>
        %add3A_887 = arith.addi %iota3A, %add3A_886 : vector<16xi32>
        %gather3A_888 = arith.constant 9 : i32
        %gather3A_889 = arith.constant 0 : i32
        %gather3A_890 = arith.constant 0 : i32
        %gather3A_891 = tpu.memref_slice %arg11[%gather3A_888, %gather3A_889, %gather3A_890] : memref<12x64x128xf32, #tpu.memory_space<vmem>> -> memref<1x64x128xf32, #tpu.memory_space<vmem>>
        %gather3A_892 = tpu.memref_squeeze %gather3A_891 : memref<1x64x128xf32, #tpu.memory_space<vmem>> -> memref<64x128xf32, #tpu.memory_space<vmem>>
        %gather3A_893 = tpu.vector_load_idx %gather3A_892[%add3A_887, %broadcast_in_dim3A_883] : memref<64x128xf32, #tpu.memory_space<vmem>>[vector<16xi32>, vector<16xi32>], vector<16xf32>,
        %add3A_894 = arith.constant 0 : i32
        %add3A_895 = vector.broadcast %add3A_894 : i32 to vector<16xi32>
        %add3A_896 = arith.addi %iota3A, %add3A_895 : vector<16xi32>
        tpu.vector_store_idx %arg10[%broadcast_in_dim3A_884, %add3A_896], %gather3A_893 : memref<64x64xf32, #tpu.memory_space<vmem>>[vector<16xi32>, vector<16xi32>], vector<16xf32>,
        %add3A_897 = arith.constant 16 : i32
        %add3A_898 = vector.broadcast %add3A_897 : i32 to vector<16xi32>
        %add3A_899 = arith.addi %iota3A, %add3A_898 : vector<16xi32>
        %gather3A_900 = arith.constant 9 : i32
        %gather3A_901 = arith.constant 0 : i32
        %gather3A_902 = arith.constant 0 : i32
        %gather3A_903 = tpu.memref_slice %arg11[%gather3A_900, %gather3A_901, %gather3A_902] : memref<12x64x128xf32, #tpu.memory_space<vmem>> -> memref<1x64x128xf32, #tpu.memory_space<vmem>>
        %gather3A_904 = tpu.memref_squeeze %gather3A_903 : memref<1x64x128xf32, #tpu.memory_space<vmem>> -> memref<64x128xf32, #tpu.memory_space<vmem>>
        %gather3A_905 = tpu.vector_load_idx %gather3A_904[%add3A_899, %broadcast_in_dim3A_883] : memref<64x128xf32, #tpu.memory_space<vmem>>[vector<16xi32>, vector<16xi32>], vector<16xf32>,
        %add3A_906 = arith.constant 16 : i32
        %add3A_907 = vector.broadcast %add3A_906 : i32 to vector<16xi32>
        %add3A_908 = arith.addi %iota3A, %add3A_907 : vector<16xi32>
        tpu.vector_store_idx %arg10[%broadcast_in_dim3A_884, %add3A_908], %gather3A_905 : memref<64x64xf32, #tpu.memory_space<vmem>>[vector<16xi32>, vector<16xi32>], vector<16xf32>,
        %add3A_909 = arith.constant 32 : i32
        %add3A_910 = vector.broadcast %add3A_909 : i32 to vector<16xi32>
        %add3A_911 = arith.addi %iota3A, %add3A_910 : vector<16xi32>
        %gather3A_912 = arith.constant 9 : i32
        %gather3A_913 = arith.constant 0 : i32
        %gather3A_914 = arith.constant 0 : i32
        %gather3A_915 = tpu.memref_slice %arg11[%gather3A_912, %gather3A_913, %gather3A_914] : memref<12x64x128xf32, #tpu.memory_space<vmem>> -> memref<1x64x128xf32, #tpu.memory_space<vmem>>
        %gather3A_916 = tpu.memref_squeeze %gather3A_915 : memref<1x64x128xf32, #tpu.memory_space<vmem>> -> memref<64x128xf32, #tpu.memory_space<vmem>>
        %gather3A_917 = tpu.vector_load_idx %gather3A_916[%add3A_911, %broadcast_in_dim3A_883] : memref<64x128xf32, #tpu.memory_space<vmem>>[vector<16xi32>, vector<16xi32>], vector<16xf32>,
        %add3A_918 = arith.constant 32 : i32
        %add3A_919 = vector.broadcast %add3A_918 : i32 to vector<16xi32>
        %add3A_920 = arith.addi %iota3A, %add3A_919 : vector<16xi32>
        tpu.vector_store_idx %arg10[%broadcast_in_dim3A_884, %add3A_920], %gather3A_917 : memref<64x64xf32, #tpu.memory_space<vmem>>[vector<16xi32>, vector<16xi32>], vector<16xf32>,
        %add3A_921 = arith.constant 48 : i32
        %add3A_922 = vector.broadcast %add3A_921 : i32 to vector<16xi32>
        %add3A_923 = arith.addi %iota3A, %add3A_922 : vector<16xi32>
        %gather3A_924 = arith.constant 9 : i32
        %gather3A_925 = arith.constant 0 : i32
        %gather3A_926 = arith.constant 0 : i32
        %gather3A_927 = tpu.memref_slice %arg11[%gather3A_924, %gather3A_925, %gather3A_926] : memref<12x64x128xf32, #tpu.memory_space<vmem>> -> memref<1x64x128xf32, #tpu.memory_space<vmem>>
        %gather3A_928 = tpu.memref_squeeze %gather3A_927 : memref<1x64x128xf32, #tpu.memory_space<vmem>> -> memref<64x128xf32, #tpu.memory_space<vmem>>
        %gather3A_929 = tpu.vector_load_idx %gather3A_928[%add3A_923, %broadcast_in_dim3A_883] : memref<64x128xf32, #tpu.memory_space<vmem>>[vector<16xi32>, vector<16xi32>], vector<16xf32>,
        %add3A_930 = arith.constant 48 : i32
        %add3A_931 = vector.broadcast %add3A_930 : i32 to vector<16xi32>
        %add3A_932 = arith.addi %iota3A, %add3A_931 : vector<16xi32>
        tpu.vector_store_idx %arg10[%broadcast_in_dim3A_884, %add3A_932], %gather3A_929 : memref<64x64xf32, #tpu.memory_space<vmem>>[vector<16xi32>, vector<16xi32>], vector<16xf32>,
        %mul3A_933 = arith.constant 4 : i32
        %mul3A_934 = arith.muli %add3A_715, %mul3A_933 : i32
        %add3A_935 = arith.constant 2 : i32
        %add3A_936 = arith.addi %mul3A_934, %add3A_935 : i32
        %sub3A_937 = arith.constant 0 : i32
        %sub3A_938 = arith.subi %add3A_936, %sub3A_937 : i32
        %broadcast_in_dim3A_939 = vector.broadcast %sub3A_938 : i32 to vector<16xi32>
        %gather3A_940 = tpu.vector_load_idx %arg8[%broadcast_in_dim3A_939] : memref<32xi32, #tpu.memory_space<vmem>>[vector<16xi32>], vector<16xi32>,
        %slice3A_941 = vector.extract_strided_slice %gather3A_940 {offsets = [0], sizes = [1], strides = [1]} : vector<16xi32> to vector<1xi32>
        %squeeze3A_942 = vector.extract %slice3A_941[0] : i32 from vector<1xi32>
        %and3A_943 = arith.constant 127 : i32
        %and3A_944 = arith.andi %squeeze3A_942, %and3A_943 : i32
        %broadcast_in_dim3A_945 = vector.broadcast %and3A_944 : i32 to vector<16xi32>
        %broadcast_in_dim3A_946 = vector.broadcast %add3A_936 : i32 to vector<16xi32>
        %add3A_947 = arith.constant 0 : i32
        %add3A_948 = vector.broadcast %add3A_947 : i32 to vector<16xi32>
        %add3A_949 = arith.addi %iota3A, %add3A_948 : vector<16xi32>
        %gather3A_950 = arith.constant 10 : i32
        %gather3A_951 = arith.constant 0 : i32
        %gather3A_952 = arith.constant 0 : i32
        %gather3A_953 = tpu.memref_slice %arg11[%gather3A_950, %gather3A_951, %gather3A_952] : memref<12x64x128xf32, #tpu.memory_space<vmem>> -> memref<1x64x128xf32, #tpu.memory_space<vmem>>
        %gather3A_954 = tpu.memref_squeeze %gather3A_953 : memref<1x64x128xf32, #tpu.memory_space<vmem>> -> memref<64x128xf32, #tpu.memory_space<vmem>>
        %gather3A_955 = tpu.vector_load_idx %gather3A_954[%add3A_949, %broadcast_in_dim3A_945] : memref<64x128xf32, #tpu.memory_space<vmem>>[vector<16xi32>, vector<16xi32>], vector<16xf32>,
        %add3A_956 = arith.constant 0 : i32
        %add3A_957 = vector.broadcast %add3A_956 : i32 to vector<16xi32>
        %add3A_958 = arith.addi %iota3A, %add3A_957 : vector<16xi32>
        tpu.vector_store_idx %arg10[%broadcast_in_dim3A_946, %add3A_958], %gather3A_955 : memref<64x64xf32, #tpu.memory_space<vmem>>[vector<16xi32>, vector<16xi32>], vector<16xf32>,
        %add3A_959 = arith.constant 16 : i32
        %add3A_960 = vector.broadcast %add3A_959 : i32 to vector<16xi32>
        %add3A_961 = arith.addi %iota3A, %add3A_960 : vector<16xi32>
        %gather3A_962 = arith.constant 10 : i32
        %gather3A_963 = arith.constant 0 : i32
        %gather3A_964 = arith.constant 0 : i32
        %gather3A_965 = tpu.memref_slice %arg11[%gather3A_962, %gather3A_963, %gather3A_964] : memref<12x64x128xf32, #tpu.memory_space<vmem>> -> memref<1x64x128xf32, #tpu.memory_space<vmem>>
        %gather3A_966 = tpu.memref_squeeze %gather3A_965 : memref<1x64x128xf32, #tpu.memory_space<vmem>> -> memref<64x128xf32, #tpu.memory_space<vmem>>
        %gather3A_967 = tpu.vector_load_idx %gather3A_966[%add3A_961, %broadcast_in_dim3A_945] : memref<64x128xf32, #tpu.memory_space<vmem>>[vector<16xi32>, vector<16xi32>], vector<16xf32>,
        %add3A_968 = arith.constant 16 : i32
        %add3A_969 = vector.broadcast %add3A_968 : i32 to vector<16xi32>
        %add3A_970 = arith.addi %iota3A, %add3A_969 : vector<16xi32>
        tpu.vector_store_idx %arg10[%broadcast_in_dim3A_946, %add3A_970], %gather3A_967 : memref<64x64xf32, #tpu.memory_space<vmem>>[vector<16xi32>, vector<16xi32>], vector<16xf32>,
        %add3A_971 = arith.constant 32 : i32
        %add3A_972 = vector.broadcast %add3A_971 : i32 to vector<16xi32>
        %add3A_973 = arith.addi %iota3A, %add3A_972 : vector<16xi32>
        %gather3A_974 = arith.constant 10 : i32
        %gather3A_975 = arith.constant 0 : i32
        %gather3A_976 = arith.constant 0 : i32
        %gather3A_977 = tpu.memref_slice %arg11[%gather3A_974, %gather3A_975, %gather3A_976] : memref<12x64x128xf32, #tpu.memory_space<vmem>> -> memref<1x64x128xf32, #tpu.memory_space<vmem>>
        %gather3A_978 = tpu.memref_squeeze %gather3A_977 : memref<1x64x128xf32, #tpu.memory_space<vmem>> -> memref<64x128xf32, #tpu.memory_space<vmem>>
        %gather3A_979 = tpu.vector_load_idx %gather3A_978[%add3A_973, %broadcast_in_dim3A_945] : memref<64x128xf32, #tpu.memory_space<vmem>>[vector<16xi32>, vector<16xi32>], vector<16xf32>,
        %add3A_980 = arith.constant 32 : i32
        %add3A_981 = vector.broadcast %add3A_980 : i32 to vector<16xi32>
        %add3A_982 = arith.addi %iota3A, %add3A_981 : vector<16xi32>
        tpu.vector_store_idx %arg10[%broadcast_in_dim3A_946, %add3A_982], %gather3A_979 : memref<64x64xf32, #tpu.memory_space<vmem>>[vector<16xi32>, vector<16xi32>], vector<16xf32>,
        %add3A_983 = arith.constant 48 : i32
        %add3A_984 = vector.broadcast %add3A_983 : i32 to vector<16xi32>
        %add3A_985 = arith.addi %iota3A, %add3A_984 : vector<16xi32>
        %gather3A_986 = arith.constant 10 : i32
        %gather3A_987 = arith.constant 0 : i32
        %gather3A_988 = arith.constant 0 : i32
        %gather3A_989 = tpu.memref_slice %arg11[%gather3A_986, %gather3A_987, %gather3A_988] : memref<12x64x128xf32, #tpu.memory_space<vmem>> -> memref<1x64x128xf32, #tpu.memory_space<vmem>>
        %gather3A_990 = tpu.memref_squeeze %gather3A_989 : memref<1x64x128xf32, #tpu.memory_space<vmem>> -> memref<64x128xf32, #tpu.memory_space<vmem>>
        %gather3A_991 = tpu.vector_load_idx %gather3A_990[%add3A_985, %broadcast_in_dim3A_945] : memref<64x128xf32, #tpu.memory_space<vmem>>[vector<16xi32>, vector<16xi32>], vector<16xf32>,
        %add3A_992 = arith.constant 48 : i32
        %add3A_993 = vector.broadcast %add3A_992 : i32 to vector<16xi32>
        %add3A_994 = arith.addi %iota3A, %add3A_993 : vector<16xi32>
        tpu.vector_store_idx %arg10[%broadcast_in_dim3A_946, %add3A_994], %gather3A_991 : memref<64x64xf32, #tpu.memory_space<vmem>>[vector<16xi32>, vector<16xi32>], vector<16xf32>,
        %mul3A_995 = arith.constant 4 : i32
        %mul3A_996 = arith.muli %add3A_715, %mul3A_995 : i32
        %add3A_997 = arith.constant 3 : i32
        %add3A_998 = arith.addi %mul3A_996, %add3A_997 : i32
        %sub3A_999 = arith.constant 0 : i32
        %sub3A_1000 = arith.subi %add3A_998, %sub3A_999 : i32
        %broadcast_in_dim3A_1001 = vector.broadcast %sub3A_1000 : i32 to vector<16xi32>
        %gather3A_1002 = tpu.vector_load_idx %arg8[%broadcast_in_dim3A_1001] : memref<32xi32, #tpu.memory_space<vmem>>[vector<16xi32>], vector<16xi32>,
        %slice3A_1003 = vector.extract_strided_slice %gather3A_1002 {offsets = [0], sizes = [1], strides = [1]} : vector<16xi32> to vector<1xi32>
        %squeeze3A_1004 = vector.extract %slice3A_1003[0] : i32 from vector<1xi32>
        %and3A_1005 = arith.constant 127 : i32
        %and3A_1006 = arith.andi %squeeze3A_1004, %and3A_1005 : i32
        %broadcast_in_dim3A_1007 = vector.broadcast %and3A_1006 : i32 to vector<16xi32>
        %broadcast_in_dim3A_1008 = vector.broadcast %add3A_998 : i32 to vector<16xi32>
        %add3A_1009 = arith.constant 0 : i32
        %add3A_1010 = vector.broadcast %add3A_1009 : i32 to vector<16xi32>
        %add3A_1011 = arith.addi %iota3A, %add3A_1010 : vector<16xi32>
        %gather3A_1012 = arith.constant 11 : i32
        %gather3A_1013 = arith.constant 0 : i32
        %gather3A_1014 = arith.constant 0 : i32
        %gather3A_1015 = tpu.memref_slice %arg11[%gather3A_1012, %gather3A_1013, %gather3A_1014] : memref<12x64x128xf32, #tpu.memory_space<vmem>> -> memref<1x64x128xf32, #tpu.memory_space<vmem>>
        %gather3A_1016 = tpu.memref_squeeze %gather3A_1015 : memref<1x64x128xf32, #tpu.memory_space<vmem>> -> memref<64x128xf32, #tpu.memory_space<vmem>>
        %gather3A_1017 = tpu.vector_load_idx %gather3A_1016[%add3A_1011, %broadcast_in_dim3A_1007] : memref<64x128xf32, #tpu.memory_space<vmem>>[vector<16xi32>, vector<16xi32>], vector<16xf32>,
        %add3A_1018 = arith.constant 0 : i32
        %add3A_1019 = vector.broadcast %add3A_1018 : i32 to vector<16xi32>
        %add3A_1020 = arith.addi %iota3A, %add3A_1019 : vector<16xi32>
        tpu.vector_store_idx %arg10[%broadcast_in_dim3A_1008, %add3A_1020], %gather3A_1017 : memref<64x64xf32, #tpu.memory_space<vmem>>[vector<16xi32>, vector<16xi32>], vector<16xf32>,
        %add3A_1021 = arith.constant 16 : i32
        %add3A_1022 = vector.broadcast %add3A_1021 : i32 to vector<16xi32>
        %add3A_1023 = arith.addi %iota3A, %add3A_1022 : vector<16xi32>
        %gather3A_1024 = arith.constant 11 : i32
        %gather3A_1025 = arith.constant 0 : i32
        %gather3A_1026 = arith.constant 0 : i32
        %gather3A_1027 = tpu.memref_slice %arg11[%gather3A_1024, %gather3A_1025, %gather3A_1026] : memref<12x64x128xf32, #tpu.memory_space<vmem>> -> memref<1x64x128xf32, #tpu.memory_space<vmem>>
        %gather3A_1028 = tpu.memref_squeeze %gather3A_1027 : memref<1x64x128xf32, #tpu.memory_space<vmem>> -> memref<64x128xf32, #tpu.memory_space<vmem>>
        %gather3A_1029 = tpu.vector_load_idx %gather3A_1028[%add3A_1023, %broadcast_in_dim3A_1007] : memref<64x128xf32, #tpu.memory_space<vmem>>[vector<16xi32>, vector<16xi32>], vector<16xf32>,
        %add3A_1030 = arith.constant 16 : i32
        %add3A_1031 = vector.broadcast %add3A_1030 : i32 to vector<16xi32>
        %add3A_1032 = arith.addi %iota3A, %add3A_1031 : vector<16xi32>
        tpu.vector_store_idx %arg10[%broadcast_in_dim3A_1008, %add3A_1032], %gather3A_1029 : memref<64x64xf32, #tpu.memory_space<vmem>>[vector<16xi32>, vector<16xi32>], vector<16xf32>,
        %add3A_1033 = arith.constant 32 : i32
        %add3A_1034 = vector.broadcast %add3A_1033 : i32 to vector<16xi32>
        %add3A_1035 = arith.addi %iota3A, %add3A_1034 : vector<16xi32>
        %gather3A_1036 = arith.constant 11 : i32
        %gather3A_1037 = arith.constant 0 : i32
        %gather3A_1038 = arith.constant 0 : i32
        %gather3A_1039 = tpu.memref_slice %arg11[%gather3A_1036, %gather3A_1037, %gather3A_1038] : memref<12x64x128xf32, #tpu.memory_space<vmem>> -> memref<1x64x128xf32, #tpu.memory_space<vmem>>
        %gather3A_1040 = tpu.memref_squeeze %gather3A_1039 : memref<1x64x128xf32, #tpu.memory_space<vmem>> -> memref<64x128xf32, #tpu.memory_space<vmem>>
        %gather3A_1041 = tpu.vector_load_idx %gather3A_1040[%add3A_1035, %broadcast_in_dim3A_1007] : memref<64x128xf32, #tpu.memory_space<vmem>>[vector<16xi32>, vector<16xi32>], vector<16xf32>,
        %add3A_1042 = arith.constant 32 : i32
        %add3A_1043 = vector.broadcast %add3A_1042 : i32 to vector<16xi32>
        %add3A_1044 = arith.addi %iota3A, %add3A_1043 : vector<16xi32>
        tpu.vector_store_idx %arg10[%broadcast_in_dim3A_1008, %add3A_1044], %gather3A_1041 : memref<64x64xf32, #tpu.memory_space<vmem>>[vector<16xi32>, vector<16xi32>], vector<16xf32>,
        %add3A_1045 = arith.constant 48 : i32
        %add3A_1046 = vector.broadcast %add3A_1045 : i32 to vector<16xi32>
        %add3A_1047 = arith.addi %iota3A, %add3A_1046 : vector<16xi32>
        %gather3A_1048 = arith.constant 11 : i32
        %gather3A_1049 = arith.constant 0 : i32
        %gather3A_1050 = arith.constant 0 : i32
        %gather3A_1051 = tpu.memref_slice %arg11[%gather3A_1048, %gather3A_1049, %gather3A_1050] : memref<12x64x128xf32, #tpu.memory_space<vmem>> -> memref<1x64x128xf32, #tpu.memory_space<vmem>>
        %gather3A_1052 = tpu.memref_squeeze %gather3A_1051 : memref<1x64x128xf32, #tpu.memory_space<vmem>> -> memref<64x128xf32, #tpu.memory_space<vmem>>
        %gather3A_1053 = tpu.vector_load_idx %gather3A_1052[%add3A_1047, %broadcast_in_dim3A_1007] : memref<64x128xf32, #tpu.memory_space<vmem>>[vector<16xi32>, vector<16xi32>], vector<16xf32>,
        %add3A_1054 = arith.constant 48 : i32
        %add3A_1055 = vector.broadcast %add3A_1054 : i32 to vector<16xi32>
        %add3A_1056 = arith.addi %iota3A, %add3A_1055 : vector<16xi32>
        tpu.vector_store_idx %arg10[%broadcast_in_dim3A_1008, %add3A_1056], %gather3A_1053 : memref<64x64xf32, #tpu.memory_space<vmem>>[vector<16xi32>, vector<16xi32>], vector<16xf32>,
      } else {
      }
      %ge3A_800 = arith.constant 8 : i32
      %ge3A_801 = arith.cmpi sge, %add3A_715, %ge3A_800 : i32
      %convert_element_type3A_802 = arith.extui %ge3A_801 : i1 to i32
      %cond3A_803 = arith.constant 0 : i32
      %cond3A_804 = arith.cmpi ne, %convert_element_type3A_802, %cond3A_803 : i32
      scf.if %cond3A_804 {
        %mul3A_810 = arith.constant 4 : i32
        %mul3A_811 = arith.muli %add3A_715, %mul3A_810 : i32
        %add3A_812 = arith.constant 0 : i32
        %add3A_813 = arith.addi %mul3A_811, %add3A_812 : i32
        %sub3A = arith.constant 32 : i32
        %sub3A_814 = arith.subi %add3A_813, %sub3A : i32
        %broadcast_in_dim3A_815 = vector.broadcast %sub3A_814 : i32 to vector<16xi32>
        %gather3A_816 = tpu.vector_load_idx %arg9[%broadcast_in_dim3A_815] : memref<32xi32, #tpu.memory_space<vmem>>[vector<16xi32>], vector<16xi32>,
        %slice3A_817 = vector.extract_strided_slice %gather3A_816 {offsets = [0], sizes = [1], strides = [1]} : vector<16xi32> to vector<1xi32>
        %squeeze3A_818 = vector.extract %slice3A_817[0] : i32 from vector<1xi32>
        %and3A_819 = arith.constant 127 : i32
        %and3A_820 = arith.andi %squeeze3A_818, %and3A_819 : i32
        %broadcast_in_dim3A_821 = vector.broadcast %and3A_820 : i32 to vector<16xi32>
        %broadcast_in_dim3A_822 = vector.broadcast %add3A_813 : i32 to vector<16xi32>
        %add3A_823 = arith.constant 0 : i32
        %add3A_824 = vector.broadcast %add3A_823 : i32 to vector<16xi32>
        %add3A_825 = arith.addi %iota3A, %add3A_824 : vector<16xi32>
        %gather3A_826 = arith.constant 8 : i32
        %gather3A_827 = arith.constant 0 : i32
        %gather3A_828 = arith.constant 0 : i32
        %gather3A_829 = tpu.memref_slice %arg11[%gather3A_826, %gather3A_827, %gather3A_828] : memref<12x64x128xf32, #tpu.memory_space<vmem>> -> memref<1x64x128xf32, #tpu.memory_space<vmem>>
        %gather3A_830 = tpu.memref_squeeze %gather3A_829 : memref<1x64x128xf32, #tpu.memory_space<vmem>> -> memref<64x128xf32, #tpu.memory_space<vmem>>
        %gather3A_831 = tpu.vector_load_idx %gather3A_830[%add3A_825, %broadcast_in_dim3A_821] : memref<64x128xf32, #tpu.memory_space<vmem>>[vector<16xi32>, vector<16xi32>], vector<16xf32>,
        %add3A_832 = arith.constant 0 : i32
        %add3A_833 = vector.broadcast %add3A_832 : i32 to vector<16xi32>
        %add3A_834 = arith.addi %iota3A, %add3A_833 : vector<16xi32>
        tpu.vector_store_idx %arg10[%broadcast_in_dim3A_822, %add3A_834], %gather3A_831 : memref<64x64xf32, #tpu.memory_space<vmem>>[vector<16xi32>, vector<16xi32>], vector<16xf32>,
        %add3A_835 = arith.constant 16 : i32
        %add3A_836 = vector.broadcast %add3A_835 : i32 to vector<16xi32>
        %add3A_837 = arith.addi %iota3A, %add3A_836 : vector<16xi32>
        %gather3A_838 = arith.constant 8 : i32
        %gather3A_839 = arith.constant 0 : i32
        %gather3A_840 = arith.constant 0 : i32
        %gather3A_841 = tpu.memref_slice %arg11[%gather3A_838, %gather3A_839, %gather3A_840] : memref<12x64x128xf32, #tpu.memory_space<vmem>> -> memref<1x64x128xf32, #tpu.memory_space<vmem>>
        %gather3A_842 = tpu.memref_squeeze %gather3A_841 : memref<1x64x128xf32, #tpu.memory_space<vmem>> -> memref<64x128xf32, #tpu.memory_space<vmem>>
        %gather3A_843 = tpu.vector_load_idx %gather3A_842[%add3A_837, %broadcast_in_dim3A_821] : memref<64x128xf32, #tpu.memory_space<vmem>>[vector<16xi32>, vector<16xi32>], vector<16xf32>,
        %add3A_844 = arith.constant 16 : i32
        %add3A_845 = vector.broadcast %add3A_844 : i32 to vector<16xi32>
        %add3A_846 = arith.addi %iota3A, %add3A_845 : vector<16xi32>
        tpu.vector_store_idx %arg10[%broadcast_in_dim3A_822, %add3A_846], %gather3A_843 : memref<64x64xf32, #tpu.memory_space<vmem>>[vector<16xi32>, vector<16xi32>], vector<16xf32>,
        %add3A_847 = arith.constant 32 : i32
        %add3A_848 = vector.broadcast %add3A_847 : i32 to vector<16xi32>
        %add3A_849 = arith.addi %iota3A, %add3A_848 : vector<16xi32>
        %gather3A_850 = arith.constant 8 : i32
        %gather3A_851 = arith.constant 0 : i32
        %gather3A_852 = arith.constant 0 : i32
        %gather3A_853 = tpu.memref_slice %arg11[%gather3A_850, %gather3A_851, %gather3A_852] : memref<12x64x128xf32, #tpu.memory_space<vmem>> -> memref<1x64x128xf32, #tpu.memory_space<vmem>>
        %gather3A_854 = tpu.memref_squeeze %gather3A_853 : memref<1x64x128xf32, #tpu.memory_space<vmem>> -> memref<64x128xf32, #tpu.memory_space<vmem>>
        %gather3A_855 = tpu.vector_load_idx %gather3A_854[%add3A_849, %broadcast_in_dim3A_821] : memref<64x128xf32, #tpu.memory_space<vmem>>[vector<16xi32>, vector<16xi32>], vector<16xf32>,
        %add3A_856 = arith.constant 32 : i32
        %add3A_857 = vector.broadcast %add3A_856 : i32 to vector<16xi32>
        %add3A_858 = arith.addi %iota3A, %add3A_857 : vector<16xi32>
        tpu.vector_store_idx %arg10[%broadcast_in_dim3A_822, %add3A_858], %gather3A_855 : memref<64x64xf32, #tpu.memory_space<vmem>>[vector<16xi32>, vector<16xi32>], vector<16xf32>,
        %add3A_859 = arith.constant 48 : i32
        %add3A_860 = vector.broadcast %add3A_859 : i32 to vector<16xi32>
        %add3A_861 = arith.addi %iota3A, %add3A_860 : vector<16xi32>
        %gather3A_862 = arith.constant 8 : i32
        %gather3A_863 = arith.constant 0 : i32
        %gather3A_864 = arith.constant 0 : i32
        %gather3A_865 = tpu.memref_slice %arg11[%gather3A_862, %gather3A_863, %gather3A_864] : memref<12x64x128xf32, #tpu.memory_space<vmem>> -> memref<1x64x128xf32, #tpu.memory_space<vmem>>
        %gather3A_866 = tpu.memref_squeeze %gather3A_865 : memref<1x64x128xf32, #tpu.memory_space<vmem>> -> memref<64x128xf32, #tpu.memory_space<vmem>>
        %gather3A_867 = tpu.vector_load_idx %gather3A_866[%add3A_861, %broadcast_in_dim3A_821] : memref<64x128xf32, #tpu.memory_space<vmem>>[vector<16xi32>, vector<16xi32>], vector<16xf32>,
        %add3A_868 = arith.constant 48 : i32
        %add3A_869 = vector.broadcast %add3A_868 : i32 to vector<16xi32>
        %add3A_870 = arith.addi %iota3A, %add3A_869 : vector<16xi32>
        tpu.vector_store_idx %arg10[%broadcast_in_dim3A_822, %add3A_870], %gather3A_867 : memref<64x64xf32, #tpu.memory_space<vmem>>[vector<16xi32>, vector<16xi32>], vector<16xf32>,
        %mul3A_871 = arith.constant 4 : i32
        %mul3A_872 = arith.muli %add3A_715, %mul3A_871 : i32
        %add3A_873 = arith.constant 1 : i32
        %add3A_874 = arith.addi %mul3A_872, %add3A_873 : i32
        %sub3A_875 = arith.constant 32 : i32
        %sub3A_876 = arith.subi %add3A_874, %sub3A_875 : i32
        %broadcast_in_dim3A_877 = vector.broadcast %sub3A_876 : i32 to vector<16xi32>
        %gather3A_878 = tpu.vector_load_idx %arg9[%broadcast_in_dim3A_877] : memref<32xi32, #tpu.memory_space<vmem>>[vector<16xi32>], vector<16xi32>,
        %slice3A_879 = vector.extract_strided_slice %gather3A_878 {offsets = [0], sizes = [1], strides = [1]} : vector<16xi32> to vector<1xi32>
        %squeeze3A_880 = vector.extract %slice3A_879[0] : i32 from vector<1xi32>
        %and3A_881 = arith.constant 127 : i32
        %and3A_882 = arith.andi %squeeze3A_880, %and3A_881 : i32
        %broadcast_in_dim3A_883 = vector.broadcast %and3A_882 : i32 to vector<16xi32>
        %broadcast_in_dim3A_884 = vector.broadcast %add3A_874 : i32 to vector<16xi32>
        %add3A_885 = arith.constant 0 : i32
        %add3A_886 = vector.broadcast %add3A_885 : i32 to vector<16xi32>
        %add3A_887 = arith.addi %iota3A, %add3A_886 : vector<16xi32>
        %gather3A_888 = arith.constant 9 : i32
        %gather3A_889 = arith.constant 0 : i32
        %gather3A_890 = arith.constant 0 : i32
        %gather3A_891 = tpu.memref_slice %arg11[%gather3A_888, %gather3A_889, %gather3A_890] : memref<12x64x128xf32, #tpu.memory_space<vmem>> -> memref<1x64x128xf32, #tpu.memory_space<vmem>>
        %gather3A_892 = tpu.memref_squeeze %gather3A_891 : memref<1x64x128xf32, #tpu.memory_space<vmem>> -> memref<64x128xf32, #tpu.memory_space<vmem>>
        %gather3A_893 = tpu.vector_load_idx %gather3A_892[%add3A_887, %broadcast_in_dim3A_883] : memref<64x128xf32, #tpu.memory_space<vmem>>[vector<16xi32>, vector<16xi32>], vector<16xf32>,
        %add3A_894 = arith.constant 0 : i32
        %add3A_895 = vector.broadcast %add3A_894 : i32 to vector<16xi32>
        %add3A_896 = arith.addi %iota3A, %add3A_895 : vector<16xi32>
        tpu.vector_store_idx %arg10[%broadcast_in_dim3A_884, %add3A_896], %gather3A_893 : memref<64x64xf32, #tpu.memory_space<vmem>>[vector<16xi32>, vector<16xi32>], vector<16xf32>,
        %add3A_897 = arith.constant 16 : i32
        %add3A_898 = vector.broadcast %add3A_897 : i32 to vector<16xi32>
        %add3A_899 = arith.addi %iota3A, %add3A_898 : vector<16xi32>
        %gather3A_900 = arith.constant 9 : i32
        %gather3A_901 = arith.constant 0 : i32
        %gather3A_902 = arith.constant 0 : i32
        %gather3A_903 = tpu.memref_slice %arg11[%gather3A_900, %gather3A_901, %gather3A_902] : memref<12x64x128xf32, #tpu.memory_space<vmem>> -> memref<1x64x128xf32, #tpu.memory_space<vmem>>
        %gather3A_904 = tpu.memref_squeeze %gather3A_903 : memref<1x64x128xf32, #tpu.memory_space<vmem>> -> memref<64x128xf32, #tpu.memory_space<vmem>>
        %gather3A_905 = tpu.vector_load_idx %gather3A_904[%add3A_899, %broadcast_in_dim3A_883] : memref<64x128xf32, #tpu.memory_space<vmem>>[vector<16xi32>, vector<16xi32>], vector<16xf32>,
        %add3A_906 = arith.constant 16 : i32
        %add3A_907 = vector.broadcast %add3A_906 : i32 to vector<16xi32>
        %add3A_908 = arith.addi %iota3A, %add3A_907 : vector<16xi32>
        tpu.vector_store_idx %arg10[%broadcast_in_dim3A_884, %add3A_908], %gather3A_905 : memref<64x64xf32, #tpu.memory_space<vmem>>[vector<16xi32>, vector<16xi32>], vector<16xf32>,
        %add3A_909 = arith.constant 32 : i32
        %add3A_910 = vector.broadcast %add3A_909 : i32 to vector<16xi32>
        %add3A_911 = arith.addi %iota3A, %add3A_910 : vector<16xi32>
        %gather3A_912 = arith.constant 9 : i32
        %gather3A_913 = arith.constant 0 : i32
        %gather3A_914 = arith.constant 0 : i32
        %gather3A_915 = tpu.memref_slice %arg11[%gather3A_912, %gather3A_913, %gather3A_914] : memref<12x64x128xf32, #tpu.memory_space<vmem>> -> memref<1x64x128xf32, #tpu.memory_space<vmem>>
        %gather3A_916 = tpu.memref_squeeze %gather3A_915 : memref<1x64x128xf32, #tpu.memory_space<vmem>> -> memref<64x128xf32, #tpu.memory_space<vmem>>
        %gather3A_917 = tpu.vector_load_idx %gather3A_916[%add3A_911, %broadcast_in_dim3A_883] : memref<64x128xf32, #tpu.memory_space<vmem>>[vector<16xi32>, vector<16xi32>], vector<16xf32>,
        %add3A_918 = arith.constant 32 : i32
        %add3A_919 = vector.broadcast %add3A_918 : i32 to vector<16xi32>
        %add3A_920 = arith.addi %iota3A, %add3A_919 : vector<16xi32>
        tpu.vector_store_idx %arg10[%broadcast_in_dim3A_884, %add3A_920], %gather3A_917 : memref<64x64xf32, #tpu.memory_space<vmem>>[vector<16xi32>, vector<16xi32>], vector<16xf32>,
        %add3A_921 = arith.constant 48 : i32
        %add3A_922 = vector.broadcast %add3A_921 : i32 to vector<16xi32>
        %add3A_923 = arith.addi %iota3A, %add3A_922 : vector<16xi32>
        %gather3A_924 = arith.constant 9 : i32
        %gather3A_925 = arith.constant 0 : i32
        %gather3A_926 = arith.constant 0 : i32
        %gather3A_927 = tpu.memref_slice %arg11[%gather3A_924, %gather3A_925, %gather3A_926] : memref<12x64x128xf32, #tpu.memory_space<vmem>> -> memref<1x64x128xf32, #tpu.memory_space<vmem>>
        %gather3A_928 = tpu.memref_squeeze %gather3A_927 : memref<1x64x128xf32, #tpu.memory_space<vmem>> -> memref<64x128xf32, #tpu.memory_space<vmem>>
        %gather3A_929 = tpu.vector_load_idx %gather3A_928[%add3A_923, %broadcast_in_dim3A_883] : memref<64x128xf32, #tpu.memory_space<vmem>>[vector<16xi32>, vector<16xi32>], vector<16xf32>,
        %add3A_930 = arith.constant 48 : i32
        %add3A_931 = vector.broadcast %add3A_930 : i32 to vector<16xi32>
        %add3A_932 = arith.addi %iota3A, %add3A_931 : vector<16xi32>
        tpu.vector_store_idx %arg10[%broadcast_in_dim3A_884, %add3A_932], %gather3A_929 : memref<64x64xf32, #tpu.memory_space<vmem>>[vector<16xi32>, vector<16xi32>], vector<16xf32>,
        %mul3A_933 = arith.constant 4 : i32
        %mul3A_934 = arith.muli %add3A_715, %mul3A_933 : i32
        %add3A_935 = arith.constant 2 : i32
        %add3A_936 = arith.addi %mul3A_934, %add3A_935 : i32
        %sub3A_937 = arith.constant 32 : i32
        %sub3A_938 = arith.subi %add3A_936, %sub3A_937 : i32
        %broadcast_in_dim3A_939 = vector.broadcast %sub3A_938 : i32 to vector<16xi32>
        %gather3A_940 = tpu.vector_load_idx %arg9[%broadcast_in_dim3A_939] : memref<32xi32, #tpu.memory_space<vmem>>[vector<16xi32>], vector<16xi32>,
        %slice3A_941 = vector.extract_strided_slice %gather3A_940 {offsets = [0], sizes = [1], strides = [1]} : vector<16xi32> to vector<1xi32>
        %squeeze3A_942 = vector.extract %slice3A_941[0] : i32 from vector<1xi32>
        %and3A_943 = arith.constant 127 : i32
        %and3A_944 = arith.andi %squeeze3A_942, %and3A_943 : i32
        %broadcast_in_dim3A_945 = vector.broadcast %and3A_944 : i32 to vector<16xi32>
        %broadcast_in_dim3A_946 = vector.broadcast %add3A_936 : i32 to vector<16xi32>
        %add3A_947 = arith.constant 0 : i32
        %add3A_948 = vector.broadcast %add3A_947 : i32 to vector<16xi32>
        %add3A_949 = arith.addi %iota3A, %add3A_948 : vector<16xi32>
        %gather3A_950 = arith.constant 10 : i32
        %gather3A_951 = arith.constant 0 : i32
        %gather3A_952 = arith.constant 0 : i32
        %gather3A_953 = tpu.memref_slice %arg11[%gather3A_950, %gather3A_951, %gather3A_952] : memref<12x64x128xf32, #tpu.memory_space<vmem>> -> memref<1x64x128xf32, #tpu.memory_space<vmem>>
        %gather3A_954 = tpu.memref_squeeze %gather3A_953 : memref<1x64x128xf32, #tpu.memory_space<vmem>> -> memref<64x128xf32, #tpu.memory_space<vmem>>
        %gather3A_955 = tpu.vector_load_idx %gather3A_954[%add3A_949, %broadcast_in_dim3A_945] : memref<64x128xf32, #tpu.memory_space<vmem>>[vector<16xi32>, vector<16xi32>], vector<16xf32>,
        %add3A_956 = arith.constant 0 : i32
        %add3A_957 = vector.broadcast %add3A_956 : i32 to vector<16xi32>
        %add3A_958 = arith.addi %iota3A, %add3A_957 : vector<16xi32>
        tpu.vector_store_idx %arg10[%broadcast_in_dim3A_946, %add3A_958], %gather3A_955 : memref<64x64xf32, #tpu.memory_space<vmem>>[vector<16xi32>, vector<16xi32>], vector<16xf32>,
        %add3A_959 = arith.constant 16 : i32
        %add3A_960 = vector.broadcast %add3A_959 : i32 to vector<16xi32>
        %add3A_961 = arith.addi %iota3A, %add3A_960 : vector<16xi32>
        %gather3A_962 = arith.constant 10 : i32
        %gather3A_963 = arith.constant 0 : i32
        %gather3A_964 = arith.constant 0 : i32
        %gather3A_965 = tpu.memref_slice %arg11[%gather3A_962, %gather3A_963, %gather3A_964] : memref<12x64x128xf32, #tpu.memory_space<vmem>> -> memref<1x64x128xf32, #tpu.memory_space<vmem>>
        %gather3A_966 = tpu.memref_squeeze %gather3A_965 : memref<1x64x128xf32, #tpu.memory_space<vmem>> -> memref<64x128xf32, #tpu.memory_space<vmem>>
        %gather3A_967 = tpu.vector_load_idx %gather3A_966[%add3A_961, %broadcast_in_dim3A_945] : memref<64x128xf32, #tpu.memory_space<vmem>>[vector<16xi32>, vector<16xi32>], vector<16xf32>,
        %add3A_968 = arith.constant 16 : i32
        %add3A_969 = vector.broadcast %add3A_968 : i32 to vector<16xi32>
        %add3A_970 = arith.addi %iota3A, %add3A_969 : vector<16xi32>
        tpu.vector_store_idx %arg10[%broadcast_in_dim3A_946, %add3A_970], %gather3A_967 : memref<64x64xf32, #tpu.memory_space<vmem>>[vector<16xi32>, vector<16xi32>], vector<16xf32>,
        %add3A_971 = arith.constant 32 : i32
        %add3A_972 = vector.broadcast %add3A_971 : i32 to vector<16xi32>
        %add3A_973 = arith.addi %iota3A, %add3A_972 : vector<16xi32>
        %gather3A_974 = arith.constant 10 : i32
        %gather3A_975 = arith.constant 0 : i32
        %gather3A_976 = arith.constant 0 : i32
        %gather3A_977 = tpu.memref_slice %arg11[%gather3A_974, %gather3A_975, %gather3A_976] : memref<12x64x128xf32, #tpu.memory_space<vmem>> -> memref<1x64x128xf32, #tpu.memory_space<vmem>>
        %gather3A_978 = tpu.memref_squeeze %gather3A_977 : memref<1x64x128xf32, #tpu.memory_space<vmem>> -> memref<64x128xf32, #tpu.memory_space<vmem>>
        %gather3A_979 = tpu.vector_load_idx %gather3A_978[%add3A_973, %broadcast_in_dim3A_945] : memref<64x128xf32, #tpu.memory_space<vmem>>[vector<16xi32>, vector<16xi32>], vector<16xf32>,
        %add3A_980 = arith.constant 32 : i32
        %add3A_981 = vector.broadcast %add3A_980 : i32 to vector<16xi32>
        %add3A_982 = arith.addi %iota3A, %add3A_981 : vector<16xi32>
        tpu.vector_store_idx %arg10[%broadcast_in_dim3A_946, %add3A_982], %gather3A_979 : memref<64x64xf32, #tpu.memory_space<vmem>>[vector<16xi32>, vector<16xi32>], vector<16xf32>,
        %add3A_983 = arith.constant 48 : i32
        %add3A_984 = vector.broadcast %add3A_983 : i32 to vector<16xi32>
        %add3A_985 = arith.addi %iota3A, %add3A_984 : vector<16xi32>
        %gather3A_986 = arith.constant 10 : i32
        %gather3A_987 = arith.constant 0 : i32
        %gather3A_988 = arith.constant 0 : i32
        %gather3A_989 = tpu.memref_slice %arg11[%gather3A_986, %gather3A_987, %gather3A_988] : memref<12x64x128xf32, #tpu.memory_space<vmem>> -> memref<1x64x128xf32, #tpu.memory_space<vmem>>
        %gather3A_990 = tpu.memref_squeeze %gather3A_989 : memref<1x64x128xf32, #tpu.memory_space<vmem>> -> memref<64x128xf32, #tpu.memory_space<vmem>>
        %gather3A_991 = tpu.vector_load_idx %gather3A_990[%add3A_985, %broadcast_in_dim3A_945] : memref<64x128xf32, #tpu.memory_space<vmem>>[vector<16xi32>, vector<16xi32>], vector<16xf32>,
        %add3A_992 = arith.constant 48 : i32
        %add3A_993 = vector.broadcast %add3A_992 : i32 to vector<16xi32>
        %add3A_994 = arith.addi %iota3A, %add3A_993 : vector<16xi32>
        tpu.vector_store_idx %arg10[%broadcast_in_dim3A_946, %add3A_994], %gather3A_991 : memref<64x64xf32, #tpu.memory_space<vmem>>[vector<16xi32>, vector<16xi32>], vector<16xf32>,
        %mul3A_995 = arith.constant 4 : i32
        %mul3A_996 = arith.muli %add3A_715, %mul3A_995 : i32
        %add3A_997 = arith.constant 3 : i32
        %add3A_998 = arith.addi %mul3A_996, %add3A_997 : i32
        %sub3A_999 = arith.constant 32 : i32
        %sub3A_1000 = arith.subi %add3A_998, %sub3A_999 : i32
        %broadcast_in_dim3A_1001 = vector.broadcast %sub3A_1000 : i32 to vector<16xi32>
        %gather3A_1002 = tpu.vector_load_idx %arg9[%broadcast_in_dim3A_1001] : memref<32xi32, #tpu.memory_space<vmem>>[vector<16xi32>], vector<16xi32>,
        %slice3A_1003 = vector.extract_strided_slice %gather3A_1002 {offsets = [0], sizes = [1], strides = [1]} : vector<16xi32> to vector<1xi32>
        %squeeze3A_1004 = vector.extract %slice3A_1003[0] : i32 from vector<1xi32>
        %and3A_1005 = arith.constant 127 : i32
        %and3A_1006 = arith.andi %squeeze3A_1004, %and3A_1005 : i32
        %broadcast_in_dim3A_1007 = vector.broadcast %and3A_1006 : i32 to vector<16xi32>
        %broadcast_in_dim3A_1008 = vector.broadcast %add3A_998 : i32 to vector<16xi32>
        %add3A_1009 = arith.constant 0 : i32
        %add3A_1010 = vector.broadcast %add3A_1009 : i32 to vector<16xi32>
        %add3A_1011 = arith.addi %iota3A, %add3A_1010 : vector<16xi32>
        %gather3A_1012 = arith.constant 11 : i32
        %gather3A_1013 = arith.constant 0 : i32
        %gather3A_1014 = arith.constant 0 : i32
        %gather3A_1015 = tpu.memref_slice %arg11[%gather3A_1012, %gather3A_1013, %gather3A_1014] : memref<12x64x128xf32, #tpu.memory_space<vmem>> -> memref<1x64x128xf32, #tpu.memory_space<vmem>>
        %gather3A_1016 = tpu.memref_squeeze %gather3A_1015 : memref<1x64x128xf32, #tpu.memory_space<vmem>> -> memref<64x128xf32, #tpu.memory_space<vmem>>
        %gather3A_1017 = tpu.vector_load_idx %gather3A_1016[%add3A_1011, %broadcast_in_dim3A_1007] : memref<64x128xf32, #tpu.memory_space<vmem>>[vector<16xi32>, vector<16xi32>], vector<16xf32>,
        %add3A_1018 = arith.constant 0 : i32
        %add3A_1019 = vector.broadcast %add3A_1018 : i32 to vector<16xi32>
        %add3A_1020 = arith.addi %iota3A, %add3A_1019 : vector<16xi32>
        tpu.vector_store_idx %arg10[%broadcast_in_dim3A_1008, %add3A_1020], %gather3A_1017 : memref<64x64xf32, #tpu.memory_space<vmem>>[vector<16xi32>, vector<16xi32>], vector<16xf32>,
        %add3A_1021 = arith.constant 16 : i32
        %add3A_1022 = vector.broadcast %add3A_1021 : i32 to vector<16xi32>
        %add3A_1023 = arith.addi %iota3A, %add3A_1022 : vector<16xi32>
        %gather3A_1024 = arith.constant 11 : i32
        %gather3A_1025 = arith.constant 0 : i32
        %gather3A_1026 = arith.constant 0 : i32
        %gather3A_1027 = tpu.memref_slice %arg11[%gather3A_1024, %gather3A_1025, %gather3A_1026] : memref<12x64x128xf32, #tpu.memory_space<vmem>> -> memref<1x64x128xf32, #tpu.memory_space<vmem>>
        %gather3A_1028 = tpu.memref_squeeze %gather3A_1027 : memref<1x64x128xf32, #tpu.memory_space<vmem>> -> memref<64x128xf32, #tpu.memory_space<vmem>>
        %gather3A_1029 = tpu.vector_load_idx %gather3A_1028[%add3A_1023, %broadcast_in_dim3A_1007] : memref<64x128xf32, #tpu.memory_space<vmem>>[vector<16xi32>, vector<16xi32>], vector<16xf32>,
        %add3A_1030 = arith.constant 16 : i32
        %add3A_1031 = vector.broadcast %add3A_1030 : i32 to vector<16xi32>
        %add3A_1032 = arith.addi %iota3A, %add3A_1031 : vector<16xi32>
        tpu.vector_store_idx %arg10[%broadcast_in_dim3A_1008, %add3A_1032], %gather3A_1029 : memref<64x64xf32, #tpu.memory_space<vmem>>[vector<16xi32>, vector<16xi32>], vector<16xf32>,
        %add3A_1033 = arith.constant 32 : i32
        %add3A_1034 = vector.broadcast %add3A_1033 : i32 to vector<16xi32>
        %add3A_1035 = arith.addi %iota3A, %add3A_1034 : vector<16xi32>
        %gather3A_1036 = arith.constant 11 : i32
        %gather3A_1037 = arith.constant 0 : i32
        %gather3A_1038 = arith.constant 0 : i32
        %gather3A_1039 = tpu.memref_slice %arg11[%gather3A_1036, %gather3A_1037, %gather3A_1038] : memref<12x64x128xf32, #tpu.memory_space<vmem>> -> memref<1x64x128xf32, #tpu.memory_space<vmem>>
        %gather3A_1040 = tpu.memref_squeeze %gather3A_1039 : memref<1x64x128xf32, #tpu.memory_space<vmem>> -> memref<64x128xf32, #tpu.memory_space<vmem>>
        %gather3A_1041 = tpu.vector_load_idx %gather3A_1040[%add3A_1035, %broadcast_in_dim3A_1007] : memref<64x128xf32, #tpu.memory_space<vmem>>[vector<16xi32>, vector<16xi32>], vector<16xf32>,
        %add3A_1042 = arith.constant 32 : i32
        %add3A_1043 = vector.broadcast %add3A_1042 : i32 to vector<16xi32>
        %add3A_1044 = arith.addi %iota3A, %add3A_1043 : vector<16xi32>
        tpu.vector_store_idx %arg10[%broadcast_in_dim3A_1008, %add3A_1044], %gather3A_1041 : memref<64x64xf32, #tpu.memory_space<vmem>>[vector<16xi32>, vector<16xi32>], vector<16xf32>,
        %add3A_1045 = arith.constant 48 : i32
        %add3A_1046 = vector.broadcast %add3A_1045 : i32 to vector<16xi32>
        %add3A_1047 = arith.addi %iota3A, %add3A_1046 : vector<16xi32>
        %gather3A_1048 = arith.constant 11 : i32
        %gather3A_1049 = arith.constant 0 : i32
        %gather3A_1050 = arith.constant 0 : i32
        %gather3A_1051 = tpu.memref_slice %arg11[%gather3A_1048, %gather3A_1049, %gather3A_1050] : memref<12x64x128xf32, #tpu.memory_space<vmem>> -> memref<1x64x128xf32, #tpu.memory_space<vmem>>
        %gather3A_1052 = tpu.memref_squeeze %gather3A_1051 : memref<1x64x128xf32, #tpu.memory_space<vmem>> -> memref<64x128xf32, #tpu.memory_space<vmem>>
        %gather3A_1053 = tpu.vector_load_idx %gather3A_1052[%add3A_1047, %broadcast_in_dim3A_1007] : memref<64x128xf32, #tpu.memory_space<vmem>>[vector<16xi32>, vector<16xi32>], vector<16xf32>,
        %add3A_1054 = arith.constant 48 : i32
        %add3A_1055 = vector.broadcast %add3A_1054 : i32 to vector<16xi32>
        %add3A_1056 = arith.addi %iota3A, %add3A_1055 : vector<16xi32>
        tpu.vector_store_idx %arg10[%broadcast_in_dim3A_1008, %add3A_1056], %gather3A_1053 : memref<64x64xf32, #tpu.memory_space<vmem>>[vector<16xi32>, vector<16xi32>], vector<16xf32>,
      } else {
      }
      %eq3A_805 = arith.constant 7 : i32
      %eq3A_806 = arith.cmpi eq, %add3A_715, %eq3A_805 : i32
      %convert_element_type3A_807 = arith.extui %eq3A_806 : i1 to i32
      %cond3A_808 = arith.constant 0 : i32
      %cond3A_809 = arith.cmpi ne, %convert_element_type3A_807, %cond3A_808 : i32
      scf.if %cond3A_809 {
        %dma_start3A_810 = arith.constant 0 : i32
        %dma_start3A_811 = arith.constant 0 : i32
        %dma_start3A_812 = tpu.memref_slice %arg10[%dma_start3A_810, %dma_start3A_811] : memref<64x64xf32, #tpu.memory_space<vmem>> -> memref<32x64xf32, #tpu.memory_space<vmem>>
        %dma_start3A_813 = arith.constant 0 : i32
        %dma_start3A_814 = tpu.memref_slice %arg6[%mul3A_2, %dma_start3A_813] : memref<1024x64xf32, #tpu.memory_space<hbm>> -> memref<32x64xf32, #tpu.memory_space<hbm>>
        %dma_start3A_815 = arith.constant 0 : i32
        %dma_start3A_816 = tpu.memref_slice %arg6[%mul3A_2, %dma_start3A_815] : memref<1024x64xf32, #tpu.memory_space<hbm>> -> memref<32x64xf32, #tpu.memory_space<hbm>>
        %dma_start3A_817 = arith.constant 0 : i32
        %dma_start3A_818 = arith.constant 0 : i32
        %dma_start3A_819 = tpu.memref_slice %arg10[%dma_start3A_817, %dma_start3A_818] : memref<64x64xf32, #tpu.memory_space<vmem>> -> memref<32x64xf32, #tpu.memory_space<vmem>>
        tpu.enqueue_dma source(%dma_start3A_819 : memref<32x64xf32, #tpu.memory_space<vmem>>) target(%dma_start3A_816 : memref<32x64xf32, #tpu.memory_space<hbm>>) target_semaphore(%arg13 : memref<!tpu.dma_semaphore, #tpu.memory_space<semaphore_mem>>)
      } else {
      }
    }
    %scan3A_207 = arith.constant 5 : i32
    %dma_wait3A = arith.constant 0 : i32
    %dma_wait3A_208 = arith.constant 0 : i32
    %dma_wait3A_209 = arith.constant 0 : i32
    %dma_wait3A_210 = arith.constant 0 : i32
    %dma_wait3A_211 = tpu.memref_slice %arg11[%dma_wait3A, %dma_wait3A_209, %dma_wait3A_210] : memref<12x64x128xf32, #tpu.memory_space<vmem>> -> memref<1x64x128xf32, #tpu.memory_space<vmem>>
    %dma_wait3A_212 = tpu.memref_squeeze %dma_wait3A_211 : memref<1x64x128xf32, #tpu.memory_space<vmem>> -> memref<64x128xf32, #tpu.memory_space<vmem>>
    %dma_wait3A_213 = arith.constant 0 : i32
    %dma_wait3A_214 = arith.constant 0 : i32
    %dma_wait3A_215 = tpu.memref_slice %arg4[%dma_wait3A_213, %dma_wait3A_214] : memref<64x100000xf32, #tpu.memory_space<hbm>> -> memref<64x128xf32, #tpu.memory_space<hbm>>
    %dma_wait3A_216 = tpu.memref_slice %arg12[%dma_wait3A_208] : memref<3x!tpu.dma_semaphore, #tpu.memory_space<semaphore_mem>> -> memref<1x!tpu.dma_semaphore, #tpu.memory_space<semaphore_mem>>
    %dma_wait3A_217 = tpu.memref_squeeze %dma_wait3A_216 : memref<1x!tpu.dma_semaphore, #tpu.memory_space<semaphore_mem>> -> memref<!tpu.dma_semaphore, #tpu.memory_space<semaphore_mem>>
    %dma_wait3A_218 = arith.constant 0 : i32
    %dma_wait3A_219 = arith.constant 0 : i32
    %dma_wait3A_220 = tpu.memref_slice %arg11[%dma_wait3A, %dma_wait3A_218, %dma_wait3A_219] : memref<12x64x128xf32, #tpu.memory_space<vmem>> -> memref<1x64x128xf32, #tpu.memory_space<vmem>>
    %dma_wait3A_221 = tpu.memref_squeeze %dma_wait3A_220 : memref<1x64x128xf32, #tpu.memory_space<vmem>> -> memref<64x128xf32, #tpu.memory_space<vmem>>
    %dma_wait3A_222 = arith.constant 0 : i32
    %dma_wait3A_223 = arith.constant 0 : i32
    %dma_wait3A_224 = tpu.memref_slice %arg4[%dma_wait3A_222, %dma_wait3A_223] : memref<64x100000xf32, #tpu.memory_space<hbm>> -> memref<64x128xf32, #tpu.memory_space<hbm>>
    tpu.wait_dma2 semaphore(%dma_wait3A_217 : memref<!tpu.dma_semaphore, #tpu.memory_space<semaphore_mem>>) src(%dma_wait3A_224 : memref<64x128xf32, #tpu.memory_space<hbm>>) dst(%dma_wait3A_221 : memref<64x128xf32, #tpu.memory_space<vmem>>)
    %dma_wait3A_225 = arith.constant 1 : i32
    %dma_wait3A_226 = arith.constant 0 : i32
    %dma_wait3A_227 = arith.constant 0 : i32
    %dma_wait3A_228 = arith.constant 0 : i32
    %dma_wait3A_229 = tpu.memref_slice %arg11[%dma_wait3A_225, %dma_wait3A_227, %dma_wait3A_228] : memref<12x64x128xf32, #tpu.memory_space<vmem>> -> memref<1x64x128xf32, #tpu.memory_space<vmem>>
    %dma_wait3A_230 = tpu.memref_squeeze %dma_wait3A_229 : memref<1x64x128xf32, #tpu.memory_space<vmem>> -> memref<64x128xf32, #tpu.memory_space<vmem>>
    %dma_wait3A_231 = arith.constant 0 : i32
    %dma_wait3A_232 = arith.constant 0 : i32
    %dma_wait3A_233 = tpu.memref_slice %arg4[%dma_wait3A_231, %dma_wait3A_232] : memref<64x100000xf32, #tpu.memory_space<hbm>> -> memref<64x128xf32, #tpu.memory_space<hbm>>
    %dma_wait3A_234 = tpu.memref_slice %arg12[%dma_wait3A_226] : memref<3x!tpu.dma_semaphore, #tpu.memory_space<semaphore_mem>> -> memref<1x!tpu.dma_semaphore, #tpu.memory_space<semaphore_mem>>
    %dma_wait3A_235 = tpu.memref_squeeze %dma_wait3A_234 : memref<1x!tpu.dma_semaphore, #tpu.memory_space<semaphore_mem>> -> memref<!tpu.dma_semaphore, #tpu.memory_space<semaphore_mem>>
    %dma_wait3A_236 = arith.constant 0 : i32
    %dma_wait3A_237 = arith.constant 0 : i32
    %dma_wait3A_238 = tpu.memref_slice %arg11[%dma_wait3A_225, %dma_wait3A_236, %dma_wait3A_237] : memref<12x64x128xf32, #tpu.memory_space<vmem>> -> memref<1x64x128xf32, #tpu.memory_space<vmem>>
    %dma_wait3A_239 = tpu.memref_squeeze %dma_wait3A_238 : memref<1x64x128xf32, #tpu.memory_space<vmem>> -> memref<64x128xf32, #tpu.memory_space<vmem>>
    %dma_wait3A_240 = arith.constant 0 : i32
    %dma_wait3A_241 = arith.constant 0 : i32
    %dma_wait3A_242 = tpu.memref_slice %arg4[%dma_wait3A_240, %dma_wait3A_241] : memref<64x100000xf32, #tpu.memory_space<hbm>> -> memref<64x128xf32, #tpu.memory_space<hbm>>
    tpu.wait_dma2 semaphore(%dma_wait3A_235 : memref<!tpu.dma_semaphore, #tpu.memory_space<semaphore_mem>>) src(%dma_wait3A_242 : memref<64x128xf32, #tpu.memory_space<hbm>>) dst(%dma_wait3A_239 : memref<64x128xf32, #tpu.memory_space<vmem>>)
    %dma_wait3A_243 = arith.constant 2 : i32
    %dma_wait3A_244 = arith.constant 0 : i32
    %dma_wait3A_245 = arith.constant 0 : i32
    %dma_wait3A_246 = arith.constant 0 : i32
    %dma_wait3A_247 = tpu.memref_slice %arg11[%dma_wait3A_243, %dma_wait3A_245, %dma_wait3A_246] : memref<12x64x128xf32, #tpu.memory_space<vmem>> -> memref<1x64x128xf32, #tpu.memory_space<vmem>>
    %dma_wait3A_248 = tpu.memref_squeeze %dma_wait3A_247 : memref<1x64x128xf32, #tpu.memory_space<vmem>> -> memref<64x128xf32, #tpu.memory_space<vmem>>
    %dma_wait3A_249 = arith.constant 0 : i32
    %dma_wait3A_250 = arith.constant 0 : i32
    %dma_wait3A_251 = tpu.memref_slice %arg4[%dma_wait3A_249, %dma_wait3A_250] : memref<64x100000xf32, #tpu.memory_space<hbm>> -> memref<64x128xf32, #tpu.memory_space<hbm>>
    %dma_wait3A_252 = tpu.memref_slice %arg12[%dma_wait3A_244] : memref<3x!tpu.dma_semaphore, #tpu.memory_space<semaphore_mem>> -> memref<1x!tpu.dma_semaphore, #tpu.memory_space<semaphore_mem>>
    %dma_wait3A_253 = tpu.memref_squeeze %dma_wait3A_252 : memref<1x!tpu.dma_semaphore, #tpu.memory_space<semaphore_mem>> -> memref<!tpu.dma_semaphore, #tpu.memory_space<semaphore_mem>>
    %dma_wait3A_254 = arith.constant 0 : i32
    %dma_wait3A_255 = arith.constant 0 : i32
    %dma_wait3A_256 = tpu.memref_slice %arg11[%dma_wait3A_243, %dma_wait3A_254, %dma_wait3A_255] : memref<12x64x128xf32, #tpu.memory_space<vmem>> -> memref<1x64x128xf32, #tpu.memory_space<vmem>>
    %dma_wait3A_257 = tpu.memref_squeeze %dma_wait3A_256 : memref<1x64x128xf32, #tpu.memory_space<vmem>> -> memref<64x128xf32, #tpu.memory_space<vmem>>
    %dma_wait3A_258 = arith.constant 0 : i32
    %dma_wait3A_259 = arith.constant 0 : i32
    %dma_wait3A_260 = tpu.memref_slice %arg4[%dma_wait3A_258, %dma_wait3A_259] : memref<64x100000xf32, #tpu.memory_space<hbm>> -> memref<64x128xf32, #tpu.memory_space<hbm>>
    tpu.wait_dma2 semaphore(%dma_wait3A_253 : memref<!tpu.dma_semaphore, #tpu.memory_space<semaphore_mem>>) src(%dma_wait3A_260 : memref<64x128xf32, #tpu.memory_space<hbm>>) dst(%dma_wait3A_257 : memref<64x128xf32, #tpu.memory_space<vmem>>)
    %dma_wait3A_261 = arith.constant 3 : i32
    %dma_wait3A_262 = arith.constant 0 : i32
    %dma_wait3A_263 = arith.constant 0 : i32
    %dma_wait3A_264 = arith.constant 0 : i32
    %dma_wait3A_265 = tpu.memref_slice %arg11[%dma_wait3A_261, %dma_wait3A_263, %dma_wait3A_264] : memref<12x64x128xf32, #tpu.memory_space<vmem>> -> memref<1x64x128xf32, #tpu.memory_space<vmem>>
    %dma_wait3A_266 = tpu.memref_squeeze %dma_wait3A_265 : memref<1x64x128xf32, #tpu.memory_space<vmem>> -> memref<64x128xf32, #tpu.memory_space<vmem>>
    %dma_wait3A_267 = arith.constant 0 : i32
    %dma_wait3A_268 = arith.constant 0 : i32
    %dma_wait3A_269 = tpu.memref_slice %arg4[%dma_wait3A_267, %dma_wait3A_268] : memref<64x100000xf32, #tpu.memory_space<hbm>> -> memref<64x128xf32, #tpu.memory_space<hbm>>
    %dma_wait3A_270 = tpu.memref_slice %arg12[%dma_wait3A_262] : memref<3x!tpu.dma_semaphore, #tpu.memory_space<semaphore_mem>> -> memref<1x!tpu.dma_semaphore, #tpu.memory_space<semaphore_mem>>
    %dma_wait3A_271 = tpu.memref_squeeze %dma_wait3A_270 : memref<1x!tpu.dma_semaphore, #tpu.memory_space<semaphore_mem>> -> memref<!tpu.dma_semaphore, #tpu.memory_space<semaphore_mem>>
    %dma_wait3A_272 = arith.constant 0 : i32
    %dma_wait3A_273 = arith.constant 0 : i32
    %dma_wait3A_274 = tpu.memref_slice %arg11[%dma_wait3A_261, %dma_wait3A_272, %dma_wait3A_273] : memref<12x64x128xf32, #tpu.memory_space<vmem>> -> memref<1x64x128xf32, #tpu.memory_space<vmem>>
    %dma_wait3A_275 = tpu.memref_squeeze %dma_wait3A_274 : memref<1x64x128xf32, #tpu.memory_space<vmem>> -> memref<64x128xf32, #tpu.memory_space<vmem>>
    %dma_wait3A_276 = arith.constant 0 : i32
    %dma_wait3A_277 = arith.constant 0 : i32
    %dma_wait3A_278 = tpu.memref_slice %arg4[%dma_wait3A_276, %dma_wait3A_277] : memref<64x100000xf32, #tpu.memory_space<hbm>> -> memref<64x128xf32, #tpu.memory_space<hbm>>
    tpu.wait_dma2 semaphore(%dma_wait3A_271 : memref<!tpu.dma_semaphore, #tpu.memory_space<semaphore_mem>>) src(%dma_wait3A_278 : memref<64x128xf32, #tpu.memory_space<hbm>>) dst(%dma_wait3A_275 : memref<64x128xf32, #tpu.memory_space<vmem>>)
    %broadcast_in_dim3A_279 = arith.constant 28 : i32
    %broadcast_in_dim3A_280 = vector.broadcast %broadcast_in_dim3A_279 : i32 to vector<16xi32>
    %gather3A_281 = tpu.vector_load_idx %arg9[%broadcast_in_dim3A_280] : memref<32xi32, #tpu.memory_space<vmem>>[vector<16xi32>], vector<16xi32>,
    %slice3A_282 = vector.extract_strided_slice %gather3A_281 {offsets = [0], sizes = [1], strides = [1]} : vector<16xi32> to vector<1xi32>
    %squeeze3A_283 = vector.extract %slice3A_282[0] : i32 from vector<1xi32>
    %and3A = arith.constant 127 : i32
    %and3A_284 = arith.andi %squeeze3A_283, %and3A : i32
    %broadcast_in_dim3A_285 = vector.broadcast %and3A_284 : i32 to vector<16xi32>
    %broadcast_in_dim3A_286 = arith.constant 60 : i32
    %broadcast_in_dim3A_287 = vector.broadcast %broadcast_in_dim3A_286 : i32 to vector<16xi32>
    %add3A_288 = arith.constant 0 : i32
    %add3A_289 = vector.broadcast %add3A_288 : i32 to vector<16xi32>
    %add3A_290 = arith.addi %iota3A, %add3A_289 : vector<16xi32>
    %gather3A_291 = arith.constant 0 : i32
    %gather3A_292 = arith.constant 0 : i32
    %gather3A_293 = arith.constant 0 : i32
    %gather3A_294 = tpu.memref_slice %arg11[%gather3A_291, %gather3A_292, %gather3A_293] : memref<12x64x128xf32, #tpu.memory_space<vmem>> -> memref<1x64x128xf32, #tpu.memory_space<vmem>>
    %gather3A_295 = tpu.memref_squeeze %gather3A_294 : memref<1x64x128xf32, #tpu.memory_space<vmem>> -> memref<64x128xf32, #tpu.memory_space<vmem>>
    %gather3A_296 = tpu.vector_load_idx %gather3A_295[%add3A_290, %broadcast_in_dim3A_285] : memref<64x128xf32, #tpu.memory_space<vmem>>[vector<16xi32>, vector<16xi32>], vector<16xf32>,
    %add3A_297 = arith.constant 0 : i32
    %add3A_298 = vector.broadcast %add3A_297 : i32 to vector<16xi32>
    %add3A_299 = arith.addi %iota3A, %add3A_298 : vector<16xi32>
    tpu.vector_store_idx %arg10[%broadcast_in_dim3A_287, %add3A_299], %gather3A_296 : memref<64x64xf32, #tpu.memory_space<vmem>>[vector<16xi32>, vector<16xi32>], vector<16xf32>,
    %add3A_300 = arith.constant 16 : i32
    %add3A_301 = vector.broadcast %add3A_300 : i32 to vector<16xi32>
    %add3A_302 = arith.addi %iota3A, %add3A_301 : vector<16xi32>
    %gather3A_303 = arith.constant 0 : i32
    %gather3A_304 = arith.constant 0 : i32
    %gather3A_305 = arith.constant 0 : i32
    %gather3A_306 = tpu.memref_slice %arg11[%gather3A_303, %gather3A_304, %gather3A_305] : memref<12x64x128xf32, #tpu.memory_space<vmem>> -> memref<1x64x128xf32, #tpu.memory_space<vmem>>
    %gather3A_307 = tpu.memref_squeeze %gather3A_306 : memref<1x64x128xf32, #tpu.memory_space<vmem>> -> memref<64x128xf32, #tpu.memory_space<vmem>>
    %gather3A_308 = tpu.vector_load_idx %gather3A_307[%add3A_302, %broadcast_in_dim3A_285] : memref<64x128xf32, #tpu.memory_space<vmem>>[vector<16xi32>, vector<16xi32>], vector<16xf32>,
    %add3A_309 = arith.constant 16 : i32
    %add3A_310 = vector.broadcast %add3A_309 : i32 to vector<16xi32>
    %add3A_311 = arith.addi %iota3A, %add3A_310 : vector<16xi32>
    tpu.vector_store_idx %arg10[%broadcast_in_dim3A_287, %add3A_311], %gather3A_308 : memref<64x64xf32, #tpu.memory_space<vmem>>[vector<16xi32>, vector<16xi32>], vector<16xf32>,
    %add3A_312 = arith.constant 32 : i32
    %add3A_313 = vector.broadcast %add3A_312 : i32 to vector<16xi32>
    %add3A_314 = arith.addi %iota3A, %add3A_313 : vector<16xi32>
    %gather3A_315 = arith.constant 0 : i32
    %gather3A_316 = arith.constant 0 : i32
    %gather3A_317 = arith.constant 0 : i32
    %gather3A_318 = tpu.memref_slice %arg11[%gather3A_315, %gather3A_316, %gather3A_317] : memref<12x64x128xf32, #tpu.memory_space<vmem>> -> memref<1x64x128xf32, #tpu.memory_space<vmem>>
    %gather3A_319 = tpu.memref_squeeze %gather3A_318 : memref<1x64x128xf32, #tpu.memory_space<vmem>> -> memref<64x128xf32, #tpu.memory_space<vmem>>
    %gather3A_320 = tpu.vector_load_idx %gather3A_319[%add3A_314, %broadcast_in_dim3A_285] : memref<64x128xf32, #tpu.memory_space<vmem>>[vector<16xi32>, vector<16xi32>], vector<16xf32>,
    %add3A_321 = arith.constant 32 : i32
    %add3A_322 = vector.broadcast %add3A_321 : i32 to vector<16xi32>
    %add3A_323 = arith.addi %iota3A, %add3A_322 : vector<16xi32>
    tpu.vector_store_idx %arg10[%broadcast_in_dim3A_287, %add3A_323], %gather3A_320 : memref<64x64xf32, #tpu.memory_space<vmem>>[vector<16xi32>, vector<16xi32>], vector<16xf32>,
    %add3A_324 = arith.constant 48 : i32
    %add3A_325 = vector.broadcast %add3A_324 : i32 to vector<16xi32>
    %add3A_326 = arith.addi %iota3A, %add3A_325 : vector<16xi32>
    %gather3A_327 = arith.constant 0 : i32
    %gather3A_328 = arith.constant 0 : i32
    %gather3A_329 = arith.constant 0 : i32
    %gather3A_330 = tpu.memref_slice %arg11[%gather3A_327, %gather3A_328, %gather3A_329] : memref<12x64x128xf32, #tpu.memory_space<vmem>> -> memref<1x64x128xf32, #tpu.memory_space<vmem>>
    %gather3A_331 = tpu.memref_squeeze %gather3A_330 : memref<1x64x128xf32, #tpu.memory_space<vmem>> -> memref<64x128xf32, #tpu.memory_space<vmem>>
    %gather3A_332 = tpu.vector_load_idx %gather3A_331[%add3A_326, %broadcast_in_dim3A_285] : memref<64x128xf32, #tpu.memory_space<vmem>>[vector<16xi32>, vector<16xi32>], vector<16xf32>,
    %add3A_333 = arith.constant 48 : i32
    %add3A_334 = vector.broadcast %add3A_333 : i32 to vector<16xi32>
    %add3A_335 = arith.addi %iota3A, %add3A_334 : vector<16xi32>
    tpu.vector_store_idx %arg10[%broadcast_in_dim3A_287, %add3A_335], %gather3A_332 : memref<64x64xf32, #tpu.memory_space<vmem>>[vector<16xi32>, vector<16xi32>], vector<16xf32>,
    %broadcast_in_dim3A_336 = arith.constant 29 : i32
    %broadcast_in_dim3A_337 = vector.broadcast %broadcast_in_dim3A_336 : i32 to vector<16xi32>
    %gather3A_338 = tpu.vector_load_idx %arg9[%broadcast_in_dim3A_337] : memref<32xi32, #tpu.memory_space<vmem>>[vector<16xi32>], vector<16xi32>,
    %slice3A_339 = vector.extract_strided_slice %gather3A_338 {offsets = [0], sizes = [1], strides = [1]} : vector<16xi32> to vector<1xi32>
    %squeeze3A_340 = vector.extract %slice3A_339[0] : i32 from vector<1xi32>
    %and3A_341 = arith.constant 127 : i32
    %and3A_342 = arith.andi %squeeze3A_340, %and3A_341 : i32
    %broadcast_in_dim3A_343 = vector.broadcast %and3A_342 : i32 to vector<16xi32>
    %broadcast_in_dim3A_344 = arith.constant 61 : i32
    %broadcast_in_dim3A_345 = vector.broadcast %broadcast_in_dim3A_344 : i32 to vector<16xi32>
    %add3A_346 = arith.constant 0 : i32
    %add3A_347 = vector.broadcast %add3A_346 : i32 to vector<16xi32>
    %add3A_348 = arith.addi %iota3A, %add3A_347 : vector<16xi32>
    %gather3A_349 = arith.constant 1 : i32
    %gather3A_350 = arith.constant 0 : i32
    %gather3A_351 = arith.constant 0 : i32
    %gather3A_352 = tpu.memref_slice %arg11[%gather3A_349, %gather3A_350, %gather3A_351] : memref<12x64x128xf32, #tpu.memory_space<vmem>> -> memref<1x64x128xf32, #tpu.memory_space<vmem>>
    %gather3A_353 = tpu.memref_squeeze %gather3A_352 : memref<1x64x128xf32, #tpu.memory_space<vmem>> -> memref<64x128xf32, #tpu.memory_space<vmem>>
    %gather3A_354 = tpu.vector_load_idx %gather3A_353[%add3A_348, %broadcast_in_dim3A_343] : memref<64x128xf32, #tpu.memory_space<vmem>>[vector<16xi32>, vector<16xi32>], vector<16xf32>,
    %add3A_355 = arith.constant 0 : i32
    %add3A_356 = vector.broadcast %add3A_355 : i32 to vector<16xi32>
    %add3A_357 = arith.addi %iota3A, %add3A_356 : vector<16xi32>
    tpu.vector_store_idx %arg10[%broadcast_in_dim3A_345, %add3A_357], %gather3A_354 : memref<64x64xf32, #tpu.memory_space<vmem>>[vector<16xi32>, vector<16xi32>], vector<16xf32>,
    %add3A_358 = arith.constant 16 : i32
    %add3A_359 = vector.broadcast %add3A_358 : i32 to vector<16xi32>
    %add3A_360 = arith.addi %iota3A, %add3A_359 : vector<16xi32>
    %gather3A_361 = arith.constant 1 : i32
    %gather3A_362 = arith.constant 0 : i32
    %gather3A_363 = arith.constant 0 : i32
    %gather3A_364 = tpu.memref_slice %arg11[%gather3A_361, %gather3A_362, %gather3A_363] : memref<12x64x128xf32, #tpu.memory_space<vmem>> -> memref<1x64x128xf32, #tpu.memory_space<vmem>>
    %gather3A_365 = tpu.memref_squeeze %gather3A_364 : memref<1x64x128xf32, #tpu.memory_space<vmem>> -> memref<64x128xf32, #tpu.memory_space<vmem>>
    %gather3A_366 = tpu.vector_load_idx %gather3A_365[%add3A_360, %broadcast_in_dim3A_343] : memref<64x128xf32, #tpu.memory_space<vmem>>[vector<16xi32>, vector<16xi32>], vector<16xf32>,
    %add3A_367 = arith.constant 16 : i32
    %add3A_368 = vector.broadcast %add3A_367 : i32 to vector<16xi32>
    %add3A_369 = arith.addi %iota3A, %add3A_368 : vector<16xi32>
    tpu.vector_store_idx %arg10[%broadcast_in_dim3A_345, %add3A_369], %gather3A_366 : memref<64x64xf32, #tpu.memory_space<vmem>>[vector<16xi32>, vector<16xi32>], vector<16xf32>,
    %add3A_370 = arith.constant 32 : i32
    %add3A_371 = vector.broadcast %add3A_370 : i32 to vector<16xi32>
    %add3A_372 = arith.addi %iota3A, %add3A_371 : vector<16xi32>
    %gather3A_373 = arith.constant 1 : i32
    %gather3A_374 = arith.constant 0 : i32
    %gather3A_375 = arith.constant 0 : i32
    %gather3A_376 = tpu.memref_slice %arg11[%gather3A_373, %gather3A_374, %gather3A_375] : memref<12x64x128xf32, #tpu.memory_space<vmem>> -> memref<1x64x128xf32, #tpu.memory_space<vmem>>
    %gather3A_377 = tpu.memref_squeeze %gather3A_376 : memref<1x64x128xf32, #tpu.memory_space<vmem>> -> memref<64x128xf32, #tpu.memory_space<vmem>>
    %gather3A_378 = tpu.vector_load_idx %gather3A_377[%add3A_372, %broadcast_in_dim3A_343] : memref<64x128xf32, #tpu.memory_space<vmem>>[vector<16xi32>, vector<16xi32>], vector<16xf32>,
    %add3A_379 = arith.constant 32 : i32
    %add3A_380 = vector.broadcast %add3A_379 : i32 to vector<16xi32>
    %add3A_381 = arith.addi %iota3A, %add3A_380 : vector<16xi32>
    tpu.vector_store_idx %arg10[%broadcast_in_dim3A_345, %add3A_381], %gather3A_378 : memref<64x64xf32, #tpu.memory_space<vmem>>[vector<16xi32>, vector<16xi32>], vector<16xf32>,
    %add3A_382 = arith.constant 48 : i32
    %add3A_383 = vector.broadcast %add3A_382 : i32 to vector<16xi32>
    %add3A_384 = arith.addi %iota3A, %add3A_383 : vector<16xi32>
    %gather3A_385 = arith.constant 1 : i32
    %gather3A_386 = arith.constant 0 : i32
    %gather3A_387 = arith.constant 0 : i32
    %gather3A_388 = tpu.memref_slice %arg11[%gather3A_385, %gather3A_386, %gather3A_387] : memref<12x64x128xf32, #tpu.memory_space<vmem>> -> memref<1x64x128xf32, #tpu.memory_space<vmem>>
    %gather3A_389 = tpu.memref_squeeze %gather3A_388 : memref<1x64x128xf32, #tpu.memory_space<vmem>> -> memref<64x128xf32, #tpu.memory_space<vmem>>
    %gather3A_390 = tpu.vector_load_idx %gather3A_389[%add3A_384, %broadcast_in_dim3A_343] : memref<64x128xf32, #tpu.memory_space<vmem>>[vector<16xi32>, vector<16xi32>], vector<16xf32>,
    %add3A_391 = arith.constant 48 : i32
    %add3A_392 = vector.broadcast %add3A_391 : i32 to vector<16xi32>
    %add3A_393 = arith.addi %iota3A, %add3A_392 : vector<16xi32>
    tpu.vector_store_idx %arg10[%broadcast_in_dim3A_345, %add3A_393], %gather3A_390 : memref<64x64xf32, #tpu.memory_space<vmem>>[vector<16xi32>, vector<16xi32>], vector<16xf32>,
    %broadcast_in_dim3A_394 = arith.constant 30 : i32
    %broadcast_in_dim3A_395 = vector.broadcast %broadcast_in_dim3A_394 : i32 to vector<16xi32>
    %gather3A_396 = tpu.vector_load_idx %arg9[%broadcast_in_dim3A_395] : memref<32xi32, #tpu.memory_space<vmem>>[vector<16xi32>], vector<16xi32>,
    %slice3A_397 = vector.extract_strided_slice %gather3A_396 {offsets = [0], sizes = [1], strides = [1]} : vector<16xi32> to vector<1xi32>
    %squeeze3A_398 = vector.extract %slice3A_397[0] : i32 from vector<1xi32>
    %and3A_399 = arith.constant 127 : i32
    %and3A_400 = arith.andi %squeeze3A_398, %and3A_399 : i32
    %broadcast_in_dim3A_401 = vector.broadcast %and3A_400 : i32 to vector<16xi32>
    %broadcast_in_dim3A_402 = arith.constant 62 : i32
    %broadcast_in_dim3A_403 = vector.broadcast %broadcast_in_dim3A_402 : i32 to vector<16xi32>
    %add3A_404 = arith.constant 0 : i32
    %add3A_405 = vector.broadcast %add3A_404 : i32 to vector<16xi32>
    %add3A_406 = arith.addi %iota3A, %add3A_405 : vector<16xi32>
    %gather3A_407 = arith.constant 2 : i32
    %gather3A_408 = arith.constant 0 : i32
    %gather3A_409 = arith.constant 0 : i32
    %gather3A_410 = tpu.memref_slice %arg11[%gather3A_407, %gather3A_408, %gather3A_409] : memref<12x64x128xf32, #tpu.memory_space<vmem>> -> memref<1x64x128xf32, #tpu.memory_space<vmem>>
    %gather3A_411 = tpu.memref_squeeze %gather3A_410 : memref<1x64x128xf32, #tpu.memory_space<vmem>> -> memref<64x128xf32, #tpu.memory_space<vmem>>
    %gather3A_412 = tpu.vector_load_idx %gather3A_411[%add3A_406, %broadcast_in_dim3A_401] : memref<64x128xf32, #tpu.memory_space<vmem>>[vector<16xi32>, vector<16xi32>], vector<16xf32>,
    %add3A_413 = arith.constant 0 : i32
    %add3A_414 = vector.broadcast %add3A_413 : i32 to vector<16xi32>
    %add3A_415 = arith.addi %iota3A, %add3A_414 : vector<16xi32>
    tpu.vector_store_idx %arg10[%broadcast_in_dim3A_403, %add3A_415], %gather3A_412 : memref<64x64xf32, #tpu.memory_space<vmem>>[vector<16xi32>, vector<16xi32>], vector<16xf32>,
    %add3A_416 = arith.constant 16 : i32
    %add3A_417 = vector.broadcast %add3A_416 : i32 to vector<16xi32>
    %add3A_418 = arith.addi %iota3A, %add3A_417 : vector<16xi32>
    %gather3A_419 = arith.constant 2 : i32
    %gather3A_420 = arith.constant 0 : i32
    %gather3A_421 = arith.constant 0 : i32
    %gather3A_422 = tpu.memref_slice %arg11[%gather3A_419, %gather3A_420, %gather3A_421] : memref<12x64x128xf32, #tpu.memory_space<vmem>> -> memref<1x64x128xf32, #tpu.memory_space<vmem>>
    %gather3A_423 = tpu.memref_squeeze %gather3A_422 : memref<1x64x128xf32, #tpu.memory_space<vmem>> -> memref<64x128xf32, #tpu.memory_space<vmem>>
    %gather3A_424 = tpu.vector_load_idx %gather3A_423[%add3A_418, %broadcast_in_dim3A_401] : memref<64x128xf32, #tpu.memory_space<vmem>>[vector<16xi32>, vector<16xi32>], vector<16xf32>,
    %add3A_425 = arith.constant 16 : i32
    %add3A_426 = vector.broadcast %add3A_425 : i32 to vector<16xi32>
    %add3A_427 = arith.addi %iota3A, %add3A_426 : vector<16xi32>
    tpu.vector_store_idx %arg10[%broadcast_in_dim3A_403, %add3A_427], %gather3A_424 : memref<64x64xf32, #tpu.memory_space<vmem>>[vector<16xi32>, vector<16xi32>], vector<16xf32>,
    %add3A_428 = arith.constant 32 : i32
    %add3A_429 = vector.broadcast %add3A_428 : i32 to vector<16xi32>
    %add3A_430 = arith.addi %iota3A, %add3A_429 : vector<16xi32>
    %gather3A_431 = arith.constant 2 : i32
    %gather3A_432 = arith.constant 0 : i32
    %gather3A_433 = arith.constant 0 : i32
    %gather3A_434 = tpu.memref_slice %arg11[%gather3A_431, %gather3A_432, %gather3A_433] : memref<12x64x128xf32, #tpu.memory_space<vmem>> -> memref<1x64x128xf32, #tpu.memory_space<vmem>>
    %gather3A_435 = tpu.memref_squeeze %gather3A_434 : memref<1x64x128xf32, #tpu.memory_space<vmem>> -> memref<64x128xf32, #tpu.memory_space<vmem>>
    %gather3A_436 = tpu.vector_load_idx %gather3A_435[%add3A_430, %broadcast_in_dim3A_401] : memref<64x128xf32, #tpu.memory_space<vmem>>[vector<16xi32>, vector<16xi32>], vector<16xf32>,
    %add3A_437 = arith.constant 32 : i32
    %add3A_438 = vector.broadcast %add3A_437 : i32 to vector<16xi32>
    %add3A_439 = arith.addi %iota3A, %add3A_438 : vector<16xi32>
    tpu.vector_store_idx %arg10[%broadcast_in_dim3A_403, %add3A_439], %gather3A_436 : memref<64x64xf32, #tpu.memory_space<vmem>>[vector<16xi32>, vector<16xi32>], vector<16xf32>,
    %add3A_440 = arith.constant 48 : i32
    %add3A_441 = vector.broadcast %add3A_440 : i32 to vector<16xi32>
    %add3A_442 = arith.addi %iota3A, %add3A_441 : vector<16xi32>
    %gather3A_443 = arith.constant 2 : i32
    %gather3A_444 = arith.constant 0 : i32
    %gather3A_445 = arith.constant 0 : i32
    %gather3A_446 = tpu.memref_slice %arg11[%gather3A_443, %gather3A_444, %gather3A_445] : memref<12x64x128xf32, #tpu.memory_space<vmem>> -> memref<1x64x128xf32, #tpu.memory_space<vmem>>
    %gather3A_447 = tpu.memref_squeeze %gather3A_446 : memref<1x64x128xf32, #tpu.memory_space<vmem>> -> memref<64x128xf32, #tpu.memory_space<vmem>>
    %gather3A_448 = tpu.vector_load_idx %gather3A_447[%add3A_442, %broadcast_in_dim3A_401] : memref<64x128xf32, #tpu.memory_space<vmem>>[vector<16xi32>, vector<16xi32>], vector<16xf32>,
    %add3A_449 = arith.constant 48 : i32
    %add3A_450 = vector.broadcast %add3A_449 : i32 to vector<16xi32>
    %add3A_451 = arith.addi %iota3A, %add3A_450 : vector<16xi32>
    tpu.vector_store_idx %arg10[%broadcast_in_dim3A_403, %add3A_451], %gather3A_448 : memref<64x64xf32, #tpu.memory_space<vmem>>[vector<16xi32>, vector<16xi32>], vector<16xf32>,
    %broadcast_in_dim3A_452 = arith.constant 31 : i32
    %broadcast_in_dim3A_453 = vector.broadcast %broadcast_in_dim3A_452 : i32 to vector<16xi32>
    %gather3A_454 = tpu.vector_load_idx %arg9[%broadcast_in_dim3A_453] : memref<32xi32, #tpu.memory_space<vmem>>[vector<16xi32>], vector<16xi32>,
    %slice3A_455 = vector.extract_strided_slice %gather3A_454 {offsets = [0], sizes = [1], strides = [1]} : vector<16xi32> to vector<1xi32>
    %squeeze3A_456 = vector.extract %slice3A_455[0] : i32 from vector<1xi32>
    %and3A_457 = arith.constant 127 : i32
    %and3A_458 = arith.andi %squeeze3A_456, %and3A_457 : i32
    %broadcast_in_dim3A_459 = vector.broadcast %and3A_458 : i32 to vector<16xi32>
    %broadcast_in_dim3A_460 = arith.constant 63 : i32
    %broadcast_in_dim3A_461 = vector.broadcast %broadcast_in_dim3A_460 : i32 to vector<16xi32>
    %add3A_462 = arith.constant 0 : i32
    %add3A_463 = vector.broadcast %add3A_462 : i32 to vector<16xi32>
    %add3A_464 = arith.addi %iota3A, %add3A_463 : vector<16xi32>
    %gather3A_465 = arith.constant 3 : i32
    %gather3A_466 = arith.constant 0 : i32
    %gather3A_467 = arith.constant 0 : i32
    %gather3A_468 = tpu.memref_slice %arg11[%gather3A_465, %gather3A_466, %gather3A_467] : memref<12x64x128xf32, #tpu.memory_space<vmem>> -> memref<1x64x128xf32, #tpu.memory_space<vmem>>
    %gather3A_469 = tpu.memref_squeeze %gather3A_468 : memref<1x64x128xf32, #tpu.memory_space<vmem>> -> memref<64x128xf32, #tpu.memory_space<vmem>>
    %gather3A_470 = tpu.vector_load_idx %gather3A_469[%add3A_464, %broadcast_in_dim3A_459] : memref<64x128xf32, #tpu.memory_space<vmem>>[vector<16xi32>, vector<16xi32>], vector<16xf32>,
    %add3A_471 = arith.constant 0 : i32
    %add3A_472 = vector.broadcast %add3A_471 : i32 to vector<16xi32>
    %add3A_473 = arith.addi %iota3A, %add3A_472 : vector<16xi32>
    tpu.vector_store_idx %arg10[%broadcast_in_dim3A_461, %add3A_473], %gather3A_470 : memref<64x64xf32, #tpu.memory_space<vmem>>[vector<16xi32>, vector<16xi32>], vector<16xf32>,
    %add3A_474 = arith.constant 16 : i32
    %add3A_475 = vector.broadcast %add3A_474 : i32 to vector<16xi32>
    %add3A_476 = arith.addi %iota3A, %add3A_475 : vector<16xi32>
    %gather3A_477 = arith.constant 3 : i32
    %gather3A_478 = arith.constant 0 : i32
    %gather3A_479 = arith.constant 0 : i32
    %gather3A_480 = tpu.memref_slice %arg11[%gather3A_477, %gather3A_478, %gather3A_479] : memref<12x64x128xf32, #tpu.memory_space<vmem>> -> memref<1x64x128xf32, #tpu.memory_space<vmem>>
    %gather3A_481 = tpu.memref_squeeze %gather3A_480 : memref<1x64x128xf32, #tpu.memory_space<vmem>> -> memref<64x128xf32, #tpu.memory_space<vmem>>
    %gather3A_482 = tpu.vector_load_idx %gather3A_481[%add3A_476, %broadcast_in_dim3A_459] : memref<64x128xf32, #tpu.memory_space<vmem>>[vector<16xi32>, vector<16xi32>], vector<16xf32>,
    %add3A_483 = arith.constant 16 : i32
    %add3A_484 = vector.broadcast %add3A_483 : i32 to vector<16xi32>
    %add3A_485 = arith.addi %iota3A, %add3A_484 : vector<16xi32>
    tpu.vector_store_idx %arg10[%broadcast_in_dim3A_461, %add3A_485], %gather3A_482 : memref<64x64xf32, #tpu.memory_space<vmem>>[vector<16xi32>, vector<16xi32>], vector<16xf32>,
    %add3A_486 = arith.constant 32 : i32
    %add3A_487 = vector.broadcast %add3A_486 : i32 to vector<16xi32>
    %add3A_488 = arith.addi %iota3A, %add3A_487 : vector<16xi32>
    %gather3A_489 = arith.constant 3 : i32
    %gather3A_490 = arith.constant 0 : i32
    %gather3A_491 = arith.constant 0 : i32
    %gather3A_492 = tpu.memref_slice %arg11[%gather3A_489, %gather3A_490, %gather3A_491] : memref<12x64x128xf32, #tpu.memory_space<vmem>> -> memref<1x64x128xf32, #tpu.memory_space<vmem>>
    %gather3A_493 = tpu.memref_squeeze %gather3A_492 : memref<1x64x128xf32, #tpu.memory_space<vmem>> -> memref<64x128xf32, #tpu.memory_space<vmem>>
    %gather3A_494 = tpu.vector_load_idx %gather3A_493[%add3A_488, %broadcast_in_dim3A_459] : memref<64x128xf32, #tpu.memory_space<vmem>>[vector<16xi32>, vector<16xi32>], vector<16xf32>,
    %add3A_495 = arith.constant 32 : i32
    %add3A_496 = vector.broadcast %add3A_495 : i32 to vector<16xi32>
    %add3A_497 = arith.addi %iota3A, %add3A_496 : vector<16xi32>
    tpu.vector_store_idx %arg10[%broadcast_in_dim3A_461, %add3A_497], %gather3A_494 : memref<64x64xf32, #tpu.memory_space<vmem>>[vector<16xi32>, vector<16xi32>], vector<16xf32>,
    %add3A_498 = arith.constant 48 : i32
    %add3A_499 = vector.broadcast %add3A_498 : i32 to vector<16xi32>
    %add3A_500 = arith.addi %iota3A, %add3A_499 : vector<16xi32>
    %gather3A_501 = arith.constant 3 : i32
    %gather3A_502 = arith.constant 0 : i32
    %gather3A_503 = arith.constant 0 : i32
    %gather3A_504 = tpu.memref_slice %arg11[%gather3A_501, %gather3A_502, %gather3A_503] : memref<12x64x128xf32, #tpu.memory_space<vmem>> -> memref<1x64x128xf32, #tpu.memory_space<vmem>>
    %gather3A_505 = tpu.memref_squeeze %gather3A_504 : memref<1x64x128xf32, #tpu.memory_space<vmem>> -> memref<64x128xf32, #tpu.memory_space<vmem>>
    %gather3A_506 = tpu.vector_load_idx %gather3A_505[%add3A_500, %broadcast_in_dim3A_459] : memref<64x128xf32, #tpu.memory_space<vmem>>[vector<16xi32>, vector<16xi32>], vector<16xf32>,
    %add3A_507 = arith.constant 48 : i32
    %add3A_508 = vector.broadcast %add3A_507 : i32 to vector<16xi32>
    %add3A_509 = arith.addi %iota3A, %add3A_508 : vector<16xi32>
    tpu.vector_store_idx %arg10[%broadcast_in_dim3A_461, %add3A_509], %gather3A_506 : memref<64x64xf32, #tpu.memory_space<vmem>>[vector<16xi32>, vector<16xi32>], vector<16xf32>,
    %dma_wait3A_510 = arith.constant 0 : i32
    %dma_wait3A_511 = arith.constant 0 : i32
    %dma_wait3A_512 = tpu.memref_slice %arg10[%dma_wait3A_510, %dma_wait3A_511] : memref<64x64xf32, #tpu.memory_space<vmem>> -> memref<32x64xf32, #tpu.memory_space<vmem>>
    %dma_wait3A_513 = arith.constant 0 : i32
    %dma_wait3A_514 = tpu.memref_slice %arg6[%mul3A_2, %dma_wait3A_513] : memref<1024x64xf32, #tpu.memory_space<hbm>> -> memref<32x64xf32, #tpu.memory_space<hbm>>
    %dma_wait3A_515 = arith.constant 0 : i32
    %dma_wait3A_516 = tpu.memref_slice %arg6[%mul3A_2, %dma_wait3A_515] : memref<1024x64xf32, #tpu.memory_space<hbm>> -> memref<32x64xf32, #tpu.memory_space<hbm>>
    %dma_wait3A_517 = arith.constant 0 : i32
    %dma_wait3A_518 = arith.constant 0 : i32
    %dma_wait3A_519 = tpu.memref_slice %arg10[%dma_wait3A_517, %dma_wait3A_518] : memref<64x64xf32, #tpu.memory_space<vmem>> -> memref<32x64xf32, #tpu.memory_space<vmem>>
    tpu.wait_dma2 semaphore(%arg13 : memref<!tpu.dma_semaphore, #tpu.memory_space<semaphore_mem>>) src(%dma_wait3A_519 : memref<32x64xf32, #tpu.memory_space<vmem>>) dst(%dma_wait3A_516 : memref<32x64xf32, #tpu.memory_space<hbm>>)
    "tpu.region"() ({
      %run_scoped3A = tpu.sem_alloc : memref<!tpu.dma_semaphore, #tpu.memory_space<semaphore_mem>>
      %dma_start3A_520 = arith.constant 32 : i32
      %dma_start3A_521 = arith.constant 0 : i32
      %dma_start3A_522 = tpu.memref_slice %arg10[%dma_start3A_520, %dma_start3A_521] : memref<64x64xf32, #tpu.memory_space<vmem>> -> memref<32x64xf32, #tpu.memory_space<vmem>>
      %dma_start3A_523 = arith.constant 0 : i32
      %dma_start3A_524 = tpu.memref_slice %arg7[%mul3A_2, %dma_start3A_523] : memref<1024x64xf32, #tpu.memory_space<hbm>> -> memref<32x64xf32, #tpu.memory_space<hbm>>
      %dma_start3A_525 = arith.constant 0 : i32
      %dma_start3A_526 = tpu.memref_slice %arg7[%mul3A_2, %dma_start3A_525] : memref<1024x64xf32, #tpu.memory_space<hbm>> -> memref<32x64xf32, #tpu.memory_space<hbm>>
      %dma_start3A_527 = arith.constant 32 : i32
      %dma_start3A_528 = arith.constant 0 : i32
      %dma_start3A_529 = tpu.memref_slice %arg10[%dma_start3A_527, %dma_start3A_528] : memref<64x64xf32, #tpu.memory_space<vmem>> -> memref<32x64xf32, #tpu.memory_space<vmem>>
      tpu.enqueue_dma source(%dma_start3A_529 : memref<32x64xf32, #tpu.memory_space<vmem>>) target(%dma_start3A_526 : memref<32x64xf32, #tpu.memory_space<hbm>>) target_semaphore(%run_scoped3A : memref<!tpu.dma_semaphore, #tpu.memory_space<semaphore_mem>>)
      %dma_wait3A_530 = arith.constant 32 : i32
      %dma_wait3A_531 = arith.constant 0 : i32
      %dma_wait3A_532 = tpu.memref_slice %arg10[%dma_wait3A_530, %dma_wait3A_531] : memref<64x64xf32, #tpu.memory_space<vmem>> -> memref<32x64xf32, #tpu.memory_space<vmem>>
      %dma_wait3A_533 = arith.constant 0 : i32
      %dma_wait3A_534 = tpu.memref_slice %arg7[%mul3A_2, %dma_wait3A_533] : memref<1024x64xf32, #tpu.memory_space<hbm>> -> memref<32x64xf32, #tpu.memory_space<hbm>>
      %dma_wait3A_535 = arith.constant 0 : i32
      %dma_wait3A_536 = tpu.memref_slice %arg7[%mul3A_2, %dma_wait3A_535] : memref<1024x64xf32, #tpu.memory_space<hbm>> -> memref<32x64xf32, #tpu.memory_space<hbm>>
      %dma_wait3A_537 = arith.constant 32 : i32
      %dma_wait3A_538 = arith.constant 0 : i32
      %dma_wait3A_539 = tpu.memref_slice %arg10[%dma_wait3A_537, %dma_wait3A_538] : memref<64x64xf32, #tpu.memory_space<vmem>> -> memref<32x64xf32, #tpu.memory_space<vmem>>
      tpu.wait_dma2 semaphore(%run_scoped3A : memref<!tpu.dma_semaphore, #tpu.memory_space<semaphore_mem>>) src(%dma_wait3A_539 : memref<32x64xf32, #tpu.memory_space<vmem>>) dst(%dma_wait3A_536 : memref<32x64xf32, #tpu.memory_space<hbm>>)
      tpu.yield
    }) : () -> ()
    return
  }
}

module attributes {stable_mosaic.version = 14 : i64} {
  func.func @_mlp_body(%arg0: memref<1xf32, #tpu.memory_space<smem>>, %arg1: memref<1024x64xf32, #tpu.memory_space<vmem>>, %arg2: memref<1024x64xf32, #tpu.memory_space<vmem>>, %arg3: memref<256x128xf32, #tpu.memory_space<vmem>>, %arg4: memref<1x256xf32, #tpu.memory_space<vmem>>, %arg5: memref<128x256xf32, #tpu.memory_space<vmem>>, %arg6: memref<1x128xf32, #tpu.memory_space<vmem>>, %arg7: memref<64x128xf32, #tpu.memory_space<vmem>>, %arg8: memref<1x64xf32, #tpu.memory_space<vmem>>, %arg9: memref<1x64xf32, #tpu.memory_space<vmem>>, %arg10: memref<1024x1024xf32, #tpu.memory_space<vmem>>) attributes {dimension_semantics = [], scalar_prefetch = 0 : i64, scratch_operands = 0 : i64, tpu.core_type = #tpu.core_type<tc>} {
    %get3A = arith.constant 0 : index
    %get3A_0 = arith.constant 0 : index
    %get3A_1 = vector.load %arg1[%get3A, %get3A_0] : memref<1024x64xf32, #tpu.memory_space<vmem>>, vector<1024x64xf32>
    %get3A_2 = arith.constant 0 : index
    %get3A_3 = arith.constant 0 : index
    %get3A_4 = vector.load %arg2[%get3A_2, %get3A_3] : memref<1024x64xf32, #tpu.memory_space<vmem>>, vector<1024x64xf32>
    %mul3A = arith.mulf %get3A_1, %get3A_4 : vector<1024x64xf32>
    %broadcast_in_dim3A = arith.constant 1.000000e+00 : f32
    %broadcast_in_dim3A_5 = vector.broadcast %broadcast_in_dim3A : f32 to vector<1x64xf32>
    %dot_general3A = arith.constant dense<0.000000e+00> : vector<1x1024xf32>
    %dot_general3A_6 = tpu.matmul %broadcast_in_dim3A_5, %mul3A, %dot_general3A {dimension_numbers = #tpu.dot_dimension_numbers<[1], [1], [0], [0], [0, 0, 1, 0], [], []>, transpose_lhs_hint = false} : vector<1x64xf32>, vector<1024x64xf32>, vector<1x1024xf32> -> vector<1x1024xf32>
    %get3A_7 = arith.constant 0 : index
    %get3A_8 = arith.constant 0 : index
    %get3A_9 = vector.load %arg3[%get3A_7, %get3A_8] : memref<256x128xf32, #tpu.memory_space<vmem>>, vector<256x128xf32>
    %slice3A = vector.extract_strided_slice %get3A_9 {offsets = [0, 0], sizes = [256, 64], strides = [1, 1]} : vector<256x128xf32> to vector<256x64xf32>
    %dot_general3A_10 = arith.constant dense<0.000000e+00> : vector<1024x256xf32>
    %dot_general3A_11 = tpu.matmul %get3A_1, %slice3A, %dot_general3A_10 {dimension_numbers = #tpu.dot_dimension_numbers<[1], [1], [0], [0], [0, 0, 1, 0], [], []>, transpose_lhs_hint = false} : vector<1024x64xf32>, vector<256x64xf32>, vector<1024x256xf32> -> vector<1024x256xf32>
    %slice3A_12 = vector.extract_strided_slice %get3A_9 {offsets = [0, 64], sizes = [256, 64], strides = [1, 1]} : vector<256x128xf32> to vector<256x64xf32>
    %dot_general3A_13 = arith.constant dense<0.000000e+00> : vector<1024x256xf32>
    %dot_general3A_14 = tpu.matmul %get3A_4, %slice3A_12, %dot_general3A_13 {dimension_numbers = #tpu.dot_dimension_numbers<[1], [1], [0], [0], [0, 0, 1, 0], [], []>, transpose_lhs_hint = false} : vector<1024x64xf32>, vector<256x64xf32>, vector<1024x256xf32> -> vector<1024x256xf32>
    %add3A = arith.addf %dot_general3A_11, %dot_general3A_14 : vector<1024x256xf32>
    %get3A_15 = arith.constant 0 : index
    %get3A_16 = arith.constant 0 : index
    %get3A_17 = vector.load %arg4[%get3A_15, %get3A_16] : memref<1x256xf32, #tpu.memory_space<vmem>>, vector<1x256xf32>
    %add3A_18 = vector.broadcast %get3A_17 : vector<1x256xf32> to vector<1024x256xf32>
    %add3A_19 = arith.addf %add3A, %add3A_18 : vector<1024x256xf32>
    %max3A = arith.constant 0.000000e+00 : f32
    %max3A_20 = vector.broadcast %max3A : f32 to vector<1024x256xf32>
    %max3A_21 = arith.maximumf %add3A_19, %max3A_20 : vector<1024x256xf32>
    %get3A_22 = arith.constant 0 : index
    %get3A_23 = arith.constant 0 : index
    %get3A_24 = vector.load %arg5[%get3A_22, %get3A_23] : memref<128x256xf32, #tpu.memory_space<vmem>>, vector<128x256xf32>
    %dot_general3A_25 = arith.constant dense<0.000000e+00> : vector<1024x128xf32>
    %dot_general3A_26 = tpu.matmul %max3A_21, %get3A_24, %dot_general3A_25 {dimension_numbers = #tpu.dot_dimension_numbers<[1], [1], [0], [0], [0, 0, 1, 0], [], []>, transpose_lhs_hint = false} : vector<1024x256xf32>, vector<128x256xf32>, vector<1024x128xf32> -> vector<1024x128xf32>
    %get3A_27 = arith.constant 0 : index
    %get3A_28 = arith.constant 0 : index
    %get3A_29 = vector.load %arg6[%get3A_27, %get3A_28] : memref<1x128xf32, #tpu.memory_space<vmem>>, vector<1x128xf32>
    %add3A_30 = vector.broadcast %get3A_29 : vector<1x128xf32> to vector<1024x128xf32>
    %add3A_31 = arith.addf %dot_general3A_26, %add3A_30 : vector<1024x128xf32>
    %max3A_32 = arith.constant 0.000000e+00 : f32
    %max3A_33 = vector.broadcast %max3A_32 : f32 to vector<1024x128xf32>
    %max3A_34 = arith.maximumf %add3A_31, %max3A_33 : vector<1024x128xf32>
    %get3A_35 = arith.constant 0 : index
    %get3A_36 = arith.constant 0 : index
    %get3A_37 = vector.load %arg7[%get3A_35, %get3A_36] : memref<64x128xf32, #tpu.memory_space<vmem>>, vector<64x128xf32>
    %dot_general3A_38 = arith.constant dense<0.000000e+00> : vector<1024x64xf32>
    %dot_general3A_39 = tpu.matmul %max3A_34, %get3A_37, %dot_general3A_38 {dimension_numbers = #tpu.dot_dimension_numbers<[1], [1], [0], [0], [0, 0, 1, 0], [], []>, transpose_lhs_hint = false} : vector<1024x128xf32>, vector<64x128xf32>, vector<1024x64xf32> -> vector<1024x64xf32>
    %get3A_40 = arith.constant 0 : index
    %get3A_41 = arith.constant 0 : index
    %get3A_42 = vector.load %arg8[%get3A_40, %get3A_41] : memref<1x64xf32, #tpu.memory_space<vmem>>, vector<1x64xf32>
    %add3A_43 = vector.broadcast %get3A_42 : vector<1x64xf32> to vector<1024x64xf32>
    %add3A_44 = arith.addf %dot_general3A_39, %add3A_43 : vector<1024x64xf32>
    %max3A_45 = arith.constant 0.000000e+00 : f32
    %max3A_46 = vector.broadcast %max3A_45 : f32 to vector<1024x64xf32>
    %max3A_47 = arith.maximumf %add3A_44, %max3A_46 : vector<1024x64xf32>
    %get3A_48 = arith.constant 0 : index
    %get3A_49 = arith.constant 0 : index
    %get3A_50 = vector.load %arg9[%get3A_48, %get3A_49] : memref<1x64xf32, #tpu.memory_space<vmem>>, vector<1x64xf32>
    %dot_general3A_51 = arith.constant dense<0.000000e+00> : vector<1024x1xf32>
    %dot_general3A_52 = tpu.matmul %max3A_47, %get3A_50, %dot_general3A_51 {dimension_numbers = #tpu.dot_dimension_numbers<[1], [1], [0], [0], [0, 0, 1, 0], [], []>, transpose_lhs_hint = false} : vector<1024x64xf32>, vector<1x64xf32>, vector<1024x1xf32> -> vector<1024x1xf32>
    %add3A_53 = vector.broadcast %dot_general3A_52 : vector<1024x1xf32> to vector<1024x1024xf32>
    %add3A_54 = vector.broadcast %dot_general3A_6 : vector<1x1024xf32> to vector<1024x1024xf32>
    %add3A_55 = arith.addf %add3A_53, %add3A_54 : vector<1024x1024xf32>
    %get3A_56 = arith.constant 0 : index
    %get3A_57 = memref.load %arg0[%get3A_56] : memref<1xf32, #tpu.memory_space<smem>>
    %add3A_58 = vector.broadcast %get3A_57 : f32 to vector<1024x1024xf32>
    %add3A_59 = arith.addf %add3A_55, %add3A_58 : vector<1024x1024xf32>
    %logistic3A = arith.negf %add3A_59 : vector<1024x1024xf32>
    %logistic3A_60 = math.exp %logistic3A : vector<1024x1024xf32>
    %logistic3A_61 = arith.constant 1.000000e+00 : f32
    %logistic3A_62 = vector.broadcast %logistic3A_61 : f32 to vector<1024x1024xf32>
    %logistic3A_63 = arith.addf %logistic3A_62, %logistic3A_60 : vector<1024x1024xf32>
    %logistic3A_64 = arith.divf %logistic3A_62, %logistic3A_63 : vector<1024x1024xf32>
    %swap3A = arith.constant 0 : index
    %swap3A_65 = arith.constant 0 : index
    %swap3A_66 = vector.load %arg10[%swap3A, %swap3A_65] : memref<1024x1024xf32, #tpu.memory_space<vmem>>, vector<1024x1024xf32>
    tpu.vector_store %arg10[%swap3A, %swap3A_65], %logistic3A_64 {strides = array<i32>} : memref<1024x1024xf32, #tpu.memory_space<vmem>>, vector<1024x1024xf32>,
    return
  }
}

</mosaic_0001>

<sc_bundles>
// kernel: kernel.4.cloned.1.call-start
scs
__scs_entry_jumppad:
0x0: {  	(pc) =	sbr.rel $0x88, $3  }
0x1: {  	(tag) =	ssettag $0x0;
	lr =	simm.s32 $0x1  }
0x2: {  	[smem:$0x3F95] =	sst lr;
	_ =	strace $0xD0000000  }
0x3: {  	_ = 	snop  }
0x4: {  	_ = 	snop  }
0x5: {  	_ = 	snop  }
0x6: {  	_ = 	snop  }
0x7: {  	_ = 	snop  }
__scs_overlays_trampoline_lowered:
0x8: {  	[smem:$0x3FA4] =	sst s0  }
0x9: {  	[smem:$0x3FA5] =	sst s1  }
0xa: {  	[smem:$0x3FA6] =	sst s2  }
0xb: {  	[smem:$0x3FA7] =	sst s3  }
0xc: {  	[smem:$0x3FA8] =	sst s4  }
0xd: {  	[smem:$0x3FA9] =	sst s5  }
0xe: {  	[smem:$0x3FAA] =	sst s6  }
0xf: {  	[smem:$0x3FAB] =	sst s7  }
0x10: {  	[smem:$0x3FAC] =	sst s8  }
0x11: {  	[smem:$0x3FAD] =	sst s9;
	s0 =	simm.s32 @!p0 $0x0  }
0x12: {  	s1 =	sld [smem:$0x3F93];
	s0 =	simm.s32 @p0 $0x1  }
0x13: {  	[smem:$0x3FAE] =	sst s0;
	s0 =	simm.s32 @!p1 $0x0  }
0x14: {  	s2 =	sld [smem:$0x3F92];
	s0 =	simm.s32 @p1 $0x1  }
0x15: {  	[smem:$0x3FAF] =	sst s0;
	s0 =	simm.s32 @!p2 $0x0  }
0x16: {  	s3 =	sld [smem:$0x3FDB];
	s0 =	simm.s32 @p2 $0x1  }
0x17: {  	s4 =	simm.s32 $0x1BF5;
	[smem:$0x3FB1] =	sst s0  }
0x18: {  	s0 =	sld [smem:$0x3F94];
	_ =	swait.ge [sflag:s4], $0x0  }
0x19: {  	s7 =	sld [smem:$0x3F95]  }
0x1a: {  	s8 =	sadd.s32 $0xFFFFE003, lr  }
0x1b: {  	s9 =	sadd.s32 $0xFFFFFEF7, lr;
	s5 =	simm.s32 $0xFFFFFFFF;
	p2 =	slt.u32 s8, $0xFFFFF086  }
0x1c: {  	p1 =	slt.u32 s9, $0xF7A;
	s5 =	simm.s32 @!p2 $0x0  }
0x1d: {  	s5 =	simm.s32 @p1 $0x1;
	p0 =	seq.s32 s7, s2  }
0x1e: {  	s7 =	smul.u32 @!p0 $0xF7A, s2;
	p2 =	seq.s32 @!p0 s5, $0x0  }
0x1f: {  	s9 =	smul.u32 $0xF7A, s1;
	s8 =	simm.s32 @!p0 $0x1BF5;
	p2 =	por !p2, p0  }
0x20: {  	[sflag:s8] =	ssyncset.s32 @!p0 $0xFFFFF086;
	s6 =	sadd.s32 @!p0 s3, s7;
	s7 =	simm.s32 @!p0 $0x108  }
0x21: {  	s3 =	sadd.s32 s3, s9;
	s6 =	sadd.s32 @!p0 $0x88, s6;
	s7 =	simm.s32 @p2 $0x1082  }
0x22: {  	[simem:s7], [sflag:s8] =	dma.local @!p0 [hbm:s6], $0xF7A  }
0x23: {  	s9 =	sor.u32 $0xD0000000, s2;
	s6 =	simm.s32 $0x108;
	_ =	swait.ge @!p0 [sflag:s8], $0x0  }
0x24: {  	s3 =	sadd.s32 $0x88, s3;
	s6 =	simm.s32 @!p1 $0x1082;
	[sflag:s4] =	ssyncset.s32 $0xFFFFF086  }
0x25: {  	[simem:s6], [sflag:s4] =	dma.local [hbm:s3], $0xF7A  }
0x26: {  	[smem:$0x3F95] =	sst s1;
	(tag) =	ssettag s2;
	_ =	strace s9  }
0x27: {  	s1 =	sld [smem:$0x3FA5]  }
0x28: {  	s2 =	sld [smem:$0x3FA6]  }
0x29: {  	s4 =	sld [smem:$0x3FA8]  }
0x2a: {  	p0 =	seq.s32 s5, $0x0;
	s5 =	sld [smem:$0x3FA9]  }
0x2b: {  	s6 =	sld [smem:$0x3FAA]  }
0x2c: {  	s7 =	sld [smem:$0x3FAB]  }
0x2d: {  	s3 =	simm.s32 $0x108;
	s8 =	sld [smem:$0x3FAC]  }
0x2e: {  	s3 =	simm.s32 @!p0 $0x1082;
	s9 =	sld [smem:$0x3FAD]  }
0x2f: {  	lr =	sadd.s32 s0, s3;
	s0 =	sld [smem:$0x3FA4]  }
0x30: {  	s3 =	sld [smem:$0x3FA7]  }
0x31: {  	[smem:$0x3FB0] =	sst s10  }
0x32: {  	s10 =	sld [smem:$0x3FAE];
	_ =	sdelay $0x3  }
0x33: {  	p0 =	seq.s32 s10, $0x1;
	s10 =	sld [smem:$0x3FB0];
	_ =	sdelay $0x3  }
0x34: {  	[smem:$0x3FB0] =	sst s10  }
0x35: {  	s10 =	sld [smem:$0x3FAF];
	_ =	sdelay $0x3  }
0x36: {  	p1 =	seq.s32 s10, $0x1;
	s10 =	sld [smem:$0x3FB0];
	_ =	sdelay $0x3  }
0x37: {  	[smem:$0x3FB0] =	sst s10  }
0x38: {  	s10 =	sld [smem:$0x3FB1]  }
0x39: {  	_ = 	snop;
	(pc) =	sbr.ind lr, $3  }
0x3a: {  	_ = 	snop  }
0x3b: {  	_ = 	snop  }
0x3c: {  	p2 =	seq.s32 s10, $0x1;
	s10 =	sld [smem:$0x3FB0]  }
0x3d: {  	_ =	shalt  }
0x3e: {  	_ =	shalt  }
0x3f: {  	_ =	shalt  }
0x40: {  	_ =	shalt  }
0x41: {  	_ =	shalt  }
0x42: {  	_ =	shalt  }
0x43: {  	_ =	shalt  }
0x44: {  	_ =	shalt  }
0x45: {  	_ =	shalt  }
0x46: {  	_ =	shalt  }
0x47: {  	_ =	shalt  }
0x48: {  	_ =	shalt  }
0x49: {  	_ =	shalt  }
0x4a: {  	_ =	shalt  }
0x4b: {  	_ =	shalt  }
0x4c: {  	_ =	shalt  }
0x4d: {  	_ =	shalt  }
0x4e: {  	_ =	shalt  }
0x4f: {  	_ =	shalt  }
0x50: {  	_ =	shalt  }
0x51: {  	_ =	shalt  }
0x52: {  	_ =	shalt  }
0x53: {  	_ =	shalt  }
0x54: {  	_ =	shalt  }
0x55: {  	_ =	shalt  }
0x56: {  	_ =	shalt  }
0x57: {  	_ =	shalt  }
0x58: {  	_ =	shalt  }
0x59: {  	_ =	shalt  }
0x5a: {  	_ =	shalt  }
0x5b: {  	_ =	shalt  }
0x5c: {  	_ =	shalt  }
0x5d: {  	_ =	shalt  }
0x5e: {  	_ =	shalt  }
0x5f: {  	_ =	shalt  }
0x60: {  	_ =	shalt  }
0x61: {  	_ =	shalt  }
0x62: {  	_ =	shalt  }
0x63: {  	_ =	shalt  }
0x64: {  	_ =	shalt  }
0x65: {  	_ =	shalt  }
0x66: {  	_ =	shalt  }
0x67: {  	_ =	shalt  }
0x68: {  	_ =	shalt  }
0x69: {  	_ =	shalt  }
0x6a: {  	_ =	shalt  }
0x6b: {  	_ =	shalt  }
0x6c: {  	_ =	shalt  }
0x6d: {  	_ =	shalt  }
0x6e: {  	_ =	shalt  }
0x6f: {  	_ =	shalt  }
0x70: {  	_ =	shalt  }
0x71: {  	_ =	shalt  }
0x72: {  	_ =	shalt  }
0x73: {  	_ =	shalt  }
0x74: {  	_ =	shalt  }
0x75: {  	_ =	shalt  }
0x76: {  	_ =	shalt  }
0x77: {  	_ =	shalt  }
0x78: {  	_ =	shalt  }
0x79: {  	_ =	shalt  }
0x7a: {  	_ =	shalt  }
0x7b: {  	_ =	shalt  }
0x7c: {  	_ =	shalt  }
0x7d: {  	_ =	shalt  }
0x7e: {  	_ =	shalt  }
0x7f: {  	_ =	shalt  }
0x80: {  	_ =	shalt  }
0x81: {  	_ =	shalt  }
0x82: {  	_ =	shalt  }
0x83: {  	_ =	shalt  }
0x84: {  	_ =	shalt  }
0x85: {  	_ =	shalt  }
0x86: {  	_ =	shalt  }
0x87: {  	_ =	shalt  }
.Lfunc_end0:
.L_simem_size_0:
called_computation_lowered:
.L_overlay_start_0:
0x88: {  	s2 =	sld [smem:$0x3FD9]  }
0x89: {  	s3 =	sld [smem:$0x3FFE];
	_ =	sdelay $0x1  }
0x8a: {  	s1 =	srdreg.scid  }
0x8b: {  	s0 =	sand.u32 $0x1, s1  }
0x8c: {  	s17 =	sshll.u32 s0, $0xA;
	s2 =	sadd.s32 s3, s2  }
0x8d: {  	s2 =	sadd.s32 s2, s17  }
0x8e: {  	[smem:$0x3FBC] =	sst s2  }
0x8f: {  	_ = 	snop  }
0x90: {  	s2 =	sld [smem:$0x3FC9]  }
0x91: {  	s18 =	sld [smem:$0x3FC8]  }
0x92: {  	s4 =	sld [smem:$0x3FC7]  }
0x93: {  	s5 =	sld [smem:$0x3FC6]  }
0x94: {  	s6 =	sld [smem:$0x3FD0];
	(tm) =	ssettm $0x1  }
0x95: {  	s7 =	sld [smem:$0x3FFB];
	_ =	sdelay $0x3  }
0x96: {  	_ =	strace s7  }
0x97: {  	s7 =	sld [smem:$0x3FFC];
	_ =	sdelay $0x3  }
0x98: {  	_ =	strace s7  }
0x99: {  	s7 =	sld [smem:$0x3FFD];
	_ =	sdelay $0x3  }
0x9a: {  	_ =	strace s7  }
0x9b: {  	_ =	strace $0x8FFFFFFF  }
0x9c: {  	s19 =	sld [smem:$0x3FDB];
	_ =	sdelay $0x1  }
0x9d: {  	s8 =	simm.s32 $_scs_section_size  }
0x9e: {  	s9 =	simm.s32 $_size__tile_overlayer_lowered;
	s10 =	simm.s32 $_tile_overlayer_lowered  }
0x9f: {  	s22 =	simm.s32 $0x1BFF;
	s21 =	sshll.u32 s10, $0x1;
	s7 =	sadd.s32 s8, s19  }
0xa0: {  	s11 =	simm.s32 $0x0;
	s20 =	sshll.u32 s9, $0x1;
	s9 =	sadd.s32 s21, s7  }
0xa1: {  	[timem:s11], [sflag:s22] =	dma.local [hbm:s9], s20  }
0xa2: {  	_ =	swait.ge [sflag:s22], s20  }
0xa3: {  	s8 =	ssub.s32 $0x0, s20;
	[sflag:s22] =	ssyncset.done $0x0  }
0xa4: {  	[sflag:s22] =	ssyncadd.s32 s8;
	_ =	sdelay $0x1  }
0xa5: {  	s23 =	simm.s32 $0x1B8B  }
0xa6: {  	_ =	swait.ge [sflag:s23], $0x1  }
0xa7: {  	[sflag:s23] =	ssyncset.done $0x0  }
0xa8: {  	s25 =	simm.s32 $0x1B8E;
	s24 =	sld [smem:$0x3FFE];
	[sflag:s23] =	ssyncadd.s32 $0xFFFFFFFF  }
0xa9: {  	s26 =	simm.s32 $execute0_lowered;
	[smem:$0x3FD2] =	sst s25  }
0xaa: {  	s9 =	sshll.u32 s26, $0x1;
	_ =	strace $0x80000046;
	[dreg:$0x1] =	wrdreg $0xFFFFFFFF  }
0xab: {  	s28 =	simm.s32 $_size_execute0_lowered;
	s7 =	sadd.s32 s7, s9;
	[dreg:$0x0] =	wrdreg $0x0  }
0xac: {  	s9 =	sshll.u32 s28, $0x1;
	[dreg:$0x2] =	wrdreg s7  }
0xad: {  	[dreg:$0x3] =	wrdreg s9  }
0xae: {  	[dreg:$0x4] =	wrdreg $0xC0  }
0xaf: {  	_ =	task [dreg:s11], $0x5FFFF  }
0xb0: {  	[dreg:$0x1] =	wrdreg $0xFFFFFFFF  }
0xb1: {  	[dreg:$0x0] =	wrdreg $0x60  }
0xb2: {  	[dreg:$0x2] =	wrdreg s2  }
0xb3: {  	[dreg:$0x3] =	wrdreg s18  }
0xb4: {  	[dreg:$0x4] =	wrdreg s4  }
0xb5: {  	[dreg:$0x5] =	wrdreg s5  }
0xb6: {  	[dreg:$0x6] =	wrdreg s6  }
0xb7: {  	[dreg:$0x7] =	wrdreg s24  }
0xb8: {  	[dreg:$0x8] =	wrdreg $0x9  }
0xb9: {  	_ =	task.clear_ibuf [dreg:s11], $0x9FFFF;
	_ =	strace $0x90000046  }
0xba: {  	s29 =	simm.s32 $0x9;
	_ =	strace $0x80000048  }
0xbb: {  	_ =	swait.ge [sflag:s29], $0x1  }
0xbc: {  	[sflag:s29] =	ssyncadd.s32 $0xFFFFFFFF  }
0xbd: {  	_ =	strace $0x90000048  }
0xbe: {  	_ =	sfence  }
0xbf: {  	s30 =	sld [smem:$0x0];
	_ =	sdelay $0x2  }
0xc0: {  	s31 =	sshll.u32 s1, $0xD;
	s1 =	sshrl.u32 s1, $0x2  }
0xc1: {  	s3 =	sand.u32 $0x4000, s31;
	s1 =	sadd.s32 s1, s30  }
0xc2: {  	s0 =	sor.u32 s3, s0;
	s1 =	sshll.u32 s1, $0x11  }
0xc3: {  	s0 =	sor.u32 s1, s0  }
0xc4: {  	s0 =	sadd.s32 $0x8F2B, s0  }
0xc5: {  	[sflag:s0] =	ssyncadd.remote.s32 $0x1  }
0xc6: {  	_ =	sfence.sel $0xFFFF  }
0xc7: {  	[dreg:$0x0] =	wrdreg $0xFFFFFFFF;
	(pc) =	sbr.abs _section_cstart, $3  }
0xc8: {  	[dreg:$0x1] =	wrdreg $0xFFFFFFFF  }
0xc9: {  	_ =	task.clear_ibuf [dreg:s11], $0x2FFFF;
	_ =	strace $0x9FFFFFFF  }
0xca: {  	(tm) =	ssettm $0x7FFFFFFF  }
0xcb: {  	_ =	shalt  }
tec
execute0_lowered:
.L_overlay_start_1:
0x0: {  	(tag) =	ssettag $0x1  }
0x1: {  	s0 =	rddreg [dreg:$0x0]  }
0x2: {  	s1 =	rddreg [dreg:$0x1]  }
0x3: {  	s6 =	rddreg [dreg:$0x2]  }
0x4: {  	s31 =	rddreg [dreg:$0x3]  }
0x5: {  	s2 =	rddreg [dreg:$0x4]  }
0x6: {  	s3 =	rddreg [dreg:$0x5]  }
0x7: {  	s5 =	srdreg.scid;
	s4 =	simm.s32 $0x0;
	s7 =	stileid.u32  }
0x8: {  	s11 =	simm.s32 $0x80;
	s12 =	simm.s32 $0x400;
	s13 =	simm.s32 $0xC3800  }
0x9: {  	s14 =	simm.s32 $0x2100;
	s15 =	simm.s32 $0x4100;
	s16 =	simm.s32 $0x6100  }
0xa: {  	v0 =	vimm.s32 $0x1;
	v1 =	vlaneseq.u32;
	s17 =	simm.s32 $0x8100;
	s19 =	simm.s32 $0xC100;
	s20 =	simm.s32 $0xE100  }
0xb: {  	v2 =	vimm.s32 $0x2;
	v3 =	vimm.s32 $0x3;
	v5 =	vimm.s32 $0x4;
	s21 =	simm.s32 $0x10100;
	s22 =	simm.s32 $0x18100;
	s23 =	simm.s32 $0x1  }
0xc: {  	v6 =	vimm.s32 $0x5;
	v7 =	vimm.s32 $0x6;
	v8 =	vimm.s32 $0x7;
	s28 =	simm.s32 $0x12100;
	s29 =	simm.s32 $0x14100;
	s5 =	sand.u32 $0x1, s5  }
0xd: {  	v15 =	vimm.s32 $0x1C;
	v20 =	vimm.s32 $0x1D;
	v25 =	vimm.s32 $0x1E;
	s30 =	simm.s32 $0x16100;
	s7 =	sshll.u32 s7, $0x6;
	s8 =	sshll.u32 s5, $0x5  }
0xe: {  	v30 =	vimm.s32 $0x1F;
	[smem:$0x7FF] =	sst s4;
	v4 =	vmul.u32 $0x80, v1;
	v10 =	vor.u32 $0x10, v1;
	s5 =	ssub.s32 $0x2, s5;
	s7 =	sor.u32 s8, s7  }
0xf: {  	v12 =	vor.u32 $0x20, v1;
	v14 =	vor.u32 $0x30, v1;
	v16 =	vor.u32 $0x1E00, v1;
	_ =	strace $0x80000047;
	s9 =	sshrl.u32 s5, $0x1;
	s8 =	sshll.u32 s7, $0x4  }
0x10: {  	v17 =	vor.u32 $0x1E10, v1;
	v18 =	vor.u32 $0x1E20, v1;
	v19 =	vor.u32 $0x1E30, v1;
	s7 =	sshrl.u32 s7, $0x3;
	s5 =	ssub.s32 s5, s9;
	s3 =	sadd.s32 s8, s3  }
.Ltmp0:
0x11: {  	v21 =	vor.u32 $0x1E80, v1;
	v22 =	vor.u32 $0x1E90, v1;
	v23 =	vor.u32 $0x1EA0, v1;
	s0 =	sadd.s32 s0, s7;
	s24 =	sadd.s32 s1, s7;
	(pc) =	sbr.rel .LBB2_1-.Ltmp0, $4  }
0x12: {  	v24 =	vor.u32 $0x1EB0, v1;
	v26 =	vor.u32 $0x1F00, v1;
	v27 =	vor.u32 $0x1F10, v1;
	s18 =	sadd.s32 s2, s8;
	s26 =	smax.u32 s5, $0x1;
	[dreg:$0x7] =	wrdreg s0  }
0x13: {  	v28 =	vor.u32 $0x1F20, v1;
	v29 =	vor.u32 $0x1F30, v1;
	v31 =	vor.u32 $0x1F80, v1;
	s1 =	simm.s32 $0x5;
	s2 =	simm.s32 $0x0;
	[dreg:$0x8] =	wrdreg s24  }
0x14: {  	v32 =	vor.u32 $0x1F90, v1;
	v33 =	vor.u32 $0x1FA0, v1;
	v34 =	vor.u32 $0x1FB0, v1;
	s25 =	sadd.s32 $0x1A00, s3;
	[dreg:$0xa] =	wrdreg s26;
	s24 =	simm.s32 $0x100  }
0x15: {  	v9 =	vor.u32 $0x800, v4;
	v11 =	vor.u32 $0x1000, v4;
	v13 =	vor.u32 $0x1800, v4;
	s26 =	simm.s32 $0x3;
	[dreg:$0x9] =	wrdreg s25;
	s25 =	simm.s32 $0x2  }
.LBB2_16:
0x16: {  	_ =	swait.ge [sflag:s23], $0x2000  }
0x17: {  	[sflag:s23] =	ssyncset.done $0x0  }
0x18: {  	[sflag:s23] =	ssyncadd.s32 $0xFFFFE000  }
0x19: {  	_ =	swait.ge [sflag:s23], $0x2000  }
0x1a: {  	[sflag:s23] =	ssyncset.done $0x0  }
0x1b: {  	[sflag:s23] =	ssyncadd.s32 $0xFFFFE000  }
0x1c: {  	_ =	swait.ge [sflag:s23], $0x2000  }
0x1d: {  	[sflag:s23] =	ssyncset.done $0x0  }
0x1e: {  	[sflag:s23] =	ssyncadd.s32 $0xFFFFE000  }
0x1f: {  	_ =	swait.ge [sflag:s23], $0x2000  }
0x20: {  	[sflag:s23] =	ssyncset.done $0x0  }
0x21: {  	[sflag:s23] =	ssyncadd.s32 $0xFFFFE000  }
0x22: {  	v35 =	vld.idx.msk [tilespmem:v15+s11+$0x0], $0xffff;
	_ =	sdelay $0x4  }
0x23: {  	(v2sf) =	vpush v35, $0x0;
	_ =	sdelay $0xe  }
0x24: {  	s0 =	spop (v2sf)  }
0x25: {  	s0 =	sand.u32 $0x7F, s0  }
0x26: {  	v49 =	vor.u32 s0, v4;
	_ =	sdelay $0x4  }
0x27: {  	v35 =	vld.idx.msk [tilespmem:v49+s14+$0x0], $0xffff  }
0x28: {  	v36 =	vor.u32 s0, v9;
	_ =	sdelay $0x3  }
0x29: {  	[tilespmem:v16+s24+$0x0] =	vst.idx.msk $0xffff, v35  }
0x2a: {  	v35 =	vld.idx.msk [tilespmem:v36+s14+$0x0], $0xffff  }
0x2b: {  	v50 =	vor.u32 s0, v11;
	_ =	sdelay $0x3  }
0x2c: {  	[tilespmem:v17+s24+$0x0] =	vst.idx.msk $0xffff, v35  }
0x2d: {  	v35 =	vld.idx.msk [tilespmem:v50+s14+$0x0], $0xffff  }
0x2e: {  	v51 =	vor.u32 s0, v13;
	_ =	sdelay $0x3  }
0x2f: {  	[tilespmem:v18+s24+$0x0] =	vst.idx.msk $0xffff, v35  }
0x30: {  	v35 =	vld.idx.msk [tilespmem:v51+s14+$0x0], $0xffff;
	_ =	sdelay $0x4  }
0x31: {  	[tilespmem:v19+s24+$0x0] =	vst.idx.msk $0xffff, v35  }
0x32: {  	v35 =	vld.idx.msk [tilespmem:v20+s11+$0x0], $0xffff;
	_ =	sdelay $0x4  }
0x33: {  	(v2sf) =	vpush v35, $0x0;
	_ =	sdelay $0xe  }
0x34: {  	s3 =	spop (v2sf)  }
0x35: {  	s0 =	sand.u32 $0x7F, s3  }
0x36: {  	v52 =	vor.u32 s0, v4;
	_ =	sdelay $0x4  }
0x37: {  	v35 =	vld.idx.msk [tilespmem:v52+s15+$0x0], $0xffff  }
0x38: {  	v53 =	vor.u32 s0, v9;
	_ =	sdelay $0x3  }
0x39: {  	[tilespmem:v21+s24+$0x0] =	vst.idx.msk $0xffff, v35  }
0x3a: {  	v35 =	vld.idx.msk [tilespmem:v53+s15+$0x0], $0xffff  }
0x3b: {  	v54 =	vor.u32 s0, v11;
	_ =	sdelay $0x3  }
0x3c: {  	[tilespmem:v22+s24+$0x0] =	vst.idx.msk $0xffff, v35  }
0x3d: {  	v35 =	vld.idx.msk [tilespmem:v54+s15+$0x0], $0xffff  }
0x3e: {  	v55 =	vor.u32 s0, v13;
	_ =	sdelay $0x3  }
0x3f: {  	[tilespmem:v23+s24+$0x0] =	vst.idx.msk $0xffff, v35  }
0x40: {  	v35 =	vld.idx.msk [tilespmem:v55+s15+$0x0], $0xffff;
	_ =	sdelay $0x4  }
0x41: {  	[tilespmem:v24+s24+$0x0] =	vst.idx.msk $0xffff, v35  }
0x42: {  	v35 =	vld.idx.msk [tilespmem:v25+s11+$0x0], $0xffff;
	_ =	sdelay $0x4  }
0x43: {  	(v2sf) =	vpush v35, $0x0;
	_ =	sdelay $0xe  }
0x44: {  	s5 =	spop (v2sf)  }
0x45: {  	s0 =	sand.u32 $0x7F, s5  }
0x46: {  	v56 =	vor.u32 s0, v4;
	_ =	sdelay $0x4  }
0x47: {  	v35 =	vld.idx.msk [tilespmem:v56+s16+$0x0], $0xffff  }
0x48: {  	v57 =	vor.u32 s0, v9;
	_ =	sdelay $0x3  }
0x49: {  	[tilespmem:v26+s24+$0x0] =	vst.idx.msk $0xffff, v35  }
0x4a: {  	v35 =	vld.idx.msk [tilespmem:v57+s16+$0x0], $0xffff  }
0x4b: {  	v58 =	vor.u32 s0, v11;
	_ =	sdelay $0x3  }
0x4c: {  	[tilespmem:v27+s24+$0x0] =	vst.idx.msk $0xffff, v35  }
0x4d: {  	v35 =	vld.idx.msk [tilespmem:v58+s16+$0x0], $0xffff  }
0x4e: {  	v59 =	vor.u32 s0, v13;
	_ =	sdelay $0x3  }
0x4f: {  	[tilespmem:v28+s24+$0x0] =	vst.idx.msk $0xffff, v35  }
0x50: {  	v35 =	vld.idx.msk [tilespmem:v59+s16+$0x0], $0xffff;
	_ =	sdelay $0x4  }
0x51: {  	[tilespmem:v29+s24+$0x0] =	vst.idx.msk $0xffff, v35  }
0x52: {  	v35 =	vld.idx.msk [tilespmem:v30+s11+$0x0], $0xffff;
	_ =	sdelay $0x4  }
0x53: {  	(v2sf) =	vpush v35, $0x0;
	_ =	sdelay $0xe  }
0x54: {  	s7 =	spop (v2sf)  }
0x55: {  	s0 =	sand.u32 $0x7F, s7  }
0x56: {  	v60 =	vor.u32 s0, v4;
	_ =	sdelay $0x4  }
0x57: {  	v35 =	vld.idx.msk [tilespmem:v60+s17+$0x0], $0xffff  }
0x58: {  	v61 =	vor.u32 s0, v9;
	_ =	sdelay $0x3  }
0x59: {  	[tilespmem:v31+s24+$0x0] =	vst.idx.msk $0xffff, v35  }
0x5a: {  	v35 =	vld.idx.msk [tilespmem:v61+s17+$0x0], $0xffff  }
0x5b: {  	v62 =	vor.u32 s0, v11;
	_ =	sdelay $0x3  }
0x5c: {  	[tilespmem:v32+s24+$0x0] =	vst.idx.msk $0xffff, v35  }
0x5d: {  	v35 =	vld.idx.msk [tilespmem:v62+s17+$0x0], $0xffff  }
0x5e: {  	v63 =	vor.u32 s0, v13;
	_ =	sdelay $0x3  }
0x5f: {  	[tilespmem:v33+s24+$0x0] =	vst.idx.msk $0xffff, v35  }
0x60: {  	v35 =	vld.idx.msk [tilespmem:v63+s17+$0x0], $0xffff;
	_ =	sdelay $0x4  }
0x61: {  	s8 =	simm.s32 $0x4;
	[tilespmem:v34+s24+$0x0] =	vst.idx.msk $0xffff, v35  }
0x62: {  	_ =	swait.ge [sflag:s8], $0x1000  }
0x63: {  	[sflag:s8] =	ssyncset.done $0x0  }
0x64: {  	s1 =	simm.s32 $0x1100;
	s9 =	rddreg [dreg:$0x9];
	[sflag:s8] =	ssyncadd.s32 $0xFFFFF000  }
0x65: {  	[hbm4b:s9+s4] =	stream.linear.scatter [tilespmem:s1], [sflag:$0x5], $0x1000, $0x38;
	[tilespmem:$0x1A100] =	vst v63  }
0x66: {  	s1 =	simm.s32 $0x5  }
0x67: {  	_ =	swait.ge [sflag:s1], $0x1000  }
0x68: {  	s2 =	rddreg [dreg:$0xb]  }
0x69: {  	s10 =	rddreg [dreg:$0xa];
	s2 =	sadd.s32 $0x1, s2  }
0x6a: {  	p0 =	sne.s32 s2, s10  }
.Ltmp1:
0x6b: {  	_ = 	snop;
	(pc) =	sbr.rel @!p0 .LBB2_17-.Ltmp1, $3  }
0x6c: {  	_ =	sdelay $0x1  }
0x6d: {  	[sflag:s1] =	ssyncset.done $0x0  }
0x6e: {  	[sflag:s1] =	ssyncadd.s32 $0xFFFFF000  }
.LBB2_1:
0x6f: {  	[dreg:$0xb] =	wrdreg s2  }
0x70: {  	s0 =	rddreg [dreg:$0x7]  }
0x71: {  	[tilespmem:s4], [sflag:$0x5] =	stream.linear.gather [hbm4b:s0+s4], $0x20, $0x38;
	[tilespmem:$0x1A100] =	vst v63  }
0x72: {  	_ =	swait.ge [sflag:s1], $0x20  }
0x73: {  	[sflag:s1] =	ssyncset.done $0x0  }
0x74: {  	s9 =	rddreg [dreg:$0x8];
	[sflag:s1] =	ssyncadd.s32 $0xFFFFFFE0  }
0x75: {  	[tilespmem:s11], [sflag:$0x5] =	stream.linear.gather [hbm4b:s9+s4], $0x20, $0x38;
	[tilespmem:$0x1A100] =	vst v63  }
0x76: {  	_ =	swait.ge [sflag:s1], $0x20  }
0x77: {  	[sflag:s1] =	ssyncset.done $0x0  }
0x78: {  	[sflag:s1] =	ssyncadd.s32 $0xFFFFFFE0  }
0x79: {  	v35 =	vld.msk [tilespmem:s4+$0x0], $0xffff;
	_ =	sdelay $0x4  }
0x7a: {  	(v2sf) =	vpush v35, $0x0;
	_ =	sdelay $0xe  }
0x7b: {  	s10 =	spop (v2sf)  }
0x7c: {  	s0 =	sand.u32 $0xFFFFF80, s10  }
0x7d: {  	s0 =	sadd.s32 s6, s0  }
0x7e: {  	[tilespmem:s14], [sflag:$0x1] =	stream.strided.gather [hbm4b:s0+s12], $0x2000, s13, s12, $0x38;
	[tilespmem:$0x1A100] =	vst v63  }
0x7f: {  	v57 =	vld.idx.msk [tilespmem:v0+s4+$0x0], $0xffff;
	_ =	sdelay $0x4  }
0x80: {  	(v2sf) =	vpush v57, $0x0;
	_ =	sdelay $0xe  }
0x81: {  	s1 =	spop (v2sf)  }
0x82: {  	s0 =	sand.u32 $0xFFFFF80, s1  }
0x83: {  	s0 =	sadd.s32 s6, s0  }
0x84: {  	[tilespmem:s15], [sflag:$0x1] =	stream.strided.gather [hbm4b:s0+s12], $0x2000, s13, s12, $0x38;
	[tilespmem:$0x1A100] =	vst v63  }
0x85: {  	v58 =	vld.idx.msk [tilespmem:v2+s4+$0x0], $0xffff;
	_ =	sdelay $0x4  }
0x86: {  	(v2sf) =	vpush v58, $0x0;
	_ =	sdelay $0xe  }
0x87: {  	s2 =	spop (v2sf)  }
0x88: {  	s0 =	sand.u32 $0xFFFFF80, s2  }
0x89: {  	s0 =	sadd.s32 s6, s0  }
0x8a: {  	[tilespmem:s16], [sflag:$0x1] =	stream.strided.gather [hbm4b:s0+s12], $0x2000, s13, s12, $0x38;
	[tilespmem:$0x1A100] =	vst v63  }
0x8b: {  	v59 =	vld.idx.msk [tilespmem:v3+s4+$0x0], $0xffff;
	_ =	sdelay $0x4  }
0x8c: {  	(v2sf) =	vpush v59, $0x0;
	_ =	sdelay $0xe  }
0x8d: {  	s3 =	spop (v2sf)  }
0x8e: {  	s0 =	sand.u32 $0xFFFFF80, s3  }
0x8f: {  	s0 =	sadd.s32 s6, s0  }
0x90: {  	[tilespmem:s17], [sflag:$0x1] =	stream.strided.gather [hbm4b:s0+s12], $0x2000, s13, s12, $0x38;
	[tilespmem:$0x1A100] =	vst v63  }
0x91: {  	v60 =	vld.idx.msk [tilespmem:v5+s4+$0x0], $0xffff;
	_ =	sdelay $0x4  }
0x92: {  	(v2sf) =	vpush v60, $0x0;
	_ =	sdelay $0xe  }
0x93: {  	s5 =	spop (v2sf)  }
0x94: {  	s0 =	sand.u32 $0xFFFFF80, s5  }
0x95: {  	s7 =	simm.s32 $0xA100;
	s0 =	sadd.s32 s6, s0  }
0x96: {  	[tilespmem:s7], [sflag:$0x2] =	stream.strided.gather [hbm4b:s0+s12], $0x2000, s13, s12, $0x38;
	[tilespmem:$0x1A100] =	vst v63  }
0x97: {  	v61 =	vld.idx.msk [tilespmem:v6+s4+$0x0], $0xffff;
	_ =	sdelay $0x4  }
0x98: {  	(v2sf) =	vpush v61, $0x0;
	_ =	sdelay $0xe  }
0x99: {  	s8 =	spop (v2sf)  }
0x9a: {  	s0 =	sand.u32 $0xFFFFF80, s8  }
0x9b: {  	s0 =	sadd.s32 s6, s0  }
0x9c: {  	[tilespmem:s19], [sflag:$0x2] =	stream.strided.gather [hbm4b:s0+s12], $0x2000, s13, s12, $0x38;
	[tilespmem:$0x1A100] =	vst v63  }
0x9d: {  	v62 =	vld.idx.msk [tilespmem:v7+s4+$0x0], $0xffff;
	_ =	sdelay $0x4  }
0x9e: {  	(v2sf) =	vpush v62, $0x0;
	_ =	sdelay $0xe  }
0x9f: {  	s9 =	spop (v2sf)  }
0xa0: {  	s0 =	sand.u32 $0xFFFFF80, s9  }
0xa1: {  	s0 =	sadd.s32 s6, s0  }
0xa2: {  	[tilespmem:s20], [sflag:$0x2] =	stream.strided.gather [hbm4b:s0+s12], $0x2000, s13, s12, $0x38;
	[tilespmem:$0x1A100] =	vst v63  }
0xa3: {  	v63 =	vld.idx.msk [tilespmem:v8+s4+$0x0], $0xffff;
	_ =	sdelay $0x4  }
0xa4: {  	(v2sf) =	vpush v63, $0x0;
	_ =	sdelay $0xe  }
.Ltmp2:
0xa5: {  	s10 =	spop (v2sf);
	(pc) =	sbr.rel .LBB2_2-.Ltmp2, $4  }
0xa6: {  	s0 =	sand.u32 $0xFFFFF80, s10  }
0xa7: {  	s0 =	sadd.s32 s6, s0  }
0xa8: {  	[tilespmem:s21], [sflag:$0x2] =	stream.strided.gather [hbm4b:s0+s12], $0x2000, s13, s12, $0x38;
	[tilespmem:$0x1A100] =	vst v63  }
0xa9: {  	s5 =	simm.s32 $0x0;
	s0 =	simm.s32 $0x12  }
.LBB2_14:
0xaa: {  	s2 =	sadd.s32 $0xFFFFFFD6, s0  }
0xab: {  	v35 =	vmov s2  }
0xac: {  	v35 =	vand.u32 $0xFFFFFFFC, v35  }
0xad: {  	v35 =	vbroadcast v35, $0x0;
	_ =	sdelay $0x5  }
0xae: {  	v35 =	vld.idx.msk [tilespmem:v35+s11+$0x0], $0xffff;
	_ =	sdelay $0x4  }
0xaf: {  	(v2sf) =	vpush v35, $0x0;
	_ =	sdelay $0xe  }
0xb0: {  	s7 =	spop (v2sf)  }
0xb1: {  	s2 =	sand.u32 $0x7F, s7  }
0xb2: {  	v61 =	vor.u32 s2, v4;
	_ =	sdelay $0x3  }
0xb3: {  	s1 =	sshll.u32 s1, $0x7  }
0xb4: {  	v36 =	vor.u32 s1, v1;
	v35 =	vld.idx.msk [tilespmem:v61+s28+$0x0], $0xffff  }
0xb5: {  	v37 =	vor.u32 s2, v9;
	_ =	sdelay $0x3  }
0xb6: {  	[tilespmem:v36+s24+$0x0] =	vst.idx.msk $0xffff, v35  }
0xb7: {  	v62 =	vor.u32 s1, v10;
	v35 =	vld.idx.msk [tilespmem:v37+s28+$0x0], $0xffff  }
0xb8: {  	v63 =	vor.u32 s2, v11;
	_ =	sdelay $0x3  }
0xb9: {  	[tilespmem:v62+s24+$0x0] =	vst.idx.msk $0xffff, v35  }
0xba: {  	v40 =	vor.u32 s1, v12;
	v35 =	vld.idx.msk [tilespmem:v63+s28+$0x0], $0xffff  }
0xbb: {  	v41 =	vor.u32 s2, v13;
	_ =	sdelay $0x1  }
0xbc: {  	s8 =	sadd.s32 $0xFFFFFFD7, s0  }
0xbd: {  	v38 =	vmov s8  }
0xbe: {  	v42 =	vand.u32 $0xFFFFFFFD, v38;
	[tilespmem:v40+s24+$0x0] =	vst.idx.msk $0xffff, v35  }
0xbf: {  	v43 =	vor.u32 s1, v14;
	v35 =	vbroadcast v42, $0x0;
	v36 =	vld.idx.msk [tilespmem:v41+s28+$0x0], $0xffff;
	_ =	sdelay $0x4  }
0xc0: {  	[tilespmem:v43+s24+$0x0] =	vst.idx.msk $0xffff, v36  }
0xc1: {  	v35 =	vld.idx.msk [tilespmem:v35+s11+$0x0], $0xffff;
	_ =	sdelay $0x4  }
0xc2: {  	(v2sf) =	vpush v35, $0x0;
	_ =	sdelay $0xe  }
0xc3: {  	s9 =	spop (v2sf)  }
0xc4: {  	s1 =	sand.u32 $0x7F, s9  }
0xc5: {  	v44 =	vor.u32 s1, v4;
	_ =	sdelay $0x2  }
0xc6: {  	s2 =	sshll.u32 s0, $0x7  }
0xc7: {  	s3 =	sadd.s32 $0xFFFFFB80, s2  }
0xc8: {  	v45 =	vor.u32 s3, v1;
	v35 =	vld.idx.msk [tilespmem:v44+s29+$0x0], $0xffff  }
0xc9: {  	v46 =	vor.u32 s1, v9;
	_ =	sdelay $0x3  }
0xca: {  	[tilespmem:v45+s24+$0x0] =	vst.idx.msk $0xffff, v35  }
0xcb: {  	v47 =	vor.u32 s3, v10;
	v35 =	vld.idx.msk [tilespmem:v46+s29+$0x0], $0xffff  }
0xcc: {  	v48 =	vor.u32 s1, v11;
	_ =	sdelay $0x3  }
0xcd: {  	[tilespmem:v47+s24+$0x0] =	vst.idx.msk $0xffff, v35  }
0xce: {  	v49 =	vor.u32 s3, v12;
	v35 =	vld.idx.msk [tilespmem:v48+s29+$0x0], $0xffff  }
0xcf: {  	v50 =	vor.u32 s1, v13;
	_ =	sdelay $0x1  }
0xd0: {  	s10 =	sadd.s32 $0xFFFFFFD8, s0  }
0xd1: {  	v51 =	vmov s10  }
0xd2: {  	v52 =	vand.u32 $0xFFFFFFFE, v51;
	[tilespmem:v49+s24+$0x0] =	vst.idx.msk $0xffff, v35  }
0xd3: {  	v53 =	vor.u32 s3, v14;
	v35 =	vbroadcast v52, $0x0;
	v36 =	vld.idx.msk [tilespmem:v50+s29+$0x0], $0xffff;
	_ =	sdelay $0x4  }
0xd4: {  	[tilespmem:v53+s24+$0x0] =	vst.idx.msk $0xffff, v36  }
0xd5: {  	v35 =	vld.idx.msk [tilespmem:v35+s11+$0x0], $0xffff;
	_ =	sdelay $0x4  }
0xd6: {  	(v2sf) =	vpush v35, $0x0;
	_ =	sdelay $0xe  }
0xd7: {  	s7 =	spop (v2sf)  }
0xd8: {  	s1 =	sand.u32 $0x7F, s7  }
0xd9: {  	v54 =	vor.u32 s1, v4;
	_ =	sdelay $0x3  }
0xda: {  	s8 =	sadd.s32 $0xFFFFFC00, s2  }
0xdb: {  	v55 =	vor.u32 s8, v1;
	v35 =	vld.idx.msk [tilespmem:v54+s30+$0x0], $0xffff  }
0xdc: {  	v56 =	vor.u32 s1, v9;
	_ =	sdelay $0x3  }
0xdd: {  	[tilespmem:v55+s24+$0x0] =	vst.idx.msk $0xffff, v35  }
0xde: {  	v57 =	vor.u32 s8, v10;
	v35 =	vld.idx.msk [tilespmem:v56+s30+$0x0], $0xffff  }
0xdf: {  	v58 =	vor.u32 s1, v11;
	_ =	sdelay $0x3  }
0xe0: {  	[tilespmem:v57+s24+$0x0] =	vst.idx.msk $0xffff, v35  }
0xe1: {  	v59 =	vor.u32 s8, v12;
	v35 =	vld.idx.msk [tilespmem:v58+s30+$0x0], $0xffff  }
0xe2: {  	v60 =	vor.u32 s1, v13;
	_ =	sdelay $0x3  }
0xe3: {  	[tilespmem:v59+s24+$0x0] =	vst.idx.msk $0xffff, v35  }
0xe4: {  	v61 =	vor.u32 s8, v14;
	s9 =	sadd.s32 $0xFFFFFFD9, s0;
	v35 =	vld.idx.msk [tilespmem:v60+s30+$0x0], $0xffff  }
0xe5: {  	v62 =	vmov s9;
	_ =	sdelay $0x3  }
0xe6: {  	[tilespmem:v61+s24+$0x0] =	vst.idx.msk $0xffff, v35  }
0xe7: {  	v35 =	vld.idx.msk [tilespmem:v62+s11+$0x0], $0xffff;
	_ =	sdelay $0x4  }
0xe8: {  	(v2sf) =	vpush v35, $0x0;
	_ =	sdelay $0xe  }
0xe9: {  	s10 =	spop (v2sf)  }
0xea: {  	s1 =	sand.u32 $0x7F, s10  }
0xeb: {  	v63 =	vor.u32 s1, v4;
	_ =	sdelay $0x3  }
0xec: {  	s2 =	sadd.s32 $0xFFFFFC80, s2  }
0xed: {  	v36 =	vmov s2;
	v35 =	vmov s1;
	v37 =	vld.idx.msk [tilespmem:v63+s22+$0x0], $0xffff  }
.LBB2_15:
0xee: {  	v38 =	vor.u32 v1, v36  }
0xef: {  	v39 =	vor.u32 v9, v35;
	_ =	sdelay $0x3  }
0xf0: {  	[tilespmem:v38+s24+$0x0] =	vst.idx.msk $0xffff, v37  }
0xf1: {  	v59 =	vor.u32 v10, v36;
	v37 =	vld.idx.msk [tilespmem:v39+s22+$0x0], $0xffff  }
0xf2: {  	v60 =	vor.u32 v11, v35;
	_ =	sdelay $0x3  }
0xf3: {  	[tilespmem:v59+s24+$0x0] =	vst.idx.msk $0xffff, v37  }
0xf4: {  	v61 =	vor.u32 v12, v36;
	v37 =	vld.idx.msk [tilespmem:v60+s22+$0x0], $0xffff  }
0xf5: {  	v62 =	vor.u32 v13, v35;
	_ =	sdelay $0x3  }
0xf6: {  	[tilespmem:v61+s24+$0x0] =	vst.idx.msk $0xffff, v37  }
0xf7: {  	v63 =	vor.u32 v14, v36;
	v35 =	vld.idx.msk [tilespmem:v62+s22+$0x0], $0xffff;
	_ =	sdelay $0x3  }
0xf8: {  	p0 =	sne.s32 s0, $0x26  }
0xf9: {  	s0 =	sadd.s32 $0xC, s0;
	s1 =	simm.s32 @!p0 $0x0;
	s2 =	simm.s32 @!p0 $0x100;
	[tilespmem:v63+s24+$0x0] =	vst.idx.msk $0xffff, v35  }
0xfa: {  	[hbm4b:s18+s1] =	stream.linear.scatter @!p0 [tilespmem:s2], [sflag:$0x4], $0x1000, $0x38;
	[tilespmem:$0x1A100] =	vst v63  }
0xfb: {  	p0 =	sne.s32 s0, $0x4E  }
.Ltmp3:
0xfc: {  	_ = 	snop;
	(pc) =	sbr.rel @!p0 .LBB2_16-.Ltmp3, $2  }
0xfd: {  	_ =	sdelay $0x2  }
0xfe: {  	s5 =	sadd.s32 $0x1, s5  }
.LBB2_2:
0xff: {  	p0 =	sgt.u32 s5, $0x1  }
0x100: {  	s1 =	sadd.s32 @p0 $0xFFFFFFD6, s0  }
0x101: {  	v35 =	vmov @p0 s1  }
0x102: {  	v35 =	vand.u32 @p0 $0xFFFFFFFC, v35  }
0x103: {  	v35 =	vbroadcast @p0 v35, $0x0;
	_ =	sdelay $0x4  }
0x104: {  	s1 =	simm.s32 @p0 $0x80  }
0x105: {  	v35 =	vld.idx.msk @p0 [tilespmem:v35+s1+$0x0], $0xffff;
	_ =	sdelay $0x4  }
0x106: {  	(v2sf) =	vpush @p0 v35, $0x0;
	_ =	sdelay $0x9  }
0x107: {  	s2 =	sadd.s32 @p0 $0xFFFFFFD7, s0  }
0x108: {  	v35 =	vmov @p0 s2  }
0x109: {  	v35 =	vand.u32 @p0 $0xFFFFFFFD, v35  }
0x10a: {  	v35 =	vbroadcast @p0 v35, $0x0;
	_ =	sdelay $0x1  }
0x10b: {  	s2 =	spop @p0 (v2sf)  }
0x10c: {  	s8 =	simm.s32 @p0 $0x400;
	s2 =	sand.u32 @p0 $0xFFFFF80, s2  }
0x10d: {  	s9 =	simm.s32 @p0 $0xC3800;
	s10 =	simm.s32 @p0 $0x12100;
	s2 =	sadd.s32 @p0 s31, s2  }
0x10e: {  	[tilespmem:s10], [sflag:$0x3] =	stream.strided.gather @p0 [hbm4b:s2+s8], $0x2000, s9, s8, $0x38;
	[tilespmem:$0x1A100] =	vst v63  }
0x10f: {  	v35 =	vld.idx.msk @p0 [tilespmem:v35+s1+$0x0], $0xffff;
	_ =	sdelay $0x4  }
0x110: {  	(v2sf) =	vpush @p0 v35, $0x0;
	_ =	sdelay $0x9  }
0x111: {  	s2 =	sadd.s32 @p0 $0xFFFFFFD8, s0  }
0x112: {  	v35 =	vmov @p0 s2  }
0x113: {  	v35 =	vand.u32 @p0 $0xFFFFFFFE, v35  }
0x114: {  	v35 =	vbroadcast @p0 v35, $0x0;
	_ =	sdelay $0x1  }
0x115: {  	s2 =	spop @p0 (v2sf)  }
0x116: {  	s2 =	sand.u32 @p0 $0xFFFFF80, s2  }
0x117: {  	s10 =	simm.s32 @p0 $0x14100;
	s2 =	sadd.s32 @p0 s31, s2  }
0x118: {  	[tilespmem:s10], [sflag:$0x3] =	stream.strided.gather @p0 [hbm4b:s2+s8], $0x2000, s9, s8, $0x38;
	[tilespmem:$0x1A100] =	vst v63  }
0x119: {  	v35 =	vld.idx.msk @p0 [tilespmem:v35+s1+$0x0], $0xffff;
	_ =	sdelay $0x4  }
0x11a: {  	(v2sf) =	vpush @p0 v35, $0x0;
	_ =	sdelay $0xa  }
0x11b: {  	s1 =	sadd.s32 @!p0 $0xFFFFFFF6, s0  }
0x11c: {  	v35 =	vmov @!p0 s1  }
0x11d: {  	v35 =	vand.u32 @!p0 $0xFFFFFFFC, v35  }
0x11e: {  	v35 =	vbroadcast @!p0 v35, $0x0  }
0x11f: {  	s1 =	spop @p0 (v2sf)  }
0x120: {  	s1 =	sand.u32 @p0 $0xFFFFF80, s1  }
0x121: {  	s2 =	simm.s32 @p0 $0x16100;
	s1 =	sadd.s32 @p0 s31, s1  }
0x122: {  	[tilespmem:s2], [sflag:$0x3] =	stream.strided.gather @p0 [hbm4b:s1+s8], $0x2000, s9, s8, $0x38;
	[tilespmem:$0x1A100] =	vst v63  }
0x123: {  	s1 =	simm.s32 @!p0 $0x0  }
0x124: {  	v35 =	vld.idx.msk @!p0 [tilespmem:v35+s1+$0x0], $0xffff;
	_ =	sdelay $0x4  }
0x125: {  	(v2sf) =	vpush @!p0 v35, $0x0;
	_ =	sdelay $0x9  }
0x126: {  	s2 =	sadd.s32 @!p0 $0xFFFFFFF7, s0  }
0x127: {  	v35 =	vmov @!p0 s2  }
0x128: {  	v35 =	vand.u32 @!p0 $0xFFFFFFFD, v35  }
0x129: {  	v35 =	vbroadcast @!p0 v35, $0x0;
	_ =	sdelay $0x1  }
0x12a: {  	s2 =	spop @!p0 (v2sf)  }
0x12b: {  	s10 =	simm.s32 @!p0 $0x12100;
	s2 =	sand.u32 @!p0 $0xFFFFF80, s2  }
0x12c: {  	s8 =	simm.s32 @!p0 $0x400;
	s9 =	simm.s32 @!p0 $0xC3800;
	s2 =	sadd.s32 @!p0 s6, s2  }
0x12d: {  	[tilespmem:s10], [sflag:$0x3] =	stream.strided.gather @!p0 [hbm4b:s2+s8], $0x2000, s9, s8, $0x38;
	[tilespmem:$0x1A100] =	vst v63  }
0x12e: {  	v35 =	vld.idx.msk @!p0 [tilespmem:v35+s1+$0x0], $0xffff;
	_ =	sdelay $0x4  }
0x12f: {  	(v2sf) =	vpush @!p0 v35, $0x0;
	_ =	sdelay $0x9  }
0x130: {  	s2 =	sadd.s32 @!p0 $0xFFFFFFF8, s0  }
0x131: {  	v35 =	vmov @!p0 s2  }
0x132: {  	v35 =	vand.u32 @!p0 $0xFFFFFFFE, v35  }
0x133: {  	v35 =	vbroadcast @!p0 v35, $0x0;
	_ =	sdelay $0x1  }
0x134: {  	s2 =	spop @!p0 (v2sf)  }
0x135: {  	s2 =	sand.u32 @!p0 $0xFFFFF80, s2  }
0x136: {  	s10 =	simm.s32 @!p0 $0x14100;
	s2 =	sadd.s32 @!p0 s6, s2  }
0x137: {  	[tilespmem:s10], [sflag:$0x3] =	stream.strided.gather @!p0 [hbm4b:s2+s8], $0x2000, s9, s8, $0x38;
	[tilespmem:$0x1A100] =	vst v63  }
0x138: {  	v35 =	vld.idx.msk @!p0 [tilespmem:v35+s1+$0x0], $0xffff;
	_ =	sdelay $0x4  }
0x139: {  	(v2sf) =	vpush @!p0 v35, $0x0;
	_ =	sdelay $0x8  }
0x13a: {  	s7 =	smul.u32 $0x3, s5;
	_ =	sdelay $0x1  }
0x13b: {  	s2 =	sadd.s32 $0x2, s7  }
0x13c: {  	s10 =	sadd.s32 @p0 $0xFFFFFFD9, s0;
	s2 =	sshllo.u32 @!p0 s2, $0x2  }
0x13d: {  	s2 =	smov.u32 @p0 s10  }
0x13e: {  	v63 =	vmov s2  }
0x13f: {  	s10 =	spop @!p0 (v2sf)  }
0x140: {  	s2 =	sand.u32 @!p0 $0xFFFFF80, s10  }
0x141: {  	s1 =	simm.s32 @p0 $0x80;
	s10 =	simm.s32 @!p0 $0x16100;
	s2 =	sadd.s32 @!p0 s6, s2  }
0x142: {  	[tilespmem:s10], [sflag:$0x3] =	stream.strided.gather @!p0 [hbm4b:s2+s8], $0x2000, s9, s8, $0x38;
	[tilespmem:$0x1A100] =	vst v63  }
0x143: {  	v35 =	vld.idx.msk [tilespmem:v63+s1+$0x0], $0xffff;
	_ =	sdelay $0x4  }
0x144: {  	(v2sf) =	vpush v35, $0x0;
	_ =	sdelay $0xe  }
0x145: {  	s1 =	smov.u32 s6;
	s10 =	spop (v2sf)  }
0x146: {  	s1 =	smov.u32 @p0 s31;
	s2 =	sand.u32 $0xFFFFF80, s10  }
0x147: {  	s2 =	sadd.s32 s1, s2  }
0x148: {  	[tilespmem:s22], [sflag:$0x3] =	stream.strided.gather [hbm4b:s2+s12], $0x2000, s13, s12, $0x38;
	[tilespmem:$0x1A100] =	vst v63  }
0x149: {  	_ =	swait.ge [sflag:s23], $0x2000  }
0x14a: {  	[sflag:s23] =	ssyncset.done $0x0  }
0x14b: {  	[sflag:s23] =	ssyncadd.s32 $0xFFFFE000  }
0x14c: {  	_ =	swait.ge [sflag:s23], $0x2000  }
0x14d: {  	[sflag:s23] =	ssyncset.done $0x0  }
0x14e: {  	[sflag:s23] =	ssyncadd.s32 $0xFFFFE000  }
0x14f: {  	p1 =	slt.u32 s5, $0x3;
	_ =	swait.ge [sflag:s23], $0x2000  }
.Ltmp4:
0x150: {  	[sflag:s23] =	ssyncset.done $0x0;
	(pc) =	sbr.rel @p1 .LBB2_5-.Ltmp4, $4  }
0x151: {  	[sflag:s23] =	ssyncadd.s32 $0xFFFFE000  }
0x152: {  	_ =	swait.ge [sflag:s23], $0x2000  }
0x153: {  	[sflag:s23] =	ssyncset.done $0x0  }
0x154: {  	s8 =	smul.u32 $0xC, s5;
	s9 =	sadd.s32 $0xFFFFFFEE, s0;
	[sflag:s23] =	ssyncadd.s32 $0xFFFFE000  }
0x155: {  	s2 =	sadd.s32 $0xFFFFFFCE, s0  }
0x156: {  	v35 =	vmov s2  }
0x157: {  	v35 =	vand.u32 $0xFFFFFFFC, v35  }
0x158: {  	v35 =	vbroadcast v35, $0x0;
	_ =	sdelay $0x5  }
0x159: {  	v35 =	vld.idx.msk [tilespmem:v35+s11+$0x0], $0xffff;
	_ =	sdelay $0x4  }
0x15a: {  	(v2sf) =	vpush v35, $0x0;
	_ =	sdelay $0xe  }
0x15b: {  	s7 =	spop (v2sf)  }
0x15c: {  	s2 =	sand.u32 $0x7F, s7  }
0x15d: {  	v54 =	vor.u32 s2, v4;
	_ =	sdelay $0x3  }
0x15e: {  	s9 =	sshll.u32 s9, $0x7  }
0x15f: {  	v36 =	vor.u32 s9, v1;
	v35 =	vld.idx.msk [tilespmem:v54+s14+$0x0], $0xffff  }
0x160: {  	v37 =	vor.u32 s2, v9;
	_ =	sdelay $0x3  }
0x161: {  	[tilespmem:v36+s24+$0x0] =	vst.idx.msk $0xffff, v35  }
0x162: {  	v55 =	vor.u32 s9, v10;
	v35 =	vld.idx.msk [tilespmem:v37+s14+$0x0], $0xffff  }
0x163: {  	v56 =	vor.u32 s2, v11;
	_ =	sdelay $0x3  }
0x164: {  	[tilespmem:v55+s24+$0x0] =	vst.idx.msk $0xffff, v35  }
0x165: {  	v57 =	vor.u32 s9, v12;
	v35 =	vld.idx.msk [tilespmem:v56+s14+$0x0], $0xffff  }
0x166: {  	v58 =	vor.u32 s2, v13;
	_ =	sdelay $0x1  }
0x167: {  	s10 =	sadd.s32 $0xFFFFFFCF, s0  }
0x168: {  	v38 =	vmov s10  }
0x169: {  	v59 =	vand.u32 $0xFFFFFFFD, v38;
	[tilespmem:v57+s24+$0x0] =	vst.idx.msk $0xffff, v35  }
0x16a: {  	v60 =	vor.u32 s9, v14;
	v35 =	vbroadcast v59, $0x0;
	v36 =	vld.idx.msk [tilespmem:v58+s14+$0x0], $0xffff;
	_ =	sdelay $0x4  }
0x16b: {  	[tilespmem:v60+s24+$0x0] =	vst.idx.msk $0xffff, v36  }
0x16c: {  	v35 =	vld.idx.msk [tilespmem:v35+s11+$0x0], $0xffff;
	_ =	sdelay $0x4  }
0x16d: {  	(v2sf) =	vpush v35, $0x0;
	_ =	sdelay $0xe  }
0x16e: {  	s3 =	spop (v2sf)  }
0x16f: {  	s2 =	sand.u32 $0x7F, s3  }
0x170: {  	v61 =	vor.u32 s2, v4;
	_ =	sdelay $0x2  }
0x171: {  	s9 =	sshll.u32 s0, $0x7  }
0x172: {  	s10 =	sadd.s32 $0xFFFFF780, s9  }
0x173: {  	v62 =	vor.u32 s10, v1;
	v35 =	vld.idx.msk [tilespmem:v61+s15+$0x0], $0xffff  }
0x174: {  	v63 =	vor.u32 s2, v9;
	_ =	sdelay $0x3  }
0x175: {  	[tilespmem:v62+s24+$0x0] =	vst.idx.msk $0xffff, v35  }
0x176: {  	v40 =	vor.u32 s10, v10;
	v35 =	vld.idx.msk [tilespmem:v63+s15+$0x0], $0xffff  }
0x177: {  	v41 =	vor.u32 s2, v11;
	_ =	sdelay $0x3  }
0x178: {  	[tilespmem:v40+s24+$0x0] =	vst.idx.msk $0xffff, v35  }
0x179: {  	v42 =	vor.u32 s10, v12;
	v35 =	vld.idx.msk [tilespmem:v41+s15+$0x0], $0xffff  }
0x17a: {  	v43 =	vor.u32 s2, v13;
	_ =	sdelay $0x1  }
0x17b: {  	s7 =	sadd.s32 $0xFFFFFFD0, s0  }
0x17c: {  	v44 =	vmov s7  }
0x17d: {  	v45 =	vand.u32 $0xFFFFFFFE, v44;
	[tilespmem:v42+s24+$0x0] =	vst.idx.msk $0xffff, v35  }
0x17e: {  	v46 =	vor.u32 s10, v14;
	v35 =	vbroadcast v45, $0x0;
	v36 =	vld.idx.msk [tilespmem:v43+s15+$0x0], $0xffff;
	_ =	sdelay $0x4  }
0x17f: {  	[tilespmem:v46+s24+$0x0] =	vst.idx.msk $0xffff, v36  }
0x180: {  	v35 =	vld.idx.msk [tilespmem:v35+s11+$0x0], $0xffff;
	_ =	sdelay $0x4  }
0x181: {  	(v2sf) =	vpush v35, $0x0;
	_ =	sdelay $0xe  }
0x182: {  	s10 =	spop (v2sf)  }
0x183: {  	s2 =	sand.u32 $0x7F, s10  }
0x184: {  	v47 =	vor.u32 s2, v4;
	_ =	sdelay $0x3  }
0x185: {  	s3 =	sadd.s32 $0xFFFFF800, s9  }
0x186: {  	v48 =	vor.u32 s3, v1;
	v35 =	vld.idx.msk [tilespmem:v47+s16+$0x0], $0xffff  }
0x187: {  	v49 =	vor.u32 s2, v9;
	_ =	sdelay $0x3  }
0x188: {  	[tilespmem:v48+s24+$0x0] =	vst.idx.msk $0xffff, v35  }
0x189: {  	v50 =	vor.u32 s3, v10;
	v35 =	vld.idx.msk [tilespmem:v49+s16+$0x0], $0xffff  }
0x18a: {  	v51 =	vor.u32 s2, v11;
	_ =	sdelay $0x3  }
0x18b: {  	[tilespmem:v50+s24+$0x0] =	vst.idx.msk $0xffff, v35  }
0x18c: {  	v52 =	vor.u32 s3, v12;
	v35 =	vld.idx.msk [tilespmem:v51+s16+$0x0], $0xffff  }
0x18d: {  	v53 =	vor.u32 s2, v13;
	_ =	sdelay $0x3  }
0x18e: {  	[tilespmem:v52+s24+$0x0] =	vst.idx.msk $0xffff, v35  }
0x18f: {  	s7 =	sadd.s32 $0xFFFFFFD1, s0;
	v54 =	vor.u32 s3, v14;
	v35 =	vld.idx.msk [tilespmem:v53+s16+$0x0], $0xffff  }
0x190: {  	v55 =	vmov s7;
	_ =	sdelay $0x3  }
0x191: {  	[tilespmem:v54+s24+$0x0] =	vst.idx.msk $0xffff, v35  }
0x192: {  	v35 =	vld.idx.msk [tilespmem:v55+s11+$0x0], $0xffff;
	_ =	sdelay $0x4  }
0x193: {  	(v2sf) =	vpush v35, $0x0;
	_ =	sdelay $0xe  }
0x194: {  	s10 =	spop (v2sf)  }
0x195: {  	s2 =	sand.u32 $0x7F, s10  }
0x196: {  	v56 =	vor.u32 s2, v4;
	_ =	sdelay $0x3  }
0x197: {  	s9 =	sadd.s32 $0xFFFFF880, s9  }
0x198: {  	v57 =	vor.u32 s9, v1;
	v35 =	vld.idx.msk [tilespmem:v56+s17+$0x0], $0xffff  }
0x199: {  	v58 =	vor.u32 s2, v9;
	_ =	sdelay $0x3  }
0x19a: {  	[tilespmem:v57+s24+$0x0] =	vst.idx.msk $0xffff, v35  }
0x19b: {  	v59 =	vor.u32 s9, v10;
	v35 =	vld.idx.msk [tilespmem:v58+s17+$0x0], $0xffff  }
0x19c: {  	v60 =	vor.u32 s2, v11;
	_ =	sdelay $0x3  }
0x19d: {  	[tilespmem:v59+s24+$0x0] =	vst.idx.msk $0xffff, v35  }
0x19e: {  	v61 =	vor.u32 s9, v12;
	v35 =	vld.idx.msk [tilespmem:v60+s17+$0x0], $0xffff  }
0x19f: {  	v62 =	vor.u32 s2, v13;
	_ =	sdelay $0x3  }
0x1a0: {  	[tilespmem:v61+s24+$0x0] =	vst.idx.msk $0xffff, v35  }
0x1a1: {  	v63 =	vor.u32 s9, v14;
	v35 =	vld.idx.msk [tilespmem:v62+s17+$0x0], $0xffff  }
.Ltmp5:
0x1a2: {  	_ = 	snop;
	(pc) =	sbr.rel .LBB2_4-.Ltmp5, $2  }
0x1a3: {  	_ =	sdelay $0x2  }
0x1a4: {  	[tilespmem:v63+s24+$0x0] =	vst.idx.msk $0xffff, v35  }
.LBB2_5:
0x1a5: {  	v35 =	vmov s9;
	_ =	sdelay $0x4  }
0x1a6: {  	v36 =	vld.idx.msk [tilespmem:v35+s4+$0x0], $0xffff;
	_ =	sdelay $0x4  }
0x1a7: {  	(v2sf) =	vpush v36, $0x0;
	_ =	sdelay $0xe  }
0x1a8: {  	s2 =	spop (v2sf)  }
0x1a9: {  	s2 =	sand.u32 $0x7F, s2  }
0x1aa: {  	v59 =	vor.u32 s2, v4;
	_ =	sdelay $0x3  }
0x1ab: {  	v35 =	vshll.u32 v35, $0x7  }
0x1ac: {  	v37 =	vor.u32 v1, v35;
	v36 =	vld.idx.msk [tilespmem:v59+s14+$0x0], $0xffff  }
0x1ad: {  	v38 =	vor.u32 s2, v9;
	_ =	sdelay $0x3  }
0x1ae: {  	[tilespmem:v37+s24+$0x0] =	vst.idx.msk $0xffff, v36  }
0x1af: {  	v60 =	vor.u32 v10, v35;
	v36 =	vld.idx.msk [tilespmem:v38+s14+$0x0], $0xffff  }
0x1b0: {  	v61 =	vor.u32 s2, v11;
	_ =	sdelay $0x3  }
0x1b1: {  	[tilespmem:v60+s24+$0x0] =	vst.idx.msk $0xffff, v36  }
0x1b2: {  	v62 =	vor.u32 v12, v35;
	v36 =	vld.idx.msk [tilespmem:v61+s14+$0x0], $0xffff  }
0x1b3: {  	v63 =	vor.u32 s2, v13;
	_ =	sdelay $0x3  }
0x1b4: {  	[tilespmem:v62+s24+$0x0] =	vst.idx.msk $0xffff, v36  }
0x1b5: {  	s9 =	sadd.s32 $0xFFFFFFEF, s0;
	v35 =	vor.u32 v14, v35;
	v36 =	vld.idx.msk [tilespmem:v63+s14+$0x0], $0xffff  }
0x1b6: {  	v40 =	vmov s9;
	_ =	sdelay $0x3  }
0x1b7: {  	[tilespmem:v35+s24+$0x0] =	vst.idx.msk $0xffff, v36  }
0x1b8: {  	v35 =	vld.idx.msk [tilespmem:v40+s4+$0x0], $0xffff;
	_ =	sdelay $0x4  }
0x1b9: {  	(v2sf) =	vpush v35, $0x0;
	_ =	sdelay $0xe  }
0x1ba: {  	s10 =	spop (v2sf)  }
0x1bb: {  	s2 =	sand.u32 $0x7F, s10  }
0x1bc: {  	v41 =	vor.u32 s2, v4;
	_ =	sdelay $0x3  }
0x1bd: {  	v42 =	vshll.u32 v40, $0x7  }
0x1be: {  	v37 =	vor.u32 v1, v42;
	v35 =	vld.idx.msk [tilespmem:v41+s15+$0x0], $0xffff  }
0x1bf: {  	v43 =	vor.u32 s2, v9;
	_ =	sdelay $0x3  }
0x1c0: {  	[tilespmem:v37+s24+$0x0] =	vst.idx.msk $0xffff, v35  }
0x1c1: {  	v44 =	vor.u32 v10, v42;
	v35 =	vld.idx.msk [tilespmem:v43+s15+$0x0], $0xffff  }
0x1c2: {  	v45 =	vor.u32 s2, v11;
	_ =	sdelay $0x3  }
0x1c3: {  	[tilespmem:v44+s24+$0x0] =	vst.idx.msk $0xffff, v35  }
0x1c4: {  	v46 =	vor.u32 v12, v42;
	v35 =	vld.idx.msk [tilespmem:v45+s15+$0x0], $0xffff  }
0x1c5: {  	v47 =	vor.u32 s2, v13;
	_ =	sdelay $0x3  }
0x1c6: {  	[tilespmem:v46+s24+$0x0] =	vst.idx.msk $0xffff, v35  }
0x1c7: {  	s3 =	sadd.s32 $0xFFFFFFF0, s0;
	v36 =	vor.u32 v14, v42;
	v35 =	vld.idx.msk [tilespmem:v47+s15+$0x0], $0xffff  }
0x1c8: {  	v48 =	vmov s3;
	_ =	sdelay $0x3  }
0x1c9: {  	[tilespmem:v36+s24+$0x0] =	vst.idx.msk $0xffff, v35  }
0x1ca: {  	v35 =	vld.idx.msk [tilespmem:v48+s4+$0x0], $0xffff;
	_ =	sdelay $0x4  }
0x1cb: {  	(v2sf) =	vpush v35, $0x0;
	_ =	sdelay $0xe  }
0x1cc: {  	s7 =	spop (v2sf)  }
0x1cd: {  	s2 =	sand.u32 $0x7F, s7  }
0x1ce: {  	v49 =	vor.u32 s2, v4;
	_ =	sdelay $0x3  }
0x1cf: {  	v50 =	vshll.u32 v48, $0x7  }
0x1d0: {  	v37 =	vor.u32 v1, v50;
	v35 =	vld.idx.msk [tilespmem:v49+s16+$0x0], $0xffff  }
0x1d1: {  	v51 =	vor.u32 s2, v9;
	_ =	sdelay $0x3  }
0x1d2: {  	[tilespmem:v37+s24+$0x0] =	vst.idx.msk $0xffff, v35  }
0x1d3: {  	v52 =	vor.u32 v10, v50;
	v35 =	vld.idx.msk [tilespmem:v51+s16+$0x0], $0xffff  }
0x1d4: {  	v53 =	vor.u32 s2, v11;
	_ =	sdelay $0x3  }
0x1d5: {  	[tilespmem:v52+s24+$0x0] =	vst.idx.msk $0xffff, v35  }
0x1d6: {  	v54 =	vor.u32 v12, v50;
	v35 =	vld.idx.msk [tilespmem:v53+s16+$0x0], $0xffff  }
0x1d7: {  	v55 =	vor.u32 s2, v13;
	_ =	sdelay $0x3  }
0x1d8: {  	[tilespmem:v54+s24+$0x0] =	vst.idx.msk $0xffff, v35  }
0x1d9: {  	s9 =	sadd.s32 $0xFFFFFFF1, s0;
	v36 =	vor.u32 v14, v50;
	v35 =	vld.idx.msk [tilespmem:v55+s16+$0x0], $0xffff  }
0x1da: {  	v56 =	vmov s9;
	_ =	sdelay $0x3  }
0x1db: {  	[tilespmem:v36+s24+$0x0] =	vst.idx.msk $0xffff, v35  }
0x1dc: {  	v35 =	vld.idx.msk [tilespmem:v56+s4+$0x0], $0xffff;
	_ =	sdelay $0x4  }
0x1dd: {  	(v2sf) =	vpush v35, $0x0;
	_ =	sdelay $0xe  }
0x1de: {  	s10 =	spop (v2sf)  }
0x1df: {  	s2 =	sand.u32 $0x7F, s10  }
0x1e0: {  	v57 =	vor.u32 s2, v4;
	_ =	sdelay $0x3  }
0x1e1: {  	v58 =	vshll.u32 v56, $0x7  }
0x1e2: {  	v37 =	vor.u32 v1, v58;
	v35 =	vld.idx.msk [tilespmem:v57+s17+$0x0], $0xffff  }
0x1e3: {  	v59 =	vor.u32 s2, v9;
	_ =	sdelay $0x3  }
0x1e4: {  	[tilespmem:v37+s24+$0x0] =	vst.idx.msk $0xffff, v35  }
0x1e5: {  	v60 =	vor.u32 v10, v58;
	v35 =	vld.idx.msk [tilespmem:v59+s17+$0x0], $0xffff  }
0x1e6: {  	v61 =	vor.u32 s2, v11;
	_ =	sdelay $0x3  }
0x1e7: {  	[tilespmem:v60+s24+$0x0] =	vst.idx.msk $0xffff, v35  }
0x1e8: {  	v62 =	vor.u32 v12, v58;
	v35 =	vld.idx.msk [tilespmem:v61+s17+$0x0], $0xffff  }
0x1e9: {  	v63 =	vor.u32 s2, v13;
	_ =	sdelay $0x3  }
0x1ea: {  	[tilespmem:v62+s24+$0x0] =	vst.idx.msk $0xffff, v35  }
0x1eb: {  	v36 =	vor.u32 v14, v58;
	v35 =	vld.idx.msk [tilespmem:v63+s17+$0x0], $0xffff  }
.Ltmp6:
0x1ec: {  	_ = 	snop;
	(pc) =	sbr.rel @!p0 .LBB2_6-.Ltmp6, $2  }
0x1ed: {  	_ =	sdelay $0x2  }
0x1ee: {  	[tilespmem:v36+s24+$0x0] =	vst.idx.msk $0xffff, v35  }
.LBB2_4:
0x1ef: {  	s2 =	sadd.s32 $0xFFFFFFDA, s0  }
0x1f0: {  	v35 =	vmov s2  }
0x1f1: {  	v35 =	vand.u32 $0xFFFFFFFC, v35  }
0x1f2: {  	v35 =	vbroadcast v35, $0x0;
	_ =	sdelay $0x4  }
0x1f3: {  	s9 =	simm.s32 $0x80  }
0x1f4: {  	v35 =	vld.idx.msk [tilespmem:v35+s9+$0x0], $0xffff;
	_ =	sdelay $0x4  }
0x1f5: {  	(v2sf) =	vpush v35, $0x0;
	_ =	sdelay $0x9  }
0x1f6: {  	s7 =	sadd.s32 $0xFFFFFFDB, s0  }
0x1f7: {  	v62 =	vmov s7  }
0x1f8: {  	v35 =	vand.u32 $0xFFFFFFFD, v62  }
0x1f9: {  	v35 =	vbroadcast v35, $0x0;
	_ =	sdelay $0x1  }
0x1fa: {  	s10 =	spop (v2sf)  }
0x1fb: {  	s2 =	sand.u32 $0xFFFFF80, s10  }
0x1fc: {  	s2 =	sadd.s32 s31, s2  }
0x1fd: {  	[tilespmem:s14], [sflag:$0x1] =	stream.strided.gather [hbm4b:s2+s12], $0x2000, s13, s12, $0x38;
	[tilespmem:$0x1A100] =	vst v63  }
0x1fe: {  	v35 =	vld.idx.msk [tilespmem:v35+s9+$0x0], $0xffff;
	_ =	sdelay $0x4  }
0x1ff: {  	(v2sf) =	vpush v35, $0x0;
	_ =	sdelay $0x9  }
0x200: {  	s3 =	sadd.s32 $0xFFFFFFDC, s0  }
0x201: {  	v63 =	vmov s3  }
0x202: {  	v35 =	vand.u32 $0xFFFFFFFE, v63  }
0x203: {  	v35 =	vbroadcast v35, $0x0;
	_ =	sdelay $0x1  }
0x204: {  	s7 =	spop (v2sf)  }
0x205: {  	s2 =	sand.u32 $0xFFFFF80, s7  }
0x206: {  	s2 =	sadd.s32 s31, s2  }
0x207: {  	[tilespmem:s15], [sflag:$0x1] =	stream.strided.gather [hbm4b:s2+s12], $0x2000, s13, s12, $0x38;
	[tilespmem:$0x1A100] =	vst v63  }
0x208: {  	v35 =	vld.idx.msk [tilespmem:v35+s9+$0x0], $0xffff;
	_ =	sdelay $0x4  }
0x209: {  	(v2sf) =	vpush v35, $0x0;
	_ =	sdelay $0xe  }
.Ltmp7:
0x20a: {  	s10 =	spop (v2sf);
	(pc) =	sbr.rel .LBB2_7-.Ltmp7, $4  }
0x20b: {  	s2 =	sand.u32 $0xFFFFF80, s10  }
0x20c: {  	s2 =	sadd.s32 s31, s2  }
0x20d: {  	[tilespmem:s16], [sflag:$0x1] =	stream.strided.gather [hbm4b:s2+s12], $0x2000, s13, s12, $0x38;
	[tilespmem:$0x1A100] =	vst v63  }
0x20e: {  	s10 =	sadd.s32 $0xFFFFFFDD, s0;
	s2 =	smov.u32 s31  }
.LBB2_6:
0x20f: {  	s2 =	sadd.s32 $0xFFFFFFFA, s0  }
0x210: {  	v35 =	vmov s2  }
0x211: {  	v35 =	vand.u32 $0xFFFFFFFC, v35  }
0x212: {  	v35 =	vbroadcast v35, $0x0;
	_ =	sdelay $0x4  }
0x213: {  	s9 =	simm.s32 $0x0  }
0x214: {  	v35 =	vld.idx.msk [tilespmem:v35+s9+$0x0], $0xffff;
	_ =	sdelay $0x4  }
0x215: {  	(v2sf) =	vpush v35, $0x0;
	_ =	sdelay $0x9  }
0x216: {  	s7 =	sadd.s32 $0xFFFFFFFB, s0  }
0x217: {  	v62 =	vmov s7  }
0x218: {  	v35 =	vand.u32 $0xFFFFFFFD, v62  }
0x219: {  	v35 =	vbroadcast v35, $0x0;
	_ =	sdelay $0x1  }
0x21a: {  	s10 =	spop (v2sf)  }
0x21b: {  	s2 =	sand.u32 $0xFFFFF80, s10  }
0x21c: {  	s2 =	sadd.s32 s6, s2  }
0x21d: {  	[tilespmem:s14], [sflag:$0x1] =	stream.strided.gather [hbm4b:s2+s12], $0x2000, s13, s12, $0x38;
	[tilespmem:$0x1A100] =	vst v63  }
0x21e: {  	v35 =	vld.idx.msk [tilespmem:v35+s9+$0x0], $0xffff;
	_ =	sdelay $0x4  }
0x21f: {  	(v2sf) =	vpush v35, $0x0;
	_ =	sdelay $0x9  }
0x220: {  	s3 =	sadd.s32 $0xFFFFFFFC, s0  }
0x221: {  	v63 =	vmov s3  }
0x222: {  	v35 =	vand.u32 $0xFFFFFFFE, v63  }
0x223: {  	v35 =	vbroadcast v35, $0x0;
	_ =	sdelay $0x1  }
0x224: {  	s7 =	spop (v2sf)  }
0x225: {  	s2 =	sand.u32 $0xFFFFF80, s7  }
0x226: {  	s2 =	sadd.s32 s6, s2  }
0x227: {  	[tilespmem:s15], [sflag:$0x1] =	stream.strided.gather [hbm4b:s2+s12], $0x2000, s13, s12, $0x38;
	[tilespmem:$0x1A100] =	vst v63  }
0x228: {  	v35 =	vld.idx.msk [tilespmem:v35+s9+$0x0], $0xffff;
	_ =	sdelay $0x4  }
0x229: {  	(v2sf) =	vpush v35, $0x0;
	_ =	sdelay $0xe  }
0x22a: {  	s10 =	spop (v2sf)  }
0x22b: {  	s2 =	sand.u32 $0xFFFFF80, s10  }
0x22c: {  	s2 =	sadd.s32 s6, s2  }
0x22d: {  	[tilespmem:s16], [sflag:$0x1] =	stream.strided.gather [hbm4b:s2+s12], $0x2000, s13, s12, $0x38;
	[tilespmem:$0x1A100] =	vst v63  }
0x22e: {  	s10 =	sadd.s32 $0xF, s8;
	s2 =	smov.u32 s6  }
.LBB2_7:
0x22f: {  	v35 =	vmov s10;
	_ =	sdelay $0x4  }
0x230: {  	v35 =	vld.idx.msk [tilespmem:v35+s9+$0x0], $0xffff;
	_ =	sdelay $0x4  }
0x231: {  	(v2sf) =	vpush v35, $0x0;
	_ =	sdelay $0xe  }
0x232: {  	s10 =	spop (v2sf)  }
0x233: {  	s9 =	sand.u32 $0xFFFFF80, s10  }
0x234: {  	s2 =	sadd.s32 s2, s9  }
0x235: {  	[tilespmem:s17], [sflag:$0x1] =	stream.strided.gather [hbm4b:s2+s12], $0x2000, s13, s12, $0x38;
	[tilespmem:$0x1A100] =	vst v63  }
0x236: {  	_ =	swait.ge [sflag:s25], $0x2000  }
0x237: {  	[sflag:s25] =	ssyncset.done $0x0  }
0x238: {  	[sflag:s25] =	ssyncadd.s32 $0xFFFFE000  }
0x239: {  	_ =	swait.ge [sflag:s25], $0x2000  }
0x23a: {  	[sflag:s25] =	ssyncset.done $0x0  }
0x23b: {  	[sflag:s25] =	ssyncadd.s32 $0xFFFFE000  }
0x23c: {  	p1 =	sgt.u32 s5, $0x2;
	_ =	swait.ge [sflag:s25], $0x2000  }
.Ltmp8:
0x23d: {  	[sflag:s25] =	ssyncset.done $0x0;
	(pc) =	sbr.rel @!p1 .LBB2_8-.Ltmp8, $4  }
0x23e: {  	[sflag:s25] =	ssyncadd.s32 $0xFFFFE000  }
0x23f: {  	_ =	swait.ge [sflag:s25], $0x2000  }
0x240: {  	[sflag:s25] =	ssyncset.done $0x0  }
0x241: {  	s9 =	sadd.s32 $0xFFFFFFF2, s0;
	[sflag:s25] =	ssyncadd.s32 $0xFFFFE000  }
0x242: {  	s2 =	sadd.s32 $0xFFFFFFD2, s0  }
0x243: {  	v35 =	vmov s2  }
0x244: {  	v35 =	vand.u32 $0xFFFFFFFC, v35  }
0x245: {  	v35 =	vbroadcast v35, $0x0;
	_ =	sdelay $0x5  }
0x246: {  	v35 =	vld.idx.msk [tilespmem:v35+s11+$0x0], $0xffff;
	_ =	sdelay $0x4  }
0x247: {  	(v2sf) =	vpush v35, $0x0;
	_ =	sdelay $0xe  }
0x248: {  	s7 =	spop (v2sf)  }
0x249: {  	s2 =	sand.u32 $0x7F, s7  }
0x24a: {  	v61 =	vor.u32 s2, v4;
	_ =	sdelay $0x3  }
0x24b: {  	s9 =	sshll.u32 s9, $0x7;
	s3 =	simm.s32 $0xA100  }
0x24c: {  	v36 =	vor.u32 s9, v1;
	v35 =	vld.idx.msk [tilespmem:v61+s3+$0x0], $0xffff  }
0x24d: {  	v37 =	vor.u32 s2, v9;
	_ =	sdelay $0x3  }
0x24e: {  	[tilespmem:v36+s24+$0x0] =	vst.idx.msk $0xffff, v35  }
0x24f: {  	v62 =	vor.u32 s9, v10;
	v35 =	vld.idx.msk [tilespmem:v37+s3+$0x0], $0xffff  }
0x250: {  	v63 =	vor.u32 s2, v11;
	_ =	sdelay $0x3  }
0x251: {  	[tilespmem:v62+s24+$0x0] =	vst.idx.msk $0xffff, v35  }
0x252: {  	v40 =	vor.u32 s9, v12;
	v35 =	vld.idx.msk [tilespmem:v63+s3+$0x0], $0xffff  }
0x253: {  	v41 =	vor.u32 s2, v13;
	_ =	sdelay $0x1  }
0x254: {  	s10 =	sadd.s32 $0xFFFFFFD3, s0  }
0x255: {  	v38 =	vmov s10  }
0x256: {  	v42 =	vand.u32 $0xFFFFFFFD, v38;
	[tilespmem:v40+s24+$0x0] =	vst.idx.msk $0xffff, v35  }
0x257: {  	v43 =	vor.u32 s9, v14;
	v35 =	vbroadcast v42, $0x0;
	v36 =	vld.idx.msk [tilespmem:v41+s3+$0x0], $0xffff;
	_ =	sdelay $0x4  }
0x258: {  	[tilespmem:v43+s24+$0x0] =	vst.idx.msk $0xffff, v36  }
0x259: {  	v35 =	vld.idx.msk [tilespmem:v35+s11+$0x0], $0xffff;
	_ =	sdelay $0x4  }
0x25a: {  	(v2sf) =	vpush v35, $0x0;
	_ =	sdelay $0xe  }
0x25b: {  	s3 =	spop (v2sf)  }
0x25c: {  	s2 =	sand.u32 $0x7F, s3  }
0x25d: {  	v44 =	vor.u32 s2, v4;
	_ =	sdelay $0x2  }
0x25e: {  	s9 =	sshll.u32 s0, $0x7  }
0x25f: {  	s10 =	sadd.s32 $0xFFFFF980, s9  }
0x260: {  	v45 =	vor.u32 s10, v1;
	v35 =	vld.idx.msk [tilespmem:v44+s19+$0x0], $0xffff  }
0x261: {  	v46 =	vor.u32 s2, v9;
	_ =	sdelay $0x3  }
0x262: {  	[tilespmem:v45+s24+$0x0] =	vst.idx.msk $0xffff, v35  }
0x263: {  	v47 =	vor.u32 s10, v10;
	v35 =	vld.idx.msk [tilespmem:v46+s19+$0x0], $0xffff  }
0x264: {  	v48 =	vor.u32 s2, v11;
	_ =	sdelay $0x3  }
0x265: {  	[tilespmem:v47+s24+$0x0] =	vst.idx.msk $0xffff, v35  }
0x266: {  	v49 =	vor.u32 s10, v12;
	v35 =	vld.idx.msk [tilespmem:v48+s19+$0x0], $0xffff  }
0x267: {  	v50 =	vor.u32 s2, v13;
	_ =	sdelay $0x1  }
0x268: {  	s7 =	sadd.s32 $0xFFFFFFD4, s0  }
0x269: {  	v51 =	vmov s7  }
0x26a: {  	v52 =	vand.u32 $0xFFFFFFFE, v51;
	[tilespmem:v49+s24+$0x0] =	vst.idx.msk $0xffff, v35  }
0x26b: {  	v53 =	vor.u32 s10, v14;
	v35 =	vbroadcast v52, $0x0;
	v36 =	vld.idx.msk [tilespmem:v50+s19+$0x0], $0xffff;
	_ =	sdelay $0x4  }
0x26c: {  	[tilespmem:v53+s24+$0x0] =	vst.idx.msk $0xffff, v36  }
0x26d: {  	v35 =	vld.idx.msk [tilespmem:v35+s11+$0x0], $0xffff;
	_ =	sdelay $0x4  }
0x26e: {  	(v2sf) =	vpush v35, $0x0;
	_ =	sdelay $0xe  }
0x26f: {  	s10 =	spop (v2sf)  }
0x270: {  	s2 =	sand.u32 $0x7F, s10  }
0x271: {  	v54 =	vor.u32 s2, v4;
	_ =	sdelay $0x3  }
0x272: {  	s3 =	sadd.s32 $0xFFFFFA00, s9  }
0x273: {  	v55 =	vor.u32 s3, v1;
	v35 =	vld.idx.msk [tilespmem:v54+s20+$0x0], $0xffff  }
0x274: {  	v56 =	vor.u32 s2, v9;
	_ =	sdelay $0x3  }
0x275: {  	[tilespmem:v55+s24+$0x0] =	vst.idx.msk $0xffff, v35  }
0x276: {  	v57 =	vor.u32 s3, v10;
	v35 =	vld.idx.msk [tilespmem:v56+s20+$0x0], $0xffff  }
0x277: {  	v58 =	vor.u32 s2, v11;
	_ =	sdelay $0x3  }
0x278: {  	[tilespmem:v57+s24+$0x0] =	vst.idx.msk $0xffff, v35  }
0x279: {  	v59 =	vor.u32 s3, v12;
	v35 =	vld.idx.msk [tilespmem:v58+s20+$0x0], $0xffff  }
0x27a: {  	v60 =	vor.u32 s2, v13;
	_ =	sdelay $0x3  }
0x27b: {  	[tilespmem:v59+s24+$0x0] =	vst.idx.msk $0xffff, v35  }
0x27c: {  	s7 =	sadd.s32 $0xFFFFFFD5, s0;
	v61 =	vor.u32 s3, v14;
	v35 =	vld.idx.msk [tilespmem:v60+s20+$0x0], $0xffff  }
0x27d: {  	v62 =	vmov s7;
	_ =	sdelay $0x3  }
0x27e: {  	[tilespmem:v61+s24+$0x0] =	vst.idx.msk $0xffff, v35  }
0x27f: {  	v35 =	vld.idx.msk [tilespmem:v62+s11+$0x0], $0xffff;
	_ =	sdelay $0x4  }
0x280: {  	(v2sf) =	vpush v35, $0x0;
	_ =	sdelay $0xe  }
0x281: {  	s10 =	spop (v2sf)  }
0x282: {  	s2 =	sand.u32 $0x7F, s10  }
0x283: {  	v63 =	vor.u32 s2, v4  }
.Ltmp9:
0x284: {  	_ = 	snop;
	(pc) =	sbr.rel .LBB2_10-.Ltmp9, $3  }
0x285: {  	_ =	sdelay $0x1  }
0x286: {  	s9 =	sadd.s32 $0xFFFFFA80, s9  }
0x287: {  	v36 =	vmov s9;
	v35 =	vmov s2;
	v37 =	vld.idx.msk [tilespmem:v63+s21+$0x0], $0xffff  }
.LBB2_8:
0x288: {  	v35 =	vmov s9;
	_ =	sdelay $0x4  }
0x289: {  	v36 =	vld.idx.msk [tilespmem:v35+s4+$0x0], $0xffff;
	_ =	sdelay $0x4  }
0x28a: {  	(v2sf) =	vpush v36, $0x0;
	_ =	sdelay $0xe  }
0x28b: {  	s2 =	spop (v2sf)  }
0x28c: {  	s2 =	sand.u32 $0x7F, s2  }
0x28d: {  	v41 =	vor.u32 s2, v4;
	_ =	sdelay $0x3  }
0x28e: {  	s3 =	simm.s32 $0xA100;
	v35 =	vshll.u32 v35, $0x7  }
0x28f: {  	v37 =	vor.u32 v1, v35;
	v36 =	vld.idx.msk [tilespmem:v41+s3+$0x0], $0xffff  }
0x290: {  	v38 =	vor.u32 s2, v9;
	_ =	sdelay $0x3  }
0x291: {  	[tilespmem:v37+s24+$0x0] =	vst.idx.msk $0xffff, v36  }
0x292: {  	v42 =	vor.u32 v10, v35;
	v36 =	vld.idx.msk [tilespmem:v38+s3+$0x0], $0xffff  }
0x293: {  	v43 =	vor.u32 s2, v11;
	_ =	sdelay $0x3  }
0x294: {  	[tilespmem:v42+s24+$0x0] =	vst.idx.msk $0xffff, v36  }
0x295: {  	v44 =	vor.u32 v12, v35;
	v36 =	vld.idx.msk [tilespmem:v43+s3+$0x0], $0xffff  }
0x296: {  	v45 =	vor.u32 s2, v13;
	_ =	sdelay $0x3  }
0x297: {  	[tilespmem:v44+s24+$0x0] =	vst.idx.msk $0xffff, v36  }
0x298: {  	s9 =	sadd.s32 $0xFFFFFFF3, s0;
	v35 =	vor.u32 v14, v35;
	v36 =	vld.idx.msk [tilespmem:v45+s3+$0x0], $0xffff  }
0x299: {  	v46 =	vmov s9;
	_ =	sdelay $0x3  }
0x29a: {  	[tilespmem:v35+s24+$0x0] =	vst.idx.msk $0xffff, v36  }
0x29b: {  	v35 =	vld.idx.msk [tilespmem:v46+s4+$0x0], $0xffff;
	_ =	sdelay $0x4  }
0x29c: {  	(v2sf) =	vpush v35, $0x0;
	_ =	sdelay $0xe  }
0x29d: {  	s10 =	spop (v2sf)  }
0x29e: {  	s2 =	sand.u32 $0x7F, s10  }
0x29f: {  	v47 =	vor.u32 s2, v4;
	_ =	sdelay $0x3  }
0x2a0: {  	v48 =	vshll.u32 v46, $0x7  }
0x2a1: {  	v37 =	vor.u32 v1, v48;
	v35 =	vld.idx.msk [tilespmem:v47+s19+$0x0], $0xffff  }
0x2a2: {  	v49 =	vor.u32 s2, v9;
	_ =	sdelay $0x3  }
0x2a3: {  	[tilespmem:v37+s24+$0x0] =	vst.idx.msk $0xffff, v35  }
0x2a4: {  	v50 =	vor.u32 v10, v48;
	v35 =	vld.idx.msk [tilespmem:v49+s19+$0x0], $0xffff  }
0x2a5: {  	v51 =	vor.u32 s2, v11;
	_ =	sdelay $0x3  }
0x2a6: {  	[tilespmem:v50+s24+$0x0] =	vst.idx.msk $0xffff, v35  }
0x2a7: {  	v52 =	vor.u32 v12, v48;
	v35 =	vld.idx.msk [tilespmem:v51+s19+$0x0], $0xffff  }
0x2a8: {  	v53 =	vor.u32 s2, v13;
	_ =	sdelay $0x3  }
0x2a9: {  	[tilespmem:v52+s24+$0x0] =	vst.idx.msk $0xffff, v35  }
0x2aa: {  	s3 =	sadd.s32 $0xFFFFFFF4, s0;
	v36 =	vor.u32 v14, v48;
	v35 =	vld.idx.msk [tilespmem:v53+s19+$0x0], $0xffff  }
0x2ab: {  	v54 =	vmov s3;
	_ =	sdelay $0x3  }
0x2ac: {  	[tilespmem:v36+s24+$0x0] =	vst.idx.msk $0xffff, v35  }
0x2ad: {  	v35 =	vld.idx.msk [tilespmem:v54+s4+$0x0], $0xffff;
	_ =	sdelay $0x4  }
0x2ae: {  	(v2sf) =	vpush v35, $0x0;
	_ =	sdelay $0xe  }
0x2af: {  	s7 =	spop (v2sf)  }
0x2b0: {  	s2 =	sand.u32 $0x7F, s7  }
0x2b1: {  	v55 =	vor.u32 s2, v4;
	_ =	sdelay $0x3  }
0x2b2: {  	v56 =	vshll.u32 v54, $0x7  }
0x2b3: {  	v37 =	vor.u32 v1, v56;
	v35 =	vld.idx.msk [tilespmem:v55+s20+$0x0], $0xffff  }
0x2b4: {  	v57 =	vor.u32 s2, v9;
	_ =	sdelay $0x3  }
0x2b5: {  	[tilespmem:v37+s24+$0x0] =	vst.idx.msk $0xffff, v35  }
0x2b6: {  	v58 =	vor.u32 v10, v56;
	v35 =	vld.idx.msk [tilespmem:v57+s20+$0x0], $0xffff  }
0x2b7: {  	v59 =	vor.u32 s2, v11;
	_ =	sdelay $0x3  }
0x2b8: {  	[tilespmem:v58+s24+$0x0] =	vst.idx.msk $0xffff, v35  }
0x2b9: {  	v60 =	vor.u32 v12, v56;
	v35 =	vld.idx.msk [tilespmem:v59+s20+$0x0], $0xffff  }
0x2ba: {  	v61 =	vor.u32 s2, v13;
	_ =	sdelay $0x3  }
0x2bb: {  	[tilespmem:v60+s24+$0x0] =	vst.idx.msk $0xffff, v35  }
0x2bc: {  	s9 =	sadd.s32 $0xFFFFFFF5, s0;
	v36 =	vor.u32 v14, v56;
	v35 =	vld.idx.msk [tilespmem:v61+s20+$0x0], $0xffff  }
0x2bd: {  	v62 =	vmov s9;
	_ =	sdelay $0x3  }
0x2be: {  	[tilespmem:v36+s24+$0x0] =	vst.idx.msk $0xffff, v35  }
0x2bf: {  	v35 =	vld.idx.msk [tilespmem:v62+s4+$0x0], $0xffff;
	_ =	sdelay $0x4  }
0x2c0: {  	(v2sf) =	vpush v35, $0x0;
	_ =	sdelay $0xe  }
0x2c1: {  	s10 =	spop (v2sf)  }
0x2c2: {  	s2 =	sand.u32 $0x7F, s10  }
0x2c3: {  	v63 =	vor.u32 s2, v4;
	_ =	sdelay $0x4  }
0x2c4: {  	v36 =	vshll.u32 v62, $0x7;
	v35 =	vmov s2;
	v37 =	vld.idx.msk [tilespmem:v63+s21+$0x0], $0xffff  }
.LBB2_10:
0x2c5: {  	v38 =	vor.u32 v1, v36  }
0x2c6: {  	v39 =	vor.u32 v9, v35;
	_ =	sdelay $0x3  }
0x2c7: {  	[tilespmem:v38+s24+$0x0] =	vst.idx.msk $0xffff, v37  }
0x2c8: {  	v59 =	vor.u32 v10, v36;
	v37 =	vld.idx.msk [tilespmem:v39+s21+$0x0], $0xffff  }
0x2c9: {  	v60 =	vor.u32 v11, v35;
	_ =	sdelay $0x3  }
0x2ca: {  	[tilespmem:v59+s24+$0x0] =	vst.idx.msk $0xffff, v37  }
0x2cb: {  	v61 =	vor.u32 v12, v36;
	v37 =	vld.idx.msk [tilespmem:v60+s21+$0x0], $0xffff  }
0x2cc: {  	v62 =	vor.u32 v13, v35;
	_ =	sdelay $0x3  }
0x2cd: {  	[tilespmem:v61+s24+$0x0] =	vst.idx.msk $0xffff, v37  }
0x2ce: {  	v63 =	vor.u32 v14, v36;
	p1 =	seq.s32 s0, $0x42;
	v35 =	vld.idx.msk [tilespmem:v62+s21+$0x0], $0xffff  }
.Ltmp10:
0x2cf: {  	_ = 	snop;
	(pc) =	sbr.rel @p1 .LBB2_12-.Ltmp10, $2  }
0x2d0: {  	_ =	sdelay $0x2  }
0x2d1: {  	[tilespmem:v63+s24+$0x0] =	vst.idx.msk $0xffff, v35  }
0x2d2: {  	s2 =	sadd.s32 @p0 $0xFFFFFFDE, s0  }
0x2d3: {  	v35 =	vmov @p0 s2  }
0x2d4: {  	v35 =	vand.u32 @p0 $0xFFFFFFFC, v35  }
0x2d5: {  	v35 =	vbroadcast @p0 v35, $0x0;
	_ =	sdelay $0x1  }
0x2d6: {  	p1 =	sne.s32 s0, $0x2A  }
0x2d7: {  	s2 =	simm.s32 @!p1 $0x0;
	s9 =	simm.s32 @!p1 $0x100  }
0x2d8: {  	[hbm4b:s18+s2] =	stream.linear.scatter @!p1 [tilespmem:s9], [sflag:$0x4], $0x1000, $0x38;
	[tilespmem:$0x1A100] =	vst v63  }
0x2d9: {  	s2 =	simm.s32 @p0 $0x80  }
0x2da: {  	v35 =	vld.idx.msk @p0 [tilespmem:v35+s2+$0x0], $0xffff;
	_ =	sdelay $0x4  }
0x2db: {  	(v2sf) =	vpush @p0 v35, $0x0;
	_ =	sdelay $0x9  }
0x2dc: {  	s9 =	sadd.s32 @p0 $0xFFFFFFDF, s0  }
0x2dd: {  	v35 =	vmov @p0 s9  }
0x2de: {  	v35 =	vand.u32 @p0 $0xFFFFFFFD, v35  }
0x2df: {  	v35 =	vbroadcast @p0 v35, $0x0;
	_ =	sdelay $0x1  }
0x2e0: {  	s9 =	spop @p0 (v2sf)  }
0x2e1: {  	s10 =	simm.s32 @p0 $0x400;
	s9 =	sand.u32 @p0 $0xFFFFF80, s9  }
0x2e2: {  	s3 =	simm.s32 @p0 $0xC3800;
	s7 =	simm.s32 @p0 $0xA100;
	s9 =	sadd.s32 @p0 s31, s9  }
0x2e3: {  	[tilespmem:s7], [sflag:$0x2] =	stream.strided.gather @p0 [hbm4b:s9+s10], $0x2000, s3, s10, $0x38;
	[tilespmem:$0x1A100] =	vst v63  }
0x2e4: {  	v35 =	vld.idx.msk @p0 [tilespmem:v35+s2+$0x0], $0xffff;
	_ =	sdelay $0x4  }
0x2e5: {  	(v2sf) =	vpush @p0 v35, $0x0;
	_ =	sdelay $0x9  }
0x2e6: {  	s7 =	sadd.s32 @p0 $0xFFFFFFE0, s0  }
0x2e7: {  	v35 =	vmov @p0 s7  }
0x2e8: {  	v35 =	vand.u32 @p0 $0xFFFFFFFE, v35  }
0x2e9: {  	v35 =	vbroadcast @p0 v35, $0x0;
	_ =	sdelay $0x1  }
0x2ea: {  	s7 =	spop @p0 (v2sf)  }
0x2eb: {  	s7 =	sand.u32 @p0 $0xFFFFF80, s7  }
0x2ec: {  	s9 =	simm.s32 @p0 $0xC100;
	s7 =	sadd.s32 @p0 s31, s7  }
0x2ed: {  	[tilespmem:s9], [sflag:$0x2] =	stream.strided.gather @p0 [hbm4b:s7+s10], $0x2000, s3, s10, $0x38;
	[tilespmem:$0x1A100] =	vst v63  }
0x2ee: {  	v35 =	vld.idx.msk @p0 [tilespmem:v35+s2+$0x0], $0xffff;
	_ =	sdelay $0x4  }
0x2ef: {  	(v2sf) =	vpush @p0 v35, $0x0;
	_ =	sdelay $0xa  }
0x2f0: {  	s2 =	sadd.s32 @!p0 $0xFFFFFFFE, s0  }
0x2f1: {  	v35 =	vmov @!p0 s2  }
0x2f2: {  	v35 =	vand.u32 @!p0 $0xFFFFFFFC, v35  }
0x2f3: {  	v35 =	vbroadcast @!p0 v35, $0x0  }
0x2f4: {  	s2 =	spop @p0 (v2sf)  }
0x2f5: {  	s2 =	sand.u32 @p0 $0xFFFFF80, s2  }
0x2f6: {  	s7 =	simm.s32 @p0 $0xE100;
	s2 =	sadd.s32 @p0 s31, s2  }
0x2f7: {  	[tilespmem:s7], [sflag:$0x2] =	stream.strided.gather @p0 [hbm4b:s2+s10], $0x2000, s3, s10, $0x38;
	[tilespmem:$0x1A100] =	vst v63  }
0x2f8: {  	s2 =	simm.s32 @!p0 $0x0  }
0x2f9: {  	v35 =	vld.idx.msk @!p0 [tilespmem:v35+s2+$0x0], $0xffff;
	_ =	sdelay $0x4  }
0x2fa: {  	(v2sf) =	vpush @!p0 v35, $0x0;
	_ =	sdelay $0x9  }
0x2fb: {  	s3 =	sadd.s32 @!p0 $0xFFFFFFFF, s0  }
0x2fc: {  	v35 =	vmov @!p0 s3  }
0x2fd: {  	v35 =	vand.u32 @!p0 $0xFFFFFFFD, v35  }
0x2fe: {  	v35 =	vbroadcast @!p0 v35, $0x0;
	_ =	sdelay $0x1  }
0x2ff: {  	s3 =	spop @!p0 (v2sf)  }
0x300: {  	s9 =	simm.s32 @!p0 $0xC3800;
	s3 =	sand.u32 @!p0 $0xFFFFF80, s3  }
0x301: {  	s7 =	simm.s32 @!p0 $0x400;
	s10 =	simm.s32 @!p0 $0xA100;
	s3 =	sadd.s32 @!p0 s6, s3  }
0x302: {  	[tilespmem:s10], [sflag:$0x2] =	stream.strided.gather @!p0 [hbm4b:s3+s7], $0x2000, s9, s7, $0x38;
	[tilespmem:$0x1A100] =	vst v63  }
0x303: {  	v35 =	vld.idx.msk @!p0 [tilespmem:v35+s2+$0x0], $0xffff;
	_ =	sdelay $0x4  }
0x304: {  	(v2sf) =	vpush @!p0 v35, $0x0;
	_ =	sdelay $0xa  }
0x305: {  	v35 =	vmov @!p0 s0  }
0x306: {  	v35 =	vand.u32 @!p0 $0xFFFFFFFE, v35  }
0x307: {  	v35 =	vbroadcast @!p0 v35, $0x0;
	_ =	sdelay $0x1  }
0x308: {  	s3 =	spop @!p0 (v2sf)  }
0x309: {  	s3 =	sand.u32 @!p0 $0xFFFFF80, s3  }
0x30a: {  	s10 =	simm.s32 @!p0 $0xC100;
	s3 =	sadd.s32 @!p0 s6, s3  }
0x30b: {  	[tilespmem:s10], [sflag:$0x2] =	stream.strided.gather @!p0 [hbm4b:s3+s7], $0x2000, s9, s7, $0x38;
	[tilespmem:$0x1A100] =	vst v63  }
0x30c: {  	v35 =	vld.idx.msk @!p0 [tilespmem:v35+s2+$0x0], $0xffff;
	_ =	sdelay $0x4  }
0x30d: {  	(v2sf) =	vpush @!p0 v35, $0x0;
	_ =	sdelay $0xb  }
0x30e: {  	s8 =	sor.u32 @!p0 $0x13, s8;
	s3 =	sadd.s32 @p0 $0xFFFFFFE1, s0  }
0x30f: {  	s8 =	smov.u32 @p0 s3  }
0x310: {  	v63 =	vmov s8  }
0x311: {  	s3 =	spop @!p0 (v2sf)  }
0x312: {  	s3 =	sand.u32 @!p0 $0xFFFFF80, s3  }
0x313: {  	s2 =	simm.s32 @p0 $0x80;
	s8 =	simm.s32 @!p0 $0xE100;
	s3 =	sadd.s32 @!p0 s6, s3  }
0x314: {  	[tilespmem:s8], [sflag:$0x2] =	stream.strided.gather @!p0 [hbm4b:s3+s7], $0x2000, s9, s7, $0x38;
	[tilespmem:$0x1A100] =	vst v63  }
0x315: {  	v35 =	vld.idx.msk [tilespmem:v63+s2+$0x0], $0xffff;
	_ =	sdelay $0x4  }
0x316: {  	(v2sf) =	vpush v35, $0x0;
	_ =	sdelay $0xe  }
0x317: {  	s10 =	spop (v2sf)  }
0x318: {  	s2 =	sand.u32 $0xFFFFF80, s10  }
0x319: {  	s1 =	sadd.s32 s1, s2  }
0x31a: {  	[tilespmem:s21], [sflag:$0x2] =	stream.strided.gather [hbm4b:s1+s12], $0x2000, s13, s12, $0x38;
	[tilespmem:$0x1A100] =	vst v63  }
.LBB2_12:
0x31b: {  	_ =	swait.ge [sflag:s26], $0x2000  }
0x31c: {  	[sflag:s26] =	ssyncset.done $0x0  }
0x31d: {  	[sflag:s26] =	ssyncadd.s32 $0xFFFFE000  }
0x31e: {  	_ =	swait.ge [sflag:s26], $0x2000  }
0x31f: {  	[sflag:s26] =	ssyncset.done $0x0  }
0x320: {  	[sflag:s26] =	ssyncadd.s32 $0xFFFFE000  }
0x321: {  	_ =	swait.ge [sflag:s26], $0x2000  }
.Ltmp11:
0x322: {  	[sflag:s26] =	ssyncset.done $0x0;
	(pc) =	sbr.rel @p0 .LBB2_14-.Ltmp11, $4  }
0x323: {  	[sflag:s26] =	ssyncadd.s32 $0xFFFFE000  }
0x324: {  	_ =	swait.ge [sflag:s26], $0x2000  }
0x325: {  	[sflag:s26] =	ssyncset.done $0x0  }
0x326: {  	s1 =	sadd.s32 $0xFFFFFFF6, s0;
	[sflag:s26] =	ssyncadd.s32 $0xFFFFE000  }
0x327: {  	v35 =	vmov s1;
	_ =	sdelay $0x4  }
0x328: {  	v36 =	vld.idx.msk [tilespmem:v35+s4+$0x0], $0xffff;
	_ =	sdelay $0x4  }
0x329: {  	(v2sf) =	vpush v36, $0x0;
	_ =	sdelay $0xe  }
0x32a: {  	s10 =	spop (v2sf)  }
0x32b: {  	s1 =	sand.u32 $0x7F, s10  }
0x32c: {  	v41 =	vor.u32 s1, v4;
	_ =	sdelay $0x3  }
0x32d: {  	v35 =	vshll.u32 v35, $0x7  }
0x32e: {  	v37 =	vor.u32 v1, v35;
	v36 =	vld.idx.msk [tilespmem:v41+s28+$0x0], $0xffff  }
0x32f: {  	v38 =	vor.u32 s1, v9;
	_ =	sdelay $0x3  }
0x330: {  	[tilespmem:v37+s24+$0x0] =	vst.idx.msk $0xffff, v36  }
0x331: {  	v42 =	vor.u32 v10, v35;
	v36 =	vld.idx.msk [tilespmem:v38+s28+$0x0], $0xffff  }
0x332: {  	v43 =	vor.u32 s1, v11;
	_ =	sdelay $0x3  }
0x333: {  	[tilespmem:v42+s24+$0x0] =	vst.idx.msk $0xffff, v36  }
0x334: {  	v44 =	vor.u32 v12, v35;
	v36 =	vld.idx.msk [tilespmem:v43+s28+$0x0], $0xffff  }
0x335: {  	v45 =	vor.u32 s1, v13;
	_ =	sdelay $0x3  }
0x336: {  	[tilespmem:v44+s24+$0x0] =	vst.idx.msk $0xffff, v36  }
0x337: {  	s2 =	sadd.s32 $0xFFFFFFF7, s0;
	v35 =	vor.u32 v14, v35;
	v36 =	vld.idx.msk [tilespmem:v45+s28+$0x0], $0xffff  }
0x338: {  	v46 =	vmov s2;
	_ =	sdelay $0x3  }
0x339: {  	[tilespmem:v35+s24+$0x0] =	vst.idx.msk $0xffff, v36  }
0x33a: {  	v35 =	vld.idx.msk [tilespmem:v46+s4+$0x0], $0xffff;
	_ =	sdelay $0x4  }
0x33b: {  	(v2sf) =	vpush v35, $0x0;
	_ =	sdelay $0xe  }
0x33c: {  	s3 =	spop (v2sf)  }
0x33d: {  	s1 =	sand.u32 $0x7F, s3  }
0x33e: {  	v47 =	vor.u32 s1, v4;
	_ =	sdelay $0x3  }
0x33f: {  	v48 =	vshll.u32 v46, $0x7  }
0x340: {  	v37 =	vor.u32 v1, v48;
	v35 =	vld.idx.msk [tilespmem:v47+s29+$0x0], $0xffff  }
0x341: {  	v49 =	vor.u32 s1, v9;
	_ =	sdelay $0x3  }
0x342: {  	[tilespmem:v37+s24+$0x0] =	vst.idx.msk $0xffff, v35  }
0x343: {  	v50 =	vor.u32 v10, v48;
	v35 =	vld.idx.msk [tilespmem:v49+s29+$0x0], $0xffff  }
0x344: {  	v51 =	vor.u32 s1, v11;
	_ =	sdelay $0x3  }
0x345: {  	[tilespmem:v50+s24+$0x0] =	vst.idx.msk $0xffff, v35  }
0x346: {  	v52 =	vor.u32 v12, v48;
	v35 =	vld.idx.msk [tilespmem:v51+s29+$0x0], $0xffff  }
0x347: {  	v53 =	vor.u32 s1, v13;
	_ =	sdelay $0x3  }
0x348: {  	[tilespmem:v52+s24+$0x0] =	vst.idx.msk $0xffff, v35  }
0x349: {  	s7 =	sadd.s32 $0xFFFFFFF8, s0;
	v36 =	vor.u32 v14, v48;
	v35 =	vld.idx.msk [tilespmem:v53+s29+$0x0], $0xffff  }
0x34a: {  	v54 =	vmov s7;
	_ =	sdelay $0x3  }
0x34b: {  	[tilespmem:v36+s24+$0x0] =	vst.idx.msk $0xffff, v35  }
0x34c: {  	v35 =	vld.idx.msk [tilespmem:v54+s4+$0x0], $0xffff;
	_ =	sdelay $0x4  }
0x34d: {  	(v2sf) =	vpush v35, $0x0;
	_ =	sdelay $0xe  }
0x34e: {  	s8 =	spop (v2sf)  }
0x34f: {  	s1 =	sand.u32 $0x7F, s8  }
0x350: {  	v55 =	vor.u32 s1, v4;
	_ =	sdelay $0x3  }
0x351: {  	v56 =	vshll.u32 v54, $0x7  }
0x352: {  	v37 =	vor.u32 v1, v56;
	v35 =	vld.idx.msk [tilespmem:v55+s30+$0x0], $0xffff  }
0x353: {  	v57 =	vor.u32 s1, v9;
	_ =	sdelay $0x3  }
0x354: {  	[tilespmem:v37+s24+$0x0] =	vst.idx.msk $0xffff, v35  }
0x355: {  	v58 =	vor.u32 v10, v56;
	v35 =	vld.idx.msk [tilespmem:v57+s30+$0x0], $0xffff  }
0x356: {  	v59 =	vor.u32 s1, v11;
	_ =	sdelay $0x3  }
0x357: {  	[tilespmem:v58+s24+$0x0] =	vst.idx.msk $0xffff, v35  }
0x358: {  	v60 =	vor.u32 v12, v56;
	v35 =	vld.idx.msk [tilespmem:v59+s30+$0x0], $0xffff  }
0x359: {  	v61 =	vor.u32 s1, v13;
	_ =	sdelay $0x3  }
0x35a: {  	[tilespmem:v60+s24+$0x0] =	vst.idx.msk $0xffff, v35  }
0x35b: {  	s9 =	sadd.s32 $0xFFFFFFF9, s0;
	v36 =	vor.u32 v14, v56;
	v35 =	vld.idx.msk [tilespmem:v61+s30+$0x0], $0xffff  }
0x35c: {  	v62 =	vmov s9;
	_ =	sdelay $0x3  }
0x35d: {  	[tilespmem:v36+s24+$0x0] =	vst.idx.msk $0xffff, v35  }
0x35e: {  	v35 =	vld.idx.msk [tilespmem:v62+s4+$0x0], $0xffff;
	_ =	sdelay $0x4  }
0x35f: {  	(v2sf) =	vpush v35, $0x0;
	_ =	sdelay $0xe  }
0x360: {  	s10 =	spop (v2sf)  }
0x361: {  	s1 =	sand.u32 $0x7F, s10  }
0x362: {  	v63 =	vor.u32 s1, v4  }
.Ltmp12:
0x363: {  	_ = 	snop;
	(pc) =	sbr.rel .LBB2_15-.Ltmp12, $2  }
0x364: {  	_ =	sdelay $0x2  }
0x365: {  	v36 =	vshll.u32 v62, $0x7;
	v35 =	vmov s1;
	v37 =	vld.idx.msk [tilespmem:v63+s22+$0x0], $0xffff  }
.LBB2_17:
0x366: {  	_ =	sfence.sel $0x180000  }
0x367: {  	[bflag:$0x0] =	sbarrier.arrive $0xFFFF  }
0x368: {  	_ =	strace $0x90000047  }
0x369: {  	s0 =	stileid.u32;
	[bflag:$0x2] =	sbarrier.arrive $0xFFFF  }
0x36a: {  	p0 =	sne.s32 s0, $0x0;
	s0 =	rddreg [dreg:$0x6]  }
0x36b: {  	s0 =	sadd.s32 @!p0 $0x100000, s0  }
0x36c: {  	[sflag:s0] =	ssyncadd.tile.s32 @!p0 $0x1;
	_ =	shalt  }
.Lfunc_end2:
_tile_overlayer_lowered:
.L_overlay_start_2:
0x36d: {  	(tag) =	ssettag $0x2  }
0x36e: {  	s0 =	rddreg [dreg:$0x0];
	s2 =	stileid.u32  }
0x36f: {  	s1 =	rddreg [dreg:$0x1];
	p0 =	sne.s32 s2, $0x0  }
0x370: {  	s3 =	rddreg [dreg:$0x2];
	[bflag:$0x3] =	sbarrier.arrive $0xFFFF;
	s2 =	simm.s32 @!p0 $0x1C05  }
0x371: {  	[timem:s3], [sflag:s2] =	dma.local @!p0 [hbm:s0], s1  }
0x372: {  	s0 =	simm.s32 @!p0 $0x5  }
0x373: {  	_ =	swait.ge @!p0 [sflag:s0], s1  }
0x374: {  	s1 =	ssub.s32 @!p0 $0x0, s1;
	[sflag:s0] =	ssyncset.done @!p0 $0x0  }
0x375: {  	[sflag:s0] =	ssyncadd.s32 @!p0 s1  }
0x376: {  	[bflag:$0x3] =	sbarrier.arrive $0xFFFF  }
0x377: {  	_ =	shalt  }

</sc_bundles>
